<compile_context>
chip_gen: v7x
topology: tpu7x:2x2x1
jax: 0.10.2.dev20260603
libtpu: 0.0.44.dev20260713+nightly
codegen_flags: <defaults>
</compile_context>

<pallas_src>
import functools

import jax
import jax.numpy as jnp
from jax import lax
from jax.experimental import pallas as pl
from jax.experimental.pallas import tpu as pltpu
from jax.experimental.pallas import tpu_sc as plsc

N_NODES = 10000
D = 256
DH = 128
N_EDGES = 160000
N_SUB = 16
CHUNK = 128
NCH = 80
N_PHASES = 2
E_PAD = N_SUB * NCH * CHUNK
ROWS_PER_SUB = 632
ACC_ROWS = N_SUB * ROWS_PER_SUB
TRASH = N_NODES
X2_ROWS = 2 * N_NODES + (ACC_ROWS - N_NODES)

_mesh = plsc.VectorSubcoreMesh(core_axis_name="c", subcore_axis_name="s")


@functools.partial(
    pl.kernel,
    out_type=jax.ShapeDtypeStruct((2, ACC_ROWS, DH), jnp.float32),
    mesh=_mesh,
    scratch_types=[
        pltpu.VMEM((NCH // N_PHASES, CHUNK), jnp.int32),
        pltpu.VMEM((NCH // N_PHASES, CHUNK), jnp.int32),
        pltpu.VMEM((CHUNK, DH), jnp.float32),
        pltpu.VMEM((CHUNK, DH), jnp.float32),
        pltpu.VMEM_SHARED((ACC_ROWS, DH), jnp.float32),
        pltpu.SemaphoreType.DMA,
        pltpu.SemaphoreType.DMA,
    ],
)
def _sc_aggregate(x_hbm, srcs_hbm, dsts_hbm, out_hbm,
                  src_v, dst_v, rows0, rows1, acc_sh, sem0, sem1):
    c = lax.axis_index("c")
    s = lax.axis_index("s")
    col = c * DH
    @pl.when(s < N_SUB - 1)
    def _():
        pltpu.sync_copy(
            x_hbm.at[pl.ds(s * 624, 624), pl.ds(col, DH)],
            acc_sh.at[pl.ds(s * 624, 624)],
        )

    @pl.when(s == N_SUB - 1)
    def _():
        pltpu.sync_copy(
            x_hbm.at[pl.ds((N_SUB - 1) * 624, 640), pl.ds(col, DH)],
            acc_sh.at[pl.ds((N_SUB - 1) * 624, 640)],
        )
    plsc.subcore_barrier()

    def gather(j, buf, sem):
        return pltpu.async_copy(
            x_hbm.at[src_v.at[j], pl.ds(col, DH)], buf, sem)

    def wait_gather(j, buf, sem):
        pltpu.make_async_copy(
            x_hbm.at[src_v.at[j], pl.ds(col, DH)], buf, sem).wait()

    def scatter_add(j, buf):
        pltpu.sync_copy(buf, acc_sh.at[dst_v.at[j]], add=True)

    P_NCH = NCH // N_PHASES
    for p in range(N_PHASES):
        pltpu.sync_copy(srcs_hbm.at[s, pl.ds(p * P_NCH, P_NCH)], src_v)
        pltpu.sync_copy(dsts_hbm.at[s, pl.ds(p * P_NCH, P_NCH)], dst_v)
        gather(0, rows0, sem0)

        def body(k, carry):
            j = 2 * k
            cp = gather(j + 1, rows1, sem1)
            wait_gather(j, rows0, sem0)
            scatter_add(j, rows0)
            gather(j + 2, rows0, sem0)
            cp.wait()
            scatter_add(j + 1, rows1)
            return carry

        lax.fori_loop(0, P_NCH // 2 - 1, body, 0)
        cp = gather(P_NCH - 1, rows1, sem1)
        wait_gather(P_NCH - 2, rows0, sem0)
        scatter_add(P_NCH - 2, rows0)
        cp.wait()
        scatter_add(P_NCH - 1, rows1)
    plsc.subcore_barrier()
    pltpu.sync_copy(
        acc_sh.at[pl.ds(s * ROWS_PER_SUB, ROWS_PER_SUB)],
        out_hbm.at[c, pl.ds(s * ROWS_PER_SUB, ROWS_PER_SUB)],
    )


BLK = 2000


def _mlp_body(hl_ref, hr_ref, w1_ref, b1_ref, w2_ref, b2_ref, o_ref):
    h = jnp.concatenate([hl_ref[0], hr_ref[0]], axis=-1)
    a = jnp.dot(h, w1_ref[...], preferred_element_type=jnp.float32)
    a = jnp.maximum(a + b1_ref[...], 0.0)
    o = jnp.dot(a, w2_ref[...], preferred_element_type=jnp.float32)
    o_ref[...] = jnp.tanh(o + b2_ref[...])


def _mlp(h2, W1, b1, W2, b2):
    return pl.pallas_call(
        _mlp_body,
        grid=(N_NODES // BLK,),
        in_specs=[
            pl.BlockSpec((1, BLK, DH), lambda i: (0, i, 0)),
            pl.BlockSpec((1, BLK, DH), lambda i: (1, i, 0)),
            pl.BlockSpec((D, D), lambda i: (0, 0)),
            pl.BlockSpec((1, D), lambda i: (0, 0)),
            pl.BlockSpec((D, D), lambda i: (0, 0)),
            pl.BlockSpec((1, D), lambda i: (0, 0)),
        ],
        out_specs=pl.BlockSpec((BLK, D), lambda i: (i, 0)),
        out_shape=jax.ShapeDtypeStruct((N_NODES, D), jnp.float32),
    )(h2, h2, W1, b1.reshape(1, D), W2, b2.reshape(1, D))


def kernel(x, edge_index, W1, b1, W2, b2):
    src = edge_index[0].astype(jnp.int32)
    dst = edge_index[1].astype(jnp.int32)
    pad = E_PAD - N_EDGES
    ar = jnp.arange(pad, dtype=jnp.int32)
    srcs = jnp.concatenate([src, ar % N_NODES]).reshape(N_SUB, NCH, CHUNK)
    dsts = jnp.concatenate(
        [dst, TRASH + ar % (ACC_ROWS - N_NODES)]).reshape(N_SUB, NCH, CHUNK)
    h2 = _sc_aggregate(x, srcs, dsts)
    return _mlp(h2, W1, b1, W2, b2)

# --- scband reference (transcript-rebuilt; emitter-appended) ---
"""Pipeline reference for scband-ginlayer-48704929137145 (READ-ONLY COPY).

The authoritative reference and input builder live on the scoring server;
editing this copy changes nothing except your own understanding.
"""

import jax, jax.numpy as jnp
import numpy as np

N_NODES = 10000
N_EDGES = 160000
D_IN = 256
D_HID = 256


def setup_inputs(seed: int = 0) -> dict:
    key = jax.random.key(seed)
    k1, k2, k3, k4, k5, k6 = jax.random.split(key, 6)
    x = jax.random.normal(k1, (N_NODES, D_IN), dtype=jnp.float32)
    edge_index = jax.random.randint(k2, (2, N_EDGES), 0, N_NODES, dtype=jnp.int64)
    # Linear layer params (PyTorch default init: U(-1/sqrt(fan_in), 1/sqrt(fan_in)))
    bound1 = 1.0 / np.sqrt(D_IN)
    W1 = jax.random.uniform(k3, (D_IN, D_HID), minval=-bound1, maxval=bound1, dtype=jnp.float32)
    b1 = jax.random.uniform(k4, (D_HID,), minval=-bound1, maxval=bound1, dtype=jnp.float32)
    bound2 = 1.0 / np.sqrt(D_HID)
    W2 = jax.random.uniform(k5, (D_HID, D_HID), minval=-bound2, maxval=bound2, dtype=jnp.float32)
    b2 = jax.random.uniform(k6, (D_HID,), minval=-bound2, maxval=bound2, dtype=jnp.float32)
    return {"x": x, "edge_index": edge_index, "W1": W1, "b1": b1, "W2": W2, "b2": b2}


def reference(x, edge_index, W1, b1, W2, b2):
    # GINConv (eps=0, train_eps=False): out = mlp((1 + eps) * x + sum_{j in N(i)} x_j)
    src = edge_index[0]
    dst = edge_index[1]
    msgs = jnp.take(x, src, axis=0)                       # gather source node features
    aggr = jax.ops.segment_sum(msgs, dst, num_segments=x.shape[0])  # scatter-add to dst
    h = x + aggr                                          # (1 + eps) * x + aggr, eps = 0
    # mlp: Linear -> ReLU -> Dropout(0, eval: identity) -> Linear -> Tanh -> Dropout(0)
    h = jnp.maximum(h @ W1 + b1, 0.0)
    h = jnp.tanh(h @ W2 + b2)
    return h

if __name__ == "__main__":
    import jax
    _d = setup_inputs()
    print(jax.jit(kernel)(*tuple(_d.values())))

</pallas_src>

<mosaic_0001>
#map = affine_map<(d0, d1) -> (0, 0)>
#map1 = affine_map<(d0, d1) -> (0, 0, 0)>
module attributes {stable_mosaic.version = 14 : i64} {
  func.func @_sc_aggregate(%arg0: i32, %arg1: i32, %arg2: memref<10000x256xf32, #tpu.memory_space<hbm>>, %arg3: memref<16x80x128xi32, #tpu.memory_space<hbm>>, %arg4: memref<16x80x128xi32, #tpu.memory_space<hbm>>, %arg5: memref<2x10112x128xf32, #tpu.memory_space<hbm>>, %arg6: memref<40x128xi32, #tpu.memory_space<vmem>>, %arg7: memref<40x128xi32, #tpu.memory_space<vmem>>, %arg8: memref<128x128xf32, #tpu.memory_space<vmem>>, %arg9: memref<128x128xf32, #tpu.memory_space<vmem>>, %arg10: memref<10112x128xf32, #tpu.memory_space<vmem_shared>>, %arg11: memref<!tpu.dma_semaphore, #tpu.memory_space<semaphore_mem>>, %arg12: memref<!tpu.dma_semaphore, #tpu.memory_space<semaphore_mem>>) attributes {dimension_semantics = [#tpu.dimension_semantics<core_parallel>, #tpu.dimension_semantics<subcore_parallel>], iteration_bounds = array<i64: 2, 16>, scalar_prefetch = 0 : i64, scratch_operands = 7 : i64, tpu.core_type = #tpu.core_type<sc_vector_subcore>, window_params = [{transform_indices = #map}, {transform_indices = #map1}, {transform_indices = #map1}, {transform_indices = #map1}]} {
    %mul3A = arith.constant 128 : i32
    %mul3A_0 = arith.muli %arg0, %mul3A : i32
    %lt3A = arith.constant 15 : i32
    %lt3A_1 = arith.cmpi slt, %arg1, %lt3A : i32
    %convert_element_type3A = arith.extui %lt3A_1 : i1 to i32
    %cond3A = arith.constant 0 : i32
    %cond3A_2 = arith.cmpi ne, %convert_element_type3A, %cond3A : i32
    scf.if %cond3A_2 {
      %mul3A_72 = arith.constant 624 : i32
      %mul3A_73 = arith.muli %arg1, %mul3A_72 : i32
      %mul3A_74 = arith.constant 624 : i32
      %mul3A_75 = arith.muli %arg1, %mul3A_74 : i32
      "tpu.region"() ({
        %run_scoped3A_76 = tpu.sem_alloc : memref<!tpu.dma_semaphore, #tpu.memory_space<semaphore_mem>>
        %dma_start3A_77 = arith.constant 0 : i32
        %dma_start3A_78 = tpu.memref_slice %arg10[%mul3A_75, %dma_start3A_77] : memref<10112x128xf32, #tpu.memory_space<vmem_shared>> -> memref<624x128xf32, #tpu.memory_space<vmem_shared>>
        %dma_start3A_79 = tpu.memref_slice %arg2[%mul3A_73, %mul3A_0] : memref<10000x256xf32, #tpu.memory_space<hbm>> -> memref<624x128xf32, #tpu.memory_space<hbm>>
        tpu.enqueue_dma source(%dma_start3A_79 : memref<624x128xf32, #tpu.memory_space<hbm>>) target(%dma_start3A_78 : memref<624x128xf32, #tpu.memory_space<vmem_shared>>) target_semaphore(%run_scoped3A_76 : memref<!tpu.dma_semaphore, #tpu.memory_space<semaphore_mem>>)
        %dma_wait3A_80 = arith.constant 0 : i32
        %dma_wait3A_81 = tpu.memref_slice %arg10[%mul3A_75, %dma_wait3A_80] : memref<10112x128xf32, #tpu.memory_space<vmem_shared>> -> memref<624x128xf32, #tpu.memory_space<vmem_shared>>
        %dma_wait3A_82 = tpu.memref_slice %arg2[%mul3A_73, %mul3A_0] : memref<10000x256xf32, #tpu.memory_space<hbm>> -> memref<624x128xf32, #tpu.memory_space<hbm>>
        tpu.wait_dma2 semaphore(%run_scoped3A_76 : memref<!tpu.dma_semaphore, #tpu.memory_space<semaphore_mem>>) src(%dma_wait3A_82 : memref<624x128xf32, #tpu.memory_space<hbm>>) dst(%dma_wait3A_81 : memref<624x128xf32, #tpu.memory_space<vmem_shared>>)
        tpu.yield
      }) : () -> ()
    } else {
    }
    %eq3A = arith.constant 15 : i32
    %eq3A_3 = arith.cmpi eq, %arg1, %eq3A : i32
    %convert_element_type3A_4 = arith.extui %eq3A_3 : i1 to i32
    %cond3A_5 = arith.constant 0 : i32
    %cond3A_6 = arith.cmpi ne, %convert_element_type3A_4, %cond3A_5 : i32
    scf.if %cond3A_6 {
      "tpu.region"() ({
        %run_scoped3A_72 = tpu.sem_alloc : memref<!tpu.dma_semaphore, #tpu.memory_space<semaphore_mem>>
        %dma_start3A_73 = arith.constant 9360 : i32
        %dma_start3A_74 = arith.constant 0 : i32
        %dma_start3A_75 = tpu.memref_slice %arg10[%dma_start3A_73, %dma_start3A_74] : memref<10112x128xf32, #tpu.memory_space<vmem_shared>> -> memref<640x128xf32, #tpu.memory_space<vmem_shared>>
        %dma_start3A_76 = arith.constant 9360 : i32
        %dma_start3A_77 = tpu.memref_slice %arg2[%dma_start3A_76, %mul3A_0] : memref<10000x256xf32, #tpu.memory_space<hbm>> -> memref<640x128xf32, #tpu.memory_space<hbm>>
        tpu.enqueue_dma source(%dma_start3A_77 : memref<640x128xf32, #tpu.memory_space<hbm>>) target(%dma_start3A_75 : memref<640x128xf32, #tpu.memory_space<vmem_shared>>) target_semaphore(%run_scoped3A_72 : memref<!tpu.dma_semaphore, #tpu.memory_space<semaphore_mem>>)
        %dma_wait3A_78 = arith.constant 9360 : i32
        %dma_wait3A_79 = arith.constant 0 : i32
        %dma_wait3A_80 = tpu.memref_slice %arg10[%dma_wait3A_78, %dma_wait3A_79] : memref<10112x128xf32, #tpu.memory_space<vmem_shared>> -> memref<640x128xf32, #tpu.memory_space<vmem_shared>>
        %dma_wait3A_81 = arith.constant 9360 : i32
        %dma_wait3A_82 = tpu.memref_slice %arg2[%dma_wait3A_81, %mul3A_0] : memref<10000x256xf32, #tpu.memory_space<hbm>> -> memref<640x128xf32, #tpu.memory_space<hbm>>
        tpu.wait_dma2 semaphore(%run_scoped3A_72 : memref<!tpu.dma_semaphore, #tpu.memory_space<semaphore_mem>>) src(%dma_wait3A_82 : memref<640x128xf32, #tpu.memory_space<hbm>>) dst(%dma_wait3A_80 : memref<640x128xf32, #tpu.memory_space<vmem_shared>>)
        tpu.yield
      }) : () -> ()
    } else {
    }
    %barrier3A = arith.constant 0 : index
    tpu.barrier barrier_id(%barrier3A)
    "tpu.region"() ({
      %run_scoped3A_72 = tpu.sem_alloc : memref<!tpu.dma_semaphore, #tpu.memory_space<semaphore_mem>>
      %dma_start3A_73 = arith.constant 0 : i32
      %dma_start3A_74 = arith.constant 0 : i32
      %dma_start3A_75 = tpu.memref_slice %arg3[%arg1, %dma_start3A_73, %dma_start3A_74] : memref<16x80x128xi32, #tpu.memory_space<hbm>> -> memref<1x40x128xi32, #tpu.memory_space<hbm>>
      %dma_start3A_76 = tpu.memref_squeeze %dma_start3A_75 : memref<1x40x128xi32, #tpu.memory_space<hbm>> -> memref<40x128xi32, #tpu.memory_space<hbm>>
      %dma_start3A_77 = arith.constant 0 : i32
      %dma_start3A_78 = arith.constant 0 : i32
      %dma_start3A_79 = tpu.memref_slice %arg3[%arg1, %dma_start3A_77, %dma_start3A_78] : memref<16x80x128xi32, #tpu.memory_space<hbm>> -> memref<1x40x128xi32, #tpu.memory_space<hbm>>
      %dma_start3A_80 = tpu.memref_squeeze %dma_start3A_79 : memref<1x40x128xi32, #tpu.memory_space<hbm>> -> memref<40x128xi32, #tpu.memory_space<hbm>>
      tpu.enqueue_dma source(%dma_start3A_80 : memref<40x128xi32, #tpu.memory_space<hbm>>) target(%arg6 : memref<40x128xi32, #tpu.memory_space<vmem>>) target_semaphore(%run_scoped3A_72 : memref<!tpu.dma_semaphore, #tpu.memory_space<semaphore_mem>>)
      %dma_wait3A_81 = arith.constant 0 : i32
      %dma_wait3A_82 = arith.constant 0 : i32
      %dma_wait3A_83 = tpu.memref_slice %arg3[%arg1, %dma_wait3A_81, %dma_wait3A_82] : memref<16x80x128xi32, #tpu.memory_space<hbm>> -> memref<1x40x128xi32, #tpu.memory_space<hbm>>
      %dma_wait3A_84 = tpu.memref_squeeze %dma_wait3A_83 : memref<1x40x128xi32, #tpu.memory_space<hbm>> -> memref<40x128xi32, #tpu.memory_space<hbm>>
      %dma_wait3A_85 = arith.constant 0 : i32
      %dma_wait3A_86 = arith.constant 0 : i32
      %dma_wait3A_87 = tpu.memref_slice %arg3[%arg1, %dma_wait3A_85, %dma_wait3A_86] : memref<16x80x128xi32, #tpu.memory_space<hbm>> -> memref<1x40x128xi32, #tpu.memory_space<hbm>>
      %dma_wait3A_88 = tpu.memref_squeeze %dma_wait3A_87 : memref<1x40x128xi32, #tpu.memory_space<hbm>> -> memref<40x128xi32, #tpu.memory_space<hbm>>
      tpu.wait_dma2 semaphore(%run_scoped3A_72 : memref<!tpu.dma_semaphore, #tpu.memory_space<semaphore_mem>>) src(%dma_wait3A_88 : memref<40x128xi32, #tpu.memory_space<hbm>>) dst(%arg6 : memref<40x128xi32, #tpu.memory_space<vmem>>)
      tpu.yield
    }) : () -> ()
    "tpu.region"() ({
      %run_scoped3A_72 = tpu.sem_alloc : memref<!tpu.dma_semaphore, #tpu.memory_space<semaphore_mem>>
      %dma_start3A_73 = arith.constant 0 : i32
      %dma_start3A_74 = arith.constant 0 : i32
      %dma_start3A_75 = tpu.memref_slice %arg4[%arg1, %dma_start3A_73, %dma_start3A_74] : memref<16x80x128xi32, #tpu.memory_space<hbm>> -> memref<1x40x128xi32, #tpu.memory_space<hbm>>
      %dma_start3A_76 = tpu.memref_squeeze %dma_start3A_75 : memref<1x40x128xi32, #tpu.memory_space<hbm>> -> memref<40x128xi32, #tpu.memory_space<hbm>>
      %dma_start3A_77 = arith.constant 0 : i32
      %dma_start3A_78 = arith.constant 0 : i32
      %dma_start3A_79 = tpu.memref_slice %arg4[%arg1, %dma_start3A_77, %dma_start3A_78] : memref<16x80x128xi32, #tpu.memory_space<hbm>> -> memref<1x40x128xi32, #tpu.memory_space<hbm>>
      %dma_start3A_80 = tpu.memref_squeeze %dma_start3A_79 : memref<1x40x128xi32, #tpu.memory_space<hbm>> -> memref<40x128xi32, #tpu.memory_space<hbm>>
      tpu.enqueue_dma source(%dma_start3A_80 : memref<40x128xi32, #tpu.memory_space<hbm>>) target(%arg7 : memref<40x128xi32, #tpu.memory_space<vmem>>) target_semaphore(%run_scoped3A_72 : memref<!tpu.dma_semaphore, #tpu.memory_space<semaphore_mem>>)
      %dma_wait3A_81 = arith.constant 0 : i32
      %dma_wait3A_82 = arith.constant 0 : i32
      %dma_wait3A_83 = tpu.memref_slice %arg4[%arg1, %dma_wait3A_81, %dma_wait3A_82] : memref<16x80x128xi32, #tpu.memory_space<hbm>> -> memref<1x40x128xi32, #tpu.memory_space<hbm>>
      %dma_wait3A_84 = tpu.memref_squeeze %dma_wait3A_83 : memref<1x40x128xi32, #tpu.memory_space<hbm>> -> memref<40x128xi32, #tpu.memory_space<hbm>>
      %dma_wait3A_85 = arith.constant 0 : i32
      %dma_wait3A_86 = arith.constant 0 : i32
      %dma_wait3A_87 = tpu.memref_slice %arg4[%arg1, %dma_wait3A_85, %dma_wait3A_86] : memref<16x80x128xi32, #tpu.memory_space<hbm>> -> memref<1x40x128xi32, #tpu.memory_space<hbm>>
      %dma_wait3A_88 = tpu.memref_squeeze %dma_wait3A_87 : memref<1x40x128xi32, #tpu.memory_space<hbm>> -> memref<40x128xi32, #tpu.memory_space<hbm>>
      tpu.wait_dma2 semaphore(%run_scoped3A_72 : memref<!tpu.dma_semaphore, #tpu.memory_space<semaphore_mem>>) src(%dma_wait3A_88 : memref<40x128xi32, #tpu.memory_space<hbm>>) dst(%arg7 : memref<40x128xi32, #tpu.memory_space<vmem>>)
      tpu.yield
    }) : () -> ()
    %dma_start3A = arith.constant 0 : i32
    %dma_start3A_7 = arith.constant 0 : i32
    %dma_start3A_8 = tpu.memref_slice %arg6[%dma_start3A, %dma_start3A_7] : memref<40x128xi32, #tpu.memory_space<vmem>> -> memref<1x128xi32, #tpu.memory_space<vmem>>
    %dma_start3A_9 = tpu.memref_squeeze %dma_start3A_8 : memref<1x128xi32, #tpu.memory_space<vmem>> -> memref<128xi32, #tpu.memory_space<vmem>>
    %dma_start3A_10 = arith.constant 0 : i32
    %dma_start3A_11 = tpu.memref_slice %arg2[%dma_start3A_10, %mul3A_0] : memref<10000x256xf32, #tpu.memory_space<hbm>> -> memref<10000x128xf32, #tpu.memory_space<hbm>>
    tpu.enqueue_indirect_dma source(%dma_start3A_11 : memref<10000x128xf32, #tpu.memory_space<hbm>>) target(%arg8 : memref<128x128xf32, #tpu.memory_space<vmem>>) offsets(%dma_start3A_9 : memref<128xi32, #tpu.memory_space<vmem>>) semaphore(%arg11 : memref<!tpu.dma_semaphore, #tpu.memory_space<semaphore_mem>>)
    %scan3A = arith.constant 0 : i32
    %scan3A_12 = arith.constant 0 : i32
    %scan3A_13 = arith.constant 19 : i32
    %scan3A_14 = arith.addi %scan3A_12, %scan3A_13 : i32
    %scan3A_15 = arith.constant 1 : i32
    scf.for %scan3A_72 = %scan3A_12 to %scan3A_14 step %scan3A_15  : i32 {
      %mul3A_73 = arith.constant 2 : i32
      %mul3A_74 = arith.muli %mul3A_73, %scan3A_72 : i32
      %add3A = arith.constant 1 : i32
      %add3A_75 = arith.addi %mul3A_74, %add3A : i32
      %dma_start3A_76 = arith.constant 0 : i32
      %dma_start3A_77 = tpu.memref_slice %arg6[%add3A_75, %dma_start3A_76] : memref<40x128xi32, #tpu.memory_space<vmem>> -> memref<1x128xi32, #tpu.memory_space<vmem>>
      %dma_start3A_78 = tpu.memref_squeeze %dma_start3A_77 : memref<1x128xi32, #tpu.memory_space<vmem>> -> memref<128xi32, #tpu.memory_space<vmem>>
      %dma_start3A_79 = arith.constant 0 : i32
      %dma_start3A_80 = tpu.memref_slice %arg2[%dma_start3A_79, %mul3A_0] : memref<10000x256xf32, #tpu.memory_space<hbm>> -> memref<10000x128xf32, #tpu.memory_space<hbm>>
      tpu.enqueue_indirect_dma source(%dma_start3A_80 : memref<10000x128xf32, #tpu.memory_space<hbm>>) target(%arg9 : memref<128x128xf32, #tpu.memory_space<vmem>>) offsets(%dma_start3A_78 : memref<128xi32, #tpu.memory_space<vmem>>) semaphore(%arg12 : memref<!tpu.dma_semaphore, #tpu.memory_space<semaphore_mem>>)
      %dma_wait3A_81 = arith.constant 0 : i32
      %dma_wait3A_82 = tpu.memref_slice %arg6[%mul3A_74, %dma_wait3A_81] : memref<40x128xi32, #tpu.memory_space<vmem>> -> memref<1x128xi32, #tpu.memory_space<vmem>>
      %dma_wait3A_83 = tpu.memref_squeeze %dma_wait3A_82 : memref<1x128xi32, #tpu.memory_space<vmem>> -> memref<128xi32, #tpu.memory_space<vmem>>
      %dma_wait3A_84 = arith.constant 0 : i32
      %dma_wait3A_85 = tpu.memref_slice %arg2[%dma_wait3A_84, %mul3A_0] : memref<10000x256xf32, #tpu.memory_space<hbm>> -> memref<10000x128xf32, #tpu.memory_space<hbm>>
      tpu.wait_indirect_dma semaphore(%arg11 : memref<!tpu.dma_semaphore, #tpu.memory_space<semaphore_mem>>) src(%dma_wait3A_85 : memref<10000x128xf32, #tpu.memory_space<hbm>>) dst(%arg8 : memref<128x128xf32, #tpu.memory_space<vmem>>)
      "tpu.region"() ({
        %run_scoped3A_100 = tpu.sem_alloc : memref<!tpu.dma_semaphore, #tpu.memory_space<semaphore_mem>>
        %dma_start3A_101 = arith.constant 0 : i32
        %dma_start3A_102 = tpu.memref_slice %arg7[%mul3A_74, %dma_start3A_101] : memref<40x128xi32, #tpu.memory_space<vmem>> -> memref<1x128xi32, #tpu.memory_space<vmem>>
        %dma_start3A_103 = tpu.memref_squeeze %dma_start3A_102 : memref<1x128xi32, #tpu.memory_space<vmem>> -> memref<128xi32, #tpu.memory_space<vmem>>
        %dma_start3A_104 = arith.constant 0 : i32
        %dma_start3A_105 = arith.constant 0 : i32
        %dma_start3A_106 = tpu.memref_slice %arg10[%dma_start3A_104, %dma_start3A_105] : memref<10112x128xf32, #tpu.memory_space<vmem_shared>> -> memref<10112x128xf32, #tpu.memory_space<vmem_shared>>
        tpu.enqueue_indirect_dma source(%arg8 : memref<128x128xf32, #tpu.memory_space<vmem>>) target(%dma_start3A_106 : memref<10112x128xf32, #tpu.memory_space<vmem_shared>>) offsets(%dma_start3A_103 : memref<128xi32, #tpu.memory_space<vmem>>) semaphore(%run_scoped3A_100 : memref<!tpu.dma_semaphore, #tpu.memory_space<semaphore_mem>>) {add = true}
        %dma_wait3A_107 = arith.constant 0 : i32
        %dma_wait3A_108 = tpu.memref_slice %arg7[%mul3A_74, %dma_wait3A_107] : memref<40x128xi32, #tpu.memory_space<vmem>> -> memref<1x128xi32, #tpu.memory_space<vmem>>
        %dma_wait3A_109 = tpu.memref_squeeze %dma_wait3A_108 : memref<1x128xi32, #tpu.memory_space<vmem>> -> memref<128xi32, #tpu.memory_space<vmem>>
        %dma_wait3A_110 = arith.constant 0 : i32
        %dma_wait3A_111 = arith.constant 0 : i32
        %dma_wait3A_112 = tpu.memref_slice %arg10[%dma_wait3A_110, %dma_wait3A_111] : memref<10112x128xf32, #tpu.memory_space<vmem_shared>> -> memref<10112x128xf32, #tpu.memory_space<vmem_shared>>
        tpu.wait_indirect_dma semaphore(%run_scoped3A_100 : memref<!tpu.dma_semaphore, #tpu.memory_space<semaphore_mem>>) src(%arg8 : memref<128x128xf32, #tpu.memory_space<vmem>>) dst(%dma_wait3A_112 : memref<10112x128xf32, #tpu.memory_space<vmem_shared>>)
        tpu.yield
      }) : () -> ()
      %add3A_86 = arith.constant 2 : i32
      %add3A_87 = arith.addi %mul3A_74, %add3A_86 : i32
      %dma_start3A_88 = arith.constant 0 : i32
      %dma_start3A_89 = tpu.memref_slice %arg6[%add3A_87, %dma_start3A_88] : memref<40x128xi32, #tpu.memory_space<vmem>> -> memref<1x128xi32, #tpu.memory_space<vmem>>
      %dma_start3A_90 = tpu.memref_squeeze %dma_start3A_89 : memref<1x128xi32, #tpu.memory_space<vmem>> -> memref<128xi32, #tpu.memory_space<vmem>>
      %dma_start3A_91 = arith.constant 0 : i32
      %dma_start3A_92 = tpu.memref_slice %arg2[%dma_start3A_91, %mul3A_0] : memref<10000x256xf32, #tpu.memory_space<hbm>> -> memref<10000x128xf32, #tpu.memory_space<hbm>>
      tpu.enqueue_indirect_dma source(%dma_start3A_92 : memref<10000x128xf32, #tpu.memory_space<hbm>>) target(%arg8 : memref<128x128xf32, #tpu.memory_space<vmem>>) offsets(%dma_start3A_90 : memref<128xi32, #tpu.memory_space<vmem>>) semaphore(%arg11 : memref<!tpu.dma_semaphore, #tpu.memory_space<semaphore_mem>>)
      %dma_wait3A_93 = arith.constant 0 : i32
      %dma_wait3A_94 = tpu.memref_slice %arg6[%add3A_75, %dma_wait3A_93] : memref<40x128xi32, #tpu.memory_space<vmem>> -> memref<1x128xi32, #tpu.memory_space<vmem>>
      %dma_wait3A_95 = tpu.memref_squeeze %dma_wait3A_94 : memref<1x128xi32, #tpu.memory_space<vmem>> -> memref<128xi32, #tpu.memory_space<vmem>>
      %dma_wait3A_96 = arith.constant 0 : i32
      %dma_wait3A_97 = tpu.memref_slice %arg2[%dma_wait3A_96, %mul3A_0] : memref<10000x256xf32, #tpu.memory_space<hbm>> -> memref<10000x128xf32, #tpu.memory_space<hbm>>
      tpu.wait_indirect_dma semaphore(%arg12 : memref<!tpu.dma_semaphore, #tpu.memory_space<semaphore_mem>>) src(%dma_wait3A_97 : memref<10000x128xf32, #tpu.memory_space<hbm>>) dst(%arg9 : memref<128x128xf32, #tpu.memory_space<vmem>>)
      %add3A_98 = arith.constant 1 : i32
      %add3A_99 = arith.addi %mul3A_74, %add3A_98 : i32
      "tpu.region"() ({
        %run_scoped3A_100 = tpu.sem_alloc : memref<!tpu.dma_semaphore, #tpu.memory_space<semaphore_mem>>
        %dma_start3A_101 = arith.constant 0 : i32
        %dma_start3A_102 = tpu.memref_slice %arg7[%add3A_99, %dma_start3A_101] : memref<40x128xi32, #tpu.memory_space<vmem>> -> memref<1x128xi32, #tpu.memory_space<vmem>>
        %dma_start3A_103 = tpu.memref_squeeze %dma_start3A_102 : memref<1x128xi32, #tpu.memory_space<vmem>> -> memref<128xi32, #tpu.memory_space<vmem>>
        %dma_start3A_104 = arith.constant 0 : i32
        %dma_start3A_105 = arith.constant 0 : i32
        %dma_start3A_106 = tpu.memref_slice %arg10[%dma_start3A_104, %dma_start3A_105] : memref<10112x128xf32, #tpu.memory_space<vmem_shared>> -> memref<10112x128xf32, #tpu.memory_space<vmem_shared>>
        tpu.enqueue_indirect_dma source(%arg9 : memref<128x128xf32, #tpu.memory_space<vmem>>) target(%dma_start3A_106 : memref<10112x128xf32, #tpu.memory_space<vmem_shared>>) offsets(%dma_start3A_103 : memref<128xi32, #tpu.memory_space<vmem>>) semaphore(%run_scoped3A_100 : memref<!tpu.dma_semaphore, #tpu.memory_space<semaphore_mem>>) {add = true}
        %dma_wait3A_107 = arith.constant 0 : i32
        %dma_wait3A_108 = tpu.memref_slice %arg7[%add3A_99, %dma_wait3A_107] : memref<40x128xi32, #tpu.memory_space<vmem>> -> memref<1x128xi32, #tpu.memory_space<vmem>>
        %dma_wait3A_109 = tpu.memref_squeeze %dma_wait3A_108 : memref<1x128xi32, #tpu.memory_space<vmem>> -> memref<128xi32, #tpu.memory_space<vmem>>
        %dma_wait3A_110 = arith.constant 0 : i32
        %dma_wait3A_111 = arith.constant 0 : i32
        %dma_wait3A_112 = tpu.memref_slice %arg10[%dma_wait3A_110, %dma_wait3A_111] : memref<10112x128xf32, #tpu.memory_space<vmem_shared>> -> memref<10112x128xf32, #tpu.memory_space<vmem_shared>>
        tpu.wait_indirect_dma semaphore(%run_scoped3A_100 : memref<!tpu.dma_semaphore, #tpu.memory_space<semaphore_mem>>) src(%arg9 : memref<128x128xf32, #tpu.memory_space<vmem>>) dst(%dma_wait3A_112 : memref<10112x128xf32, #tpu.memory_space<vmem_shared>>)
        tpu.yield
      }) : () -> ()
    }
    %scan3A_16 = arith.constant 19 : i32
    %dma_start3A_17 = arith.constant 39 : i32
    %dma_start3A_18 = arith.constant 0 : i32
    %dma_start3A_19 = tpu.memref_slice %arg6[%dma_start3A_17, %dma_start3A_18] : memref<40x128xi32, #tpu.memory_space<vmem>> -> memref<1x128xi32, #tpu.memory_space<vmem>>
    %dma_start3A_20 = tpu.memref_squeeze %dma_start3A_19 : memref<1x128xi32, #tpu.memory_space<vmem>> -> memref<128xi32, #tpu.memory_space<vmem>>
    %dma_start3A_21 = arith.constant 0 : i32
    %dma_start3A_22 = tpu.memref_slice %arg2[%dma_start3A_21, %mul3A_0] : memref<10000x256xf32, #tpu.memory_space<hbm>> -> memref<10000x128xf32, #tpu.memory_space<hbm>>
    tpu.enqueue_indirect_dma source(%dma_start3A_22 : memref<10000x128xf32, #tpu.memory_space<hbm>>) target(%arg9 : memref<128x128xf32, #tpu.memory_space<vmem>>) offsets(%dma_start3A_20 : memref<128xi32, #tpu.memory_space<vmem>>) semaphore(%arg12 : memref<!tpu.dma_semaphore, #tpu.memory_space<semaphore_mem>>)
    %dma_wait3A = arith.constant 38 : i32
    %dma_wait3A_23 = arith.constant 0 : i32
    %dma_wait3A_24 = tpu.memref_slice %arg6[%dma_wait3A, %dma_wait3A_23] : memref<40x128xi32, #tpu.memory_space<vmem>> -> memref<1x128xi32, #tpu.memory_space<vmem>>
    %dma_wait3A_25 = tpu.memref_squeeze %dma_wait3A_24 : memref<1x128xi32, #tpu.memory_space<vmem>> -> memref<128xi32, #tpu.memory_space<vmem>>
    %dma_wait3A_26 = arith.constant 0 : i32
    %dma_wait3A_27 = tpu.memref_slice %arg2[%dma_wait3A_26, %mul3A_0] : memref<10000x256xf32, #tpu.memory_space<hbm>> -> memref<10000x128xf32, #tpu.memory_space<hbm>>
    tpu.wait_indirect_dma semaphore(%arg11 : memref<!tpu.dma_semaphore, #tpu.memory_space<semaphore_mem>>) src(%dma_wait3A_27 : memref<10000x128xf32, #tpu.memory_space<hbm>>) dst(%arg8 : memref<128x128xf32, #tpu.memory_space<vmem>>)
    %run_scoped3A = arith.constant 38 : i32
    "tpu.region"() ({
      %run_scoped3A_72 = tpu.sem_alloc : memref<!tpu.dma_semaphore, #tpu.memory_space<semaphore_mem>>
      %dma_start3A_73 = arith.constant 0 : i32
      %dma_start3A_74 = tpu.memref_slice %arg7[%run_scoped3A, %dma_start3A_73] : memref<40x128xi32, #tpu.memory_space<vmem>> -> memref<1x128xi32, #tpu.memory_space<vmem>>
      %dma_start3A_75 = tpu.memref_squeeze %dma_start3A_74 : memref<1x128xi32, #tpu.memory_space<vmem>> -> memref<128xi32, #tpu.memory_space<vmem>>
      %dma_start3A_76 = arith.constant 0 : i32
      %dma_start3A_77 = arith.constant 0 : i32
      %dma_start3A_78 = tpu.memref_slice %arg10[%dma_start3A_76, %dma_start3A_77] : memref<10112x128xf32, #tpu.memory_space<vmem_shared>> -> memref<10112x128xf32, #tpu.memory_space<vmem_shared>>
      tpu.enqueue_indirect_dma source(%arg8 : memref<128x128xf32, #tpu.memory_space<vmem>>) target(%dma_start3A_78 : memref<10112x128xf32, #tpu.memory_space<vmem_shared>>) offsets(%dma_start3A_75 : memref<128xi32, #tpu.memory_space<vmem>>) semaphore(%run_scoped3A_72 : memref<!tpu.dma_semaphore, #tpu.memory_space<semaphore_mem>>) {add = true}
      %dma_wait3A_79 = arith.constant 0 : i32
      %dma_wait3A_80 = tpu.memref_slice %arg7[%run_scoped3A, %dma_wait3A_79] : memref<40x128xi32, #tpu.memory_space<vmem>> -> memref<1x128xi32, #tpu.memory_space<vmem>>
      %dma_wait3A_81 = tpu.memref_squeeze %dma_wait3A_80 : memref<1x128xi32, #tpu.memory_space<vmem>> -> memref<128xi32, #tpu.memory_space<vmem>>
      %dma_wait3A_82 = arith.constant 0 : i32
      %dma_wait3A_83 = arith.constant 0 : i32
      %dma_wait3A_84 = tpu.memref_slice %arg10[%dma_wait3A_82, %dma_wait3A_83] : memref<10112x128xf32, #tpu.memory_space<vmem_shared>> -> memref<10112x128xf32, #tpu.memory_space<vmem_shared>>
      tpu.wait_indirect_dma semaphore(%run_scoped3A_72 : memref<!tpu.dma_semaphore, #tpu.memory_space<semaphore_mem>>) src(%arg8 : memref<128x128xf32, #tpu.memory_space<vmem>>) dst(%dma_wait3A_84 : memref<10112x128xf32, #tpu.memory_space<vmem_shared>>)
      tpu.yield
    }) : () -> ()
    %dma_wait3A_28 = arith.constant 39 : i32
    %dma_wait3A_29 = arith.constant 0 : i32
    %dma_wait3A_30 = tpu.memref_slice %arg6[%dma_wait3A_28, %dma_wait3A_29] : memref<40x128xi32, #tpu.memory_space<vmem>> -> memref<1x128xi32, #tpu.memory_space<vmem>>
    %dma_wait3A_31 = tpu.memref_squeeze %dma_wait3A_30 : memref<1x128xi32, #tpu.memory_space<vmem>> -> memref<128xi32, #tpu.memory_space<vmem>>
    %dma_wait3A_32 = arith.constant 0 : i32
    %dma_wait3A_33 = tpu.memref_slice %arg2[%dma_wait3A_32, %mul3A_0] : memref<10000x256xf32, #tpu.memory_space<hbm>> -> memref<10000x128xf32, #tpu.memory_space<hbm>>
    tpu.wait_indirect_dma semaphore(%arg12 : memref<!tpu.dma_semaphore, #tpu.memory_space<semaphore_mem>>) src(%dma_wait3A_33 : memref<10000x128xf32, #tpu.memory_space<hbm>>) dst(%arg9 : memref<128x128xf32, #tpu.memory_space<vmem>>)
    %run_scoped3A_34 = arith.constant 39 : i32
    "tpu.region"() ({
      %run_scoped3A_72 = tpu.sem_alloc : memref<!tpu.dma_semaphore, #tpu.memory_space<semaphore_mem>>
      %dma_start3A_73 = arith.constant 0 : i32
      %dma_start3A_74 = tpu.memref_slice %arg7[%run_scoped3A_34, %dma_start3A_73] : memref<40x128xi32, #tpu.memory_space<vmem>> -> memref<1x128xi32, #tpu.memory_space<vmem>>
      %dma_start3A_75 = tpu.memref_squeeze %dma_start3A_74 : memref<1x128xi32, #tpu.memory_space<vmem>> -> memref<128xi32, #tpu.memory_space<vmem>>
      %dma_start3A_76 = arith.constant 0 : i32
      %dma_start3A_77 = arith.constant 0 : i32
      %dma_start3A_78 = tpu.memref_slice %arg10[%dma_start3A_76, %dma_start3A_77] : memref<10112x128xf32, #tpu.memory_space<vmem_shared>> -> memref<10112x128xf32, #tpu.memory_space<vmem_shared>>
      tpu.enqueue_indirect_dma source(%arg9 : memref<128x128xf32, #tpu.memory_space<vmem>>) target(%dma_start3A_78 : memref<10112x128xf32, #tpu.memory_space<vmem_shared>>) offsets(%dma_start3A_75 : memref<128xi32, #tpu.memory_space<vmem>>) semaphore(%run_scoped3A_72 : memref<!tpu.dma_semaphore, #tpu.memory_space<semaphore_mem>>) {add = true}
      %dma_wait3A_79 = arith.constant 0 : i32
      %dma_wait3A_80 = tpu.memref_slice %arg7[%run_scoped3A_34, %dma_wait3A_79] : memref<40x128xi32, #tpu.memory_space<vmem>> -> memref<1x128xi32, #tpu.memory_space<vmem>>
      %dma_wait3A_81 = tpu.memref_squeeze %dma_wait3A_80 : memref<1x128xi32, #tpu.memory_space<vmem>> -> memref<128xi32, #tpu.memory_space<vmem>>
      %dma_wait3A_82 = arith.constant 0 : i32
      %dma_wait3A_83 = arith.constant 0 : i32
      %dma_wait3A_84 = tpu.memref_slice %arg10[%dma_wait3A_82, %dma_wait3A_83] : memref<10112x128xf32, #tpu.memory_space<vmem_shared>> -> memref<10112x128xf32, #tpu.memory_space<vmem_shared>>
      tpu.wait_indirect_dma semaphore(%run_scoped3A_72 : memref<!tpu.dma_semaphore, #tpu.memory_space<semaphore_mem>>) src(%arg9 : memref<128x128xf32, #tpu.memory_space<vmem>>) dst(%dma_wait3A_84 : memref<10112x128xf32, #tpu.memory_space<vmem_shared>>)
      tpu.yield
    }) : () -> ()
    "tpu.region"() ({
      %run_scoped3A_72 = tpu.sem_alloc : memref<!tpu.dma_semaphore, #tpu.memory_space<semaphore_mem>>
      %dma_start3A_73 = arith.constant 40 : i32
      %dma_start3A_74 = arith.constant 0 : i32
      %dma_start3A_75 = tpu.memref_slice %arg3[%arg1, %dma_start3A_73, %dma_start3A_74] : memref<16x80x128xi32, #tpu.memory_space<hbm>> -> memref<1x40x128xi32, #tpu.memory_space<hbm>>
      %dma_start3A_76 = tpu.memref_squeeze %dma_start3A_75 : memref<1x40x128xi32, #tpu.memory_space<hbm>> -> memref<40x128xi32, #tpu.memory_space<hbm>>
      %dma_start3A_77 = arith.constant 40 : i32
      %dma_start3A_78 = arith.constant 0 : i32
      %dma_start3A_79 = tpu.memref_slice %arg3[%arg1, %dma_start3A_77, %dma_start3A_78] : memref<16x80x128xi32, #tpu.memory_space<hbm>> -> memref<1x40x128xi32, #tpu.memory_space<hbm>>
      %dma_start3A_80 = tpu.memref_squeeze %dma_start3A_79 : memref<1x40x128xi32, #tpu.memory_space<hbm>> -> memref<40x128xi32, #tpu.memory_space<hbm>>
      tpu.enqueue_dma source(%dma_start3A_80 : memref<40x128xi32, #tpu.memory_space<hbm>>) target(%arg6 : memref<40x128xi32, #tpu.memory_space<vmem>>) target_semaphore(%run_scoped3A_72 : memref<!tpu.dma_semaphore, #tpu.memory_space<semaphore_mem>>)
      %dma_wait3A_81 = arith.constant 40 : i32
      %dma_wait3A_82 = arith.constant 0 : i32
      %dma_wait3A_83 = tpu.memref_slice %arg3[%arg1, %dma_wait3A_81, %dma_wait3A_82] : memref<16x80x128xi32, #tpu.memory_space<hbm>> -> memref<1x40x128xi32, #tpu.memory_space<hbm>>
      %dma_wait3A_84 = tpu.memref_squeeze %dma_wait3A_83 : memref<1x40x128xi32, #tpu.memory_space<hbm>> -> memref<40x128xi32, #tpu.memory_space<hbm>>
      %dma_wait3A_85 = arith.constant 40 : i32
      %dma_wait3A_86 = arith.constant 0 : i32
      %dma_wait3A_87 = tpu.memref_slice %arg3[%arg1, %dma_wait3A_85, %dma_wait3A_86] : memref<16x80x128xi32, #tpu.memory_space<hbm>> -> memref<1x40x128xi32, #tpu.memory_space<hbm>>
      %dma_wait3A_88 = tpu.memref_squeeze %dma_wait3A_87 : memref<1x40x128xi32, #tpu.memory_space<hbm>> -> memref<40x128xi32, #tpu.memory_space<hbm>>
      tpu.wait_dma2 semaphore(%run_scoped3A_72 : memref<!tpu.dma_semaphore, #tpu.memory_space<semaphore_mem>>) src(%dma_wait3A_88 : memref<40x128xi32, #tpu.memory_space<hbm>>) dst(%arg6 : memref<40x128xi32, #tpu.memory_space<vmem>>)
      tpu.yield
    }) : () -> ()
    "tpu.region"() ({
      %run_scoped3A_72 = tpu.sem_alloc : memref<!tpu.dma_semaphore, #tpu.memory_space<semaphore_mem>>
      %dma_start3A_73 = arith.constant 40 : i32
      %dma_start3A_74 = arith.constant 0 : i32
      %dma_start3A_75 = tpu.memref_slice %arg4[%arg1, %dma_start3A_73, %dma_start3A_74] : memref<16x80x128xi32, #tpu.memory_space<hbm>> -> memref<1x40x128xi32, #tpu.memory_space<hbm>>
      %dma_start3A_76 = tpu.memref_squeeze %dma_start3A_75 : memref<1x40x128xi32, #tpu.memory_space<hbm>> -> memref<40x128xi32, #tpu.memory_space<hbm>>
      %dma_start3A_77 = arith.constant 40 : i32
      %dma_start3A_78 = arith.constant 0 : i32
      %dma_start3A_79 = tpu.memref_slice %arg4[%arg1, %dma_start3A_77, %dma_start3A_78] : memref<16x80x128xi32, #tpu.memory_space<hbm>> -> memref<1x40x128xi32, #tpu.memory_space<hbm>>
      %dma_start3A_80 = tpu.memref_squeeze %dma_start3A_79 : memref<1x40x128xi32, #tpu.memory_space<hbm>> -> memref<40x128xi32, #tpu.memory_space<hbm>>
      tpu.enqueue_dma source(%dma_start3A_80 : memref<40x128xi32, #tpu.memory_space<hbm>>) target(%arg7 : memref<40x128xi32, #tpu.memory_space<vmem>>) target_semaphore(%run_scoped3A_72 : memref<!tpu.dma_semaphore, #tpu.memory_space<semaphore_mem>>)
      %dma_wait3A_81 = arith.constant 40 : i32
      %dma_wait3A_82 = arith.constant 0 : i32
      %dma_wait3A_83 = tpu.memref_slice %arg4[%arg1, %dma_wait3A_81, %dma_wait3A_82] : memref<16x80x128xi32, #tpu.memory_space<hbm>> -> memref<1x40x128xi32, #tpu.memory_space<hbm>>
      %dma_wait3A_84 = tpu.memref_squeeze %dma_wait3A_83 : memref<1x40x128xi32, #tpu.memory_space<hbm>> -> memref<40x128xi32, #tpu.memory_space<hbm>>
      %dma_wait3A_85 = arith.constant 40 : i32
      %dma_wait3A_86 = arith.constant 0 : i32
      %dma_wait3A_87 = tpu.memref_slice %arg4[%arg1, %dma_wait3A_85, %dma_wait3A_86] : memref<16x80x128xi32, #tpu.memory_space<hbm>> -> memref<1x40x128xi32, #tpu.memory_space<hbm>>
      %dma_wait3A_88 = tpu.memref_squeeze %dma_wait3A_87 : memref<1x40x128xi32, #tpu.memory_space<hbm>> -> memref<40x128xi32, #tpu.memory_space<hbm>>
      tpu.wait_dma2 semaphore(%run_scoped3A_72 : memref<!tpu.dma_semaphore, #tpu.memory_space<semaphore_mem>>) src(%dma_wait3A_88 : memref<40x128xi32, #tpu.memory_space<hbm>>) dst(%arg7 : memref<40x128xi32, #tpu.memory_space<vmem>>)
      tpu.yield
    }) : () -> ()
    %dma_start3A_35 = arith.constant 0 : i32
    %dma_start3A_36 = arith.constant 0 : i32
    %dma_start3A_37 = tpu.memref_slice %arg6[%dma_start3A_35, %dma_start3A_36] : memref<40x128xi32, #tpu.memory_space<vmem>> -> memref<1x128xi32, #tpu.memory_space<vmem>>
    %dma_start3A_38 = tpu.memref_squeeze %dma_start3A_37 : memref<1x128xi32, #tpu.memory_space<vmem>> -> memref<128xi32, #tpu.memory_space<vmem>>
    %dma_start3A_39 = arith.constant 0 : i32
    %dma_start3A_40 = tpu.memref_slice %arg2[%dma_start3A_39, %mul3A_0] : memref<10000x256xf32, #tpu.memory_space<hbm>> -> memref<10000x128xf32, #tpu.memory_space<hbm>>
    tpu.enqueue_indirect_dma source(%dma_start3A_40 : memref<10000x128xf32, #tpu.memory_space<hbm>>) target(%arg8 : memref<128x128xf32, #tpu.memory_space<vmem>>) offsets(%dma_start3A_38 : memref<128xi32, #tpu.memory_space<vmem>>) semaphore(%arg11 : memref<!tpu.dma_semaphore, #tpu.memory_space<semaphore_mem>>)
    %scan3A_41 = arith.constant 0 : i32
    %scan3A_42 = arith.constant 0 : i32
    %scan3A_43 = arith.constant 19 : i32
    %scan3A_44 = arith.addi %scan3A_42, %scan3A_43 : i32
    %scan3A_45 = arith.constant 1 : i32
    scf.for %scan3A_72 = %scan3A_42 to %scan3A_44 step %scan3A_45  : i32 {
      %mul3A_73 = arith.constant 2 : i32
      %mul3A_74 = arith.muli %mul3A_73, %scan3A_72 : i32
      %add3A = arith.constant 1 : i32
      %add3A_75 = arith.addi %mul3A_74, %add3A : i32
      %dma_start3A_76 = arith.constant 0 : i32
      %dma_start3A_77 = tpu.memref_slice %arg6[%add3A_75, %dma_start3A_76] : memref<40x128xi32, #tpu.memory_space<vmem>> -> memref<1x128xi32, #tpu.memory_space<vmem>>
      %dma_start3A_78 = tpu.memref_squeeze %dma_start3A_77 : memref<1x128xi32, #tpu.memory_space<vmem>> -> memref<128xi32, #tpu.memory_space<vmem>>
      %dma_start3A_79 = arith.constant 0 : i32
      %dma_start3A_80 = tpu.memref_slice %arg2[%dma_start3A_79, %mul3A_0] : memref<10000x256xf32, #tpu.memory_space<hbm>> -> memref<10000x128xf32, #tpu.memory_space<hbm>>
      tpu.enqueue_indirect_dma source(%dma_start3A_80 : memref<10000x128xf32, #tpu.memory_space<hbm>>) target(%arg9 : memref<128x128xf32, #tpu.memory_space<vmem>>) offsets(%dma_start3A_78 : memref<128xi32, #tpu.memory_space<vmem>>) semaphore(%arg12 : memref<!tpu.dma_semaphore, #tpu.memory_space<semaphore_mem>>)
      %dma_wait3A_81 = arith.constant 0 : i32
      %dma_wait3A_82 = tpu.memref_slice %arg6[%mul3A_74, %dma_wait3A_81] : memref<40x128xi32, #tpu.memory_space<vmem>> -> memref<1x128xi32, #tpu.memory_space<vmem>>
      %dma_wait3A_83 = tpu.memref_squeeze %dma_wait3A_82 : memref<1x128xi32, #tpu.memory_space<vmem>> -> memref<128xi32, #tpu.memory_space<vmem>>
      %dma_wait3A_84 = arith.constant 0 : i32
      %dma_wait3A_85 = tpu.memref_slice %arg2[%dma_wait3A_84, %mul3A_0] : memref<10000x256xf32, #tpu.memory_space<hbm>> -> memref<10000x128xf32, #tpu.memory_space<hbm>>
      tpu.wait_indirect_dma semaphore(%arg11 : memref<!tpu.dma_semaphore, #tpu.memory_space<semaphore_mem>>) src(%dma_wait3A_85 : memref<10000x128xf32, #tpu.memory_space<hbm>>) dst(%arg8 : memref<128x128xf32, #tpu.memory_space<vmem>>)
      "tpu.region"() ({
        %run_scoped3A_100 = tpu.sem_alloc : memref<!tpu.dma_semaphore, #tpu.memory_space<semaphore_mem>>
        %dma_start3A_101 = arith.constant 0 : i32
        %dma_start3A_102 = tpu.memref_slice %arg7[%mul3A_74, %dma_start3A_101] : memref<40x128xi32, #tpu.memory_space<vmem>> -> memref<1x128xi32, #tpu.memory_space<vmem>>
        %dma_start3A_103 = tpu.memref_squeeze %dma_start3A_102 : memref<1x128xi32, #tpu.memory_space<vmem>> -> memref<128xi32, #tpu.memory_space<vmem>>
        %dma_start3A_104 = arith.constant 0 : i32
        %dma_start3A_105 = arith.constant 0 : i32
        %dma_start3A_106 = tpu.memref_slice %arg10[%dma_start3A_104, %dma_start3A_105] : memref<10112x128xf32, #tpu.memory_space<vmem_shared>> -> memref<10112x128xf32, #tpu.memory_space<vmem_shared>>
        tpu.enqueue_indirect_dma source(%arg8 : memref<128x128xf32, #tpu.memory_space<vmem>>) target(%dma_start3A_106 : memref<10112x128xf32, #tpu.memory_space<vmem_shared>>) offsets(%dma_start3A_103 : memref<128xi32, #tpu.memory_space<vmem>>) semaphore(%run_scoped3A_100 : memref<!tpu.dma_semaphore, #tpu.memory_space<semaphore_mem>>) {add = true}
        %dma_wait3A_107 = arith.constant 0 : i32
        %dma_wait3A_108 = tpu.memref_slice %arg7[%mul3A_74, %dma_wait3A_107] : memref<40x128xi32, #tpu.memory_space<vmem>> -> memref<1x128xi32, #tpu.memory_space<vmem>>
        %dma_wait3A_109 = tpu.memref_squeeze %dma_wait3A_108 : memref<1x128xi32, #tpu.memory_space<vmem>> -> memref<128xi32, #tpu.memory_space<vmem>>
        %dma_wait3A_110 = arith.constant 0 : i32
        %dma_wait3A_111 = arith.constant 0 : i32
        %dma_wait3A_112 = tpu.memref_slice %arg10[%dma_wait3A_110, %dma_wait3A_111] : memref<10112x128xf32, #tpu.memory_space<vmem_shared>> -> memref<10112x128xf32, #tpu.memory_space<vmem_shared>>
        tpu.wait_indirect_dma semaphore(%run_scoped3A_100 : memref<!tpu.dma_semaphore, #tpu.memory_space<semaphore_mem>>) src(%arg8 : memref<128x128xf32, #tpu.memory_space<vmem>>) dst(%dma_wait3A_112 : memref<10112x128xf32, #tpu.memory_space<vmem_shared>>)
        tpu.yield
      }) : () -> ()
      %add3A_86 = arith.constant 2 : i32
      %add3A_87 = arith.addi %mul3A_74, %add3A_86 : i32
      %dma_start3A_88 = arith.constant 0 : i32
      %dma_start3A_89 = tpu.memref_slice %arg6[%add3A_87, %dma_start3A_88] : memref<40x128xi32, #tpu.memory_space<vmem>> -> memref<1x128xi32, #tpu.memory_space<vmem>>
      %dma_start3A_90 = tpu.memref_squeeze %dma_start3A_89 : memref<1x128xi32, #tpu.memory_space<vmem>> -> memref<128xi32, #tpu.memory_space<vmem>>
      %dma_start3A_91 = arith.constant 0 : i32
      %dma_start3A_92 = tpu.memref_slice %arg2[%dma_start3A_91, %mul3A_0] : memref<10000x256xf32, #tpu.memory_space<hbm>> -> memref<10000x128xf32, #tpu.memory_space<hbm>>
      tpu.enqueue_indirect_dma source(%dma_start3A_92 : memref<10000x128xf32, #tpu.memory_space<hbm>>) target(%arg8 : memref<128x128xf32, #tpu.memory_space<vmem>>) offsets(%dma_start3A_90 : memref<128xi32, #tpu.memory_space<vmem>>) semaphore(%arg11 : memref<!tpu.dma_semaphore, #tpu.memory_space<semaphore_mem>>)
      %dma_wait3A_93 = arith.constant 0 : i32
      %dma_wait3A_94 = tpu.memref_slice %arg6[%add3A_75, %dma_wait3A_93] : memref<40x128xi32, #tpu.memory_space<vmem>> -> memref<1x128xi32, #tpu.memory_space<vmem>>
      %dma_wait3A_95 = tpu.memref_squeeze %dma_wait3A_94 : memref<1x128xi32, #tpu.memory_space<vmem>> -> memref<128xi32, #tpu.memory_space<vmem>>
      %dma_wait3A_96 = arith.constant 0 : i32
      %dma_wait3A_97 = tpu.memref_slice %arg2[%dma_wait3A_96, %mul3A_0] : memref<10000x256xf32, #tpu.memory_space<hbm>> -> memref<10000x128xf32, #tpu.memory_space<hbm>>
      tpu.wait_indirect_dma semaphore(%arg12 : memref<!tpu.dma_semaphore, #tpu.memory_space<semaphore_mem>>) src(%dma_wait3A_97 : memref<10000x128xf32, #tpu.memory_space<hbm>>) dst(%arg9 : memref<128x128xf32, #tpu.memory_space<vmem>>)
      %add3A_98 = arith.constant 1 : i32
      %add3A_99 = arith.addi %mul3A_74, %add3A_98 : i32
      "tpu.region"() ({
        %run_scoped3A_100 = tpu.sem_alloc : memref<!tpu.dma_semaphore, #tpu.memory_space<semaphore_mem>>
        %dma_start3A_101 = arith.constant 0 : i32
        %dma_start3A_102 = tpu.memref_slice %arg7[%add3A_99, %dma_start3A_101] : memref<40x128xi32, #tpu.memory_space<vmem>> -> memref<1x128xi32, #tpu.memory_space<vmem>>
        %dma_start3A_103 = tpu.memref_squeeze %dma_start3A_102 : memref<1x128xi32, #tpu.memory_space<vmem>> -> memref<128xi32, #tpu.memory_space<vmem>>
        %dma_start3A_104 = arith.constant 0 : i32
        %dma_start3A_105 = arith.constant 0 : i32
        %dma_start3A_106 = tpu.memref_slice %arg10[%dma_start3A_104, %dma_start3A_105] : memref<10112x128xf32, #tpu.memory_space<vmem_shared>> -> memref<10112x128xf32, #tpu.memory_space<vmem_shared>>
        tpu.enqueue_indirect_dma source(%arg9 : memref<128x128xf32, #tpu.memory_space<vmem>>) target(%dma_start3A_106 : memref<10112x128xf32, #tpu.memory_space<vmem_shared>>) offsets(%dma_start3A_103 : memref<128xi32, #tpu.memory_space<vmem>>) semaphore(%run_scoped3A_100 : memref<!tpu.dma_semaphore, #tpu.memory_space<semaphore_mem>>) {add = true}
        %dma_wait3A_107 = arith.constant 0 : i32
        %dma_wait3A_108 = tpu.memref_slice %arg7[%add3A_99, %dma_wait3A_107] : memref<40x128xi32, #tpu.memory_space<vmem>> -> memref<1x128xi32, #tpu.memory_space<vmem>>
        %dma_wait3A_109 = tpu.memref_squeeze %dma_wait3A_108 : memref<1x128xi32, #tpu.memory_space<vmem>> -> memref<128xi32, #tpu.memory_space<vmem>>
        %dma_wait3A_110 = arith.constant 0 : i32
        %dma_wait3A_111 = arith.constant 0 : i32
        %dma_wait3A_112 = tpu.memref_slice %arg10[%dma_wait3A_110, %dma_wait3A_111] : memref<10112x128xf32, #tpu.memory_space<vmem_shared>> -> memref<10112x128xf32, #tpu.memory_space<vmem_shared>>
        tpu.wait_indirect_dma semaphore(%run_scoped3A_100 : memref<!tpu.dma_semaphore, #tpu.memory_space<semaphore_mem>>) src(%arg9 : memref<128x128xf32, #tpu.memory_space<vmem>>) dst(%dma_wait3A_112 : memref<10112x128xf32, #tpu.memory_space<vmem_shared>>)
        tpu.yield
      }) : () -> ()
    }
    %scan3A_46 = arith.constant 19 : i32
    %dma_start3A_47 = arith.constant 39 : i32
    %dma_start3A_48 = arith.constant 0 : i32
    %dma_start3A_49 = tpu.memref_slice %arg6[%dma_start3A_47, %dma_start3A_48] : memref<40x128xi32, #tpu.memory_space<vmem>> -> memref<1x128xi32, #tpu.memory_space<vmem>>
    %dma_start3A_50 = tpu.memref_squeeze %dma_start3A_49 : memref<1x128xi32, #tpu.memory_space<vmem>> -> memref<128xi32, #tpu.memory_space<vmem>>
    %dma_start3A_51 = arith.constant 0 : i32
    %dma_start3A_52 = tpu.memref_slice %arg2[%dma_start3A_51, %mul3A_0] : memref<10000x256xf32, #tpu.memory_space<hbm>> -> memref<10000x128xf32, #tpu.memory_space<hbm>>
    tpu.enqueue_indirect_dma source(%dma_start3A_52 : memref<10000x128xf32, #tpu.memory_space<hbm>>) target(%arg9 : memref<128x128xf32, #tpu.memory_space<vmem>>) offsets(%dma_start3A_50 : memref<128xi32, #tpu.memory_space<vmem>>) semaphore(%arg12 : memref<!tpu.dma_semaphore, #tpu.memory_space<semaphore_mem>>)
    %dma_wait3A_53 = arith.constant 38 : i32
    %dma_wait3A_54 = arith.constant 0 : i32
    %dma_wait3A_55 = tpu.memref_slice %arg6[%dma_wait3A_53, %dma_wait3A_54] : memref<40x128xi32, #tpu.memory_space<vmem>> -> memref<1x128xi32, #tpu.memory_space<vmem>>
    %dma_wait3A_56 = tpu.memref_squeeze %dma_wait3A_55 : memref<1x128xi32, #tpu.memory_space<vmem>> -> memref<128xi32, #tpu.memory_space<vmem>>
    %dma_wait3A_57 = arith.constant 0 : i32
    %dma_wait3A_58 = tpu.memref_slice %arg2[%dma_wait3A_57, %mul3A_0] : memref<10000x256xf32, #tpu.memory_space<hbm>> -> memref<10000x128xf32, #tpu.memory_space<hbm>>
    tpu.wait_indirect_dma semaphore(%arg11 : memref<!tpu.dma_semaphore, #tpu.memory_space<semaphore_mem>>) src(%dma_wait3A_58 : memref<10000x128xf32, #tpu.memory_space<hbm>>) dst(%arg8 : memref<128x128xf32, #tpu.memory_space<vmem>>)
    %run_scoped3A_59 = arith.constant 38 : i32
    "tpu.region"() ({
      %run_scoped3A_72 = tpu.sem_alloc : memref<!tpu.dma_semaphore, #tpu.memory_space<semaphore_mem>>
      %dma_start3A_73 = arith.constant 0 : i32
      %dma_start3A_74 = tpu.memref_slice %arg7[%run_scoped3A_59, %dma_start3A_73] : memref<40x128xi32, #tpu.memory_space<vmem>> -> memref<1x128xi32, #tpu.memory_space<vmem>>
      %dma_start3A_75 = tpu.memref_squeeze %dma_start3A_74 : memref<1x128xi32, #tpu.memory_space<vmem>> -> memref<128xi32, #tpu.memory_space<vmem>>
      %dma_start3A_76 = arith.constant 0 : i32
      %dma_start3A_77 = arith.constant 0 : i32
      %dma_start3A_78 = tpu.memref_slice %arg10[%dma_start3A_76, %dma_start3A_77] : memref<10112x128xf32, #tpu.memory_space<vmem_shared>> -> memref<10112x128xf32, #tpu.memory_space<vmem_shared>>
      tpu.enqueue_indirect_dma source(%arg8 : memref<128x128xf32, #tpu.memory_space<vmem>>) target(%dma_start3A_78 : memref<10112x128xf32, #tpu.memory_space<vmem_shared>>) offsets(%dma_start3A_75 : memref<128xi32, #tpu.memory_space<vmem>>) semaphore(%run_scoped3A_72 : memref<!tpu.dma_semaphore, #tpu.memory_space<semaphore_mem>>) {add = true}
      %dma_wait3A_79 = arith.constant 0 : i32
      %dma_wait3A_80 = tpu.memref_slice %arg7[%run_scoped3A_59, %dma_wait3A_79] : memref<40x128xi32, #tpu.memory_space<vmem>> -> memref<1x128xi32, #tpu.memory_space<vmem>>
      %dma_wait3A_81 = tpu.memref_squeeze %dma_wait3A_80 : memref<1x128xi32, #tpu.memory_space<vmem>> -> memref<128xi32, #tpu.memory_space<vmem>>
      %dma_wait3A_82 = arith.constant 0 : i32
      %dma_wait3A_83 = arith.constant 0 : i32
      %dma_wait3A_84 = tpu.memref_slice %arg10[%dma_wait3A_82, %dma_wait3A_83] : memref<10112x128xf32, #tpu.memory_space<vmem_shared>> -> memref<10112x128xf32, #tpu.memory_space<vmem_shared>>
      tpu.wait_indirect_dma semaphore(%run_scoped3A_72 : memref<!tpu.dma_semaphore, #tpu.memory_space<semaphore_mem>>) src(%arg8 : memref<128x128xf32, #tpu.memory_space<vmem>>) dst(%dma_wait3A_84 : memref<10112x128xf32, #tpu.memory_space<vmem_shared>>)
      tpu.yield
    }) : () -> ()
    %dma_wait3A_60 = arith.constant 39 : i32
    %dma_wait3A_61 = arith.constant 0 : i32
    %dma_wait3A_62 = tpu.memref_slice %arg6[%dma_wait3A_60, %dma_wait3A_61] : memref<40x128xi32, #tpu.memory_space<vmem>> -> memref<1x128xi32, #tpu.memory_space<vmem>>
    %dma_wait3A_63 = tpu.memref_squeeze %dma_wait3A_62 : memref<1x128xi32, #tpu.memory_space<vmem>> -> memref<128xi32, #tpu.memory_space<vmem>>
    %dma_wait3A_64 = arith.constant 0 : i32
    %dma_wait3A_65 = tpu.memref_slice %arg2[%dma_wait3A_64, %mul3A_0] : memref<10000x256xf32, #tpu.memory_space<hbm>> -> memref<10000x128xf32, #tpu.memory_space<hbm>>
    tpu.wait_indirect_dma semaphore(%arg12 : memref<!tpu.dma_semaphore, #tpu.memory_space<semaphore_mem>>) src(%dma_wait3A_65 : memref<10000x128xf32, #tpu.memory_space<hbm>>) dst(%arg9 : memref<128x128xf32, #tpu.memory_space<vmem>>)
    %run_scoped3A_66 = arith.constant 39 : i32
    "tpu.region"() ({
      %run_scoped3A_72 = tpu.sem_alloc : memref<!tpu.dma_semaphore, #tpu.memory_space<semaphore_mem>>
      %dma_start3A_73 = arith.constant 0 : i32
      %dma_start3A_74 = tpu.memref_slice %arg7[%run_scoped3A_66, %dma_start3A_73] : memref<40x128xi32, #tpu.memory_space<vmem>> -> memref<1x128xi32, #tpu.memory_space<vmem>>
      %dma_start3A_75 = tpu.memref_squeeze %dma_start3A_74 : memref<1x128xi32, #tpu.memory_space<vmem>> -> memref<128xi32, #tpu.memory_space<vmem>>
      %dma_start3A_76 = arith.constant 0 : i32
      %dma_start3A_77 = arith.constant 0 : i32
      %dma_start3A_78 = tpu.memref_slice %arg10[%dma_start3A_76, %dma_start3A_77] : memref<10112x128xf32, #tpu.memory_space<vmem_shared>> -> memref<10112x128xf32, #tpu.memory_space<vmem_shared>>
      tpu.enqueue_indirect_dma source(%arg9 : memref<128x128xf32, #tpu.memory_space<vmem>>) target(%dma_start3A_78 : memref<10112x128xf32, #tpu.memory_space<vmem_shared>>) offsets(%dma_start3A_75 : memref<128xi32, #tpu.memory_space<vmem>>) semaphore(%run_scoped3A_72 : memref<!tpu.dma_semaphore, #tpu.memory_space<semaphore_mem>>) {add = true}
      %dma_wait3A_79 = arith.constant 0 : i32
      %dma_wait3A_80 = tpu.memref_slice %arg7[%run_scoped3A_66, %dma_wait3A_79] : memref<40x128xi32, #tpu.memory_space<vmem>> -> memref<1x128xi32, #tpu.memory_space<vmem>>
      %dma_wait3A_81 = tpu.memref_squeeze %dma_wait3A_80 : memref<1x128xi32, #tpu.memory_space<vmem>> -> memref<128xi32, #tpu.memory_space<vmem>>
      %dma_wait3A_82 = arith.constant 0 : i32
      %dma_wait3A_83 = arith.constant 0 : i32
      %dma_wait3A_84 = tpu.memref_slice %arg10[%dma_wait3A_82, %dma_wait3A_83] : memref<10112x128xf32, #tpu.memory_space<vmem_shared>> -> memref<10112x128xf32, #tpu.memory_space<vmem_shared>>
      tpu.wait_indirect_dma semaphore(%run_scoped3A_72 : memref<!tpu.dma_semaphore, #tpu.memory_space<semaphore_mem>>) src(%arg9 : memref<128x128xf32, #tpu.memory_space<vmem>>) dst(%dma_wait3A_84 : memref<10112x128xf32, #tpu.memory_space<vmem_shared>>)
      tpu.yield
    }) : () -> ()
    %barrier3A_67 = arith.constant 0 : index
    tpu.barrier barrier_id(%barrier3A_67)
    %mul3A_68 = arith.constant 632 : i32
    %mul3A_69 = arith.muli %arg1, %mul3A_68 : i32
    %mul3A_70 = arith.constant 632 : i32
    %mul3A_71 = arith.muli %arg1, %mul3A_70 : i32
    "tpu.region"() ({
      %run_scoped3A_72 = tpu.sem_alloc : memref<!tpu.dma_semaphore, #tpu.memory_space<semaphore_mem>>
      %dma_start3A_73 = arith.constant 0 : i32
      %dma_start3A_74 = tpu.memref_slice %arg5[%arg0, %mul3A_71, %dma_start3A_73] : memref<2x10112x128xf32, #tpu.memory_space<hbm>> -> memref<1x632x128xf32, #tpu.memory_space<hbm>>
      %dma_start3A_75 = tpu.memref_squeeze %dma_start3A_74 : memref<1x632x128xf32, #tpu.memory_space<hbm>> -> memref<632x128xf32, #tpu.memory_space<hbm>>
      %dma_start3A_76 = arith.constant 0 : i32
      %dma_start3A_77 = tpu.memref_slice %arg10[%mul3A_69, %dma_start3A_76] : memref<10112x128xf32, #tpu.memory_space<vmem_shared>> -> memref<632x128xf32, #tpu.memory_space<vmem_shared>>
      tpu.enqueue_dma source(%dma_start3A_77 : memref<632x128xf32, #tpu.memory_space<vmem_shared>>) target(%dma_start3A_75 : memref<632x128xf32, #tpu.memory_space<hbm>>) target_semaphore(%run_scoped3A_72 : memref<!tpu.dma_semaphore, #tpu.memory_space<semaphore_mem>>)
      %dma_wait3A_78 = arith.constant 0 : i32
      %dma_wait3A_79 = tpu.memref_slice %arg5[%arg0, %mul3A_71, %dma_wait3A_78] : memref<2x10112x128xf32, #tpu.memory_space<hbm>> -> memref<1x632x128xf32, #tpu.memory_space<hbm>>
      %dma_wait3A_80 = tpu.memref_squeeze %dma_wait3A_79 : memref<1x632x128xf32, #tpu.memory_space<hbm>> -> memref<632x128xf32, #tpu.memory_space<hbm>>
      %dma_wait3A_81 = arith.constant 0 : i32
      %dma_wait3A_82 = tpu.memref_slice %arg10[%mul3A_69, %dma_wait3A_81] : memref<10112x128xf32, #tpu.memory_space<vmem_shared>> -> memref<632x128xf32, #tpu.memory_space<vmem_shared>>
      tpu.wait_dma2 semaphore(%run_scoped3A_72 : memref<!tpu.dma_semaphore, #tpu.memory_space<semaphore_mem>>) src(%dma_wait3A_82 : memref<632x128xf32, #tpu.memory_space<vmem_shared>>) dst(%dma_wait3A_80 : memref<632x128xf32, #tpu.memory_space<hbm>>)
      tpu.yield
    }) : () -> ()
    return
  }
}

module attributes {stable_mosaic.version = 14 : i64} {
  func.func @_mlp_body(%arg0: i32, %arg1: memref<1x2000x128xf32, #tpu.memory_space<vmem>>, %arg2: memref<1x2000x128xf32, #tpu.memory_space<vmem>>, %arg3: memref<256x256xf32, #tpu.memory_space<vmem>>, %arg4: memref<1x256xf32, #tpu.memory_space<vmem>>, %arg5: memref<256x256xf32, #tpu.memory_space<vmem>>, %arg6: memref<1x256xf32, #tpu.memory_space<vmem>>, %arg7: memref<2000x256xf32, #tpu.memory_space<vmem>>) attributes {dimension_semantics = [#tpu.dimension_semantics<arbitrary>], iteration_bounds = array<i64: 5>, scalar_prefetch = 0 : i64, scratch_operands = 0 : i64, tpu.core_type = #tpu.core_type<tc>, window_params = [{transform_indices = @transform_0, window_bounds = array<i64: 1, 2000, 128>}, {transform_indices = @transform_1, window_bounds = array<i64: 1, 2000, 128>}, {pipeline_mode = #tpu.pipeline_mode<synchronous>, transform_indices = @transform_2, window_bounds = array<i64: 256, 256>}, {pipeline_mode = #tpu.pipeline_mode<synchronous>, transform_indices = @transform_3, window_bounds = array<i64: 1, 256>}, {pipeline_mode = #tpu.pipeline_mode<synchronous>, transform_indices = @transform_4, window_bounds = array<i64: 256, 256>}, {pipeline_mode = #tpu.pipeline_mode<synchronous>, transform_indices = @transform_5, window_bounds = array<i64: 1, 256>}, {transform_indices = @transform_6, window_bounds = array<i64: 2000, 256>}]} {
    %get3A = arith.constant 0 : index
    %get3A_0 = arith.constant 0 : index
    %get3A_1 = arith.constant 0 : index
    %get3A_2 = vector.load %arg1[%get3A, %get3A_0, %get3A_1] : memref<1x2000x128xf32, #tpu.memory_space<vmem>>, vector<1x2000x128xf32>
    %get3A_3 = vector.shape_cast %get3A_2 : vector<1x2000x128xf32> to vector<2000x128xf32>
    %get3A_4 = arith.constant 0 : index
    %get3A_5 = arith.constant 0 : index
    %get3A_6 = arith.constant 0 : index
    %get3A_7 = vector.load %arg2[%get3A_4, %get3A_5, %get3A_6] : memref<1x2000x128xf32, #tpu.memory_space<vmem>>, vector<1x2000x128xf32>
    %get3A_8 = vector.shape_cast %get3A_7 : vector<1x2000x128xf32> to vector<2000x128xf32>
    %concatenate3A = tpu.concatenate %get3A_3, %get3A_8 in 1 : vector<2000x128xf32>, vector<2000x128xf32> -> vector<2000x256xf32>
    %get3A_9 = arith.constant 0 : index
    %get3A_10 = arith.constant 0 : index
    %get3A_11 = vector.load %arg3[%get3A_9, %get3A_10] : memref<256x256xf32, #tpu.memory_space<vmem>>, vector<256x256xf32>
    %dot_general3A = arith.constant dense<0.000000e+00> : vector<2000x256xf32>
    %dot_general3A_12 = tpu.matmul %concatenate3A, %get3A_11, %dot_general3A {dimension_numbers = #tpu.dot_dimension_numbers<[1], [0], [0], [1], [0, 0, 1, 1], [], []>, transpose_lhs_hint = false} : vector<2000x256xf32>, vector<256x256xf32>, vector<2000x256xf32> -> vector<2000x256xf32>
    %get3A_13 = arith.constant 0 : index
    %get3A_14 = arith.constant 0 : index
    %get3A_15 = vector.load %arg4[%get3A_13, %get3A_14] : memref<1x256xf32, #tpu.memory_space<vmem>>, vector<1x256xf32>
    %add3A = vector.broadcast %get3A_15 : vector<1x256xf32> to vector<2000x256xf32>
    %add3A_16 = arith.addf %dot_general3A_12, %add3A : vector<2000x256xf32>
    %max3A = arith.constant 0.000000e+00 : f32
    %max3A_17 = vector.broadcast %max3A : f32 to vector<2000x256xf32>
    %max3A_18 = arith.maximumf %add3A_16, %max3A_17 : vector<2000x256xf32>
    %get3A_19 = arith.constant 0 : index
    %get3A_20 = arith.constant 0 : index
    %get3A_21 = vector.load %arg5[%get3A_19, %get3A_20] : memref<256x256xf32, #tpu.memory_space<vmem>>, vector<256x256xf32>
    %dot_general3A_22 = arith.constant dense<0.000000e+00> : vector<2000x256xf32>
    %dot_general3A_23 = tpu.matmul %max3A_18, %get3A_21, %dot_general3A_22 {dimension_numbers = #tpu.dot_dimension_numbers<[1], [0], [0], [1], [0, 0, 1, 1], [], []>, transpose_lhs_hint = false} : vector<2000x256xf32>, vector<256x256xf32>, vector<2000x256xf32> -> vector<2000x256xf32>
    %get3A_24 = arith.constant 0 : index
    %get3A_25 = arith.constant 0 : index
    %get3A_26 = vector.load %arg6[%get3A_24, %get3A_25] : memref<1x256xf32, #tpu.memory_space<vmem>>, vector<1x256xf32>
    %add3A_27 = vector.broadcast %get3A_26 : vector<1x256xf32> to vector<2000x256xf32>
    %add3A_28 = arith.addf %dot_general3A_23, %add3A_27 : vector<2000x256xf32>
    %tanh3A = math.tanh %add3A_28 : vector<2000x256xf32>
    %swap3A = arith.constant 0 : index
    %swap3A_29 = arith.constant 0 : index
    %swap3A_30 = vector.load %arg7[%swap3A, %swap3A_29] : memref<2000x256xf32, #tpu.memory_space<vmem>>, vector<2000x256xf32>
    tpu.vector_store %arg7[%swap3A, %swap3A_29], %tanh3A {strides = array<i32>} : memref<2000x256xf32, #tpu.memory_space<vmem>>, vector<2000x256xf32>,
    return
  }
  func.func @transform_0(%arg0: i32) -> (i32, i32, i32) {
    %c0_i32 = arith.constant 0 : i32
    %c0_i32_0 = arith.constant 0 : i32
    %c0_i32_1 = arith.constant 0 : i32
    return %c0_i32, %arg0, %c0_i32_0 : i32, i32, i32
  }
  func.func @transform_1(%arg0: i32) -> (i32, i32, i32) {
    %c1_i32 = arith.constant 1 : i32
    %c0_i32 = arith.constant 0 : i32
    %c0_i32_0 = arith.constant 0 : i32
    return %c1_i32, %arg0, %c0_i32 : i32, i32, i32
  }
  func.func @transform_2(%arg0: i32) -> (i32, i32) {
    %c0_i32 = arith.constant 0 : i32
    %c0_i32_0 = arith.constant 0 : i32
    %c0_i32_1 = arith.constant 0 : i32
    return %c0_i32, %c0_i32_0 : i32, i32
  }
  func.func @transform_3(%arg0: i32) -> (i32, i32) {
    %c0_i32 = arith.constant 0 : i32
    %c0_i32_0 = arith.constant 0 : i32
    %c0_i32_1 = arith.constant 0 : i32
    return %c0_i32, %c0_i32_0 : i32, i32
  }
  func.func @transform_4(%arg0: i32) -> (i32, i32) {
    %c0_i32 = arith.constant 0 : i32
    %c0_i32_0 = arith.constant 0 : i32
    %c0_i32_1 = arith.constant 0 : i32
    return %c0_i32, %c0_i32_0 : i32, i32
  }
  func.func @transform_5(%arg0: i32) -> (i32, i32) {
    %c0_i32 = arith.constant 0 : i32
    %c0_i32_0 = arith.constant 0 : i32
    %c0_i32_1 = arith.constant 0 : i32
    return %c0_i32, %c0_i32_0 : i32, i32
  }
  func.func @transform_6(%arg0: i32) -> (i32, i32) {
    %c0_i32 = arith.constant 0 : i32
    %c0_i32_0 = arith.constant 0 : i32
    return %arg0, %c0_i32 : i32, i32
  }
}

</mosaic_0001>

<sc_bundles>
// kernel: kernel.4.cloned.1.call-start
scs
__scs_entry_jumppad:
0x0: {  	(pc) =	sbr.rel $0x88, $3  }
0x1: {  	(tag) =	ssettag $0x0;
	lr =	simm.s32 $0x1  }
0x2: {  	[smem:$0x3F9B] =	sst lr;
	_ =	strace $0xD0000000  }
0x3: {  	_ = 	snop  }
0x4: {  	_ = 	snop  }
0x5: {  	_ = 	snop  }
0x6: {  	_ = 	snop  }
0x7: {  	_ = 	snop  }
__scs_overlays_trampoline_lowered:
0x8: {  	[smem:$0x3FAA] =	sst s0  }
0x9: {  	[smem:$0x3FAB] =	sst s1  }
0xa: {  	[smem:$0x3FAC] =	sst s2  }
0xb: {  	[smem:$0x3FAD] =	sst s3  }
0xc: {  	[smem:$0x3FAE] =	sst s4  }
0xd: {  	[smem:$0x3FAF] =	sst s5  }
0xe: {  	[smem:$0x3FB0] =	sst s6  }
0xf: {  	[smem:$0x3FB1] =	sst s7  }
0x10: {  	[smem:$0x3FB2] =	sst s8  }
0x11: {  	[smem:$0x3FB3] =	sst s9;
	s0 =	simm.s32 @!p0 $0x0  }
0x12: {  	s1 =	sld [smem:$0x3F99];
	s0 =	simm.s32 @p0 $0x1  }
0x13: {  	[smem:$0x3FB4] =	sst s0;
	s0 =	simm.s32 @!p1 $0x0  }
0x14: {  	s2 =	sld [smem:$0x3F98];
	s0 =	simm.s32 @p1 $0x1  }
0x15: {  	[smem:$0x3FB5] =	sst s0;
	s0 =	simm.s32 @!p2 $0x0  }
0x16: {  	s3 =	sld [smem:$0x3FDB];
	s0 =	simm.s32 @p2 $0x1  }
0x17: {  	s4 =	simm.s32 $0x1BF5;
	[smem:$0x3FB7] =	sst s0  }
0x18: {  	s0 =	sld [smem:$0x3F9A];
	_ =	swait.ge [sflag:s4], $0x0  }
0x19: {  	s7 =	sld [smem:$0x3F9B]  }
0x1a: {  	s8 =	sadd.s32 $0xFFFFE003, lr  }
0x1b: {  	s9 =	sadd.s32 $0xFFFFFEF7, lr;
	s5 =	simm.s32 $0xFFFFFFFF;
	p2 =	slt.u32 s8, $0xFFFFF086  }
0x1c: {  	p1 =	slt.u32 s9, $0xF7A;
	s5 =	simm.s32 @!p2 $0x0  }
0x1d: {  	s5 =	simm.s32 @p1 $0x1;
	p0 =	seq.s32 s7, s2  }
0x1e: {  	s7 =	smul.u32 @!p0 $0xF7A, s2;
	p2 =	seq.s32 @!p0 s5, $0x0  }
0x1f: {  	s9 =	smul.u32 $0xF7A, s1;
	s8 =	simm.s32 @!p0 $0x1BF5;
	p2 =	por !p2, p0  }
0x20: {  	[sflag:s8] =	ssyncset.s32 @!p0 $0xFFFFF086;
	s6 =	sadd.s32 @!p0 s3, s7;
	s7 =	simm.s32 @!p0 $0x108  }
0x21: {  	s3 =	sadd.s32 s3, s9;
	s6 =	sadd.s32 @!p0 $0x88, s6;
	s7 =	simm.s32 @p2 $0x1082  }
0x22: {  	[simem:s7], [sflag:s8] =	dma.local @!p0 [hbm:s6], $0xF7A  }
0x23: {  	s9 =	sor.u32 $0xD0000000, s2;
	s6 =	simm.s32 $0x108;
	_ =	swait.ge @!p0 [sflag:s8], $0x0  }
0x24: {  	s3 =	sadd.s32 $0x88, s3;
	s6 =	simm.s32 @!p1 $0x1082;
	[sflag:s4] =	ssyncset.s32 $0xFFFFF086  }
0x25: {  	[simem:s6], [sflag:s4] =	dma.local [hbm:s3], $0xF7A  }
0x26: {  	[smem:$0x3F9B] =	sst s1;
	(tag) =	ssettag s2;
	_ =	strace s9  }
0x27: {  	s1 =	sld [smem:$0x3FAB]  }
0x28: {  	s2 =	sld [smem:$0x3FAC]  }
0x29: {  	s4 =	sld [smem:$0x3FAE]  }
0x2a: {  	p0 =	seq.s32 s5, $0x0;
	s5 =	sld [smem:$0x3FAF]  }
0x2b: {  	s6 =	sld [smem:$0x3FB0]  }
0x2c: {  	s7 =	sld [smem:$0x3FB1]  }
0x2d: {  	s3 =	simm.s32 $0x108;
	s8 =	sld [smem:$0x3FB2]  }
0x2e: {  	s3 =	simm.s32 @!p0 $0x1082;
	s9 =	sld [smem:$0x3FB3]  }
0x2f: {  	lr =	sadd.s32 s0, s3;
	s0 =	sld [smem:$0x3FAA]  }
0x30: {  	s3 =	sld [smem:$0x3FAD]  }
0x31: {  	[smem:$0x3FB6] =	sst s10  }
0x32: {  	s10 =	sld [smem:$0x3FB4];
	_ =	sdelay $0x3  }
0x33: {  	p0 =	seq.s32 s10, $0x1;
	s10 =	sld [smem:$0x3FB6];
	_ =	sdelay $0x3  }
0x34: {  	[smem:$0x3FB6] =	sst s10  }
0x35: {  	s10 =	sld [smem:$0x3FB5];
	_ =	sdelay $0x3  }
0x36: {  	p1 =	seq.s32 s10, $0x1;
	s10 =	sld [smem:$0x3FB6];
	_ =	sdelay $0x3  }
0x37: {  	[smem:$0x3FB6] =	sst s10  }
0x38: {  	s10 =	sld [smem:$0x3FB7]  }
0x39: {  	_ = 	snop;
	(pc) =	sbr.ind lr, $3  }
0x3a: {  	_ = 	snop  }
0x3b: {  	_ = 	snop  }
0x3c: {  	p2 =	seq.s32 s10, $0x1;
	s10 =	sld [smem:$0x3FB6]  }
0x3d: {  	_ =	shalt  }
0x3e: {  	_ =	shalt  }
0x3f: {  	_ =	shalt  }
0x40: {  	_ =	shalt  }
0x41: {  	_ =	shalt  }
0x42: {  	_ =	shalt  }
0x43: {  	_ =	shalt  }
0x44: {  	_ =	shalt  }
0x45: {  	_ =	shalt  }
0x46: {  	_ =	shalt  }
0x47: {  	_ =	shalt  }
0x48: {  	_ =	shalt  }
0x49: {  	_ =	shalt  }
0x4a: {  	_ =	shalt  }
0x4b: {  	_ =	shalt  }
0x4c: {  	_ =	shalt  }
0x4d: {  	_ =	shalt  }
0x4e: {  	_ =	shalt  }
0x4f: {  	_ =	shalt  }
0x50: {  	_ =	shalt  }
0x51: {  	_ =	shalt  }
0x52: {  	_ =	shalt  }
0x53: {  	_ =	shalt  }
0x54: {  	_ =	shalt  }
0x55: {  	_ =	shalt  }
0x56: {  	_ =	shalt  }
0x57: {  	_ =	shalt  }
0x58: {  	_ =	shalt  }
0x59: {  	_ =	shalt  }
0x5a: {  	_ =	shalt  }
0x5b: {  	_ =	shalt  }
0x5c: {  	_ =	shalt  }
0x5d: {  	_ =	shalt  }
0x5e: {  	_ =	shalt  }
0x5f: {  	_ =	shalt  }
0x60: {  	_ =	shalt  }
0x61: {  	_ =	shalt  }
0x62: {  	_ =	shalt  }
0x63: {  	_ =	shalt  }
0x64: {  	_ =	shalt  }
0x65: {  	_ =	shalt  }
0x66: {  	_ =	shalt  }
0x67: {  	_ =	shalt  }
0x68: {  	_ =	shalt  }
0x69: {  	_ =	shalt  }
0x6a: {  	_ =	shalt  }
0x6b: {  	_ =	shalt  }
0x6c: {  	_ =	shalt  }
0x6d: {  	_ =	shalt  }
0x6e: {  	_ =	shalt  }
0x6f: {  	_ =	shalt  }
0x70: {  	_ =	shalt  }
0x71: {  	_ =	shalt  }
0x72: {  	_ =	shalt  }
0x73: {  	_ =	shalt  }
0x74: {  	_ =	shalt  }
0x75: {  	_ =	shalt  }
0x76: {  	_ =	shalt  }
0x77: {  	_ =	shalt  }
0x78: {  	_ =	shalt  }
0x79: {  	_ =	shalt  }
0x7a: {  	_ =	shalt  }
0x7b: {  	_ =	shalt  }
0x7c: {  	_ =	shalt  }
0x7d: {  	_ =	shalt  }
0x7e: {  	_ =	shalt  }
0x7f: {  	_ =	shalt  }
0x80: {  	_ =	shalt  }
0x81: {  	_ =	shalt  }
0x82: {  	_ =	shalt  }
0x83: {  	_ =	shalt  }
0x84: {  	_ =	shalt  }
0x85: {  	_ =	shalt  }
0x86: {  	_ =	shalt  }
0x87: {  	_ =	shalt  }
.Lfunc_end0:
.L_simem_size_0:
called_computation_lowered:
.L_overlay_start_0:
0x88: {  	s2 =	sld [smem:$0x3FD9]  }
0x89: {  	s3 =	sld [smem:$0x3FFE];
	_ =	sdelay $0x1  }
0x8a: {  	s1 =	srdreg.scid  }
0x8b: {  	s0 =	sand.u32 $0x1, s1  }
0x8c: {  	s17 =	sshll.u32 s0, $0xA;
	s2 =	sadd.s32 s3, s2  }
0x8d: {  	s2 =	sadd.s32 s2, s17  }
0x8e: {  	[smem:$0x3FC2] =	sst s2  }
0x8f: {  	_ = 	snop  }
0x90: {  	s2 =	sld [smem:$0x3FC9]  }
0x91: {  	s18 =	sld [smem:$0x3FD0];
	(tm) =	ssettm $0x1  }
0x92: {  	s4 =	sld [smem:$0x3FFB];
	_ =	sdelay $0x3  }
0x93: {  	_ =	strace s4  }
0x94: {  	s4 =	sld [smem:$0x3FFC];
	_ =	sdelay $0x3  }
0x95: {  	_ =	strace s4  }
0x96: {  	s4 =	sld [smem:$0x3FFD];
	_ =	sdelay $0x3  }
0x97: {  	_ =	strace s4  }
0x98: {  	_ =	strace $0x8FFFFFFF  }
0x99: {  	s19 =	sld [smem:$0x3FDB];
	_ =	sdelay $0x1  }
0x9a: {  	s5 =	simm.s32 $_scs_section_size  }
0x9b: {  	s6 =	simm.s32 $_size__tile_overlayer_lowered;
	s7 =	simm.s32 $_tile_overlayer_lowered  }
0x9c: {  	s22 =	simm.s32 $0x1BFF;
	s21 =	sshll.u32 s7, $0x1;
	s4 =	sadd.s32 s5, s19  }
0x9d: {  	s8 =	simm.s32 $0x0;
	s20 =	sshll.u32 s6, $0x1;
	s6 =	sadd.s32 s21, s4  }
0x9e: {  	[timem:s8], [sflag:s22] =	dma.local [hbm:s6], s20  }
0x9f: {  	_ =	swait.ge [sflag:s22], s20  }
0xa0: {  	s5 =	ssub.s32 $0x0, s20;
	[sflag:s22] =	ssyncset.done $0x0  }
0xa1: {  	[sflag:s22] =	ssyncadd.s32 s5;
	_ =	sdelay $0x1  }
0xa2: {  	s23 =	simm.s32 $0x1B8B  }
0xa3: {  	_ =	swait.ge [sflag:s23], $0x1  }
0xa4: {  	[sflag:s23] =	ssyncset.done $0x0  }
0xa5: {  	s25 =	simm.s32 $0x1B8E;
	s24 =	sld [smem:$0x3FFE];
	[sflag:s23] =	ssyncadd.s32 $0xFFFFFFFF  }
0xa6: {  	s26 =	simm.s32 $execute0_lowered;
	[smem:$0x3FD2] =	sst s25  }
0xa7: {  	s6 =	sshll.u32 s26, $0x1;
	_ =	strace $0x80000046;
	[dreg:$0x1] =	wrdreg $0xFFFFFFFF  }
0xa8: {  	s28 =	simm.s32 $_size_execute0_lowered;
	s4 =	sadd.s32 s4, s6;
	[dreg:$0x0] =	wrdreg $0x0  }
0xa9: {  	s6 =	sshll.u32 s28, $0x1;
	[dreg:$0x2] =	wrdreg s4  }
0xaa: {  	[dreg:$0x3] =	wrdreg s6  }
0xab: {  	[dreg:$0x4] =	wrdreg $0xC0  }
0xac: {  	_ =	task [dreg:s8], $0x5FFFF  }
0xad: {  	[dreg:$0x1] =	wrdreg $0xFFFFFFFF  }
0xae: {  	[dreg:$0x0] =	wrdreg $0x60  }
0xaf: {  	[dreg:$0x2] =	wrdreg s2  }
0xb0: {  	[dreg:$0x3] =	wrdreg s18  }
0xb1: {  	[dreg:$0x4] =	wrdreg s24  }
0xb2: {  	[dreg:$0x5] =	wrdreg $0xA8000  }
0xb3: {  	[dreg:$0x6] =	wrdreg $0x9  }
0xb4: {  	_ =	task.clear_ibuf [dreg:s8], $0x7FFFF;
	_ =	strace $0x90000046  }
0xb5: {  	s29 =	simm.s32 $0x9;
	_ =	strace $0x80000048  }
0xb6: {  	_ =	swait.ge [sflag:s29], $0x1  }
0xb7: {  	[sflag:s29] =	ssyncadd.s32 $0xFFFFFFFF  }
0xb8: {  	_ =	strace $0x90000048  }
0xb9: {  	_ =	sfence  }
0xba: {  	s30 =	sld [smem:$0x0];
	_ =	sdelay $0x2  }
0xbb: {  	s31 =	sshll.u32 s1, $0xD;
	s1 =	sshrl.u32 s1, $0x2  }
0xbc: {  	s3 =	sand.u32 $0x4000, s31;
	s1 =	sadd.s32 s1, s30  }
0xbd: {  	s0 =	sor.u32 s3, s0;
	s1 =	sshll.u32 s1, $0x11  }
0xbe: {  	s0 =	sor.u32 s1, s0  }
0xbf: {  	s0 =	sadd.s32 $0x8F2B, s0  }
0xc0: {  	[sflag:s0] =	ssyncadd.remote.s32 $0x1  }
0xc1: {  	_ =	sfence.sel $0xFFFF  }
0xc2: {  	[dreg:$0x0] =	wrdreg $0xFFFFFFFF;
	(pc) =	sbr.abs _section_cstart, $3  }
0xc3: {  	[dreg:$0x1] =	wrdreg $0xFFFFFFFF  }
0xc4: {  	_ =	task.clear_ibuf [dreg:s8], $0x2FFFF;
	_ =	strace $0x9FFFFFFF  }
0xc5: {  	(tm) =	ssettm $0x7FFFFFFF  }
tec
execute0_lowered:
.L_overlay_start_1:
0x0: {  	(tag) =	ssettag $0x1  }
0x1: {  	s0 =	rddreg [dreg:$0x0]  }
0x2: {  	s1 =	rddreg [dreg:$0x1]  }
0x3: {  	s4 =	rddreg [dreg:$0x2];
	s3 =	srdreg.scid  }
0x4: {  	s2 =	rddreg [dreg:$0x3];
	s12 =	stileid.u32  }
0x5: {  	s16 =	simm.s32 $0x3;
	s18 =	simm.s32 $0x2800;
	s7 =	smul.u32 $0x13C00, s12  }
0x6: {  	s14 =	simm.s32 $0x6800;
	s13 =	simm.s32 $0x6000;
	s8 =	smul.u32 $0x4E000, s12  }
0x7: {  	s15 =	simm.s32 $0x6080;
	s30 =	simm.s32 $0x6300;
	s9 =	smul.u32 $0x27000, s12  }
0x8: {  	s31 =	simm.s32 $0x6380;
	s17 =	simm.s32 $0x6500;
	s21 =	smul.u32 $0x2800, s12  }
0x9: {  	s5 =	sand.u32 $0x1, s3;
	s3 =	simm.s32 $0x0;
	s23 =	smul.u32 $0x4F000, s12  }
0xa: {  	s19 =	sadd.s32 $0x800, s4;
	p0 =	seq.s32 s12, $0xF;
	s6 =	smul.u32 $0x13C000, s5  }
0xb: {  	[smem:$0x7FF] =	sst s3;
	s20 =	ssub.s32 $0x2, s5;
	s11 =	sshll.u32 s5, $0xA  }
0xc: {  	s5 =	sshll.u32 s5, $0x7;
	_ =	strace $0x80000047;
	s10 =	sshrl.u32 s20, $0x1  }
0xd: {  	s8 =	sshrl.u32 s8, $0x2;
	s9 =	sor.u32 s11, s9;
	s5 =	sadd.s32 s0, s5  }
0xe: {  	s22 =	sshrl.u32 s21, $0x3;
	s26 =	sshrl.u32 s23, $0x2;
	s21 =	simm.s32 $0x2  }
0xf: {  	s11 =	simm.s32 $0x5F00;
	s6 =	sadd.s32 s7, s6;
	s8 =	sadd.s32 s8, s2  }
0x10: {  	s9 =	sshrl.u32 s9, $0x3;
	s24 =	sadd.s32 s1, s22;
	s25 =	sadd.s32 s19, s22  }
0x11: {  	s7 =	simm.s32 $0x6680;
	s6 =	sshrl.u32 s6, $0x3;
	[dreg:$0x7] =	wrdreg s24  }
0x12: {  	s9 =	sadd.s32 s0, s9;
	s0 =	sadd.s32 $0x49200, s5;
	[dreg:$0x8] =	wrdreg s25  }
0x13: {  	s25 =	simm.s32 $0x6100;
	s4 =	sadd.s32 s6, s4;
	[dreg:$0x5] =	wrdreg s9  }
0x14: {  	s6 =	ssub.s32 s20, s10;
	[dreg:$0x6] =	wrdreg s0;
	s0 =	sadd.s32 $0x280, s22  }
0x15: {  	s9 =	sadd.s32 $0x124800, s2;
	s20 =	simm.s32 $0x80;
	s1 =	sadd.s32 s1, s0  }
0x16: {  	s10 =	simm.s32 $0x5E80;
	s0 =	sadd.s32 s19, s0;
	[dreg:$0x9] =	wrdreg s1  }
0x17: {  	v0 =	vimm.s32 $0x7;
	s28 =	sadd.s32 $0x5800, s4;
	s29 =	smax.u32 s6, $0x1;
	[dreg:$0xa] =	wrdreg s0  }
0x18: {  	v1 =	vimm.s32 $0x1;
	v2 =	vimm.s32 $0x0;
	v3 =	vlaneseq.u32;
	s19 =	simm.s32 $0x1;
	s6 =	simm.s32 $0x6600;
	[dreg:$0xb] =	wrdreg s28  }
0x19: {  	vm0 =	vmmov $0x1;
	v4 =	vimm.s32 $0x2;
	v5 =	vimm.s32 $0x3;
	s0 =	sadd.s32 s26, s2;
	[dreg:$0xc] =	wrdreg s29;
	s1 =	sshrl.u32 @p0 s9, $0x3  }
0x1a: {  	v6 =	vimm.s32 $0x4;
	v7 =	vimm.s32 $0x5;
	v8 =	vimm.s32 $0x6;
	[dreg:$0xd] =	wrdreg s1;
	s1 =	sshll.u32 @!p0 s12, $0x6;
	s0 =	sshrl.u32 s0, $0x3  }
0x1b: {  	v9 =	vimm.s32 $0x8;
	v10 =	vimm.s32 $0x9;
	v11 =	vimm.s32 $0xA;
	s9 =	simm.s32 $0x6780;
	s1 =	sor.u32 @!p0 $0x1C03, s1;
	[dreg:$0x10] =	wrdreg s0  }
0x1c: {  	v12 =	vimm.s32 $0xB;
	v13 =	vimm.s32 $0xC;
	v14 =	vimm.s32 $0xD;
	s12 =	simm.s32 $0x5F80;
	[dreg:$0xe] =	wrdreg s1;
	s1 =	sshrl.u32 @!p0 s8, $0x3  }
0x1d: {  	v15 =	vimm.s32 $0xE;
	v16 =	vimm.s32 $0xF;
	v3 =	vmul.u32 $0x8, v3;
	s0 =	simm.s32 $0x0;
	s8 =	simm.s32 $0x6700;
	[dreg:$0xf] =	wrdreg s1  }
.LBB2_1:
0x1e: {  	[dreg:$0x11] =	wrdreg s0  }
0x1f: {  	s22 =	simm.s32 @p0 $0x8;
	s23 =	simm.s32 @p0 $0x80;
	s28 =	rddreg [dreg:$0x6]  }
0x20: {  	s24 =	simm.s32 @p0 $0x100;
	s26 =	simm.s32 @p0 $0x1FC3;
	s29 =	rddreg [dreg:$0xd]  }
0x21: {  	[spmem:s29@s23], [sflag:s26] =	dma.strided @p0 [hbm:s28@s24], $0x2800, s22, $0x10   }
0x22: {  	s22 =	simm.s32 @p0 $0x3  }
0x23: {  	_ =	swait.ge @p0 [sflag:s22], $0x2800  }
0x24: {  	s23 =	simm.s32 @!p0 $0x80;
	s26 =	rddreg [dreg:$0x5]  }
0x25: {  	s24 =	simm.s32 @!p0 $0x100;
	[sflag:s22] =	ssyncset.done @p0 $0x0;
	s28 =	rddreg [dreg:$0xe]  }
0x26: {  	s29 =	rddreg [dreg:$0xf];
	[sflag:s22] =	ssyncadd.s32 @p0 $0xFFFFD800;
	s22 =	simm.s32 @!p0 $0x8  }
0x27: {  	[spmem:s29@s23], [sflag:s28] =	dma.strided @!p0 [hbm:s26@s24], $0x2700, s22, $0x10   }
0x28: {  	s22 =	simm.s32 @!p0 $0x3  }
0x29: {  	_ =	swait.ge @!p0 [sflag:s22], $0x2700  }
0x2a: {  	[sflag:s22] =	ssyncset.done @!p0 $0x0  }
0x2b: {  	[sflag:s22] =	ssyncadd.s32 @!p0 $0xFFFFD900  }
0x2c: {  	[bflag:$0x0] =	sbarrier.arrive $0xFFFF  }
0x2d: {  	s23 =	rddreg [dreg:$0x7]  }
0x2e: {  	[tilespmem:s3], [sflag:$0x3] =	stream.linear.gather [hbm4b:s23+s3], $0x1400, $0x38;
	[tilespmem:$0x1E400] =	vst v63  }
0x2f: {  	_ =	swait.ge [sflag:s16], $0x1400  }
0x30: {  	[sflag:s16] =	ssyncset.done $0x0  }
0x31: {  	s26 =	simm.s32 $0x1400;
	s24 =	rddreg [dreg:$0x8];
	[sflag:s16] =	ssyncadd.s32 $0xFFFFEC00  }
0x32: {  	[tilespmem:s26], [sflag:$0x3] =	stream.linear.gather [hbm4b:s24+s3], $0x1400, $0x38;
	[tilespmem:$0x1E400] =	vst v63  }
0x33: {  	_ =	swait.ge [sflag:s16], $0x1400  }
0x34: {  	[sflag:s16] =	ssyncset.done $0x0  }
0x35: {  	[sflag:s16] =	ssyncadd.s32 $0xFFFFEC00  }
0x36: {  	v17 =	vld [tilespmem:$0x0];
	_ =	sdelay $0x4  }
0x37: {  	v18 =	vshll.u32 v17, $0x1  }
0x38: {  	v17 =	vand.u32 $0x7, v17;
	v18 =	vand.u32 $0xFFFFFFF0, v18  }
0x39: {  	v17 =	vor.u32 v17, v18  }
0x3a: {  	v18 =	vperm.xlane v17, v2;
	_ =	sdelay $0x1  }
0x3b: {  	v19 =	vperm.xlane v17, v1;
	v18 =	vadd.s32 v3, v18;
	_ =	sdelay $0x1  }
0x3c: {  	v20 =	vperm.xlane v17, v4;
	v19 =	vadd.s32 v3, v19;
	_ =	sdelay $0x1  }
0x3d: {  	v21 =	vperm.xlane v17, v5;
	v20 =	vadd.s32 v3, v20  }
0x3e: {  	[tilespmem:s18], [sflag:$0x1] =	stream.indirect_vreg.gather [hbm4b:s5+s3], $0x80, v18, vm0, $0xb8;
	[tilespmem:$0x1E400] =	vst v63  }
0x3f: {  	s4 =	simm.s32 $0x2880;
	v50 =	vperm.xlane v17, v6;
	v18 =	vadd.s32 v3, v21  }
0x40: {  	[tilespmem:s4], [sflag:$0x1] =	stream.indirect_vreg.gather [hbm4b:s5+s3], $0x80, v19, vm0, $0xb8;
	[tilespmem:$0x1E400] =	vst v63  }
0x41: {  	s1 =	simm.s32 $0x2900;
	v51 =	vperm.xlane v17, v7;
	v19 =	vadd.s32 v3, v50  }
0x42: {  	[tilespmem:s1], [sflag:$0x1] =	stream.indirect_vreg.gather [hbm4b:s5+s3], $0x80, v20, vm0, $0xb8;
	[tilespmem:$0x1E400] =	vst v63  }
0x43: {  	s0 =	simm.s32 $0x2980;
	v53 =	vperm.xlane v17, v8;
	v52 =	vadd.s32 v3, v51  }
0x44: {  	[tilespmem:s0], [sflag:$0x1] =	stream.indirect_vreg.gather [hbm4b:s5+s3], $0x80, v18, vm0, $0xb8;
	[tilespmem:$0x1E400] =	vst v63  }
0x45: {  	s23 =	simm.s32 $0x2A00;
	v54 =	vperm.xlane v17, v0;
	v18 =	vadd.s32 v3, v53  }
0x46: {  	[tilespmem:s23], [sflag:$0x1] =	stream.indirect_vreg.gather [hbm4b:s5+s3], $0x80, v19, vm0, $0xb8;
	[tilespmem:$0x1E400] =	vst v63  }
0x47: {  	s24 =	simm.s32 $0x2A80;
	v55 =	vperm.xlane v17, v9;
	v19 =	vadd.s32 v3, v54  }
0x48: {  	[tilespmem:s24], [sflag:$0x1] =	stream.indirect_vreg.gather [hbm4b:s5+s3], $0x80, v52, vm0, $0xb8;
	[tilespmem:$0x1E400] =	vst v63  }
0x49: {  	s26 =	simm.s32 $0x2B00;
	v57 =	vperm.xlane v17, v10;
	v56 =	vadd.s32 v3, v55  }
0x4a: {  	[tilespmem:s26], [sflag:$0x1] =	stream.indirect_vreg.gather [hbm4b:s5+s3], $0x80, v18, vm0, $0xb8;
	[tilespmem:$0x1E400] =	vst v63  }
0x4b: {  	v58 =	vperm.xlane v17, v11;
	s1 =	simm.s32 $0x2B80;
	v18 =	vadd.s32 v3, v57  }
0x4c: {  	[tilespmem:s1], [sflag:$0x1] =	stream.indirect_vreg.gather [hbm4b:s5+s3], $0x80, v19, vm0, $0xb8;
	[tilespmem:$0x1E400] =	vst v63  }
0x4d: {  	v59 =	vperm.xlane v17, v12;
	s4 =	simm.s32 $0x2C00;
	v19 =	vadd.s32 v3, v58  }
0x4e: {  	[tilespmem:s4], [sflag:$0x1] =	stream.indirect_vreg.gather [hbm4b:s5+s3], $0x80, v56, vm0, $0xb8;
	[tilespmem:$0x1E400] =	vst v63  }
0x4f: {  	s22 =	simm.s32 $0x2C80;
	v61 =	vperm.xlane v17, v13;
	v60 =	vadd.s32 v3, v59  }
0x50: {  	[tilespmem:s22], [sflag:$0x1] =	stream.indirect_vreg.gather [hbm4b:s5+s3], $0x80, v18, vm0, $0xb8;
	[tilespmem:$0x1E400] =	vst v63  }
0x51: {  	v62 =	vperm.xlane v17, v14;
	s23 =	simm.s32 $0x2D00;
	v18 =	vadd.s32 v3, v61  }
0x52: {  	[tilespmem:s23], [sflag:$0x1] =	stream.indirect_vreg.gather [hbm4b:s5+s3], $0x80, v19, vm0, $0xb8;
	[tilespmem:$0x1E400] =	vst v63  }
0x53: {  	v63 =	vperm.xlane v17, v15;
	s24 =	simm.s32 $0x2D80;
	v19 =	vadd.s32 v3, v62  }
0x54: {  	[tilespmem:s24], [sflag:$0x1] =	stream.indirect_vreg.gather [hbm4b:s5+s3], $0x80, v60, vm0, $0xb8;
	[tilespmem:$0x1E400] =	vst v63  }
0x55: {  	v17 =	vperm.xlane v17, v16;
	v24 =	vadd.s32 v3, v63;
	s26 =	simm.s32 $0x2E00  }
0x56: {  	[tilespmem:s26], [sflag:$0x1] =	stream.indirect_vreg.gather [hbm4b:s5+s3], $0x80, v18, vm0, $0xb8;
	[tilespmem:$0x1E400] =	vst v63  }
0x57: {  	v17 =	vadd.s32 v3, v17;
	s1 =	simm.s32 $0x2E80  }
0x58: {  	[tilespmem:s1], [sflag:$0x1] =	stream.indirect_vreg.gather [hbm4b:s5+s3], $0x80, v19, vm0, $0xb8;
	[tilespmem:$0x1E400] =	vst v63  }
0x59: {  	s4 =	simm.s32 $0x2F00  }
0x5a: {  	[tilespmem:s4], [sflag:$0x1] =	stream.indirect_vreg.gather [hbm4b:s5+s3], $0x80, v24, vm0, $0xb8;
	[tilespmem:$0x1E400] =	vst v63  }
0x5b: {  	s22 =	simm.s32 $0x2F80  }
0x5c: {  	[tilespmem:s22], [sflag:$0x1] =	stream.indirect_vreg.gather [hbm4b:s5+s3], $0x80, v17, vm0, $0xb8;
	[tilespmem:$0x1E400] =	vst v63  }
0x5d: {  	v17 =	vld [tilespmem:$0x10];
	_ =	sdelay $0x4  }
0x5e: {  	v18 =	vshll.u32 v17, $0x1  }
0x5f: {  	v17 =	vand.u32 $0x7, v17;
	v18 =	vand.u32 $0xFFFFFFF0, v18  }
0x60: {  	v17 =	vor.u32 v17, v18  }
0x61: {  	v18 =	vperm.xlane v17, v2;
	_ =	sdelay $0x1  }
0x62: {  	v19 =	vperm.xlane v17, v1;
	v18 =	vadd.s32 v3, v18;
	_ =	sdelay $0x1  }
0x63: {  	v25 =	vperm.xlane v17, v4;
	v19 =	vadd.s32 v3, v19;
	_ =	sdelay $0x1  }
0x64: {  	s23 =	simm.s32 $0x3000;
	v26 =	vperm.xlane v17, v5;
	v20 =	vadd.s32 v3, v25  }
0x65: {  	[tilespmem:s23], [sflag:$0x1] =	stream.indirect_vreg.gather [hbm4b:s5+s3], $0x80, v18, vm0, $0xb8;
	[tilespmem:$0x1E400] =	vst v63  }
0x66: {  	s24 =	simm.s32 $0x3080;
	v27 =	vperm.xlane v17, v6;
	v18 =	vadd.s32 v3, v26  }
0x67: {  	[tilespmem:s24], [sflag:$0x1] =	stream.indirect_vreg.gather [hbm4b:s5+s3], $0x80, v19, vm0, $0xb8;
	[tilespmem:$0x1E400] =	vst v63  }
0x68: {  	s26 =	simm.s32 $0x3100;
	v28 =	vperm.xlane v17, v7;
	v19 =	vadd.s32 v3, v27  }
0x69: {  	[tilespmem:s26], [sflag:$0x1] =	stream.indirect_vreg.gather [hbm4b:s5+s3], $0x80, v20, vm0, $0xb8;
	[tilespmem:$0x1E400] =	vst v63  }
0x6a: {  	s1 =	simm.s32 $0x3180;
	v30 =	vperm.xlane v17, v8;
	v29 =	vadd.s32 v3, v28  }
0x6b: {  	[tilespmem:s1], [sflag:$0x1] =	stream.indirect_vreg.gather [hbm4b:s5+s3], $0x80, v18, vm0, $0xb8;
	[tilespmem:$0x1E400] =	vst v63  }
0x6c: {  	s4 =	simm.s32 $0x3200;
	v31 =	vperm.xlane v17, v0;
	v18 =	vadd.s32 v3, v30  }
0x6d: {  	[tilespmem:s4], [sflag:$0x1] =	stream.indirect_vreg.gather [hbm4b:s5+s3], $0x80, v19, vm0, $0xb8;
	[tilespmem:$0x1E400] =	vst v63  }
0x6e: {  	s22 =	simm.s32 $0x3280;
	v32 =	vperm.xlane v17, v9;
	v19 =	vadd.s32 v3, v31  }
0x6f: {  	[tilespmem:s22], [sflag:$0x1] =	stream.indirect_vreg.gather [hbm4b:s5+s3], $0x80, v29, vm0, $0xb8;
	[tilespmem:$0x1E400] =	vst v63  }
0x70: {  	v34 =	vperm.xlane v17, v10;
	v33 =	vadd.s32 v3, v32;
	s23 =	simm.s32 $0x3300  }
0x71: {  	[tilespmem:s23], [sflag:$0x1] =	stream.indirect_vreg.gather [hbm4b:s5+s3], $0x80, v18, vm0, $0xb8;
	[tilespmem:$0x1E400] =	vst v63  }
0x72: {  	v35 =	vperm.xlane v17, v11;
	s24 =	simm.s32 $0x3380;
	v18 =	vadd.s32 v3, v34  }
0x73: {  	[tilespmem:s24], [sflag:$0x1] =	stream.indirect_vreg.gather [hbm4b:s5+s3], $0x80, v19, vm0, $0xb8;
	[tilespmem:$0x1E400] =	vst v63  }
0x74: {  	v36 =	vperm.xlane v17, v12;
	s26 =	simm.s32 $0x3400;
	v19 =	vadd.s32 v3, v35  }
0x75: {  	[tilespmem:s26], [sflag:$0x1] =	stream.indirect_vreg.gather [hbm4b:s5+s3], $0x80, v33, vm0, $0xb8;
	[tilespmem:$0x1E400] =	vst v63  }
0x76: {  	v38 =	vperm.xlane v17, v13;
	v37 =	vadd.s32 v3, v36;
	s1 =	simm.s32 $0x3480  }
0x77: {  	[tilespmem:s1], [sflag:$0x1] =	stream.indirect_vreg.gather [hbm4b:s5+s3], $0x80, v18, vm0, $0xb8;
	[tilespmem:$0x1E400] =	vst v63  }
0x78: {  	v39 =	vperm.xlane v17, v14;
	s4 =	simm.s32 $0x3500;
	v18 =	vadd.s32 v3, v38  }
0x79: {  	[tilespmem:s4], [sflag:$0x1] =	stream.indirect_vreg.gather [hbm4b:s5+s3], $0x80, v19, vm0, $0xb8;
	[tilespmem:$0x1E400] =	vst v63  }
0x7a: {  	v40 =	vperm.xlane v17, v15;
	s22 =	simm.s32 $0x3580;
	v19 =	vadd.s32 v3, v39  }
0x7b: {  	[tilespmem:s22], [sflag:$0x1] =	stream.indirect_vreg.gather [hbm4b:s5+s3], $0x80, v37, vm0, $0xb8;
	[tilespmem:$0x1E400] =	vst v63  }
0x7c: {  	v17 =	vperm.xlane v17, v16;
	v41 =	vadd.s32 v3, v40;
	s23 =	simm.s32 $0x3600  }
0x7d: {  	[tilespmem:s23], [sflag:$0x1] =	stream.indirect_vreg.gather [hbm4b:s5+s3], $0x80, v18, vm0, $0xb8;
	[tilespmem:$0x1E400] =	vst v63  }
0x7e: {  	v17 =	vadd.s32 v3, v17;
	s24 =	simm.s32 $0x3680  }
0x7f: {  	[tilespmem:s24], [sflag:$0x1] =	stream.indirect_vreg.gather [hbm4b:s5+s3], $0x80, v19, vm0, $0xb8;
	[tilespmem:$0x1E400] =	vst v63  }
0x80: {  	s26 =	simm.s32 $0x3700  }
0x81: {  	[tilespmem:s26], [sflag:$0x1] =	stream.indirect_vreg.gather [hbm4b:s5+s3], $0x80, v41, vm0, $0xb8;
	[tilespmem:$0x1E400] =	vst v63  }
0x82: {  	s1 =	simm.s32 $0x3780  }
0x83: {  	[tilespmem:s1], [sflag:$0x1] =	stream.indirect_vreg.gather [hbm4b:s5+s3], $0x80, v17, vm0, $0xb8;
	[tilespmem:$0x1E400] =	vst v63  }
0x84: {  	v17 =	vld [tilespmem:$0x20];
	_ =	sdelay $0x4  }
0x85: {  	v18 =	vshll.u32 v17, $0x1  }
0x86: {  	v17 =	vand.u32 $0x7, v17;
	v18 =	vand.u32 $0xFFFFFFF0, v18  }
0x87: {  	v17 =	vor.u32 v17, v18  }
0x88: {  	v18 =	vperm.xlane v17, v2;
	_ =	sdelay $0x1  }
0x89: {  	v19 =	vperm.xlane v17, v1;
	v18 =	vadd.s32 v3, v18;
	_ =	sdelay $0x1  }
0x8a: {  	v42 =	vperm.xlane v17, v4;
	v19 =	vadd.s32 v3, v19;
	_ =	sdelay $0x1  }
0x8b: {  	s4 =	simm.s32 $0x3800;
	v43 =	vperm.xlane v17, v5;
	v20 =	vadd.s32 v3, v42  }
0x8c: {  	[tilespmem:s4], [sflag:$0x1] =	stream.indirect_vreg.gather [hbm4b:s5+s3], $0x80, v18, vm0, $0xb8;
	[tilespmem:$0x1E400] =	vst v63  }
0x8d: {  	s22 =	simm.s32 $0x3880;
	v44 =	vperm.xlane v17, v6;
	v18 =	vadd.s32 v3, v43  }
0x8e: {  	[tilespmem:s22], [sflag:$0x1] =	stream.indirect_vreg.gather [hbm4b:s5+s3], $0x80, v19, vm0, $0xb8;
	[tilespmem:$0x1E400] =	vst v63  }
0x8f: {  	s23 =	simm.s32 $0x3900;
	v45 =	vperm.xlane v17, v7;
	v19 =	vadd.s32 v3, v44  }
0x90: {  	[tilespmem:s23], [sflag:$0x1] =	stream.indirect_vreg.gather [hbm4b:s5+s3], $0x80, v20, vm0, $0xb8;
	[tilespmem:$0x1E400] =	vst v63  }
0x91: {  	s24 =	simm.s32 $0x3980;
	v47 =	vperm.xlane v17, v8;
	v46 =	vadd.s32 v3, v45  }
0x92: {  	[tilespmem:s24], [sflag:$0x1] =	stream.indirect_vreg.gather [hbm4b:s5+s3], $0x80, v18, vm0, $0xb8;
	[tilespmem:$0x1E400] =	vst v63  }
0x93: {  	s26 =	simm.s32 $0x3A00;
	v48 =	vperm.xlane v17, v0;
	v18 =	vadd.s32 v3, v47  }
0x94: {  	[tilespmem:s26], [sflag:$0x1] =	stream.indirect_vreg.gather [hbm4b:s5+s3], $0x80, v19, vm0, $0xb8;
	[tilespmem:$0x1E400] =	vst v63  }
0x95: {  	s1 =	simm.s32 $0x3A80;
	v49 =	vperm.xlane v17, v9;
	v19 =	vadd.s32 v3, v48  }
0x96: {  	[tilespmem:s1], [sflag:$0x1] =	stream.indirect_vreg.gather [hbm4b:s5+s3], $0x80, v46, vm0, $0xb8;
	[tilespmem:$0x1E400] =	vst v63  }
0x97: {  	v51 =	vperm.xlane v17, v10;
	v50 =	vadd.s32 v3, v49;
	s4 =	simm.s32 $0x3B00  }
0x98: {  	[tilespmem:s4], [sflag:$0x1] =	stream.indirect_vreg.gather [hbm4b:s5+s3], $0x80, v18, vm0, $0xb8;
	[tilespmem:$0x1E400] =	vst v63  }
0x99: {  	v52 =	vperm.xlane v17, v11;
	s22 =	simm.s32 $0x3B80;
	v18 =	vadd.s32 v3, v51  }
0x9a: {  	[tilespmem:s22], [sflag:$0x1] =	stream.indirect_vreg.gather [hbm4b:s5+s3], $0x80, v19, vm0, $0xb8;
	[tilespmem:$0x1E400] =	vst v63  }
0x9b: {  	v53 =	vperm.xlane v17, v12;
	s23 =	simm.s32 $0x3C00;
	v19 =	vadd.s32 v3, v52  }
0x9c: {  	[tilespmem:s23], [sflag:$0x1] =	stream.indirect_vreg.gather [hbm4b:s5+s3], $0x80, v50, vm0, $0xb8;
	[tilespmem:$0x1E400] =	vst v63  }
0x9d: {  	v55 =	vperm.xlane v17, v13;
	v54 =	vadd.s32 v3, v53;
	s24 =	simm.s32 $0x3C80  }
0x9e: {  	[tilespmem:s24], [sflag:$0x1] =	stream.indirect_vreg.gather [hbm4b:s5+s3], $0x80, v18, vm0, $0xb8;
	[tilespmem:$0x1E400] =	vst v63  }
0x9f: {  	v56 =	vperm.xlane v17, v14;
	s26 =	simm.s32 $0x3D00;
	v18 =	vadd.s32 v3, v55  }
0xa0: {  	[tilespmem:s26], [sflag:$0x1] =	stream.indirect_vreg.gather [hbm4b:s5+s3], $0x80, v19, vm0, $0xb8;
	[tilespmem:$0x1E400] =	vst v63  }
0xa1: {  	v57 =	vperm.xlane v17, v15;
	s1 =	simm.s32 $0x3D80;
	v19 =	vadd.s32 v3, v56  }
0xa2: {  	[tilespmem:s1], [sflag:$0x1] =	stream.indirect_vreg.gather [hbm4b:s5+s3], $0x80, v54, vm0, $0xb8;
	[tilespmem:$0x1E400] =	vst v63  }
0xa3: {  	v17 =	vperm.xlane v17, v16;
	v58 =	vadd.s32 v3, v57;
	s4 =	simm.s32 $0x3E00  }
0xa4: {  	[tilespmem:s4], [sflag:$0x1] =	stream.indirect_vreg.gather [hbm4b:s5+s3], $0x80, v18, vm0, $0xb8;
	[tilespmem:$0x1E400] =	vst v63  }
0xa5: {  	v17 =	vadd.s32 v3, v17;
	s22 =	simm.s32 $0x3E80  }
0xa6: {  	[tilespmem:s22], [sflag:$0x1] =	stream.indirect_vreg.gather [hbm4b:s5+s3], $0x80, v19, vm0, $0xb8;
	[tilespmem:$0x1E400] =	vst v63  }
0xa7: {  	s23 =	simm.s32 $0x3F00  }
0xa8: {  	[tilespmem:s23], [sflag:$0x1] =	stream.indirect_vreg.gather [hbm4b:s5+s3], $0x80, v58, vm0, $0xb8;
	[tilespmem:$0x1E400] =	vst v63  }
0xa9: {  	s24 =	simm.s32 $0x3F80  }
0xaa: {  	[tilespmem:s24], [sflag:$0x1] =	stream.indirect_vreg.gather [hbm4b:s5+s3], $0x80, v17, vm0, $0xb8;
	[tilespmem:$0x1E400] =	vst v63  }
0xab: {  	v17 =	vld [tilespmem:$0x30];
	_ =	sdelay $0x4  }
0xac: {  	v18 =	vshll.u32 v17, $0x1  }
0xad: {  	v17 =	vand.u32 $0x7, v17;
	v18 =	vand.u32 $0xFFFFFFF0, v18  }
0xae: {  	v17 =	vor.u32 v17, v18  }
0xaf: {  	v18 =	vperm.xlane v17, v2;
	_ =	sdelay $0x1  }
0xb0: {  	v19 =	vperm.xlane v17, v1;
	v18 =	vadd.s32 v3, v18;
	_ =	sdelay $0x1  }
0xb1: {  	v59 =	vperm.xlane v17, v4;
	v19 =	vadd.s32 v3, v19;
	_ =	sdelay $0x1  }
0xb2: {  	s26 =	simm.s32 $0x4000;
	v60 =	vperm.xlane v17, v5;
	v20 =	vadd.s32 v3, v59  }
0xb3: {  	[tilespmem:s26], [sflag:$0x1] =	stream.indirect_vreg.gather [hbm4b:s5+s3], $0x80, v18, vm0, $0xb8;
	[tilespmem:$0x1E400] =	vst v63  }
0xb4: {  	s1 =	simm.s32 $0x4080;
	v61 =	vperm.xlane v17, v6;
	v18 =	vadd.s32 v3, v60  }
0xb5: {  	[tilespmem:s1], [sflag:$0x1] =	stream.indirect_vreg.gather [hbm4b:s5+s3], $0x80, v19, vm0, $0xb8;
	[tilespmem:$0x1E400] =	vst v63  }
0xb6: {  	s4 =	simm.s32 $0x4100;
	v62 =	vperm.xlane v17, v7;
	v19 =	vadd.s32 v3, v61  }
0xb7: {  	[tilespmem:s4], [sflag:$0x1] =	stream.indirect_vreg.gather [hbm4b:s5+s3], $0x80, v20, vm0, $0xb8;
	[tilespmem:$0x1E400] =	vst v63  }
0xb8: {  	s22 =	simm.s32 $0x4180;
	v24 =	vperm.xlane v17, v8;
	v63 =	vadd.s32 v3, v62  }
0xb9: {  	[tilespmem:s22], [sflag:$0x1] =	stream.indirect_vreg.gather [hbm4b:s5+s3], $0x80, v18, vm0, $0xb8;
	[tilespmem:$0x1E400] =	vst v63  }
0xba: {  	s23 =	simm.s32 $0x4200;
	v25 =	vperm.xlane v17, v0;
	v18 =	vadd.s32 v3, v24  }
0xbb: {  	[tilespmem:s23], [sflag:$0x1] =	stream.indirect_vreg.gather [hbm4b:s5+s3], $0x80, v19, vm0, $0xb8;
	[tilespmem:$0x1E400] =	vst v63  }
0xbc: {  	s24 =	simm.s32 $0x4280;
	v26 =	vperm.xlane v17, v9;
	v19 =	vadd.s32 v3, v25  }
0xbd: {  	[tilespmem:s24], [sflag:$0x1] =	stream.indirect_vreg.gather [hbm4b:s5+s3], $0x80, v63, vm0, $0xb8;
	[tilespmem:$0x1E400] =	vst v63  }
0xbe: {  	v28 =	vperm.xlane v17, v10;
	v27 =	vadd.s32 v3, v26;
	s26 =	simm.s32 $0x4300  }
0xbf: {  	[tilespmem:s26], [sflag:$0x1] =	stream.indirect_vreg.gather [hbm4b:s5+s3], $0x80, v18, vm0, $0xb8;
	[tilespmem:$0x1E400] =	vst v63  }
0xc0: {  	v29 =	vperm.xlane v17, v11;
	s1 =	simm.s32 $0x4380;
	v18 =	vadd.s32 v3, v28  }
0xc1: {  	[tilespmem:s1], [sflag:$0x1] =	stream.indirect_vreg.gather [hbm4b:s5+s3], $0x80, v19, vm0, $0xb8;
	[tilespmem:$0x1E400] =	vst v63  }
0xc2: {  	v30 =	vperm.xlane v17, v12;
	s4 =	simm.s32 $0x4400;
	v19 =	vadd.s32 v3, v29  }
0xc3: {  	[tilespmem:s4], [sflag:$0x1] =	stream.indirect_vreg.gather [hbm4b:s5+s3], $0x80, v27, vm0, $0xb8;
	[tilespmem:$0x1E400] =	vst v63  }
0xc4: {  	v32 =	vperm.xlane v17, v13;
	v31 =	vadd.s32 v3, v30;
	s22 =	simm.s32 $0x4480  }
0xc5: {  	[tilespmem:s22], [sflag:$0x1] =	stream.indirect_vreg.gather [hbm4b:s5+s3], $0x80, v18, vm0, $0xb8;
	[tilespmem:$0x1E400] =	vst v63  }
0xc6: {  	v33 =	vperm.xlane v17, v14;
	s23 =	simm.s32 $0x4500;
	v18 =	vadd.s32 v3, v32  }
0xc7: {  	[tilespmem:s23], [sflag:$0x1] =	stream.indirect_vreg.gather [hbm4b:s5+s3], $0x80, v19, vm0, $0xb8;
	[tilespmem:$0x1E400] =	vst v63  }
0xc8: {  	v34 =	vperm.xlane v17, v15;
	s24 =	simm.s32 $0x4580;
	v19 =	vadd.s32 v3, v33  }
0xc9: {  	[tilespmem:s24], [sflag:$0x1] =	stream.indirect_vreg.gather [hbm4b:s5+s3], $0x80, v31, vm0, $0xb8;
	[tilespmem:$0x1E400] =	vst v63  }
0xca: {  	v17 =	vperm.xlane v17, v16;
	v35 =	vadd.s32 v3, v34;
	s26 =	simm.s32 $0x4600  }
0xcb: {  	[tilespmem:s26], [sflag:$0x1] =	stream.indirect_vreg.gather [hbm4b:s5+s3], $0x80, v18, vm0, $0xb8;
	[tilespmem:$0x1E400] =	vst v63  }
0xcc: {  	v17 =	vadd.s32 v3, v17;
	s1 =	simm.s32 $0x4680  }
0xcd: {  	[tilespmem:s1], [sflag:$0x1] =	stream.indirect_vreg.gather [hbm4b:s5+s3], $0x80, v19, vm0, $0xb8;
	[tilespmem:$0x1E400] =	vst v63  }
0xce: {  	s4 =	simm.s32 $0x4700  }
0xcf: {  	[tilespmem:s4], [sflag:$0x1] =	stream.indirect_vreg.gather [hbm4b:s5+s3], $0x80, v35, vm0, $0xb8;
	[tilespmem:$0x1E400] =	vst v63  }
0xd0: {  	s22 =	simm.s32 $0x4780  }
0xd1: {  	[tilespmem:s22], [sflag:$0x1] =	stream.indirect_vreg.gather [hbm4b:s5+s3], $0x80, v17, vm0, $0xb8;
	[tilespmem:$0x1E400] =	vst v63  }
0xd2: {  	v17 =	vld [tilespmem:$0x40];
	_ =	sdelay $0x4  }
0xd3: {  	v18 =	vshll.u32 v17, $0x1  }
0xd4: {  	v17 =	vand.u32 $0x7, v17;
	v18 =	vand.u32 $0xFFFFFFF0, v18  }
0xd5: {  	v17 =	vor.u32 v17, v18  }
0xd6: {  	v18 =	vperm.xlane v17, v2;
	_ =	sdelay $0x1  }
0xd7: {  	v19 =	vperm.xlane v17, v1;
	v18 =	vadd.s32 v3, v18;
	_ =	sdelay $0x1  }
0xd8: {  	v36 =	vperm.xlane v17, v4;
	v19 =	vadd.s32 v3, v19;
	_ =	sdelay $0x1  }
0xd9: {  	s23 =	simm.s32 $0x4800;
	v37 =	vperm.xlane v17, v5;
	v20 =	vadd.s32 v3, v36  }
0xda: {  	[tilespmem:s23], [sflag:$0x1] =	stream.indirect_vreg.gather [hbm4b:s5+s3], $0x80, v18, vm0, $0xb8;
	[tilespmem:$0x1E400] =	vst v63  }
0xdb: {  	s24 =	simm.s32 $0x4880;
	v38 =	vperm.xlane v17, v6;
	v18 =	vadd.s32 v3, v37  }
0xdc: {  	[tilespmem:s24], [sflag:$0x1] =	stream.indirect_vreg.gather [hbm4b:s5+s3], $0x80, v19, vm0, $0xb8;
	[tilespmem:$0x1E400] =	vst v63  }
0xdd: {  	s26 =	simm.s32 $0x4900;
	v39 =	vperm.xlane v17, v7;
	v19 =	vadd.s32 v3, v38  }
0xde: {  	[tilespmem:s26], [sflag:$0x1] =	stream.indirect_vreg.gather [hbm4b:s5+s3], $0x80, v20, vm0, $0xb8;
	[tilespmem:$0x1E400] =	vst v63  }
0xdf: {  	s1 =	simm.s32 $0x4980;
	v41 =	vperm.xlane v17, v8;
	v40 =	vadd.s32 v3, v39  }
0xe0: {  	[tilespmem:s1], [sflag:$0x1] =	stream.indirect_vreg.gather [hbm4b:s5+s3], $0x80, v18, vm0, $0xb8;
	[tilespmem:$0x1E400] =	vst v63  }
0xe1: {  	s4 =	simm.s32 $0x4A00;
	v42 =	vperm.xlane v17, v0;
	v18 =	vadd.s32 v3, v41  }
0xe2: {  	[tilespmem:s4], [sflag:$0x1] =	stream.indirect_vreg.gather [hbm4b:s5+s3], $0x80, v19, vm0, $0xb8;
	[tilespmem:$0x1E400] =	vst v63  }
0xe3: {  	s22 =	simm.s32 $0x4A80;
	v43 =	vperm.xlane v17, v9;
	v19 =	vadd.s32 v3, v42  }
0xe4: {  	[tilespmem:s22], [sflag:$0x1] =	stream.indirect_vreg.gather [hbm4b:s5+s3], $0x80, v40, vm0, $0xb8;
	[tilespmem:$0x1E400] =	vst v63  }
0xe5: {  	v45 =	vperm.xlane v17, v10;
	v44 =	vadd.s32 v3, v43;
	s23 =	simm.s32 $0x4B00  }
0xe6: {  	[tilespmem:s23], [sflag:$0x1] =	stream.indirect_vreg.gather [hbm4b:s5+s3], $0x80, v18, vm0, $0xb8;
	[tilespmem:$0x1E400] =	vst v63  }
0xe7: {  	v46 =	vperm.xlane v17, v11;
	s24 =	simm.s32 $0x4B80;
	v18 =	vadd.s32 v3, v45  }
0xe8: {  	[tilespmem:s24], [sflag:$0x1] =	stream.indirect_vreg.gather [hbm4b:s5+s3], $0x80, v19, vm0, $0xb8;
	[tilespmem:$0x1E400] =	vst v63  }
0xe9: {  	v47 =	vperm.xlane v17, v12;
	s26 =	simm.s32 $0x4C00;
	v19 =	vadd.s32 v3, v46  }
0xea: {  	[tilespmem:s26], [sflag:$0x1] =	stream.indirect_vreg.gather [hbm4b:s5+s3], $0x80, v44, vm0, $0xb8;
	[tilespmem:$0x1E400] =	vst v63  }
0xeb: {  	v49 =	vperm.xlane v17, v13;
	v48 =	vadd.s32 v3, v47;
	s1 =	simm.s32 $0x4C80  }
0xec: {  	[tilespmem:s1], [sflag:$0x1] =	stream.indirect_vreg.gather [hbm4b:s5+s3], $0x80, v18, vm0, $0xb8;
	[tilespmem:$0x1E400] =	vst v63  }
0xed: {  	v50 =	vperm.xlane v17, v14;
	s4 =	simm.s32 $0x4D00;
	v18 =	vadd.s32 v3, v49  }
0xee: {  	[tilespmem:s4], [sflag:$0x1] =	stream.indirect_vreg.gather [hbm4b:s5+s3], $0x80, v19, vm0, $0xb8;
	[tilespmem:$0x1E400] =	vst v63  }
0xef: {  	v51 =	vperm.xlane v17, v15;
	s22 =	simm.s32 $0x4D80;
	v19 =	vadd.s32 v3, v50  }
0xf0: {  	[tilespmem:s22], [sflag:$0x1] =	stream.indirect_vreg.gather [hbm4b:s5+s3], $0x80, v48, vm0, $0xb8;
	[tilespmem:$0x1E400] =	vst v63  }
0xf1: {  	v17 =	vperm.xlane v17, v16;
	v52 =	vadd.s32 v3, v51;
	s23 =	simm.s32 $0x4E00  }
0xf2: {  	[tilespmem:s23], [sflag:$0x1] =	stream.indirect_vreg.gather [hbm4b:s5+s3], $0x80, v18, vm0, $0xb8;
	[tilespmem:$0x1E400] =	vst v63  }
0xf3: {  	v17 =	vadd.s32 v3, v17;
	s24 =	simm.s32 $0x4E80  }
0xf4: {  	[tilespmem:s24], [sflag:$0x1] =	stream.indirect_vreg.gather [hbm4b:s5+s3], $0x80, v19, vm0, $0xb8;
	[tilespmem:$0x1E400] =	vst v63  }
0xf5: {  	s26 =	simm.s32 $0x4F00  }
0xf6: {  	[tilespmem:s26], [sflag:$0x1] =	stream.indirect_vreg.gather [hbm4b:s5+s3], $0x80, v52, vm0, $0xb8;
	[tilespmem:$0x1E400] =	vst v63  }
0xf7: {  	s1 =	simm.s32 $0x4F80  }
0xf8: {  	[tilespmem:s1], [sflag:$0x1] =	stream.indirect_vreg.gather [hbm4b:s5+s3], $0x80, v17, vm0, $0xb8;
	[tilespmem:$0x1E400] =	vst v63  }
0xf9: {  	v17 =	vld [tilespmem:$0x50];
	_ =	sdelay $0x4  }
0xfa: {  	v18 =	vshll.u32 v17, $0x1  }
0xfb: {  	v17 =	vand.u32 $0x7, v17;
	v18 =	vand.u32 $0xFFFFFFF0, v18  }
0xfc: {  	v17 =	vor.u32 v17, v18  }
0xfd: {  	v18 =	vperm.xlane v17, v2;
	_ =	sdelay $0x1  }
0xfe: {  	v19 =	vperm.xlane v17, v1;
	v18 =	vadd.s32 v3, v18;
	_ =	sdelay $0x1  }
0xff: {  	v53 =	vperm.xlane v17, v4;
	v19 =	vadd.s32 v3, v19;
	_ =	sdelay $0x1  }
0x100: {  	s4 =	simm.s32 $0x5000;
	v54 =	vperm.xlane v17, v5;
	v20 =	vadd.s32 v3, v53  }
0x101: {  	[tilespmem:s4], [sflag:$0x1] =	stream.indirect_vreg.gather [hbm4b:s5+s3], $0x80, v18, vm0, $0xb8;
	[tilespmem:$0x1E400] =	vst v63  }
0x102: {  	s22 =	simm.s32 $0x5080;
	v55 =	vperm.xlane v17, v6;
	v18 =	vadd.s32 v3, v54  }
0x103: {  	[tilespmem:s22], [sflag:$0x1] =	stream.indirect_vreg.gather [hbm4b:s5+s3], $0x80, v19, vm0, $0xb8;
	[tilespmem:$0x1E400] =	vst v63  }
0x104: {  	s23 =	simm.s32 $0x5100;
	v56 =	vperm.xlane v17, v7;
	v19 =	vadd.s32 v3, v55  }
0x105: {  	[tilespmem:s23], [sflag:$0x1] =	stream.indirect_vreg.gather [hbm4b:s5+s3], $0x80, v20, vm0, $0xb8;
	[tilespmem:$0x1E400] =	vst v63  }
0x106: {  	s24 =	simm.s32 $0x5180;
	v58 =	vperm.xlane v17, v8;
	v57 =	vadd.s32 v3, v56  }
0x107: {  	[tilespmem:s24], [sflag:$0x1] =	stream.indirect_vreg.gather [hbm4b:s5+s3], $0x80, v18, vm0, $0xb8;
	[tilespmem:$0x1E400] =	vst v63  }
0x108: {  	s26 =	simm.s32 $0x5200;
	v59 =	vperm.xlane v17, v0;
	v18 =	vadd.s32 v3, v58  }
0x109: {  	[tilespmem:s26], [sflag:$0x1] =	stream.indirect_vreg.gather [hbm4b:s5+s3], $0x80, v19, vm0, $0xb8;
	[tilespmem:$0x1E400] =	vst v63  }
0x10a: {  	s1 =	simm.s32 $0x5280;
	v60 =	vperm.xlane v17, v9;
	v19 =	vadd.s32 v3, v59  }
0x10b: {  	[tilespmem:s1], [sflag:$0x1] =	stream.indirect_vreg.gather [hbm4b:s5+s3], $0x80, v57, vm0, $0xb8;
	[tilespmem:$0x1E400] =	vst v63  }
0x10c: {  	v62 =	vperm.xlane v17, v10;
	v61 =	vadd.s32 v3, v60;
	s4 =	simm.s32 $0x5300  }
0x10d: {  	[tilespmem:s4], [sflag:$0x1] =	stream.indirect_vreg.gather [hbm4b:s5+s3], $0x80, v18, vm0, $0xb8;
	[tilespmem:$0x1E400] =	vst v63  }
0x10e: {  	v63 =	vperm.xlane v17, v11;
	s22 =	simm.s32 $0x5380;
	v18 =	vadd.s32 v3, v62  }
0x10f: {  	[tilespmem:s22], [sflag:$0x1] =	stream.indirect_vreg.gather [hbm4b:s5+s3], $0x80, v19, vm0, $0xb8;
	[tilespmem:$0x1E400] =	vst v63  }
0x110: {  	v24 =	vperm.xlane v17, v12;
	s23 =	simm.s32 $0x5400;
	v19 =	vadd.s32 v3, v63  }
0x111: {  	[tilespmem:s23], [sflag:$0x1] =	stream.indirect_vreg.gather [hbm4b:s5+s3], $0x80, v61, vm0, $0xb8;
	[tilespmem:$0x1E400] =	vst v63  }
0x112: {  	v26 =	vperm.xlane v17, v13;
	v25 =	vadd.s32 v3, v24;
	s24 =	simm.s32 $0x5480  }
0x113: {  	[tilespmem:s24], [sflag:$0x1] =	stream.indirect_vreg.gather [hbm4b:s5+s3], $0x80, v18, vm0, $0xb8;
	[tilespmem:$0x1E400] =	vst v63  }
0x114: {  	v27 =	vperm.xlane v17, v14;
	s26 =	simm.s32 $0x5500;
	v18 =	vadd.s32 v3, v26  }
0x115: {  	[tilespmem:s26], [sflag:$0x1] =	stream.indirect_vreg.gather [hbm4b:s5+s3], $0x80, v19, vm0, $0xb8;
	[tilespmem:$0x1E400] =	vst v63  }
0x116: {  	v28 =	vperm.xlane v17, v15;
	s1 =	simm.s32 $0x5580;
	v19 =	vadd.s32 v3, v27  }
0x117: {  	[tilespmem:s1], [sflag:$0x1] =	stream.indirect_vreg.gather [hbm4b:s5+s3], $0x80, v25, vm0, $0xb8;
	[tilespmem:$0x1E400] =	vst v63  }
0x118: {  	v17 =	vperm.xlane v17, v16;
	v29 =	vadd.s32 v3, v28;
	s4 =	simm.s32 $0x5600  }
0x119: {  	[tilespmem:s4], [sflag:$0x1] =	stream.indirect_vreg.gather [hbm4b:s5+s3], $0x80, v18, vm0, $0xb8;
	[tilespmem:$0x1E400] =	vst v63  }
0x11a: {  	v17 =	vadd.s32 v3, v17;
	s22 =	simm.s32 $0x5680  }
0x11b: {  	[tilespmem:s22], [sflag:$0x1] =	stream.indirect_vreg.gather [hbm4b:s5+s3], $0x80, v19, vm0, $0xb8;
	[tilespmem:$0x1E400] =	vst v63  }
0x11c: {  	s23 =	simm.s32 $0x5700  }
0x11d: {  	[tilespmem:s23], [sflag:$0x1] =	stream.indirect_vreg.gather [hbm4b:s5+s3], $0x80, v29, vm0, $0xb8;
	[tilespmem:$0x1E400] =	vst v63  }
0x11e: {  	s24 =	simm.s32 $0x5780  }
0x11f: {  	[tilespmem:s24], [sflag:$0x1] =	stream.indirect_vreg.gather [hbm4b:s5+s3], $0x80, v17, vm0, $0xb8;
	[tilespmem:$0x1E400] =	vst v63  }
0x120: {  	v17 =	vld [tilespmem:$0x60];
	_ =	sdelay $0x4  }
0x121: {  	v18 =	vshll.u32 v17, $0x1  }
0x122: {  	v17 =	vand.u32 $0x7, v17;
	v18 =	vand.u32 $0xFFFFFFF0, v18  }
0x123: {  	v17 =	vor.u32 v17, v18  }
0x124: {  	v18 =	vperm.xlane v17, v2;
	_ =	sdelay $0x1  }
0x125: {  	v19 =	vperm.xlane v17, v1;
	v18 =	vadd.s32 v3, v18;
	_ =	sdelay $0x1  }
0x126: {  	v30 =	vperm.xlane v17, v4;
	v19 =	vadd.s32 v3, v19;
	_ =	sdelay $0x1  }
0x127: {  	s26 =	simm.s32 $0x5800;
	v31 =	vperm.xlane v17, v5;
	v20 =	vadd.s32 v3, v30  }
0x128: {  	[tilespmem:s26], [sflag:$0x1] =	stream.indirect_vreg.gather [hbm4b:s5+s3], $0x80, v18, vm0, $0xb8;
	[tilespmem:$0x1E400] =	vst v63  }
0x129: {  	s1 =	simm.s32 $0x5880;
	v32 =	vperm.xlane v17, v6;
	v18 =	vadd.s32 v3, v31  }
0x12a: {  	[tilespmem:s1], [sflag:$0x1] =	stream.indirect_vreg.gather [hbm4b:s5+s3], $0x80, v19, vm0, $0xb8;
	[tilespmem:$0x1E400] =	vst v63  }
0x12b: {  	s4 =	simm.s32 $0x5900;
	v33 =	vperm.xlane v17, v7;
	v19 =	vadd.s32 v3, v32  }
0x12c: {  	[tilespmem:s4], [sflag:$0x1] =	stream.indirect_vreg.gather [hbm4b:s5+s3], $0x80, v20, vm0, $0xb8;
	[tilespmem:$0x1E400] =	vst v63  }
0x12d: {  	s22 =	simm.s32 $0x5980;
	v35 =	vperm.xlane v17, v8;
	v34 =	vadd.s32 v3, v33  }
0x12e: {  	[tilespmem:s22], [sflag:$0x1] =	stream.indirect_vreg.gather [hbm4b:s5+s3], $0x80, v18, vm0, $0xb8;
	[tilespmem:$0x1E400] =	vst v63  }
0x12f: {  	s23 =	simm.s32 $0x5A00;
	v36 =	vperm.xlane v17, v0;
	v18 =	vadd.s32 v3, v35  }
0x130: {  	[tilespmem:s23], [sflag:$0x1] =	stream.indirect_vreg.gather [hbm4b:s5+s3], $0x80, v19, vm0, $0xb8;
	[tilespmem:$0x1E400] =	vst v63  }
0x131: {  	s24 =	simm.s32 $0x5A80;
	v37 =	vperm.xlane v17, v9;
	v19 =	vadd.s32 v3, v36  }
0x132: {  	[tilespmem:s24], [sflag:$0x1] =	stream.indirect_vreg.gather [hbm4b:s5+s3], $0x80, v34, vm0, $0xb8;
	[tilespmem:$0x1E400] =	vst v63  }
0x133: {  	v39 =	vperm.xlane v17, v10;
	v38 =	vadd.s32 v3, v37;
	s26 =	simm.s32 $0x5B00  }
0x134: {  	[tilespmem:s26], [sflag:$0x1] =	stream.indirect_vreg.gather [hbm4b:s5+s3], $0x80, v18, vm0, $0xb8;
	[tilespmem:$0x1E400] =	vst v63  }
0x135: {  	v40 =	vperm.xlane v17, v11;
	s1 =	simm.s32 $0x5B80;
	v18 =	vadd.s32 v3, v39  }
0x136: {  	[tilespmem:s1], [sflag:$0x1] =	stream.indirect_vreg.gather [hbm4b:s5+s3], $0x80, v19, vm0, $0xb8;
	[tilespmem:$0x1E400] =	vst v63  }
0x137: {  	v41 =	vperm.xlane v17, v12;
	s4 =	simm.s32 $0x5C00;
	v19 =	vadd.s32 v3, v40  }
0x138: {  	[tilespmem:s4], [sflag:$0x1] =	stream.indirect_vreg.gather [hbm4b:s5+s3], $0x80, v38, vm0, $0xb8;
	[tilespmem:$0x1E400] =	vst v63  }
0x139: {  	v43 =	vperm.xlane v17, v13;
	v42 =	vadd.s32 v3, v41;
	s22 =	simm.s32 $0x5C80  }
0x13a: {  	[tilespmem:s22], [sflag:$0x1] =	stream.indirect_vreg.gather [hbm4b:s5+s3], $0x80, v18, vm0, $0xb8;
	[tilespmem:$0x1E400] =	vst v63  }
0x13b: {  	v44 =	vperm.xlane v17, v14;
	s23 =	simm.s32 $0x5D00;
	v18 =	vadd.s32 v3, v43  }
0x13c: {  	[tilespmem:s23], [sflag:$0x1] =	stream.indirect_vreg.gather [hbm4b:s5+s3], $0x80, v19, vm0, $0xb8;
	[tilespmem:$0x1E400] =	vst v63  }
0x13d: {  	v45 =	vperm.xlane v17, v15;
	s24 =	simm.s32 $0x5D80;
	v19 =	vadd.s32 v3, v44  }
0x13e: {  	[tilespmem:s24], [sflag:$0x1] =	stream.indirect_vreg.gather [hbm4b:s5+s3], $0x80, v42, vm0, $0xb8;
	[tilespmem:$0x1E400] =	vst v63  }
0x13f: {  	v17 =	vperm.xlane v17, v16;
	v46 =	vadd.s32 v3, v45;
	s26 =	simm.s32 $0x5E00  }
0x140: {  	[tilespmem:s26], [sflag:$0x1] =	stream.indirect_vreg.gather [hbm4b:s5+s3], $0x80, v18, vm0, $0xb8;
	[tilespmem:$0x1E400] =	vst v63  }
0x141: {  	v17 =	vadd.s32 v3, v17  }
0x142: {  	[tilespmem:s10], [sflag:$0x1] =	stream.indirect_vreg.gather [hbm4b:s5+s3], $0x80, v19, vm0, $0xb8;
	[tilespmem:$0x1E400] =	vst v63  }
0x143: {  	_ = 	snop  }
0x144: {  	[tilespmem:s11], [sflag:$0x1] =	stream.indirect_vreg.gather [hbm4b:s5+s3], $0x80, v46, vm0, $0xb8;
	[tilespmem:$0x1E400] =	vst v63  }
0x145: {  	_ = 	snop  }
0x146: {  	[tilespmem:s12], [sflag:$0x1] =	stream.indirect_vreg.gather [hbm4b:s5+s3], $0x80, v17, vm0, $0xb8;
	[tilespmem:$0x1E400] =	vst v63  }
0x147: {  	v17 =	vld [tilespmem:$0x70];
	_ =	sdelay $0x4  }
0x148: {  	v18 =	vshll.u32 v17, $0x1  }
0x149: {  	v17 =	vand.u32 $0x7, v17;
	v18 =	vand.u32 $0xFFFFFFF0, v18  }
0x14a: {  	v17 =	vor.u32 v17, v18  }
0x14b: {  	v18 =	vperm.xlane v17, v2;
	_ =	sdelay $0x1  }
0x14c: {  	v19 =	vperm.xlane v17, v1;
	v18 =	vadd.s32 v3, v18;
	_ =	sdelay $0x1  }
0x14d: {  	v47 =	vperm.xlane v17, v4;
	v19 =	vadd.s32 v3, v19;
	_ =	sdelay $0x1  }
0x14e: {  	v48 =	vperm.xlane v17, v5;
	v20 =	vadd.s32 v3, v47  }
0x14f: {  	[tilespmem:s13], [sflag:$0x1] =	stream.indirect_vreg.gather [hbm4b:s5+s3], $0x80, v18, vm0, $0xb8;
	[tilespmem:$0x1E400] =	vst v63  }
0x150: {  	v49 =	vperm.xlane v17, v6;
	v18 =	vadd.s32 v3, v48  }
0x151: {  	[tilespmem:s15], [sflag:$0x1] =	stream.indirect_vreg.gather [hbm4b:s5+s3], $0x80, v19, vm0, $0xb8;
	[tilespmem:$0x1E400] =	vst v63  }
0x152: {  	v50 =	vperm.xlane v17, v7;
	v19 =	vadd.s32 v3, v49  }
0x153: {  	[tilespmem:s25], [sflag:$0x1] =	stream.indirect_vreg.gather [hbm4b:s5+s3], $0x80, v20, vm0, $0xb8;
	[tilespmem:$0x1E400] =	vst v63  }
0x154: {  	s28 =	simm.s32 $0x6180;
	v52 =	vperm.xlane v17, v8;
	v51 =	vadd.s32 v3, v50  }
0x155: {  	[tilespmem:s28], [sflag:$0x1] =	stream.indirect_vreg.gather [hbm4b:s5+s3], $0x80, v18, vm0, $0xb8;
	[tilespmem:$0x1E400] =	vst v63  }
0x156: {  	s26 =	simm.s32 $0x6200;
	v53 =	vperm.xlane v17, v0;
	v18 =	vadd.s32 v3, v52  }
0x157: {  	[tilespmem:s26], [sflag:$0x1] =	stream.indirect_vreg.gather [hbm4b:s5+s3], $0x80, v19, vm0, $0xb8;
	[tilespmem:$0x1E400] =	vst v63  }
0x158: {  	s29 =	simm.s32 $0x6280;
	v54 =	vperm.xlane v17, v9;
	v19 =	vadd.s32 v3, v53  }
0x159: {  	[tilespmem:s29], [sflag:$0x1] =	stream.indirect_vreg.gather [hbm4b:s5+s3], $0x80, v51, vm0, $0xb8;
	[tilespmem:$0x1E400] =	vst v63  }
0x15a: {  	v56 =	vperm.xlane v17, v10;
	v55 =	vadd.s32 v3, v54  }
0x15b: {  	[tilespmem:s30], [sflag:$0x1] =	stream.indirect_vreg.gather [hbm4b:s5+s3], $0x80, v18, vm0, $0xb8;
	[tilespmem:$0x1E400] =	vst v63  }
0x15c: {  	v57 =	vperm.xlane v17, v11;
	v18 =	vadd.s32 v3, v56  }
0x15d: {  	[tilespmem:s31], [sflag:$0x1] =	stream.indirect_vreg.gather [hbm4b:s5+s3], $0x80, v19, vm0, $0xb8;
	[tilespmem:$0x1E400] =	vst v63  }
0x15e: {  	s0 =	simm.s32 $0x6400;
	v58 =	vperm.xlane v17, v12;
	v19 =	vadd.s32 v3, v57  }
0x15f: {  	[tilespmem:s0], [sflag:$0x1] =	stream.indirect_vreg.gather [hbm4b:s5+s3], $0x80, v55, vm0, $0xb8;
	[tilespmem:$0x1E400] =	vst v63  }
0x160: {  	s1 =	simm.s32 $0x6480;
	v60 =	vperm.xlane v17, v13;
	v59 =	vadd.s32 v3, v58  }
0x161: {  	[tilespmem:s1], [sflag:$0x1] =	stream.indirect_vreg.gather [hbm4b:s5+s3], $0x80, v18, vm0, $0xb8;
	[tilespmem:$0x1E400] =	vst v63  }
0x162: {  	v61 =	vperm.xlane v17, v14;
	v18 =	vadd.s32 v3, v60  }
0x163: {  	[tilespmem:s17], [sflag:$0x1] =	stream.indirect_vreg.gather [hbm4b:s5+s3], $0x80, v19, vm0, $0xb8;
	[tilespmem:$0x1E400] =	vst v63  }
0x164: {  	s4 =	simm.s32 $0x6580;
	v62 =	vperm.xlane v17, v15;
	v19 =	vadd.s32 v3, v61  }
0x165: {  	[tilespmem:s4], [sflag:$0x1] =	stream.indirect_vreg.gather [hbm4b:s5+s3], $0x80, v59, vm0, $0xb8;
	[tilespmem:$0x1E400] =	vst v63  }
0x166: {  	v17 =	vperm.xlane v17, v16;
	v63 =	vadd.s32 v3, v62  }
0x167: {  	[tilespmem:s6], [sflag:$0x1] =	stream.indirect_vreg.gather [hbm4b:s5+s3], $0x80, v18, vm0, $0xb8;
	[tilespmem:$0x1E400] =	vst v63  }
0x168: {  	v17 =	vadd.s32 v3, v17  }
0x169: {  	[tilespmem:s7], [sflag:$0x1] =	stream.indirect_vreg.gather [hbm4b:s5+s3], $0x80, v19, vm0, $0xb8;
	[tilespmem:$0x1E400] =	vst v63  }
0x16a: {  	_ = 	snop  }
0x16b: {  	[tilespmem:s8], [sflag:$0x1] =	stream.indirect_vreg.gather [hbm4b:s5+s3], $0x80, v63, vm0, $0xb8;
	[tilespmem:$0x1E400] =	vst v63  }
0x16c: {  	s22 =	simm.s32 $0x0  }
0x16d: {  	[tilespmem:s9], [sflag:$0x1] =	stream.indirect_vreg.gather [hbm4b:s5+s3], $0x80, v17, vm0, $0xb8;
	[tilespmem:$0x1E400] =	vst v63  }
.LBB2_2:
0x16e: {  	s23 =	sshra.s32 s22, $0x2  }
0x16f: {  	v17 =	vld [tilespmem:s23+$0x80];
	_ =	sdelay $0x4  }
0x170: {  	v18 =	vshll.u32 v17, $0x1  }
0x171: {  	v17 =	vand.u32 $0x7, v17;
	v18 =	vand.u32 $0xFFFFFFF0, v18  }
0x172: {  	v17 =	vor.u32 v17, v18  }
0x173: {  	v18 =	vperm.xlane v17, v2;
	_ =	sdelay $0x1  }
0x174: {  	v19 =	vperm.xlane v17, v1;
	v18 =	vadd.s32 v3, v18;
	_ =	sdelay $0x1  }
0x175: {  	v20 =	vperm.xlane v17, v4;
	v19 =	vadd.s32 v3, v19;
	_ =	sdelay $0x1  }
0x176: {  	v21 =	vperm.xlane v17, v5;
	v20 =	vadd.s32 v3, v20  }
0x177: {  	[tilespmem:s14], [sflag:$0x2] =	stream.indirect_vreg.gather [hbm4b:s5+s3], $0x80, v18, vm0, $0xb8;
	[tilespmem:$0x1E400] =	vst v63  }
0x178: {  	s24 =	simm.s32 $0x6880;
	v34 =	vperm.xlane v17, v6;
	v18 =	vadd.s32 v3, v21  }
0x179: {  	[tilespmem:s24], [sflag:$0x2] =	stream.indirect_vreg.gather [hbm4b:s5+s3], $0x80, v19, vm0, $0xb8;
	[tilespmem:$0x1E400] =	vst v63  }
0x17a: {  	v35 =	vperm.xlane v17, v7;
	v19 =	vadd.s32 v3, v34;
	s24 =	simm.s32 $0x6900  }
0x17b: {  	[tilespmem:s24], [sflag:$0x2] =	stream.indirect_vreg.gather [hbm4b:s5+s3], $0x80, v20, vm0, $0xb8;
	[tilespmem:$0x1E400] =	vst v63  }
0x17c: {  	v37 =	vperm.xlane v17, v8;
	v36 =	vadd.s32 v3, v35;
	s24 =	simm.s32 $0x6980  }
0x17d: {  	[tilespmem:s24], [sflag:$0x2] =	stream.indirect_vreg.gather [hbm4b:s5+s3], $0x80, v18, vm0, $0xb8;
	[tilespmem:$0x1E400] =	vst v63  }
0x17e: {  	v38 =	vperm.xlane v17, v0;
	v18 =	vadd.s32 v3, v37;
	s24 =	simm.s32 $0x6A00  }
0x17f: {  	[tilespmem:s24], [sflag:$0x2] =	stream.indirect_vreg.gather [hbm4b:s5+s3], $0x80, v19, vm0, $0xb8;
	[tilespmem:$0x1E400] =	vst v63  }
0x180: {  	v39 =	vperm.xlane v17, v9;
	v19 =	vadd.s32 v3, v38;
	s24 =	simm.s32 $0x6A80  }
0x181: {  	[tilespmem:s24], [sflag:$0x2] =	stream.indirect_vreg.gather [hbm4b:s5+s3], $0x80, v36, vm0, $0xb8;
	[tilespmem:$0x1E400] =	vst v63  }
0x182: {  	v41 =	vperm.xlane v17, v10;
	v40 =	vadd.s32 v3, v39;
	s24 =	simm.s32 $0x6B00  }
0x183: {  	[tilespmem:s24], [sflag:$0x2] =	stream.indirect_vreg.gather [hbm4b:s5+s3], $0x80, v18, vm0, $0xb8;
	[tilespmem:$0x1E400] =	vst v63  }
0x184: {  	v42 =	vperm.xlane v17, v11;
	v18 =	vadd.s32 v3, v41;
	s24 =	simm.s32 $0x6B80  }
0x185: {  	[tilespmem:s24], [sflag:$0x2] =	stream.indirect_vreg.gather [hbm4b:s5+s3], $0x80, v19, vm0, $0xb8;
	[tilespmem:$0x1E400] =	vst v63  }
0x186: {  	v43 =	vperm.xlane v17, v12;
	v19 =	vadd.s32 v3, v42;
	s24 =	simm.s32 $0x6C00  }
0x187: {  	[tilespmem:s24], [sflag:$0x2] =	stream.indirect_vreg.gather [hbm4b:s5+s3], $0x80, v40, vm0, $0xb8;
	[tilespmem:$0x1E400] =	vst v63  }
0x188: {  	v45 =	vperm.xlane v17, v13;
	v44 =	vadd.s32 v3, v43;
	s24 =	simm.s32 $0x6C80  }
0x189: {  	[tilespmem:s24], [sflag:$0x2] =	stream.indirect_vreg.gather [hbm4b:s5+s3], $0x80, v18, vm0, $0xb8;
	[tilespmem:$0x1E400] =	vst v63  }
0x18a: {  	v46 =	vperm.xlane v17, v14;
	v18 =	vadd.s32 v3, v45;
	s24 =	simm.s32 $0x6D00  }
0x18b: {  	[tilespmem:s24], [sflag:$0x2] =	stream.indirect_vreg.gather [hbm4b:s5+s3], $0x80, v19, vm0, $0xb8;
	[tilespmem:$0x1E400] =	vst v63  }
0x18c: {  	v47 =	vperm.xlane v17, v15;
	v19 =	vadd.s32 v3, v46;
	s24 =	simm.s32 $0x6D80  }
0x18d: {  	[tilespmem:s24], [sflag:$0x2] =	stream.indirect_vreg.gather [hbm4b:s5+s3], $0x80, v44, vm0, $0xb8;
	[tilespmem:$0x1E400] =	vst v63  }
0x18e: {  	v17 =	vperm.xlane v17, v16;
	v48 =	vadd.s32 v3, v47;
	s24 =	simm.s32 $0x6E00  }
0x18f: {  	[tilespmem:s24], [sflag:$0x2] =	stream.indirect_vreg.gather [hbm4b:s5+s3], $0x80, v18, vm0, $0xb8;
	[tilespmem:$0x1E400] =	vst v63  }
0x190: {  	v17 =	vadd.s32 v3, v17;
	s24 =	simm.s32 $0x6E80  }
0x191: {  	[tilespmem:s24], [sflag:$0x2] =	stream.indirect_vreg.gather [hbm4b:s5+s3], $0x80, v19, vm0, $0xb8;
	[tilespmem:$0x1E400] =	vst v63  }
0x192: {  	s24 =	simm.s32 $0x6F00  }
0x193: {  	[tilespmem:s24], [sflag:$0x2] =	stream.indirect_vreg.gather [hbm4b:s5+s3], $0x80, v48, vm0, $0xb8;
	[tilespmem:$0x1E400] =	vst v63  }
0x194: {  	s24 =	simm.s32 $0x6F80  }
0x195: {  	[tilespmem:s24], [sflag:$0x2] =	stream.indirect_vreg.gather [hbm4b:s5+s3], $0x80, v17, vm0, $0xb8;
	[tilespmem:$0x1E400] =	vst v63  }
0x196: {  	v17 =	vld [tilespmem:s23+$0x90];
	_ =	sdelay $0x4  }
0x197: {  	v18 =	vshll.u32 v17, $0x1  }
0x198: {  	v17 =	vand.u32 $0x7, v17;
	v18 =	vand.u32 $0xFFFFFFF0, v18  }
0x199: {  	v17 =	vor.u32 v17, v18  }
0x19a: {  	v18 =	vperm.xlane v17, v2;
	_ =	sdelay $0x1  }
0x19b: {  	v19 =	vperm.xlane v17, v1;
	v18 =	vadd.s32 v3, v18;
	_ =	sdelay $0x1  }
0x19c: {  	v49 =	vperm.xlane v17, v4;
	v19 =	vadd.s32 v3, v19;
	_ =	sdelay $0x1  }
0x19d: {  	s24 =	simm.s32 $0x7000;
	v50 =	vperm.xlane v17, v5;
	v20 =	vadd.s32 v3, v49  }
0x19e: {  	[tilespmem:s24], [sflag:$0x2] =	stream.indirect_vreg.gather [hbm4b:s5+s3], $0x80, v18, vm0, $0xb8;
	[tilespmem:$0x1E400] =	vst v63  }
0x19f: {  	v51 =	vperm.xlane v17, v6;
	v18 =	vadd.s32 v3, v50;
	s24 =	simm.s32 $0x7080  }
0x1a0: {  	[tilespmem:s24], [sflag:$0x2] =	stream.indirect_vreg.gather [hbm4b:s5+s3], $0x80, v19, vm0, $0xb8;
	[tilespmem:$0x1E400] =	vst v63  }
0x1a1: {  	v52 =	vperm.xlane v17, v7;
	v19 =	vadd.s32 v3, v51;
	s24 =	simm.s32 $0x7100  }
0x1a2: {  	[tilespmem:s24], [sflag:$0x2] =	stream.indirect_vreg.gather [hbm4b:s5+s3], $0x80, v20, vm0, $0xb8;
	[tilespmem:$0x1E400] =	vst v63  }
0x1a3: {  	v54 =	vperm.xlane v17, v8;
	v53 =	vadd.s32 v3, v52;
	s24 =	simm.s32 $0x7180  }
0x1a4: {  	[tilespmem:s24], [sflag:$0x2] =	stream.indirect_vreg.gather [hbm4b:s5+s3], $0x80, v18, vm0, $0xb8;
	[tilespmem:$0x1E400] =	vst v63  }
0x1a5: {  	v55 =	vperm.xlane v17, v0;
	v18 =	vadd.s32 v3, v54;
	s24 =	simm.s32 $0x7200  }
0x1a6: {  	[tilespmem:s24], [sflag:$0x2] =	stream.indirect_vreg.gather [hbm4b:s5+s3], $0x80, v19, vm0, $0xb8;
	[tilespmem:$0x1E400] =	vst v63  }
0x1a7: {  	v56 =	vperm.xlane v17, v9;
	v19 =	vadd.s32 v3, v55;
	s24 =	simm.s32 $0x7280  }
0x1a8: {  	[tilespmem:s24], [sflag:$0x2] =	stream.indirect_vreg.gather [hbm4b:s5+s3], $0x80, v53, vm0, $0xb8;
	[tilespmem:$0x1E400] =	vst v63  }
0x1a9: {  	v58 =	vperm.xlane v17, v10;
	v57 =	vadd.s32 v3, v56;
	s24 =	simm.s32 $0x7300  }
0x1aa: {  	[tilespmem:s24], [sflag:$0x2] =	stream.indirect_vreg.gather [hbm4b:s5+s3], $0x80, v18, vm0, $0xb8;
	[tilespmem:$0x1E400] =	vst v63  }
0x1ab: {  	v59 =	vperm.xlane v17, v11;
	v18 =	vadd.s32 v3, v58;
	s24 =	simm.s32 $0x7380  }
0x1ac: {  	[tilespmem:s24], [sflag:$0x2] =	stream.indirect_vreg.gather [hbm4b:s5+s3], $0x80, v19, vm0, $0xb8;
	[tilespmem:$0x1E400] =	vst v63  }
0x1ad: {  	v60 =	vperm.xlane v17, v12;
	v19 =	vadd.s32 v3, v59;
	s24 =	simm.s32 $0x7400  }
0x1ae: {  	[tilespmem:s24], [sflag:$0x2] =	stream.indirect_vreg.gather [hbm4b:s5+s3], $0x80, v57, vm0, $0xb8;
	[tilespmem:$0x1E400] =	vst v63  }
0x1af: {  	v62 =	vperm.xlane v17, v13;
	v61 =	vadd.s32 v3, v60;
	s24 =	simm.s32 $0x7480  }
0x1b0: {  	[tilespmem:s24], [sflag:$0x2] =	stream.indirect_vreg.gather [hbm4b:s5+s3], $0x80, v18, vm0, $0xb8;
	[tilespmem:$0x1E400] =	vst v63  }
0x1b1: {  	v63 =	vperm.xlane v17, v14;
	v18 =	vadd.s32 v3, v62;
	s24 =	simm.s32 $0x7500  }
0x1b2: {  	[tilespmem:s24], [sflag:$0x2] =	stream.indirect_vreg.gather [hbm4b:s5+s3], $0x80, v19, vm0, $0xb8;
	[tilespmem:$0x1E400] =	vst v63  }
0x1b3: {  	v24 =	vperm.xlane v17, v15;
	v19 =	vadd.s32 v3, v63;
	s24 =	simm.s32 $0x7580  }
0x1b4: {  	[tilespmem:s24], [sflag:$0x2] =	stream.indirect_vreg.gather [hbm4b:s5+s3], $0x80, v61, vm0, $0xb8;
	[tilespmem:$0x1E400] =	vst v63  }
0x1b5: {  	v17 =	vperm.xlane v17, v16;
	v25 =	vadd.s32 v3, v24;
	s24 =	simm.s32 $0x7600  }
0x1b6: {  	[tilespmem:s24], [sflag:$0x2] =	stream.indirect_vreg.gather [hbm4b:s5+s3], $0x80, v18, vm0, $0xb8;
	[tilespmem:$0x1E400] =	vst v63  }
0x1b7: {  	v17 =	vadd.s32 v3, v17;
	s24 =	simm.s32 $0x7680  }
0x1b8: {  	[tilespmem:s24], [sflag:$0x2] =	stream.indirect_vreg.gather [hbm4b:s5+s3], $0x80, v19, vm0, $0xb8;
	[tilespmem:$0x1E400] =	vst v63  }
0x1b9: {  	s24 =	simm.s32 $0x7700  }
0x1ba: {  	[tilespmem:s24], [sflag:$0x2] =	stream.indirect_vreg.gather [hbm4b:s5+s3], $0x80, v25, vm0, $0xb8;
	[tilespmem:$0x1E400] =	vst v63  }
0x1bb: {  	s24 =	simm.s32 $0x7780  }
0x1bc: {  	[tilespmem:s24], [sflag:$0x2] =	stream.indirect_vreg.gather [hbm4b:s5+s3], $0x80, v17, vm0, $0xb8;
	[tilespmem:$0x1E400] =	vst v63  }
0x1bd: {  	v17 =	vld [tilespmem:s23+$0xA0];
	_ =	sdelay $0x4  }
0x1be: {  	v18 =	vshll.u32 v17, $0x1  }
0x1bf: {  	v17 =	vand.u32 $0x7, v17;
	v18 =	vand.u32 $0xFFFFFFF0, v18  }
0x1c0: {  	v17 =	vor.u32 v17, v18  }
0x1c1: {  	v18 =	vperm.xlane v17, v2;
	_ =	sdelay $0x1  }
0x1c2: {  	v19 =	vperm.xlane v17, v1;
	v18 =	vadd.s32 v3, v18;
	_ =	sdelay $0x1  }
0x1c3: {  	v26 =	vperm.xlane v17, v4;
	v19 =	vadd.s32 v3, v19;
	_ =	sdelay $0x1  }
0x1c4: {  	s24 =	simm.s32 $0x7800;
	v27 =	vperm.xlane v17, v5;
	v20 =	vadd.s32 v3, v26  }
0x1c5: {  	[tilespmem:s24], [sflag:$0x2] =	stream.indirect_vreg.gather [hbm4b:s5+s3], $0x80, v18, vm0, $0xb8;
	[tilespmem:$0x1E400] =	vst v63  }
0x1c6: {  	v28 =	vperm.xlane v17, v6;
	v18 =	vadd.s32 v3, v27;
	s24 =	simm.s32 $0x7880  }
0x1c7: {  	[tilespmem:s24], [sflag:$0x2] =	stream.indirect_vreg.gather [hbm4b:s5+s3], $0x80, v19, vm0, $0xb8;
	[tilespmem:$0x1E400] =	vst v63  }
0x1c8: {  	v29 =	vperm.xlane v17, v7;
	v19 =	vadd.s32 v3, v28;
	s24 =	simm.s32 $0x7900  }
0x1c9: {  	[tilespmem:s24], [sflag:$0x2] =	stream.indirect_vreg.gather [hbm4b:s5+s3], $0x80, v20, vm0, $0xb8;
	[tilespmem:$0x1E400] =	vst v63  }
0x1ca: {  	v31 =	vperm.xlane v17, v8;
	v30 =	vadd.s32 v3, v29;
	s24 =	simm.s32 $0x7980  }
0x1cb: {  	[tilespmem:s24], [sflag:$0x2] =	stream.indirect_vreg.gather [hbm4b:s5+s3], $0x80, v18, vm0, $0xb8;
	[tilespmem:$0x1E400] =	vst v63  }
0x1cc: {  	v32 =	vperm.xlane v17, v0;
	v18 =	vadd.s32 v3, v31;
	s24 =	simm.s32 $0x7A00  }
0x1cd: {  	[tilespmem:s24], [sflag:$0x2] =	stream.indirect_vreg.gather [hbm4b:s5+s3], $0x80, v19, vm0, $0xb8;
	[tilespmem:$0x1E400] =	vst v63  }
0x1ce: {  	v33 =	vperm.xlane v17, v9;
	v19 =	vadd.s32 v3, v32;
	s24 =	simm.s32 $0x7A80  }
0x1cf: {  	[tilespmem:s24], [sflag:$0x2] =	stream.indirect_vreg.gather [hbm4b:s5+s3], $0x80, v30, vm0, $0xb8;
	[tilespmem:$0x1E400] =	vst v63  }
0x1d0: {  	v35 =	vperm.xlane v17, v10;
	v34 =	vadd.s32 v3, v33;
	s24 =	simm.s32 $0x7B00  }
0x1d1: {  	[tilespmem:s24], [sflag:$0x2] =	stream.indirect_vreg.gather [hbm4b:s5+s3], $0x80, v18, vm0, $0xb8;
	[tilespmem:$0x1E400] =	vst v63  }
0x1d2: {  	v36 =	vperm.xlane v17, v11;
	v18 =	vadd.s32 v3, v35;
	s24 =	simm.s32 $0x7B80  }
0x1d3: {  	[tilespmem:s24], [sflag:$0x2] =	stream.indirect_vreg.gather [hbm4b:s5+s3], $0x80, v19, vm0, $0xb8;
	[tilespmem:$0x1E400] =	vst v63  }
0x1d4: {  	v37 =	vperm.xlane v17, v12;
	v19 =	vadd.s32 v3, v36;
	s24 =	simm.s32 $0x7C00  }
0x1d5: {  	[tilespmem:s24], [sflag:$0x2] =	stream.indirect_vreg.gather [hbm4b:s5+s3], $0x80, v34, vm0, $0xb8;
	[tilespmem:$0x1E400] =	vst v63  }
0x1d6: {  	v39 =	vperm.xlane v17, v13;
	v38 =	vadd.s32 v3, v37;
	s24 =	simm.s32 $0x7C80  }
0x1d7: {  	[tilespmem:s24], [sflag:$0x2] =	stream.indirect_vreg.gather [hbm4b:s5+s3], $0x80, v18, vm0, $0xb8;
	[tilespmem:$0x1E400] =	vst v63  }
0x1d8: {  	v40 =	vperm.xlane v17, v14;
	v18 =	vadd.s32 v3, v39;
	s24 =	simm.s32 $0x7D00  }
0x1d9: {  	[tilespmem:s24], [sflag:$0x2] =	stream.indirect_vreg.gather [hbm4b:s5+s3], $0x80, v19, vm0, $0xb8;
	[tilespmem:$0x1E400] =	vst v63  }
0x1da: {  	v41 =	vperm.xlane v17, v15;
	v19 =	vadd.s32 v3, v40;
	s24 =	simm.s32 $0x7D80  }
0x1db: {  	[tilespmem:s24], [sflag:$0x2] =	stream.indirect_vreg.gather [hbm4b:s5+s3], $0x80, v38, vm0, $0xb8;
	[tilespmem:$0x1E400] =	vst v63  }
0x1dc: {  	v17 =	vperm.xlane v17, v16;
	v42 =	vadd.s32 v3, v41;
	s24 =	simm.s32 $0x7E00  }
0x1dd: {  	[tilespmem:s24], [sflag:$0x2] =	stream.indirect_vreg.gather [hbm4b:s5+s3], $0x80, v18, vm0, $0xb8;
	[tilespmem:$0x1E400] =	vst v63  }
0x1de: {  	v17 =	vadd.s32 v3, v17;
	s24 =	simm.s32 $0x7E80  }
0x1df: {  	[tilespmem:s24], [sflag:$0x2] =	stream.indirect_vreg.gather [hbm4b:s5+s3], $0x80, v19, vm0, $0xb8;
	[tilespmem:$0x1E400] =	vst v63  }
0x1e0: {  	s24 =	simm.s32 $0x7F00  }
0x1e1: {  	[tilespmem:s24], [sflag:$0x2] =	stream.indirect_vreg.gather [hbm4b:s5+s3], $0x80, v42, vm0, $0xb8;
	[tilespmem:$0x1E400] =	vst v63  }
0x1e2: {  	s24 =	simm.s32 $0x7F80  }
0x1e3: {  	[tilespmem:s24], [sflag:$0x2] =	stream.indirect_vreg.gather [hbm4b:s5+s3], $0x80, v17, vm0, $0xb8;
	[tilespmem:$0x1E400] =	vst v63  }
0x1e4: {  	v17 =	vld [tilespmem:s23+$0xB0];
	_ =	sdelay $0x4  }
0x1e5: {  	v18 =	vshll.u32 v17, $0x1  }
0x1e6: {  	v17 =	vand.u32 $0x7, v17;
	v18 =	vand.u32 $0xFFFFFFF0, v18  }
0x1e7: {  	v17 =	vor.u32 v17, v18  }
0x1e8: {  	v18 =	vperm.xlane v17, v2;
	_ =	sdelay $0x1  }
0x1e9: {  	v19 =	vperm.xlane v17, v1;
	v18 =	vadd.s32 v3, v18;
	_ =	sdelay $0x1  }
0x1ea: {  	v43 =	vperm.xlane v17, v4;
	v19 =	vadd.s32 v3, v19;
	_ =	sdelay $0x1  }
0x1eb: {  	s24 =	simm.s32 $0x8000;
	v44 =	vperm.xlane v17, v5;
	v20 =	vadd.s32 v3, v43  }
0x1ec: {  	[tilespmem:s24], [sflag:$0x2] =	stream.indirect_vreg.gather [hbm4b:s5+s3], $0x80, v18, vm0, $0xb8;
	[tilespmem:$0x1E400] =	vst v63  }
0x1ed: {  	v45 =	vperm.xlane v17, v6;
	v18 =	vadd.s32 v3, v44;
	s24 =	simm.s32 $0x8080  }
0x1ee: {  	[tilespmem:s24], [sflag:$0x2] =	stream.indirect_vreg.gather [hbm4b:s5+s3], $0x80, v19, vm0, $0xb8;
	[tilespmem:$0x1E400] =	vst v63  }
0x1ef: {  	v46 =	vperm.xlane v17, v7;
	v19 =	vadd.s32 v3, v45;
	s24 =	simm.s32 $0x8100  }
0x1f0: {  	[tilespmem:s24], [sflag:$0x2] =	stream.indirect_vreg.gather [hbm4b:s5+s3], $0x80, v20, vm0, $0xb8;
	[tilespmem:$0x1E400] =	vst v63  }
0x1f1: {  	v48 =	vperm.xlane v17, v8;
	v47 =	vadd.s32 v3, v46;
	s24 =	simm.s32 $0x8180  }
0x1f2: {  	[tilespmem:s24], [sflag:$0x2] =	stream.indirect_vreg.gather [hbm4b:s5+s3], $0x80, v18, vm0, $0xb8;
	[tilespmem:$0x1E400] =	vst v63  }
0x1f3: {  	v49 =	vperm.xlane v17, v0;
	v18 =	vadd.s32 v3, v48;
	s24 =	simm.s32 $0x8200  }
0x1f4: {  	[tilespmem:s24], [sflag:$0x2] =	stream.indirect_vreg.gather [hbm4b:s5+s3], $0x80, v19, vm0, $0xb8;
	[tilespmem:$0x1E400] =	vst v63  }
0x1f5: {  	v50 =	vperm.xlane v17, v9;
	v19 =	vadd.s32 v3, v49;
	s24 =	simm.s32 $0x8280  }
0x1f6: {  	[tilespmem:s24], [sflag:$0x2] =	stream.indirect_vreg.gather [hbm4b:s5+s3], $0x80, v47, vm0, $0xb8;
	[tilespmem:$0x1E400] =	vst v63  }
0x1f7: {  	v52 =	vperm.xlane v17, v10;
	v51 =	vadd.s32 v3, v50;
	s24 =	simm.s32 $0x8300  }
0x1f8: {  	[tilespmem:s24], [sflag:$0x2] =	stream.indirect_vreg.gather [hbm4b:s5+s3], $0x80, v18, vm0, $0xb8;
	[tilespmem:$0x1E400] =	vst v63  }
0x1f9: {  	v53 =	vperm.xlane v17, v11;
	v18 =	vadd.s32 v3, v52;
	s24 =	simm.s32 $0x8380  }
0x1fa: {  	[tilespmem:s24], [sflag:$0x2] =	stream.indirect_vreg.gather [hbm4b:s5+s3], $0x80, v19, vm0, $0xb8;
	[tilespmem:$0x1E400] =	vst v63  }
0x1fb: {  	v54 =	vperm.xlane v17, v12;
	v19 =	vadd.s32 v3, v53;
	s24 =	simm.s32 $0x8400  }
0x1fc: {  	[tilespmem:s24], [sflag:$0x2] =	stream.indirect_vreg.gather [hbm4b:s5+s3], $0x80, v51, vm0, $0xb8;
	[tilespmem:$0x1E400] =	vst v63  }
0x1fd: {  	v56 =	vperm.xlane v17, v13;
	v55 =	vadd.s32 v3, v54;
	s24 =	simm.s32 $0x8480  }
0x1fe: {  	[tilespmem:s24], [sflag:$0x2] =	stream.indirect_vreg.gather [hbm4b:s5+s3], $0x80, v18, vm0, $0xb8;
	[tilespmem:$0x1E400] =	vst v63  }
0x1ff: {  	v57 =	vperm.xlane v17, v14;
	v18 =	vadd.s32 v3, v56;
	s24 =	simm.s32 $0x8500  }
0x200: {  	[tilespmem:s24], [sflag:$0x2] =	stream.indirect_vreg.gather [hbm4b:s5+s3], $0x80, v19, vm0, $0xb8;
	[tilespmem:$0x1E400] =	vst v63  }
0x201: {  	v58 =	vperm.xlane v17, v15;
	v19 =	vadd.s32 v3, v57;
	s24 =	simm.s32 $0x8580  }
0x202: {  	[tilespmem:s24], [sflag:$0x2] =	stream.indirect_vreg.gather [hbm4b:s5+s3], $0x80, v55, vm0, $0xb8;
	[tilespmem:$0x1E400] =	vst v63  }
0x203: {  	v17 =	vperm.xlane v17, v16;
	v59 =	vadd.s32 v3, v58;
	s24 =	simm.s32 $0x8600  }
0x204: {  	[tilespmem:s24], [sflag:$0x2] =	stream.indirect_vreg.gather [hbm4b:s5+s3], $0x80, v18, vm0, $0xb8;
	[tilespmem:$0x1E400] =	vst v63  }
0x205: {  	v17 =	vadd.s32 v3, v17;
	s24 =	simm.s32 $0x8680  }
0x206: {  	[tilespmem:s24], [sflag:$0x2] =	stream.indirect_vreg.gather [hbm4b:s5+s3], $0x80, v19, vm0, $0xb8;
	[tilespmem:$0x1E400] =	vst v63  }
0x207: {  	s24 =	simm.s32 $0x8700  }
0x208: {  	[tilespmem:s24], [sflag:$0x2] =	stream.indirect_vreg.gather [hbm4b:s5+s3], $0x80, v59, vm0, $0xb8;
	[tilespmem:$0x1E400] =	vst v63  }
0x209: {  	s24 =	simm.s32 $0x8780  }
0x20a: {  	[tilespmem:s24], [sflag:$0x2] =	stream.indirect_vreg.gather [hbm4b:s5+s3], $0x80, v17, vm0, $0xb8;
	[tilespmem:$0x1E400] =	vst v63  }
0x20b: {  	v17 =	vld [tilespmem:s23+$0xC0];
	_ =	sdelay $0x4  }
0x20c: {  	v18 =	vshll.u32 v17, $0x1  }
0x20d: {  	v17 =	vand.u32 $0x7, v17;
	v18 =	vand.u32 $0xFFFFFFF0, v18  }
0x20e: {  	v17 =	vor.u32 v17, v18  }
0x20f: {  	v18 =	vperm.xlane v17, v2;
	_ =	sdelay $0x1  }
0x210: {  	v19 =	vperm.xlane v17, v1;
	v18 =	vadd.s32 v3, v18;
	_ =	sdelay $0x1  }
0x211: {  	v60 =	vperm.xlane v17, v4;
	v19 =	vadd.s32 v3, v19;
	_ =	sdelay $0x1  }
0x212: {  	s24 =	simm.s32 $0x8800;
	v61 =	vperm.xlane v17, v5;
	v20 =	vadd.s32 v3, v60  }
0x213: {  	[tilespmem:s24], [sflag:$0x2] =	stream.indirect_vreg.gather [hbm4b:s5+s3], $0x80, v18, vm0, $0xb8;
	[tilespmem:$0x1E400] =	vst v63  }
0x214: {  	v62 =	vperm.xlane v17, v6;
	v18 =	vadd.s32 v3, v61;
	s24 =	simm.s32 $0x8880  }
0x215: {  	[tilespmem:s24], [sflag:$0x2] =	stream.indirect_vreg.gather [hbm4b:s5+s3], $0x80, v19, vm0, $0xb8;
	[tilespmem:$0x1E400] =	vst v63  }
0x216: {  	v63 =	vperm.xlane v17, v7;
	v19 =	vadd.s32 v3, v62;
	s24 =	simm.s32 $0x8900  }
0x217: {  	[tilespmem:s24], [sflag:$0x2] =	stream.indirect_vreg.gather [hbm4b:s5+s3], $0x80, v20, vm0, $0xb8;
	[tilespmem:$0x1E400] =	vst v63  }
0x218: {  	v25 =	vperm.xlane v17, v8;
	v24 =	vadd.s32 v3, v63;
	s24 =	simm.s32 $0x8980  }
0x219: {  	[tilespmem:s24], [sflag:$0x2] =	stream.indirect_vreg.gather [hbm4b:s5+s3], $0x80, v18, vm0, $0xb8;
	[tilespmem:$0x1E400] =	vst v63  }
0x21a: {  	v26 =	vperm.xlane v17, v0;
	v18 =	vadd.s32 v3, v25;
	s24 =	simm.s32 $0x8A00  }
0x21b: {  	[tilespmem:s24], [sflag:$0x2] =	stream.indirect_vreg.gather [hbm4b:s5+s3], $0x80, v19, vm0, $0xb8;
	[tilespmem:$0x1E400] =	vst v63  }
0x21c: {  	v27 =	vperm.xlane v17, v9;
	v19 =	vadd.s32 v3, v26;
	s24 =	simm.s32 $0x8A80  }
0x21d: {  	[tilespmem:s24], [sflag:$0x2] =	stream.indirect_vreg.gather [hbm4b:s5+s3], $0x80, v24, vm0, $0xb8;
	[tilespmem:$0x1E400] =	vst v63  }
0x21e: {  	v29 =	vperm.xlane v17, v10;
	v28 =	vadd.s32 v3, v27;
	s24 =	simm.s32 $0x8B00  }
0x21f: {  	[tilespmem:s24], [sflag:$0x2] =	stream.indirect_vreg.gather [hbm4b:s5+s3], $0x80, v18, vm0, $0xb8;
	[tilespmem:$0x1E400] =	vst v63  }
0x220: {  	v30 =	vperm.xlane v17, v11;
	v18 =	vadd.s32 v3, v29;
	s24 =	simm.s32 $0x8B80  }
0x221: {  	[tilespmem:s24], [sflag:$0x2] =	stream.indirect_vreg.gather [hbm4b:s5+s3], $0x80, v19, vm0, $0xb8;
	[tilespmem:$0x1E400] =	vst v63  }
0x222: {  	v31 =	vperm.xlane v17, v12;
	v19 =	vadd.s32 v3, v30;
	s24 =	simm.s32 $0x8C00  }
0x223: {  	[tilespmem:s24], [sflag:$0x2] =	stream.indirect_vreg.gather [hbm4b:s5+s3], $0x80, v28, vm0, $0xb8;
	[tilespmem:$0x1E400] =	vst v63  }
0x224: {  	v33 =	vperm.xlane v17, v13;
	v32 =	vadd.s32 v3, v31;
	s24 =	simm.s32 $0x8C80  }
0x225: {  	[tilespmem:s24], [sflag:$0x2] =	stream.indirect_vreg.gather [hbm4b:s5+s3], $0x80, v18, vm0, $0xb8;
	[tilespmem:$0x1E400] =	vst v63  }
0x226: {  	v34 =	vperm.xlane v17, v14;
	v18 =	vadd.s32 v3, v33;
	s24 =	simm.s32 $0x8D00  }
0x227: {  	[tilespmem:s24], [sflag:$0x2] =	stream.indirect_vreg.gather [hbm4b:s5+s3], $0x80, v19, vm0, $0xb8;
	[tilespmem:$0x1E400] =	vst v63  }
0x228: {  	v35 =	vperm.xlane v17, v15;
	v19 =	vadd.s32 v3, v34;
	s24 =	simm.s32 $0x8D80  }
0x229: {  	[tilespmem:s24], [sflag:$0x2] =	stream.indirect_vreg.gather [hbm4b:s5+s3], $0x80, v32, vm0, $0xb8;
	[tilespmem:$0x1E400] =	vst v63  }
0x22a: {  	v17 =	vperm.xlane v17, v16;
	v36 =	vadd.s32 v3, v35;
	s24 =	simm.s32 $0x8E00  }
0x22b: {  	[tilespmem:s24], [sflag:$0x2] =	stream.indirect_vreg.gather [hbm4b:s5+s3], $0x80, v18, vm0, $0xb8;
	[tilespmem:$0x1E400] =	vst v63  }
0x22c: {  	v17 =	vadd.s32 v3, v17;
	s24 =	simm.s32 $0x8E80  }
0x22d: {  	[tilespmem:s24], [sflag:$0x2] =	stream.indirect_vreg.gather [hbm4b:s5+s3], $0x80, v19, vm0, $0xb8;
	[tilespmem:$0x1E400] =	vst v63  }
0x22e: {  	s24 =	simm.s32 $0x8F00  }
0x22f: {  	[tilespmem:s24], [sflag:$0x2] =	stream.indirect_vreg.gather [hbm4b:s5+s3], $0x80, v36, vm0, $0xb8;
	[tilespmem:$0x1E400] =	vst v63  }
0x230: {  	s24 =	simm.s32 $0x8F80  }
0x231: {  	[tilespmem:s24], [sflag:$0x2] =	stream.indirect_vreg.gather [hbm4b:s5+s3], $0x80, v17, vm0, $0xb8;
	[tilespmem:$0x1E400] =	vst v63  }
0x232: {  	v17 =	vld [tilespmem:s23+$0xD0];
	_ =	sdelay $0x4  }
0x233: {  	v18 =	vshll.u32 v17, $0x1  }
0x234: {  	v17 =	vand.u32 $0x7, v17;
	v18 =	vand.u32 $0xFFFFFFF0, v18  }
0x235: {  	v17 =	vor.u32 v17, v18  }
0x236: {  	v18 =	vperm.xlane v17, v2;
	_ =	sdelay $0x1  }
0x237: {  	v19 =	vperm.xlane v17, v1;
	v18 =	vadd.s32 v3, v18;
	_ =	sdelay $0x1  }
0x238: {  	v37 =	vperm.xlane v17, v4;
	v19 =	vadd.s32 v3, v19;
	_ =	sdelay $0x1  }
0x239: {  	s24 =	simm.s32 $0x9000;
	v38 =	vperm.xlane v17, v5;
	v20 =	vadd.s32 v3, v37  }
0x23a: {  	[tilespmem:s24], [sflag:$0x2] =	stream.indirect_vreg.gather [hbm4b:s5+s3], $0x80, v18, vm0, $0xb8;
	[tilespmem:$0x1E400] =	vst v63  }
0x23b: {  	v39 =	vperm.xlane v17, v6;
	v18 =	vadd.s32 v3, v38;
	s24 =	simm.s32 $0x9080  }
0x23c: {  	[tilespmem:s24], [sflag:$0x2] =	stream.indirect_vreg.gather [hbm4b:s5+s3], $0x80, v19, vm0, $0xb8;
	[tilespmem:$0x1E400] =	vst v63  }
0x23d: {  	v40 =	vperm.xlane v17, v7;
	v19 =	vadd.s32 v3, v39;
	s24 =	simm.s32 $0x9100  }
0x23e: {  	[tilespmem:s24], [sflag:$0x2] =	stream.indirect_vreg.gather [hbm4b:s5+s3], $0x80, v20, vm0, $0xb8;
	[tilespmem:$0x1E400] =	vst v63  }
0x23f: {  	v42 =	vperm.xlane v17, v8;
	v41 =	vadd.s32 v3, v40;
	s24 =	simm.s32 $0x9180  }
0x240: {  	[tilespmem:s24], [sflag:$0x2] =	stream.indirect_vreg.gather [hbm4b:s5+s3], $0x80, v18, vm0, $0xb8;
	[tilespmem:$0x1E400] =	vst v63  }
0x241: {  	v43 =	vperm.xlane v17, v0;
	v18 =	vadd.s32 v3, v42;
	s24 =	simm.s32 $0x9200  }
0x242: {  	[tilespmem:s24], [sflag:$0x2] =	stream.indirect_vreg.gather [hbm4b:s5+s3], $0x80, v19, vm0, $0xb8;
	[tilespmem:$0x1E400] =	vst v63  }
0x243: {  	v44 =	vperm.xlane v17, v9;
	v19 =	vadd.s32 v3, v43;
	s24 =	simm.s32 $0x9280  }
0x244: {  	[tilespmem:s24], [sflag:$0x2] =	stream.indirect_vreg.gather [hbm4b:s5+s3], $0x80, v41, vm0, $0xb8;
	[tilespmem:$0x1E400] =	vst v63  }
0x245: {  	v46 =	vperm.xlane v17, v10;
	v45 =	vadd.s32 v3, v44;
	s24 =	simm.s32 $0x9300  }
0x246: {  	[tilespmem:s24], [sflag:$0x2] =	stream.indirect_vreg.gather [hbm4b:s5+s3], $0x80, v18, vm0, $0xb8;
	[tilespmem:$0x1E400] =	vst v63  }
0x247: {  	v47 =	vperm.xlane v17, v11;
	v18 =	vadd.s32 v3, v46;
	s24 =	simm.s32 $0x9380  }
0x248: {  	[tilespmem:s24], [sflag:$0x2] =	stream.indirect_vreg.gather [hbm4b:s5+s3], $0x80, v19, vm0, $0xb8;
	[tilespmem:$0x1E400] =	vst v63  }
0x249: {  	v48 =	vperm.xlane v17, v12;
	v19 =	vadd.s32 v3, v47;
	s24 =	simm.s32 $0x9400  }
0x24a: {  	[tilespmem:s24], [sflag:$0x2] =	stream.indirect_vreg.gather [hbm4b:s5+s3], $0x80, v45, vm0, $0xb8;
	[tilespmem:$0x1E400] =	vst v63  }
0x24b: {  	v50 =	vperm.xlane v17, v13;
	v49 =	vadd.s32 v3, v48;
	s24 =	simm.s32 $0x9480  }
0x24c: {  	[tilespmem:s24], [sflag:$0x2] =	stream.indirect_vreg.gather [hbm4b:s5+s3], $0x80, v18, vm0, $0xb8;
	[tilespmem:$0x1E400] =	vst v63  }
0x24d: {  	v51 =	vperm.xlane v17, v14;
	v18 =	vadd.s32 v3, v50;
	s24 =	simm.s32 $0x9500  }
0x24e: {  	[tilespmem:s24], [sflag:$0x2] =	stream.indirect_vreg.gather [hbm4b:s5+s3], $0x80, v19, vm0, $0xb8;
	[tilespmem:$0x1E400] =	vst v63  }
0x24f: {  	v52 =	vperm.xlane v17, v15;
	v19 =	vadd.s32 v3, v51;
	s24 =	simm.s32 $0x9580  }
0x250: {  	[tilespmem:s24], [sflag:$0x2] =	stream.indirect_vreg.gather [hbm4b:s5+s3], $0x80, v49, vm0, $0xb8;
	[tilespmem:$0x1E400] =	vst v63  }
0x251: {  	v17 =	vperm.xlane v17, v16;
	v53 =	vadd.s32 v3, v52;
	s24 =	simm.s32 $0x9600  }
0x252: {  	[tilespmem:s24], [sflag:$0x2] =	stream.indirect_vreg.gather [hbm4b:s5+s3], $0x80, v18, vm0, $0xb8;
	[tilespmem:$0x1E400] =	vst v63  }
0x253: {  	v17 =	vadd.s32 v3, v17;
	s24 =	simm.s32 $0x9680  }
0x254: {  	[tilespmem:s24], [sflag:$0x2] =	stream.indirect_vreg.gather [hbm4b:s5+s3], $0x80, v19, vm0, $0xb8;
	[tilespmem:$0x1E400] =	vst v63  }
0x255: {  	s24 =	simm.s32 $0x9700  }
0x256: {  	[tilespmem:s24], [sflag:$0x2] =	stream.indirect_vreg.gather [hbm4b:s5+s3], $0x80, v53, vm0, $0xb8;
	[tilespmem:$0x1E400] =	vst v63  }
0x257: {  	s24 =	simm.s32 $0x9780  }
0x258: {  	[tilespmem:s24], [sflag:$0x2] =	stream.indirect_vreg.gather [hbm4b:s5+s3], $0x80, v17, vm0, $0xb8;
	[tilespmem:$0x1E400] =	vst v63  }
0x259: {  	v17 =	vld [tilespmem:s23+$0xE0];
	_ =	sdelay $0x4  }
0x25a: {  	v18 =	vshll.u32 v17, $0x1  }
0x25b: {  	v17 =	vand.u32 $0x7, v17;
	v18 =	vand.u32 $0xFFFFFFF0, v18  }
0x25c: {  	v17 =	vor.u32 v17, v18  }
0x25d: {  	v18 =	vperm.xlane v17, v2;
	_ =	sdelay $0x1  }
0x25e: {  	v19 =	vperm.xlane v17, v1;
	v18 =	vadd.s32 v3, v18;
	_ =	sdelay $0x1  }
0x25f: {  	v54 =	vperm.xlane v17, v4;
	v19 =	vadd.s32 v3, v19;
	_ =	sdelay $0x1  }
0x260: {  	s24 =	simm.s32 $0x9800;
	v55 =	vperm.xlane v17, v5;
	v20 =	vadd.s32 v3, v54  }
0x261: {  	[tilespmem:s24], [sflag:$0x2] =	stream.indirect_vreg.gather [hbm4b:s5+s3], $0x80, v18, vm0, $0xb8;
	[tilespmem:$0x1E400] =	vst v63  }
0x262: {  	v56 =	vperm.xlane v17, v6;
	v18 =	vadd.s32 v3, v55;
	s24 =	simm.s32 $0x9880  }
0x263: {  	[tilespmem:s24], [sflag:$0x2] =	stream.indirect_vreg.gather [hbm4b:s5+s3], $0x80, v19, vm0, $0xb8;
	[tilespmem:$0x1E400] =	vst v63  }
0x264: {  	v57 =	vperm.xlane v17, v7;
	v19 =	vadd.s32 v3, v56;
	s24 =	simm.s32 $0x9900  }
0x265: {  	[tilespmem:s24], [sflag:$0x2] =	stream.indirect_vreg.gather [hbm4b:s5+s3], $0x80, v20, vm0, $0xb8;
	[tilespmem:$0x1E400] =	vst v63  }
0x266: {  	v59 =	vperm.xlane v17, v8;
	v58 =	vadd.s32 v3, v57;
	s24 =	simm.s32 $0x9980  }
0x267: {  	[tilespmem:s24], [sflag:$0x2] =	stream.indirect_vreg.gather [hbm4b:s5+s3], $0x80, v18, vm0, $0xb8;
	[tilespmem:$0x1E400] =	vst v63  }
0x268: {  	v60 =	vperm.xlane v17, v0;
	v18 =	vadd.s32 v3, v59;
	s24 =	simm.s32 $0x9A00  }
0x269: {  	[tilespmem:s24], [sflag:$0x2] =	stream.indirect_vreg.gather [hbm4b:s5+s3], $0x80, v19, vm0, $0xb8;
	[tilespmem:$0x1E400] =	vst v63  }
0x26a: {  	v61 =	vperm.xlane v17, v9;
	v19 =	vadd.s32 v3, v60;
	s24 =	simm.s32 $0x9A80  }
0x26b: {  	[tilespmem:s24], [sflag:$0x2] =	stream.indirect_vreg.gather [hbm4b:s5+s3], $0x80, v58, vm0, $0xb8;
	[tilespmem:$0x1E400] =	vst v63  }
0x26c: {  	v63 =	vperm.xlane v17, v10;
	v62 =	vadd.s32 v3, v61;
	s24 =	simm.s32 $0x9B00  }
0x26d: {  	[tilespmem:s24], [sflag:$0x2] =	stream.indirect_vreg.gather [hbm4b:s5+s3], $0x80, v18, vm0, $0xb8;
	[tilespmem:$0x1E400] =	vst v63  }
0x26e: {  	v24 =	vperm.xlane v17, v11;
	v18 =	vadd.s32 v3, v63;
	s24 =	simm.s32 $0x9B80  }
0x26f: {  	[tilespmem:s24], [sflag:$0x2] =	stream.indirect_vreg.gather [hbm4b:s5+s3], $0x80, v19, vm0, $0xb8;
	[tilespmem:$0x1E400] =	vst v63  }
0x270: {  	v25 =	vperm.xlane v17, v12;
	v19 =	vadd.s32 v3, v24;
	s24 =	simm.s32 $0x9C00  }
0x271: {  	[tilespmem:s24], [sflag:$0x2] =	stream.indirect_vreg.gather [hbm4b:s5+s3], $0x80, v62, vm0, $0xb8;
	[tilespmem:$0x1E400] =	vst v63  }
0x272: {  	v27 =	vperm.xlane v17, v13;
	v26 =	vadd.s32 v3, v25;
	s24 =	simm.s32 $0x9C80  }
0x273: {  	[tilespmem:s24], [sflag:$0x2] =	stream.indirect_vreg.gather [hbm4b:s5+s3], $0x80, v18, vm0, $0xb8;
	[tilespmem:$0x1E400] =	vst v63  }
0x274: {  	v28 =	vperm.xlane v17, v14;
	v18 =	vadd.s32 v3, v27;
	s24 =	simm.s32 $0x9D00  }
0x275: {  	[tilespmem:s24], [sflag:$0x2] =	stream.indirect_vreg.gather [hbm4b:s5+s3], $0x80, v19, vm0, $0xb8;
	[tilespmem:$0x1E400] =	vst v63  }
0x276: {  	v29 =	vperm.xlane v17, v15;
	v19 =	vadd.s32 v3, v28;
	s24 =	simm.s32 $0x9D80  }
0x277: {  	[tilespmem:s24], [sflag:$0x2] =	stream.indirect_vreg.gather [hbm4b:s5+s3], $0x80, v26, vm0, $0xb8;
	[tilespmem:$0x1E400] =	vst v63  }
0x278: {  	v17 =	vperm.xlane v17, v16;
	v30 =	vadd.s32 v3, v29;
	s24 =	simm.s32 $0x9E00  }
0x279: {  	[tilespmem:s24], [sflag:$0x2] =	stream.indirect_vreg.gather [hbm4b:s5+s3], $0x80, v18, vm0, $0xb8;
	[tilespmem:$0x1E400] =	vst v63  }
0x27a: {  	v17 =	vadd.s32 v3, v17;
	s24 =	simm.s32 $0x9E80  }
0x27b: {  	[tilespmem:s24], [sflag:$0x2] =	stream.indirect_vreg.gather [hbm4b:s5+s3], $0x80, v19, vm0, $0xb8;
	[tilespmem:$0x1E400] =	vst v63  }
0x27c: {  	s24 =	simm.s32 $0x9F00  }
0x27d: {  	[tilespmem:s24], [sflag:$0x2] =	stream.indirect_vreg.gather [hbm4b:s5+s3], $0x80, v30, vm0, $0xb8;
	[tilespmem:$0x1E400] =	vst v63  }
0x27e: {  	s24 =	simm.s32 $0x9F80  }
0x27f: {  	[tilespmem:s24], [sflag:$0x2] =	stream.indirect_vreg.gather [hbm4b:s5+s3], $0x80, v17, vm0, $0xb8;
	[tilespmem:$0x1E400] =	vst v63  }
0x280: {  	v17 =	vld [tilespmem:s23+$0xF0];
	_ =	sdelay $0x4  }
0x281: {  	v18 =	vshll.u32 v17, $0x1  }
0x282: {  	v17 =	vand.u32 $0x7, v17;
	v18 =	vand.u32 $0xFFFFFFF0, v18  }
0x283: {  	v17 =	vor.u32 v17, v18  }
0x284: {  	v18 =	vperm.xlane v17, v2;
	_ =	sdelay $0x1  }
0x285: {  	v19 =	vperm.xlane v17, v1;
	v18 =	vadd.s32 v3, v18;
	_ =	sdelay $0x1  }
0x286: {  	v31 =	vperm.xlane v17, v4;
	v19 =	vadd.s32 v3, v19;
	_ =	sdelay $0x1  }
0x287: {  	s24 =	simm.s32 $0xA000;
	v32 =	vperm.xlane v17, v5;
	v20 =	vadd.s32 v3, v31  }
0x288: {  	[tilespmem:s24], [sflag:$0x2] =	stream.indirect_vreg.gather [hbm4b:s5+s3], $0x80, v18, vm0, $0xb8;
	[tilespmem:$0x1E400] =	vst v63  }
0x289: {  	v33 =	vperm.xlane v17, v6;
	v18 =	vadd.s32 v3, v32;
	s24 =	simm.s32 $0xA080  }
0x28a: {  	[tilespmem:s24], [sflag:$0x2] =	stream.indirect_vreg.gather [hbm4b:s5+s3], $0x80, v19, vm0, $0xb8;
	[tilespmem:$0x1E400] =	vst v63  }
0x28b: {  	v34 =	vperm.xlane v17, v7;
	v19 =	vadd.s32 v3, v33;
	s24 =	simm.s32 $0xA100  }
0x28c: {  	[tilespmem:s24], [sflag:$0x2] =	stream.indirect_vreg.gather [hbm4b:s5+s3], $0x80, v20, vm0, $0xb8;
	[tilespmem:$0x1E400] =	vst v63  }
0x28d: {  	v36 =	vperm.xlane v17, v8;
	v35 =	vadd.s32 v3, v34;
	s24 =	simm.s32 $0xA180  }
0x28e: {  	[tilespmem:s24], [sflag:$0x2] =	stream.indirect_vreg.gather [hbm4b:s5+s3], $0x80, v18, vm0, $0xb8;
	[tilespmem:$0x1E400] =	vst v63  }
0x28f: {  	v37 =	vperm.xlane v17, v0;
	v18 =	vadd.s32 v3, v36;
	s24 =	simm.s32 $0xA200  }
0x290: {  	[tilespmem:s24], [sflag:$0x2] =	stream.indirect_vreg.gather [hbm4b:s5+s3], $0x80, v19, vm0, $0xb8;
	[tilespmem:$0x1E400] =	vst v63  }
0x291: {  	v38 =	vperm.xlane v17, v9;
	v19 =	vadd.s32 v3, v37;
	s24 =	simm.s32 $0xA280  }
0x292: {  	[tilespmem:s24], [sflag:$0x2] =	stream.indirect_vreg.gather [hbm4b:s5+s3], $0x80, v35, vm0, $0xb8;
	[tilespmem:$0x1E400] =	vst v63  }
0x293: {  	v40 =	vperm.xlane v17, v10;
	v39 =	vadd.s32 v3, v38;
	s24 =	simm.s32 $0xA300  }
0x294: {  	[tilespmem:s24], [sflag:$0x2] =	stream.indirect_vreg.gather [hbm4b:s5+s3], $0x80, v18, vm0, $0xb8;
	[tilespmem:$0x1E400] =	vst v63  }
0x295: {  	v41 =	vperm.xlane v17, v11;
	v18 =	vadd.s32 v3, v40;
	s24 =	simm.s32 $0xA380  }
0x296: {  	[tilespmem:s24], [sflag:$0x2] =	stream.indirect_vreg.gather [hbm4b:s5+s3], $0x80, v19, vm0, $0xb8;
	[tilespmem:$0x1E400] =	vst v63  }
0x297: {  	v42 =	vperm.xlane v17, v12;
	v19 =	vadd.s32 v3, v41;
	s24 =	simm.s32 $0xA400  }
0x298: {  	[tilespmem:s24], [sflag:$0x2] =	stream.indirect_vreg.gather [hbm4b:s5+s3], $0x80, v39, vm0, $0xb8;
	[tilespmem:$0x1E400] =	vst v63  }
0x299: {  	v44 =	vperm.xlane v17, v13;
	v43 =	vadd.s32 v3, v42;
	s24 =	simm.s32 $0xA480  }
0x29a: {  	[tilespmem:s24], [sflag:$0x2] =	stream.indirect_vreg.gather [hbm4b:s5+s3], $0x80, v18, vm0, $0xb8;
	[tilespmem:$0x1E400] =	vst v63  }
0x29b: {  	v45 =	vperm.xlane v17, v14;
	v18 =	vadd.s32 v3, v44;
	s24 =	simm.s32 $0xA500  }
0x29c: {  	[tilespmem:s24], [sflag:$0x2] =	stream.indirect_vreg.gather [hbm4b:s5+s3], $0x80, v19, vm0, $0xb8;
	[tilespmem:$0x1E400] =	vst v63  }
0x29d: {  	v46 =	vperm.xlane v17, v15;
	v19 =	vadd.s32 v3, v45;
	s24 =	simm.s32 $0xA580  }
0x29e: {  	[tilespmem:s24], [sflag:$0x2] =	stream.indirect_vreg.gather [hbm4b:s5+s3], $0x80, v43, vm0, $0xb8;
	[tilespmem:$0x1E400] =	vst v63  }
0x29f: {  	v17 =	vperm.xlane v17, v16;
	v47 =	vadd.s32 v3, v46;
	s24 =	simm.s32 $0xA600  }
0x2a0: {  	[tilespmem:s24], [sflag:$0x2] =	stream.indirect_vreg.gather [hbm4b:s5+s3], $0x80, v18, vm0, $0xb8;
	[tilespmem:$0x1E400] =	vst v63  }
0x2a1: {  	v17 =	vadd.s32 v3, v17;
	s24 =	simm.s32 $0xA680  }
0x2a2: {  	[tilespmem:s24], [sflag:$0x2] =	stream.indirect_vreg.gather [hbm4b:s5+s3], $0x80, v19, vm0, $0xb8;
	[tilespmem:$0x1E400] =	vst v63  }
0x2a3: {  	s24 =	simm.s32 $0xA700  }
0x2a4: {  	[tilespmem:s24], [sflag:$0x2] =	stream.indirect_vreg.gather [hbm4b:s5+s3], $0x80, v47, vm0, $0xb8;
	[tilespmem:$0x1E400] =	vst v63  }
0x2a5: {  	s24 =	simm.s32 $0xA780  }
0x2a6: {  	[tilespmem:s24], [sflag:$0x2] =	stream.indirect_vreg.gather [hbm4b:s5+s3], $0x80, v17, vm0, $0xb8;
	[tilespmem:$0x1E400] =	vst v63  }
0x2a7: {  	_ =	swait.ge [sflag:s19], $0x4000  }
0x2a8: {  	[sflag:s19] =	ssyncset.done $0x0  }
0x2a9: {  	s24 =	sadd.s32 $0x1400, s23;
	[sflag:s19] =	ssyncadd.s32 $0xFFFFC000  }
0x2aa: {  	[spmem:s2] =	stream.indirect.scatter.add.f32 [tilespmem:s18], [sflag:$0x3], $0x80, s24, s20, $0xb8;
	[tilespmem:$0x1E400] =	vst v63  }
0x2ab: {  	_ =	swait.ge [sflag:s16], $0x4000  }
0x2ac: {  	[sflag:s16] =	ssyncset.done $0x0  }
0x2ad: {  	[sflag:s16] =	ssyncadd.s32 $0xFFFFC000  }
0x2ae: {  	v17 =	vld [tilespmem:s23+$0x100];
	_ =	sdelay $0x4  }
0x2af: {  	v18 =	vshll.u32 v17, $0x1  }
0x2b0: {  	v17 =	vand.u32 $0x7, v17;
	v18 =	vand.u32 $0xFFFFFFF0, v18  }
0x2b1: {  	v17 =	vor.u32 v17, v18  }
0x2b2: {  	v18 =	vperm.xlane v17, v2;
	_ =	sdelay $0x1  }
0x2b3: {  	v19 =	vperm.xlane v17, v1;
	v18 =	vadd.s32 v3, v18;
	_ =	sdelay $0x1  }
0x2b4: {  	v48 =	vperm.xlane v17, v4;
	v19 =	vadd.s32 v3, v19;
	_ =	sdelay $0x1  }
0x2b5: {  	v49 =	vperm.xlane v17, v5;
	v20 =	vadd.s32 v3, v48  }
0x2b6: {  	[tilespmem:s18], [sflag:$0x1] =	stream.indirect_vreg.gather [hbm4b:s5+s3], $0x80, v18, vm0, $0xb8;
	[tilespmem:$0x1E400] =	vst v63  }
0x2b7: {  	s24 =	simm.s32 $0x2880;
	v50 =	vperm.xlane v17, v6;
	v18 =	vadd.s32 v3, v49  }
0x2b8: {  	[tilespmem:s24], [sflag:$0x1] =	stream.indirect_vreg.gather [hbm4b:s5+s3], $0x80, v19, vm0, $0xb8;
	[tilespmem:$0x1E400] =	vst v63  }
0x2b9: {  	v51 =	vperm.xlane v17, v7;
	v19 =	vadd.s32 v3, v50;
	s24 =	simm.s32 $0x2900  }
0x2ba: {  	[tilespmem:s24], [sflag:$0x1] =	stream.indirect_vreg.gather [hbm4b:s5+s3], $0x80, v20, vm0, $0xb8;
	[tilespmem:$0x1E400] =	vst v63  }
0x2bb: {  	v53 =	vperm.xlane v17, v8;
	v52 =	vadd.s32 v3, v51;
	s24 =	simm.s32 $0x2980  }
0x2bc: {  	[tilespmem:s24], [sflag:$0x1] =	stream.indirect_vreg.gather [hbm4b:s5+s3], $0x80, v18, vm0, $0xb8;
	[tilespmem:$0x1E400] =	vst v63  }
0x2bd: {  	v54 =	vperm.xlane v17, v0;
	v18 =	vadd.s32 v3, v53;
	s24 =	simm.s32 $0x2A00  }
0x2be: {  	[tilespmem:s24], [sflag:$0x1] =	stream.indirect_vreg.gather [hbm4b:s5+s3], $0x80, v19, vm0, $0xb8;
	[tilespmem:$0x1E400] =	vst v63  }
0x2bf: {  	v55 =	vperm.xlane v17, v9;
	v19 =	vadd.s32 v3, v54;
	s24 =	simm.s32 $0x2A80  }
0x2c0: {  	[tilespmem:s24], [sflag:$0x1] =	stream.indirect_vreg.gather [hbm4b:s5+s3], $0x80, v52, vm0, $0xb8;
	[tilespmem:$0x1E400] =	vst v63  }
0x2c1: {  	v57 =	vperm.xlane v17, v10;
	v56 =	vadd.s32 v3, v55;
	s24 =	simm.s32 $0x2B00  }
0x2c2: {  	[tilespmem:s24], [sflag:$0x1] =	stream.indirect_vreg.gather [hbm4b:s5+s3], $0x80, v18, vm0, $0xb8;
	[tilespmem:$0x1E400] =	vst v63  }
0x2c3: {  	v58 =	vperm.xlane v17, v11;
	v18 =	vadd.s32 v3, v57;
	s24 =	simm.s32 $0x2B80  }
0x2c4: {  	[tilespmem:s24], [sflag:$0x1] =	stream.indirect_vreg.gather [hbm4b:s5+s3], $0x80, v19, vm0, $0xb8;
	[tilespmem:$0x1E400] =	vst v63  }
0x2c5: {  	v59 =	vperm.xlane v17, v12;
	v19 =	vadd.s32 v3, v58;
	s24 =	simm.s32 $0x2C00  }
0x2c6: {  	[tilespmem:s24], [sflag:$0x1] =	stream.indirect_vreg.gather [hbm4b:s5+s3], $0x80, v56, vm0, $0xb8;
	[tilespmem:$0x1E400] =	vst v63  }
0x2c7: {  	v61 =	vperm.xlane v17, v13;
	v60 =	vadd.s32 v3, v59;
	s24 =	simm.s32 $0x2C80  }
0x2c8: {  	[tilespmem:s24], [sflag:$0x1] =	stream.indirect_vreg.gather [hbm4b:s5+s3], $0x80, v18, vm0, $0xb8;
	[tilespmem:$0x1E400] =	vst v63  }
0x2c9: {  	v62 =	vperm.xlane v17, v14;
	v18 =	vadd.s32 v3, v61;
	s24 =	simm.s32 $0x2D00  }
0x2ca: {  	[tilespmem:s24], [sflag:$0x1] =	stream.indirect_vreg.gather [hbm4b:s5+s3], $0x80, v19, vm0, $0xb8;
	[tilespmem:$0x1E400] =	vst v63  }
0x2cb: {  	v63 =	vperm.xlane v17, v15;
	v19 =	vadd.s32 v3, v62;
	s24 =	simm.s32 $0x2D80  }
0x2cc: {  	[tilespmem:s24], [sflag:$0x1] =	stream.indirect_vreg.gather [hbm4b:s5+s3], $0x80, v60, vm0, $0xb8;
	[tilespmem:$0x1E400] =	vst v63  }
0x2cd: {  	v17 =	vperm.xlane v17, v16;
	v24 =	vadd.s32 v3, v63;
	s24 =	simm.s32 $0x2E00  }
0x2ce: {  	[tilespmem:s24], [sflag:$0x1] =	stream.indirect_vreg.gather [hbm4b:s5+s3], $0x80, v18, vm0, $0xb8;
	[tilespmem:$0x1E400] =	vst v63  }
0x2cf: {  	v17 =	vadd.s32 v3, v17;
	s24 =	simm.s32 $0x2E80  }
0x2d0: {  	[tilespmem:s24], [sflag:$0x1] =	stream.indirect_vreg.gather [hbm4b:s5+s3], $0x80, v19, vm0, $0xb8;
	[tilespmem:$0x1E400] =	vst v63  }
0x2d1: {  	s24 =	simm.s32 $0x2F00  }
0x2d2: {  	[tilespmem:s24], [sflag:$0x1] =	stream.indirect_vreg.gather [hbm4b:s5+s3], $0x80, v24, vm0, $0xb8;
	[tilespmem:$0x1E400] =	vst v63  }
0x2d3: {  	s24 =	simm.s32 $0x2F80  }
0x2d4: {  	[tilespmem:s24], [sflag:$0x1] =	stream.indirect_vreg.gather [hbm4b:s5+s3], $0x80, v17, vm0, $0xb8;
	[tilespmem:$0x1E400] =	vst v63  }
0x2d5: {  	v17 =	vld [tilespmem:s23+$0x110];
	_ =	sdelay $0x4  }
0x2d6: {  	v18 =	vshll.u32 v17, $0x1  }
0x2d7: {  	v17 =	vand.u32 $0x7, v17;
	v18 =	vand.u32 $0xFFFFFFF0, v18  }
0x2d8: {  	v17 =	vor.u32 v17, v18  }
0x2d9: {  	v18 =	vperm.xlane v17, v2;
	_ =	sdelay $0x1  }
0x2da: {  	v19 =	vperm.xlane v17, v1;
	v18 =	vadd.s32 v3, v18;
	_ =	sdelay $0x1  }
0x2db: {  	v25 =	vperm.xlane v17, v4;
	v19 =	vadd.s32 v3, v19;
	_ =	sdelay $0x1  }
0x2dc: {  	s24 =	simm.s32 $0x3000;
	v26 =	vperm.xlane v17, v5;
	v20 =	vadd.s32 v3, v25  }
0x2dd: {  	[tilespmem:s24], [sflag:$0x1] =	stream.indirect_vreg.gather [hbm4b:s5+s3], $0x80, v18, vm0, $0xb8;
	[tilespmem:$0x1E400] =	vst v63  }
0x2de: {  	v27 =	vperm.xlane v17, v6;
	v18 =	vadd.s32 v3, v26;
	s24 =	simm.s32 $0x3080  }
0x2df: {  	[tilespmem:s24], [sflag:$0x1] =	stream.indirect_vreg.gather [hbm4b:s5+s3], $0x80, v19, vm0, $0xb8;
	[tilespmem:$0x1E400] =	vst v63  }
0x2e0: {  	v28 =	vperm.xlane v17, v7;
	v19 =	vadd.s32 v3, v27;
	s24 =	simm.s32 $0x3100  }
0x2e1: {  	[tilespmem:s24], [sflag:$0x1] =	stream.indirect_vreg.gather [hbm4b:s5+s3], $0x80, v20, vm0, $0xb8;
	[tilespmem:$0x1E400] =	vst v63  }
0x2e2: {  	v30 =	vperm.xlane v17, v8;
	v29 =	vadd.s32 v3, v28;
	s24 =	simm.s32 $0x3180  }
0x2e3: {  	[tilespmem:s24], [sflag:$0x1] =	stream.indirect_vreg.gather [hbm4b:s5+s3], $0x80, v18, vm0, $0xb8;
	[tilespmem:$0x1E400] =	vst v63  }
0x2e4: {  	v31 =	vperm.xlane v17, v0;
	v18 =	vadd.s32 v3, v30;
	s24 =	simm.s32 $0x3200  }
0x2e5: {  	[tilespmem:s24], [sflag:$0x1] =	stream.indirect_vreg.gather [hbm4b:s5+s3], $0x80, v19, vm0, $0xb8;
	[tilespmem:$0x1E400] =	vst v63  }
0x2e6: {  	v32 =	vperm.xlane v17, v9;
	v19 =	vadd.s32 v3, v31;
	s24 =	simm.s32 $0x3280  }
0x2e7: {  	[tilespmem:s24], [sflag:$0x1] =	stream.indirect_vreg.gather [hbm4b:s5+s3], $0x80, v29, vm0, $0xb8;
	[tilespmem:$0x1E400] =	vst v63  }
0x2e8: {  	v34 =	vperm.xlane v17, v10;
	v33 =	vadd.s32 v3, v32;
	s24 =	simm.s32 $0x3300  }
0x2e9: {  	[tilespmem:s24], [sflag:$0x1] =	stream.indirect_vreg.gather [hbm4b:s5+s3], $0x80, v18, vm0, $0xb8;
	[tilespmem:$0x1E400] =	vst v63  }
0x2ea: {  	v35 =	vperm.xlane v17, v11;
	v18 =	vadd.s32 v3, v34;
	s24 =	simm.s32 $0x3380  }
0x2eb: {  	[tilespmem:s24], [sflag:$0x1] =	stream.indirect_vreg.gather [hbm4b:s5+s3], $0x80, v19, vm0, $0xb8;
	[tilespmem:$0x1E400] =	vst v63  }
0x2ec: {  	v36 =	vperm.xlane v17, v12;
	v19 =	vadd.s32 v3, v35;
	s24 =	simm.s32 $0x3400  }
0x2ed: {  	[tilespmem:s24], [sflag:$0x1] =	stream.indirect_vreg.gather [hbm4b:s5+s3], $0x80, v33, vm0, $0xb8;
	[tilespmem:$0x1E400] =	vst v63  }
0x2ee: {  	v38 =	vperm.xlane v17, v13;
	v37 =	vadd.s32 v3, v36;
	s24 =	simm.s32 $0x3480  }
0x2ef: {  	[tilespmem:s24], [sflag:$0x1] =	stream.indirect_vreg.gather [hbm4b:s5+s3], $0x80, v18, vm0, $0xb8;
	[tilespmem:$0x1E400] =	vst v63  }
0x2f0: {  	v39 =	vperm.xlane v17, v14;
	v18 =	vadd.s32 v3, v38;
	s24 =	simm.s32 $0x3500  }
0x2f1: {  	[tilespmem:s24], [sflag:$0x1] =	stream.indirect_vreg.gather [hbm4b:s5+s3], $0x80, v19, vm0, $0xb8;
	[tilespmem:$0x1E400] =	vst v63  }
0x2f2: {  	v40 =	vperm.xlane v17, v15;
	v19 =	vadd.s32 v3, v39;
	s24 =	simm.s32 $0x3580  }
0x2f3: {  	[tilespmem:s24], [sflag:$0x1] =	stream.indirect_vreg.gather [hbm4b:s5+s3], $0x80, v37, vm0, $0xb8;
	[tilespmem:$0x1E400] =	vst v63  }
0x2f4: {  	v17 =	vperm.xlane v17, v16;
	v41 =	vadd.s32 v3, v40;
	s24 =	simm.s32 $0x3600  }
0x2f5: {  	[tilespmem:s24], [sflag:$0x1] =	stream.indirect_vreg.gather [hbm4b:s5+s3], $0x80, v18, vm0, $0xb8;
	[tilespmem:$0x1E400] =	vst v63  }
0x2f6: {  	v17 =	vadd.s32 v3, v17;
	s24 =	simm.s32 $0x3680  }
0x2f7: {  	[tilespmem:s24], [sflag:$0x1] =	stream.indirect_vreg.gather [hbm4b:s5+s3], $0x80, v19, vm0, $0xb8;
	[tilespmem:$0x1E400] =	vst v63  }
0x2f8: {  	s24 =	simm.s32 $0x3700  }
0x2f9: {  	[tilespmem:s24], [sflag:$0x1] =	stream.indirect_vreg.gather [hbm4b:s5+s3], $0x80, v41, vm0, $0xb8;
	[tilespmem:$0x1E400] =	vst v63  }
0x2fa: {  	s24 =	simm.s32 $0x3780  }
0x2fb: {  	[tilespmem:s24], [sflag:$0x1] =	stream.indirect_vreg.gather [hbm4b:s5+s3], $0x80, v17, vm0, $0xb8;
	[tilespmem:$0x1E400] =	vst v63  }
0x2fc: {  	v17 =	vld [tilespmem:s23+$0x120];
	_ =	sdelay $0x4  }
0x2fd: {  	v18 =	vshll.u32 v17, $0x1  }
0x2fe: {  	v17 =	vand.u32 $0x7, v17;
	v18 =	vand.u32 $0xFFFFFFF0, v18  }
0x2ff: {  	v17 =	vor.u32 v17, v18  }
0x300: {  	v18 =	vperm.xlane v17, v2;
	_ =	sdelay $0x1  }
0x301: {  	v19 =	vperm.xlane v17, v1;
	v18 =	vadd.s32 v3, v18;
	_ =	sdelay $0x1  }
0x302: {  	v42 =	vperm.xlane v17, v4;
	v19 =	vadd.s32 v3, v19;
	_ =	sdelay $0x1  }
0x303: {  	s24 =	simm.s32 $0x3800;
	v43 =	vperm.xlane v17, v5;
	v20 =	vadd.s32 v3, v42  }
0x304: {  	[tilespmem:s24], [sflag:$0x1] =	stream.indirect_vreg.gather [hbm4b:s5+s3], $0x80, v18, vm0, $0xb8;
	[tilespmem:$0x1E400] =	vst v63  }
0x305: {  	v44 =	vperm.xlane v17, v6;
	v18 =	vadd.s32 v3, v43;
	s24 =	simm.s32 $0x3880  }
0x306: {  	[tilespmem:s24], [sflag:$0x1] =	stream.indirect_vreg.gather [hbm4b:s5+s3], $0x80, v19, vm0, $0xb8;
	[tilespmem:$0x1E400] =	vst v63  }
0x307: {  	v45 =	vperm.xlane v17, v7;
	v19 =	vadd.s32 v3, v44;
	s24 =	simm.s32 $0x3900  }
0x308: {  	[tilespmem:s24], [sflag:$0x1] =	stream.indirect_vreg.gather [hbm4b:s5+s3], $0x80, v20, vm0, $0xb8;
	[tilespmem:$0x1E400] =	vst v63  }
0x309: {  	v47 =	vperm.xlane v17, v8;
	v46 =	vadd.s32 v3, v45;
	s24 =	simm.s32 $0x3980  }
0x30a: {  	[tilespmem:s24], [sflag:$0x1] =	stream.indirect_vreg.gather [hbm4b:s5+s3], $0x80, v18, vm0, $0xb8;
	[tilespmem:$0x1E400] =	vst v63  }
0x30b: {  	v48 =	vperm.xlane v17, v0;
	v18 =	vadd.s32 v3, v47;
	s24 =	simm.s32 $0x3A00  }
0x30c: {  	[tilespmem:s24], [sflag:$0x1] =	stream.indirect_vreg.gather [hbm4b:s5+s3], $0x80, v19, vm0, $0xb8;
	[tilespmem:$0x1E400] =	vst v63  }
0x30d: {  	v49 =	vperm.xlane v17, v9;
	v19 =	vadd.s32 v3, v48;
	s24 =	simm.s32 $0x3A80  }
0x30e: {  	[tilespmem:s24], [sflag:$0x1] =	stream.indirect_vreg.gather [hbm4b:s5+s3], $0x80, v46, vm0, $0xb8;
	[tilespmem:$0x1E400] =	vst v63  }
0x30f: {  	v51 =	vperm.xlane v17, v10;
	v50 =	vadd.s32 v3, v49;
	s24 =	simm.s32 $0x3B00  }
0x310: {  	[tilespmem:s24], [sflag:$0x1] =	stream.indirect_vreg.gather [hbm4b:s5+s3], $0x80, v18, vm0, $0xb8;
	[tilespmem:$0x1E400] =	vst v63  }
0x311: {  	v52 =	vperm.xlane v17, v11;
	v18 =	vadd.s32 v3, v51;
	s24 =	simm.s32 $0x3B80  }
0x312: {  	[tilespmem:s24], [sflag:$0x1] =	stream.indirect_vreg.gather [hbm4b:s5+s3], $0x80, v19, vm0, $0xb8;
	[tilespmem:$0x1E400] =	vst v63  }
0x313: {  	v53 =	vperm.xlane v17, v12;
	v19 =	vadd.s32 v3, v52;
	s24 =	simm.s32 $0x3C00  }
0x314: {  	[tilespmem:s24], [sflag:$0x1] =	stream.indirect_vreg.gather [hbm4b:s5+s3], $0x80, v50, vm0, $0xb8;
	[tilespmem:$0x1E400] =	vst v63  }
0x315: {  	v55 =	vperm.xlane v17, v13;
	v54 =	vadd.s32 v3, v53;
	s24 =	simm.s32 $0x3C80  }
0x316: {  	[tilespmem:s24], [sflag:$0x1] =	stream.indirect_vreg.gather [hbm4b:s5+s3], $0x80, v18, vm0, $0xb8;
	[tilespmem:$0x1E400] =	vst v63  }
0x317: {  	v56 =	vperm.xlane v17, v14;
	v18 =	vadd.s32 v3, v55;
	s24 =	simm.s32 $0x3D00  }
0x318: {  	[tilespmem:s24], [sflag:$0x1] =	stream.indirect_vreg.gather [hbm4b:s5+s3], $0x80, v19, vm0, $0xb8;
	[tilespmem:$0x1E400] =	vst v63  }
0x319: {  	v57 =	vperm.xlane v17, v15;
	v19 =	vadd.s32 v3, v56;
	s24 =	simm.s32 $0x3D80  }
0x31a: {  	[tilespmem:s24], [sflag:$0x1] =	stream.indirect_vreg.gather [hbm4b:s5+s3], $0x80, v54, vm0, $0xb8;
	[tilespmem:$0x1E400] =	vst v63  }
0x31b: {  	v17 =	vperm.xlane v17, v16;
	v58 =	vadd.s32 v3, v57;
	s24 =	simm.s32 $0x3E00  }
0x31c: {  	[tilespmem:s24], [sflag:$0x1] =	stream.indirect_vreg.gather [hbm4b:s5+s3], $0x80, v18, vm0, $0xb8;
	[tilespmem:$0x1E400] =	vst v63  }
0x31d: {  	v17 =	vadd.s32 v3, v17;
	s24 =	simm.s32 $0x3E80  }
0x31e: {  	[tilespmem:s24], [sflag:$0x1] =	stream.indirect_vreg.gather [hbm4b:s5+s3], $0x80, v19, vm0, $0xb8;
	[tilespmem:$0x1E400] =	vst v63  }
0x31f: {  	s24 =	simm.s32 $0x3F00  }
0x320: {  	[tilespmem:s24], [sflag:$0x1] =	stream.indirect_vreg.gather [hbm4b:s5+s3], $0x80, v58, vm0, $0xb8;
	[tilespmem:$0x1E400] =	vst v63  }
0x321: {  	s24 =	simm.s32 $0x3F80  }
0x322: {  	[tilespmem:s24], [sflag:$0x1] =	stream.indirect_vreg.gather [hbm4b:s5+s3], $0x80, v17, vm0, $0xb8;
	[tilespmem:$0x1E400] =	vst v63  }
0x323: {  	v17 =	vld [tilespmem:s23+$0x130];
	_ =	sdelay $0x4  }
0x324: {  	v18 =	vshll.u32 v17, $0x1  }
0x325: {  	v17 =	vand.u32 $0x7, v17;
	v18 =	vand.u32 $0xFFFFFFF0, v18  }
0x326: {  	v17 =	vor.u32 v17, v18  }
0x327: {  	v18 =	vperm.xlane v17, v2;
	_ =	sdelay $0x1  }
0x328: {  	v19 =	vperm.xlane v17, v1;
	v18 =	vadd.s32 v3, v18;
	_ =	sdelay $0x1  }
0x329: {  	v59 =	vperm.xlane v17, v4;
	v19 =	vadd.s32 v3, v19;
	_ =	sdelay $0x1  }
0x32a: {  	s24 =	simm.s32 $0x4000;
	v60 =	vperm.xlane v17, v5;
	v20 =	vadd.s32 v3, v59  }
0x32b: {  	[tilespmem:s24], [sflag:$0x1] =	stream.indirect_vreg.gather [hbm4b:s5+s3], $0x80, v18, vm0, $0xb8;
	[tilespmem:$0x1E400] =	vst v63  }
0x32c: {  	v61 =	vperm.xlane v17, v6;
	v18 =	vadd.s32 v3, v60;
	s24 =	simm.s32 $0x4080  }
0x32d: {  	[tilespmem:s24], [sflag:$0x1] =	stream.indirect_vreg.gather [hbm4b:s5+s3], $0x80, v19, vm0, $0xb8;
	[tilespmem:$0x1E400] =	vst v63  }
0x32e: {  	v62 =	vperm.xlane v17, v7;
	v19 =	vadd.s32 v3, v61;
	s24 =	simm.s32 $0x4100  }
0x32f: {  	[tilespmem:s24], [sflag:$0x1] =	stream.indirect_vreg.gather [hbm4b:s5+s3], $0x80, v20, vm0, $0xb8;
	[tilespmem:$0x1E400] =	vst v63  }
0x330: {  	v24 =	vperm.xlane v17, v8;
	v63 =	vadd.s32 v3, v62;
	s24 =	simm.s32 $0x4180  }
0x331: {  	[tilespmem:s24], [sflag:$0x1] =	stream.indirect_vreg.gather [hbm4b:s5+s3], $0x80, v18, vm0, $0xb8;
	[tilespmem:$0x1E400] =	vst v63  }
0x332: {  	v25 =	vperm.xlane v17, v0;
	v18 =	vadd.s32 v3, v24;
	s24 =	simm.s32 $0x4200  }
0x333: {  	[tilespmem:s24], [sflag:$0x1] =	stream.indirect_vreg.gather [hbm4b:s5+s3], $0x80, v19, vm0, $0xb8;
	[tilespmem:$0x1E400] =	vst v63  }
0x334: {  	v26 =	vperm.xlane v17, v9;
	v19 =	vadd.s32 v3, v25;
	s24 =	simm.s32 $0x4280  }
0x335: {  	[tilespmem:s24], [sflag:$0x1] =	stream.indirect_vreg.gather [hbm4b:s5+s3], $0x80, v63, vm0, $0xb8;
	[tilespmem:$0x1E400] =	vst v63  }
0x336: {  	v28 =	vperm.xlane v17, v10;
	v27 =	vadd.s32 v3, v26;
	s24 =	simm.s32 $0x4300  }
0x337: {  	[tilespmem:s24], [sflag:$0x1] =	stream.indirect_vreg.gather [hbm4b:s5+s3], $0x80, v18, vm0, $0xb8;
	[tilespmem:$0x1E400] =	vst v63  }
0x338: {  	v29 =	vperm.xlane v17, v11;
	v18 =	vadd.s32 v3, v28;
	s24 =	simm.s32 $0x4380  }
0x339: {  	[tilespmem:s24], [sflag:$0x1] =	stream.indirect_vreg.gather [hbm4b:s5+s3], $0x80, v19, vm0, $0xb8;
	[tilespmem:$0x1E400] =	vst v63  }
0x33a: {  	v30 =	vperm.xlane v17, v12;
	v19 =	vadd.s32 v3, v29;
	s24 =	simm.s32 $0x4400  }
0x33b: {  	[tilespmem:s24], [sflag:$0x1] =	stream.indirect_vreg.gather [hbm4b:s5+s3], $0x80, v27, vm0, $0xb8;
	[tilespmem:$0x1E400] =	vst v63  }
0x33c: {  	v32 =	vperm.xlane v17, v13;
	v31 =	vadd.s32 v3, v30;
	s24 =	simm.s32 $0x4480  }
0x33d: {  	[tilespmem:s24], [sflag:$0x1] =	stream.indirect_vreg.gather [hbm4b:s5+s3], $0x80, v18, vm0, $0xb8;
	[tilespmem:$0x1E400] =	vst v63  }
0x33e: {  	v33 =	vperm.xlane v17, v14;
	v18 =	vadd.s32 v3, v32;
	s24 =	simm.s32 $0x4500  }
0x33f: {  	[tilespmem:s24], [sflag:$0x1] =	stream.indirect_vreg.gather [hbm4b:s5+s3], $0x80, v19, vm0, $0xb8;
	[tilespmem:$0x1E400] =	vst v63  }
0x340: {  	v34 =	vperm.xlane v17, v15;
	v19 =	vadd.s32 v3, v33;
	s24 =	simm.s32 $0x4580  }
0x341: {  	[tilespmem:s24], [sflag:$0x1] =	stream.indirect_vreg.gather [hbm4b:s5+s3], $0x80, v31, vm0, $0xb8;
	[tilespmem:$0x1E400] =	vst v63  }
0x342: {  	v17 =	vperm.xlane v17, v16;
	v35 =	vadd.s32 v3, v34;
	s24 =	simm.s32 $0x4600  }
0x343: {  	[tilespmem:s24], [sflag:$0x1] =	stream.indirect_vreg.gather [hbm4b:s5+s3], $0x80, v18, vm0, $0xb8;
	[tilespmem:$0x1E400] =	vst v63  }
0x344: {  	v17 =	vadd.s32 v3, v17;
	s24 =	simm.s32 $0x4680  }
0x345: {  	[tilespmem:s24], [sflag:$0x1] =	stream.indirect_vreg.gather [hbm4b:s5+s3], $0x80, v19, vm0, $0xb8;
	[tilespmem:$0x1E400] =	vst v63  }
0x346: {  	s24 =	simm.s32 $0x4700  }
0x347: {  	[tilespmem:s24], [sflag:$0x1] =	stream.indirect_vreg.gather [hbm4b:s5+s3], $0x80, v35, vm0, $0xb8;
	[tilespmem:$0x1E400] =	vst v63  }
0x348: {  	s24 =	simm.s32 $0x4780  }
0x349: {  	[tilespmem:s24], [sflag:$0x1] =	stream.indirect_vreg.gather [hbm4b:s5+s3], $0x80, v17, vm0, $0xb8;
	[tilespmem:$0x1E400] =	vst v63  }
0x34a: {  	v17 =	vld [tilespmem:s23+$0x140];
	_ =	sdelay $0x4  }
0x34b: {  	v18 =	vshll.u32 v17, $0x1  }
0x34c: {  	v17 =	vand.u32 $0x7, v17;
	v18 =	vand.u32 $0xFFFFFFF0, v18  }
0x34d: {  	v17 =	vor.u32 v17, v18  }
0x34e: {  	v18 =	vperm.xlane v17, v2;
	_ =	sdelay $0x1  }
0x34f: {  	v19 =	vperm.xlane v17, v1;
	v18 =	vadd.s32 v3, v18;
	_ =	sdelay $0x1  }
0x350: {  	v36 =	vperm.xlane v17, v4;
	v19 =	vadd.s32 v3, v19;
	_ =	sdelay $0x1  }
0x351: {  	s24 =	simm.s32 $0x4800;
	v37 =	vperm.xlane v17, v5;
	v20 =	vadd.s32 v3, v36  }
0x352: {  	[tilespmem:s24], [sflag:$0x1] =	stream.indirect_vreg.gather [hbm4b:s5+s3], $0x80, v18, vm0, $0xb8;
	[tilespmem:$0x1E400] =	vst v63  }
0x353: {  	v38 =	vperm.xlane v17, v6;
	v18 =	vadd.s32 v3, v37;
	s24 =	simm.s32 $0x4880  }
0x354: {  	[tilespmem:s24], [sflag:$0x1] =	stream.indirect_vreg.gather [hbm4b:s5+s3], $0x80, v19, vm0, $0xb8;
	[tilespmem:$0x1E400] =	vst v63  }
0x355: {  	v39 =	vperm.xlane v17, v7;
	v19 =	vadd.s32 v3, v38;
	s24 =	simm.s32 $0x4900  }
0x356: {  	[tilespmem:s24], [sflag:$0x1] =	stream.indirect_vreg.gather [hbm4b:s5+s3], $0x80, v20, vm0, $0xb8;
	[tilespmem:$0x1E400] =	vst v63  }
0x357: {  	v41 =	vperm.xlane v17, v8;
	v40 =	vadd.s32 v3, v39;
	s24 =	simm.s32 $0x4980  }
0x358: {  	[tilespmem:s24], [sflag:$0x1] =	stream.indirect_vreg.gather [hbm4b:s5+s3], $0x80, v18, vm0, $0xb8;
	[tilespmem:$0x1E400] =	vst v63  }
0x359: {  	v42 =	vperm.xlane v17, v0;
	v18 =	vadd.s32 v3, v41;
	s24 =	simm.s32 $0x4A00  }
0x35a: {  	[tilespmem:s24], [sflag:$0x1] =	stream.indirect_vreg.gather [hbm4b:s5+s3], $0x80, v19, vm0, $0xb8;
	[tilespmem:$0x1E400] =	vst v63  }
0x35b: {  	v43 =	vperm.xlane v17, v9;
	v19 =	vadd.s32 v3, v42;
	s24 =	simm.s32 $0x4A80  }
0x35c: {  	[tilespmem:s24], [sflag:$0x1] =	stream.indirect_vreg.gather [hbm4b:s5+s3], $0x80, v40, vm0, $0xb8;
	[tilespmem:$0x1E400] =	vst v63  }
0x35d: {  	v45 =	vperm.xlane v17, v10;
	v44 =	vadd.s32 v3, v43;
	s24 =	simm.s32 $0x4B00  }
0x35e: {  	[tilespmem:s24], [sflag:$0x1] =	stream.indirect_vreg.gather [hbm4b:s5+s3], $0x80, v18, vm0, $0xb8;
	[tilespmem:$0x1E400] =	vst v63  }
0x35f: {  	v46 =	vperm.xlane v17, v11;
	v18 =	vadd.s32 v3, v45;
	s24 =	simm.s32 $0x4B80  }
0x360: {  	[tilespmem:s24], [sflag:$0x1] =	stream.indirect_vreg.gather [hbm4b:s5+s3], $0x80, v19, vm0, $0xb8;
	[tilespmem:$0x1E400] =	vst v63  }
0x361: {  	v47 =	vperm.xlane v17, v12;
	v19 =	vadd.s32 v3, v46;
	s24 =	simm.s32 $0x4C00  }
0x362: {  	[tilespmem:s24], [sflag:$0x1] =	stream.indirect_vreg.gather [hbm4b:s5+s3], $0x80, v44, vm0, $0xb8;
	[tilespmem:$0x1E400] =	vst v63  }
0x363: {  	v49 =	vperm.xlane v17, v13;
	v48 =	vadd.s32 v3, v47;
	s24 =	simm.s32 $0x4C80  }
0x364: {  	[tilespmem:s24], [sflag:$0x1] =	stream.indirect_vreg.gather [hbm4b:s5+s3], $0x80, v18, vm0, $0xb8;
	[tilespmem:$0x1E400] =	vst v63  }
0x365: {  	v50 =	vperm.xlane v17, v14;
	v18 =	vadd.s32 v3, v49;
	s24 =	simm.s32 $0x4D00  }
0x366: {  	[tilespmem:s24], [sflag:$0x1] =	stream.indirect_vreg.gather [hbm4b:s5+s3], $0x80, v19, vm0, $0xb8;
	[tilespmem:$0x1E400] =	vst v63  }
0x367: {  	v51 =	vperm.xlane v17, v15;
	v19 =	vadd.s32 v3, v50;
	s24 =	simm.s32 $0x4D80  }
0x368: {  	[tilespmem:s24], [sflag:$0x1] =	stream.indirect_vreg.gather [hbm4b:s5+s3], $0x80, v48, vm0, $0xb8;
	[tilespmem:$0x1E400] =	vst v63  }
0x369: {  	v17 =	vperm.xlane v17, v16;
	v52 =	vadd.s32 v3, v51;
	s24 =	simm.s32 $0x4E00  }
0x36a: {  	[tilespmem:s24], [sflag:$0x1] =	stream.indirect_vreg.gather [hbm4b:s5+s3], $0x80, v18, vm0, $0xb8;
	[tilespmem:$0x1E400] =	vst v63  }
0x36b: {  	v17 =	vadd.s32 v3, v17;
	s24 =	simm.s32 $0x4E80  }
0x36c: {  	[tilespmem:s24], [sflag:$0x1] =	stream.indirect_vreg.gather [hbm4b:s5+s3], $0x80, v19, vm0, $0xb8;
	[tilespmem:$0x1E400] =	vst v63  }
0x36d: {  	s24 =	simm.s32 $0x4F00  }
0x36e: {  	[tilespmem:s24], [sflag:$0x1] =	stream.indirect_vreg.gather [hbm4b:s5+s3], $0x80, v52, vm0, $0xb8;
	[tilespmem:$0x1E400] =	vst v63  }
0x36f: {  	s24 =	simm.s32 $0x4F80  }
0x370: {  	[tilespmem:s24], [sflag:$0x1] =	stream.indirect_vreg.gather [hbm4b:s5+s3], $0x80, v17, vm0, $0xb8;
	[tilespmem:$0x1E400] =	vst v63  }
0x371: {  	v17 =	vld [tilespmem:s23+$0x150];
	_ =	sdelay $0x4  }
0x372: {  	v18 =	vshll.u32 v17, $0x1  }
0x373: {  	v17 =	vand.u32 $0x7, v17;
	v18 =	vand.u32 $0xFFFFFFF0, v18  }
0x374: {  	v17 =	vor.u32 v17, v18  }
0x375: {  	v18 =	vperm.xlane v17, v2;
	_ =	sdelay $0x1  }
0x376: {  	v19 =	vperm.xlane v17, v1;
	v18 =	vadd.s32 v3, v18;
	_ =	sdelay $0x1  }
0x377: {  	v53 =	vperm.xlane v17, v4;
	v19 =	vadd.s32 v3, v19;
	_ =	sdelay $0x1  }
0x378: {  	s24 =	simm.s32 $0x5000;
	v54 =	vperm.xlane v17, v5;
	v20 =	vadd.s32 v3, v53  }
0x379: {  	[tilespmem:s24], [sflag:$0x1] =	stream.indirect_vreg.gather [hbm4b:s5+s3], $0x80, v18, vm0, $0xb8;
	[tilespmem:$0x1E400] =	vst v63  }
0x37a: {  	v55 =	vperm.xlane v17, v6;
	v18 =	vadd.s32 v3, v54;
	s24 =	simm.s32 $0x5080  }
0x37b: {  	[tilespmem:s24], [sflag:$0x1] =	stream.indirect_vreg.gather [hbm4b:s5+s3], $0x80, v19, vm0, $0xb8;
	[tilespmem:$0x1E400] =	vst v63  }
0x37c: {  	v56 =	vperm.xlane v17, v7;
	v19 =	vadd.s32 v3, v55;
	s24 =	simm.s32 $0x5100  }
0x37d: {  	[tilespmem:s24], [sflag:$0x1] =	stream.indirect_vreg.gather [hbm4b:s5+s3], $0x80, v20, vm0, $0xb8;
	[tilespmem:$0x1E400] =	vst v63  }
0x37e: {  	v58 =	vperm.xlane v17, v8;
	v57 =	vadd.s32 v3, v56;
	s24 =	simm.s32 $0x5180  }
0x37f: {  	[tilespmem:s24], [sflag:$0x1] =	stream.indirect_vreg.gather [hbm4b:s5+s3], $0x80, v18, vm0, $0xb8;
	[tilespmem:$0x1E400] =	vst v63  }
0x380: {  	v59 =	vperm.xlane v17, v0;
	v18 =	vadd.s32 v3, v58;
	s24 =	simm.s32 $0x5200  }
0x381: {  	[tilespmem:s24], [sflag:$0x1] =	stream.indirect_vreg.gather [hbm4b:s5+s3], $0x80, v19, vm0, $0xb8;
	[tilespmem:$0x1E400] =	vst v63  }
0x382: {  	v60 =	vperm.xlane v17, v9;
	v19 =	vadd.s32 v3, v59;
	s24 =	simm.s32 $0x5280  }
0x383: {  	[tilespmem:s24], [sflag:$0x1] =	stream.indirect_vreg.gather [hbm4b:s5+s3], $0x80, v57, vm0, $0xb8;
	[tilespmem:$0x1E400] =	vst v63  }
0x384: {  	v62 =	vperm.xlane v17, v10;
	v61 =	vadd.s32 v3, v60;
	s24 =	simm.s32 $0x5300  }
0x385: {  	[tilespmem:s24], [sflag:$0x1] =	stream.indirect_vreg.gather [hbm4b:s5+s3], $0x80, v18, vm0, $0xb8;
	[tilespmem:$0x1E400] =	vst v63  }
0x386: {  	v63 =	vperm.xlane v17, v11;
	v18 =	vadd.s32 v3, v62;
	s24 =	simm.s32 $0x5380  }
0x387: {  	[tilespmem:s24], [sflag:$0x1] =	stream.indirect_vreg.gather [hbm4b:s5+s3], $0x80, v19, vm0, $0xb8;
	[tilespmem:$0x1E400] =	vst v63  }
0x388: {  	v24 =	vperm.xlane v17, v12;
	v19 =	vadd.s32 v3, v63;
	s24 =	simm.s32 $0x5400  }
0x389: {  	[tilespmem:s24], [sflag:$0x1] =	stream.indirect_vreg.gather [hbm4b:s5+s3], $0x80, v61, vm0, $0xb8;
	[tilespmem:$0x1E400] =	vst v63  }
0x38a: {  	v26 =	vperm.xlane v17, v13;
	v25 =	vadd.s32 v3, v24;
	s24 =	simm.s32 $0x5480  }
0x38b: {  	[tilespmem:s24], [sflag:$0x1] =	stream.indirect_vreg.gather [hbm4b:s5+s3], $0x80, v18, vm0, $0xb8;
	[tilespmem:$0x1E400] =	vst v63  }
0x38c: {  	v27 =	vperm.xlane v17, v14;
	v18 =	vadd.s32 v3, v26;
	s24 =	simm.s32 $0x5500  }
0x38d: {  	[tilespmem:s24], [sflag:$0x1] =	stream.indirect_vreg.gather [hbm4b:s5+s3], $0x80, v19, vm0, $0xb8;
	[tilespmem:$0x1E400] =	vst v63  }
0x38e: {  	v28 =	vperm.xlane v17, v15;
	v19 =	vadd.s32 v3, v27;
	s24 =	simm.s32 $0x5580  }
0x38f: {  	[tilespmem:s24], [sflag:$0x1] =	stream.indirect_vreg.gather [hbm4b:s5+s3], $0x80, v25, vm0, $0xb8;
	[tilespmem:$0x1E400] =	vst v63  }
0x390: {  	v17 =	vperm.xlane v17, v16;
	v29 =	vadd.s32 v3, v28;
	s24 =	simm.s32 $0x5600  }
0x391: {  	[tilespmem:s24], [sflag:$0x1] =	stream.indirect_vreg.gather [hbm4b:s5+s3], $0x80, v18, vm0, $0xb8;
	[tilespmem:$0x1E400] =	vst v63  }
0x392: {  	v17 =	vadd.s32 v3, v17;
	s24 =	simm.s32 $0x5680  }
0x393: {  	[tilespmem:s24], [sflag:$0x1] =	stream.indirect_vreg.gather [hbm4b:s5+s3], $0x80, v19, vm0, $0xb8;
	[tilespmem:$0x1E400] =	vst v63  }
0x394: {  	s24 =	simm.s32 $0x5700  }
0x395: {  	[tilespmem:s24], [sflag:$0x1] =	stream.indirect_vreg.gather [hbm4b:s5+s3], $0x80, v29, vm0, $0xb8;
	[tilespmem:$0x1E400] =	vst v63  }
0x396: {  	s24 =	simm.s32 $0x5780  }
0x397: {  	[tilespmem:s24], [sflag:$0x1] =	stream.indirect_vreg.gather [hbm4b:s5+s3], $0x80, v17, vm0, $0xb8;
	[tilespmem:$0x1E400] =	vst v63  }
0x398: {  	v17 =	vld [tilespmem:s23+$0x160];
	_ =	sdelay $0x4  }
0x399: {  	v18 =	vshll.u32 v17, $0x1  }
0x39a: {  	v17 =	vand.u32 $0x7, v17;
	v18 =	vand.u32 $0xFFFFFFF0, v18  }
0x39b: {  	v17 =	vor.u32 v17, v18  }
0x39c: {  	v18 =	vperm.xlane v17, v2;
	_ =	sdelay $0x1  }
0x39d: {  	v19 =	vperm.xlane v17, v1;
	v18 =	vadd.s32 v3, v18;
	_ =	sdelay $0x1  }
0x39e: {  	v30 =	vperm.xlane v17, v4;
	v19 =	vadd.s32 v3, v19;
	_ =	sdelay $0x1  }
0x39f: {  	s24 =	simm.s32 $0x5800;
	v31 =	vperm.xlane v17, v5;
	v20 =	vadd.s32 v3, v30  }
0x3a0: {  	[tilespmem:s24], [sflag:$0x1] =	stream.indirect_vreg.gather [hbm4b:s5+s3], $0x80, v18, vm0, $0xb8;
	[tilespmem:$0x1E400] =	vst v63  }
0x3a1: {  	v32 =	vperm.xlane v17, v6;
	v18 =	vadd.s32 v3, v31;
	s24 =	simm.s32 $0x5880  }
0x3a2: {  	[tilespmem:s24], [sflag:$0x1] =	stream.indirect_vreg.gather [hbm4b:s5+s3], $0x80, v19, vm0, $0xb8;
	[tilespmem:$0x1E400] =	vst v63  }
0x3a3: {  	v33 =	vperm.xlane v17, v7;
	v19 =	vadd.s32 v3, v32;
	s24 =	simm.s32 $0x5900  }
0x3a4: {  	[tilespmem:s24], [sflag:$0x1] =	stream.indirect_vreg.gather [hbm4b:s5+s3], $0x80, v20, vm0, $0xb8;
	[tilespmem:$0x1E400] =	vst v63  }
0x3a5: {  	v35 =	vperm.xlane v17, v8;
	v34 =	vadd.s32 v3, v33;
	s24 =	simm.s32 $0x5980  }
0x3a6: {  	[tilespmem:s24], [sflag:$0x1] =	stream.indirect_vreg.gather [hbm4b:s5+s3], $0x80, v18, vm0, $0xb8;
	[tilespmem:$0x1E400] =	vst v63  }
0x3a7: {  	v36 =	vperm.xlane v17, v0;
	v18 =	vadd.s32 v3, v35;
	s24 =	simm.s32 $0x5A00  }
0x3a8: {  	[tilespmem:s24], [sflag:$0x1] =	stream.indirect_vreg.gather [hbm4b:s5+s3], $0x80, v19, vm0, $0xb8;
	[tilespmem:$0x1E400] =	vst v63  }
0x3a9: {  	v37 =	vperm.xlane v17, v9;
	v19 =	vadd.s32 v3, v36;
	s24 =	simm.s32 $0x5A80  }
0x3aa: {  	[tilespmem:s24], [sflag:$0x1] =	stream.indirect_vreg.gather [hbm4b:s5+s3], $0x80, v34, vm0, $0xb8;
	[tilespmem:$0x1E400] =	vst v63  }
0x3ab: {  	v39 =	vperm.xlane v17, v10;
	v38 =	vadd.s32 v3, v37;
	s24 =	simm.s32 $0x5B00  }
0x3ac: {  	[tilespmem:s24], [sflag:$0x1] =	stream.indirect_vreg.gather [hbm4b:s5+s3], $0x80, v18, vm0, $0xb8;
	[tilespmem:$0x1E400] =	vst v63  }
0x3ad: {  	v40 =	vperm.xlane v17, v11;
	v18 =	vadd.s32 v3, v39;
	s24 =	simm.s32 $0x5B80  }
0x3ae: {  	[tilespmem:s24], [sflag:$0x1] =	stream.indirect_vreg.gather [hbm4b:s5+s3], $0x80, v19, vm0, $0xb8;
	[tilespmem:$0x1E400] =	vst v63  }
0x3af: {  	v41 =	vperm.xlane v17, v12;
	v19 =	vadd.s32 v3, v40;
	s24 =	simm.s32 $0x5C00  }
0x3b0: {  	[tilespmem:s24], [sflag:$0x1] =	stream.indirect_vreg.gather [hbm4b:s5+s3], $0x80, v38, vm0, $0xb8;
	[tilespmem:$0x1E400] =	vst v63  }
0x3b1: {  	v43 =	vperm.xlane v17, v13;
	v42 =	vadd.s32 v3, v41;
	s24 =	simm.s32 $0x5C80  }
0x3b2: {  	[tilespmem:s24], [sflag:$0x1] =	stream.indirect_vreg.gather [hbm4b:s5+s3], $0x80, v18, vm0, $0xb8;
	[tilespmem:$0x1E400] =	vst v63  }
0x3b3: {  	v44 =	vperm.xlane v17, v14;
	v18 =	vadd.s32 v3, v43;
	s24 =	simm.s32 $0x5D00  }
0x3b4: {  	[tilespmem:s24], [sflag:$0x1] =	stream.indirect_vreg.gather [hbm4b:s5+s3], $0x80, v19, vm0, $0xb8;
	[tilespmem:$0x1E400] =	vst v63  }
0x3b5: {  	v45 =	vperm.xlane v17, v15;
	v19 =	vadd.s32 v3, v44;
	s24 =	simm.s32 $0x5D80  }
0x3b6: {  	[tilespmem:s24], [sflag:$0x1] =	stream.indirect_vreg.gather [hbm4b:s5+s3], $0x80, v42, vm0, $0xb8;
	[tilespmem:$0x1E400] =	vst v63  }
0x3b7: {  	v17 =	vperm.xlane v17, v16;
	v46 =	vadd.s32 v3, v45;
	s24 =	simm.s32 $0x5E00  }
0x3b8: {  	[tilespmem:s24], [sflag:$0x1] =	stream.indirect_vreg.gather [hbm4b:s5+s3], $0x80, v18, vm0, $0xb8;
	[tilespmem:$0x1E400] =	vst v63  }
0x3b9: {  	v17 =	vadd.s32 v3, v17  }
0x3ba: {  	[tilespmem:s10], [sflag:$0x1] =	stream.indirect_vreg.gather [hbm4b:s5+s3], $0x80, v19, vm0, $0xb8;
	[tilespmem:$0x1E400] =	vst v63  }
0x3bb: {  	_ = 	snop  }
0x3bc: {  	[tilespmem:s11], [sflag:$0x1] =	stream.indirect_vreg.gather [hbm4b:s5+s3], $0x80, v46, vm0, $0xb8;
	[tilespmem:$0x1E400] =	vst v63  }
0x3bd: {  	_ = 	snop  }
0x3be: {  	[tilespmem:s12], [sflag:$0x1] =	stream.indirect_vreg.gather [hbm4b:s5+s3], $0x80, v17, vm0, $0xb8;
	[tilespmem:$0x1E400] =	vst v63  }
0x3bf: {  	v17 =	vld [tilespmem:s23+$0x170];
	_ =	sdelay $0x4  }
0x3c0: {  	v18 =	vshll.u32 v17, $0x1  }
0x3c1: {  	v17 =	vand.u32 $0x7, v17;
	v18 =	vand.u32 $0xFFFFFFF0, v18  }
0x3c2: {  	v17 =	vor.u32 v17, v18  }
0x3c3: {  	v18 =	vperm.xlane v17, v2;
	_ =	sdelay $0x1  }
0x3c4: {  	v19 =	vperm.xlane v17, v1;
	v18 =	vadd.s32 v3, v18;
	_ =	sdelay $0x1  }
0x3c5: {  	v47 =	vperm.xlane v17, v4;
	v19 =	vadd.s32 v3, v19;
	_ =	sdelay $0x1  }
0x3c6: {  	v48 =	vperm.xlane v17, v5;
	v20 =	vadd.s32 v3, v47  }
0x3c7: {  	[tilespmem:s13], [sflag:$0x1] =	stream.indirect_vreg.gather [hbm4b:s5+s3], $0x80, v18, vm0, $0xb8;
	[tilespmem:$0x1E400] =	vst v63  }
0x3c8: {  	v49 =	vperm.xlane v17, v6;
	v18 =	vadd.s32 v3, v48  }
0x3c9: {  	[tilespmem:s15], [sflag:$0x1] =	stream.indirect_vreg.gather [hbm4b:s5+s3], $0x80, v19, vm0, $0xb8;
	[tilespmem:$0x1E400] =	vst v63  }
0x3ca: {  	v50 =	vperm.xlane v17, v7;
	v19 =	vadd.s32 v3, v49  }
0x3cb: {  	[tilespmem:s25], [sflag:$0x1] =	stream.indirect_vreg.gather [hbm4b:s5+s3], $0x80, v20, vm0, $0xb8;
	[tilespmem:$0x1E400] =	vst v63  }
0x3cc: {  	v52 =	vperm.xlane v17, v8;
	v51 =	vadd.s32 v3, v50  }
0x3cd: {  	[tilespmem:s28], [sflag:$0x1] =	stream.indirect_vreg.gather [hbm4b:s5+s3], $0x80, v18, vm0, $0xb8;
	[tilespmem:$0x1E400] =	vst v63  }
0x3ce: {  	v53 =	vperm.xlane v17, v0;
	v18 =	vadd.s32 v3, v52  }
0x3cf: {  	[tilespmem:s26], [sflag:$0x1] =	stream.indirect_vreg.gather [hbm4b:s5+s3], $0x80, v19, vm0, $0xb8;
	[tilespmem:$0x1E400] =	vst v63  }
0x3d0: {  	v54 =	vperm.xlane v17, v9;
	v19 =	vadd.s32 v3, v53  }
0x3d1: {  	[tilespmem:s29], [sflag:$0x1] =	stream.indirect_vreg.gather [hbm4b:s5+s3], $0x80, v51, vm0, $0xb8;
	[tilespmem:$0x1E400] =	vst v63  }
0x3d2: {  	v56 =	vperm.xlane v17, v10;
	v55 =	vadd.s32 v3, v54  }
0x3d3: {  	[tilespmem:s30], [sflag:$0x1] =	stream.indirect_vreg.gather [hbm4b:s5+s3], $0x80, v18, vm0, $0xb8;
	[tilespmem:$0x1E400] =	vst v63  }
0x3d4: {  	v57 =	vperm.xlane v17, v11;
	v18 =	vadd.s32 v3, v56  }
0x3d5: {  	[tilespmem:s31], [sflag:$0x1] =	stream.indirect_vreg.gather [hbm4b:s5+s3], $0x80, v19, vm0, $0xb8;
	[tilespmem:$0x1E400] =	vst v63  }
0x3d6: {  	v58 =	vperm.xlane v17, v12;
	v19 =	vadd.s32 v3, v57  }
0x3d7: {  	[tilespmem:s0], [sflag:$0x1] =	stream.indirect_vreg.gather [hbm4b:s5+s3], $0x80, v55, vm0, $0xb8;
	[tilespmem:$0x1E400] =	vst v63  }
0x3d8: {  	v60 =	vperm.xlane v17, v13;
	v59 =	vadd.s32 v3, v58  }
0x3d9: {  	[tilespmem:s1], [sflag:$0x1] =	stream.indirect_vreg.gather [hbm4b:s5+s3], $0x80, v18, vm0, $0xb8;
	[tilespmem:$0x1E400] =	vst v63  }
0x3da: {  	v61 =	vperm.xlane v17, v14;
	v18 =	vadd.s32 v3, v60  }
0x3db: {  	[tilespmem:s17], [sflag:$0x1] =	stream.indirect_vreg.gather [hbm4b:s5+s3], $0x80, v19, vm0, $0xb8;
	[tilespmem:$0x1E400] =	vst v63  }
0x3dc: {  	v62 =	vperm.xlane v17, v15;
	v19 =	vadd.s32 v3, v61  }
0x3dd: {  	[tilespmem:s4], [sflag:$0x1] =	stream.indirect_vreg.gather [hbm4b:s5+s3], $0x80, v59, vm0, $0xb8;
	[tilespmem:$0x1E400] =	vst v63  }
0x3de: {  	v17 =	vperm.xlane v17, v16;
	v63 =	vadd.s32 v3, v62  }
0x3df: {  	[tilespmem:s6], [sflag:$0x1] =	stream.indirect_vreg.gather [hbm4b:s5+s3], $0x80, v18, vm0, $0xb8;
	[tilespmem:$0x1E400] =	vst v63  }
0x3e0: {  	v17 =	vadd.s32 v3, v17  }
0x3e1: {  	[tilespmem:s7], [sflag:$0x1] =	stream.indirect_vreg.gather [hbm4b:s5+s3], $0x80, v19, vm0, $0xb8;
	[tilespmem:$0x1E400] =	vst v63  }
0x3e2: {  	_ = 	snop  }
0x3e3: {  	[tilespmem:s8], [sflag:$0x1] =	stream.indirect_vreg.gather [hbm4b:s5+s3], $0x80, v63, vm0, $0xb8;
	[tilespmem:$0x1E400] =	vst v63  }
0x3e4: {  	_ = 	snop  }
0x3e5: {  	[tilespmem:s9], [sflag:$0x1] =	stream.indirect_vreg.gather [hbm4b:s5+s3], $0x80, v17, vm0, $0xb8;
	[tilespmem:$0x1E400] =	vst v63  }
0x3e6: {  	_ =	swait.ge [sflag:s21], $0x4000  }
0x3e7: {  	p1 =	sne.s32 s22, $0x4800;
	[sflag:s21] =	ssyncset.done $0x0  }
.Ltmp0:
0x3e8: {  	s23 =	sadd.s32 $0x1480, s23;
	[sflag:s21] =	ssyncadd.s32 $0xFFFFC000;
	(pc) =	sbr.rel @p1 .LBB2_2-.Ltmp0, $4  }
0x3e9: {  	[spmem:s2] =	stream.indirect.scatter.add.f32 [tilespmem:s14], [sflag:$0x3], $0x80, s23, s20, $0xb8;
	[tilespmem:$0x1E400] =	vst v63  }
0x3ea: {  	_ =	swait.ge [sflag:s16], $0x4000  }
0x3eb: {  	[sflag:s16] =	ssyncset.done $0x0  }
0x3ec: {  	s22 =	sadd.s32 $0x400, s22;
	[sflag:s16] =	ssyncadd.s32 $0xFFFFC000  }
0x3ed: {  	v17 =	vld [tilespmem:$0x1380];
	_ =	sdelay $0x4  }
0x3ee: {  	v18 =	vshll.u32 v17, $0x1  }
0x3ef: {  	v17 =	vand.u32 $0x7, v17;
	v18 =	vand.u32 $0xFFFFFFF0, v18  }
0x3f0: {  	v17 =	vor.u32 v17, v18  }
0x3f1: {  	v18 =	vperm.xlane v17, v2;
	_ =	sdelay $0x1  }
0x3f2: {  	v19 =	vperm.xlane v17, v1;
	v18 =	vadd.s32 v3, v18;
	_ =	sdelay $0x1  }
0x3f3: {  	v20 =	vperm.xlane v17, v4;
	v19 =	vadd.s32 v3, v19;
	_ =	sdelay $0x1  }
0x3f4: {  	s22 =	simm.s32 $0x0;
	v21 =	vperm.xlane v17, v5;
	v20 =	vadd.s32 v3, v20  }
0x3f5: {  	[tilespmem:s14], [sflag:$0x2] =	stream.indirect_vreg.gather [hbm4b:s5+s22], $0x80, v18, vm0, $0xb8;
	[tilespmem:$0x1E400] =	vst v63  }
0x3f6: {  	s23 =	simm.s32 $0x6880;
	v34 =	vperm.xlane v17, v6;
	v18 =	vadd.s32 v3, v21  }
0x3f7: {  	[tilespmem:s23], [sflag:$0x2] =	stream.indirect_vreg.gather [hbm4b:s5+s22], $0x80, v19, vm0, $0xb8;
	[tilespmem:$0x1E400] =	vst v63  }
0x3f8: {  	s24 =	simm.s32 $0x6900;
	v35 =	vperm.xlane v17, v7;
	v19 =	vadd.s32 v3, v34  }
0x3f9: {  	[tilespmem:s24], [sflag:$0x2] =	stream.indirect_vreg.gather [hbm4b:s5+s22], $0x80, v20, vm0, $0xb8;
	[tilespmem:$0x1E400] =	vst v63  }
0x3fa: {  	v37 =	vperm.xlane v17, v8;
	v36 =	vadd.s32 v3, v35;
	s24 =	simm.s32 $0x6980  }
0x3fb: {  	[tilespmem:s24], [sflag:$0x2] =	stream.indirect_vreg.gather [hbm4b:s5+s22], $0x80, v18, vm0, $0xb8;
	[tilespmem:$0x1E400] =	vst v63  }
0x3fc: {  	v38 =	vperm.xlane v17, v0;
	v18 =	vadd.s32 v3, v37;
	s24 =	simm.s32 $0x6A00  }
0x3fd: {  	[tilespmem:s24], [sflag:$0x2] =	stream.indirect_vreg.gather [hbm4b:s5+s22], $0x80, v19, vm0, $0xb8;
	[tilespmem:$0x1E400] =	vst v63  }
0x3fe: {  	v39 =	vperm.xlane v17, v9;
	v19 =	vadd.s32 v3, v38;
	s24 =	simm.s32 $0x6A80  }
0x3ff: {  	[tilespmem:s24], [sflag:$0x2] =	stream.indirect_vreg.gather [hbm4b:s5+s22], $0x80, v36, vm0, $0xb8;
	[tilespmem:$0x1E400] =	vst v63  }
0x400: {  	v41 =	vperm.xlane v17, v10;
	v40 =	vadd.s32 v3, v39;
	s24 =	simm.s32 $0x6B00  }
0x401: {  	[tilespmem:s24], [sflag:$0x2] =	stream.indirect_vreg.gather [hbm4b:s5+s22], $0x80, v18, vm0, $0xb8;
	[tilespmem:$0x1E400] =	vst v63  }
0x402: {  	v42 =	vperm.xlane v17, v11;
	v18 =	vadd.s32 v3, v41;
	s24 =	simm.s32 $0x6B80  }
0x403: {  	[tilespmem:s24], [sflag:$0x2] =	stream.indirect_vreg.gather [hbm4b:s5+s22], $0x80, v19, vm0, $0xb8;
	[tilespmem:$0x1E400] =	vst v63  }
0x404: {  	v43 =	vperm.xlane v17, v12;
	v19 =	vadd.s32 v3, v42;
	s24 =	simm.s32 $0x6C00  }
0x405: {  	[tilespmem:s24], [sflag:$0x2] =	stream.indirect_vreg.gather [hbm4b:s5+s22], $0x80, v40, vm0, $0xb8;
	[tilespmem:$0x1E400] =	vst v63  }
0x406: {  	v45 =	vperm.xlane v17, v13;
	v44 =	vadd.s32 v3, v43;
	s24 =	simm.s32 $0x6C80  }
0x407: {  	[tilespmem:s24], [sflag:$0x2] =	stream.indirect_vreg.gather [hbm4b:s5+s22], $0x80, v18, vm0, $0xb8;
	[tilespmem:$0x1E400] =	vst v63  }
0x408: {  	v46 =	vperm.xlane v17, v14;
	v18 =	vadd.s32 v3, v45;
	s24 =	simm.s32 $0x6D00  }
0x409: {  	[tilespmem:s24], [sflag:$0x2] =	stream.indirect_vreg.gather [hbm4b:s5+s22], $0x80, v19, vm0, $0xb8;
	[tilespmem:$0x1E400] =	vst v63  }
0x40a: {  	v47 =	vperm.xlane v17, v15;
	v19 =	vadd.s32 v3, v46;
	s24 =	simm.s32 $0x6D80  }
0x40b: {  	[tilespmem:s24], [sflag:$0x2] =	stream.indirect_vreg.gather [hbm4b:s5+s22], $0x80, v44, vm0, $0xb8;
	[tilespmem:$0x1E400] =	vst v63  }
0x40c: {  	v17 =	vperm.xlane v17, v16;
	v48 =	vadd.s32 v3, v47;
	s24 =	simm.s32 $0x6E00  }
0x40d: {  	[tilespmem:s24], [sflag:$0x2] =	stream.indirect_vreg.gather [hbm4b:s5+s22], $0x80, v18, vm0, $0xb8;
	[tilespmem:$0x1E400] =	vst v63  }
0x40e: {  	v17 =	vadd.s32 v3, v17;
	s24 =	simm.s32 $0x6E80  }
0x40f: {  	[tilespmem:s24], [sflag:$0x2] =	stream.indirect_vreg.gather [hbm4b:s5+s22], $0x80, v19, vm0, $0xb8;
	[tilespmem:$0x1E400] =	vst v63  }
0x410: {  	s24 =	simm.s32 $0x6F00  }
0x411: {  	[tilespmem:s24], [sflag:$0x2] =	stream.indirect_vreg.gather [hbm4b:s5+s22], $0x80, v48, vm0, $0xb8;
	[tilespmem:$0x1E400] =	vst v63  }
0x412: {  	s24 =	simm.s32 $0x6F80  }
0x413: {  	[tilespmem:s24], [sflag:$0x2] =	stream.indirect_vreg.gather [hbm4b:s5+s22], $0x80, v17, vm0, $0xb8;
	[tilespmem:$0x1E400] =	vst v63  }
0x414: {  	v17 =	vld [tilespmem:$0x1390];
	_ =	sdelay $0x4  }
0x415: {  	v18 =	vshll.u32 v17, $0x1  }
0x416: {  	v17 =	vand.u32 $0x7, v17;
	v18 =	vand.u32 $0xFFFFFFF0, v18  }
0x417: {  	v17 =	vor.u32 v17, v18  }
0x418: {  	v18 =	vperm.xlane v17, v2;
	_ =	sdelay $0x1  }
0x419: {  	v19 =	vperm.xlane v17, v1;
	v18 =	vadd.s32 v3, v18;
	_ =	sdelay $0x1  }
0x41a: {  	v49 =	vperm.xlane v17, v4;
	v19 =	vadd.s32 v3, v19;
	_ =	sdelay $0x1  }
0x41b: {  	s24 =	simm.s32 $0x7000;
	v50 =	vperm.xlane v17, v5;
	v20 =	vadd.s32 v3, v49  }
0x41c: {  	[tilespmem:s24], [sflag:$0x2] =	stream.indirect_vreg.gather [hbm4b:s5+s22], $0x80, v18, vm0, $0xb8;
	[tilespmem:$0x1E400] =	vst v63  }
0x41d: {  	v51 =	vperm.xlane v17, v6;
	v18 =	vadd.s32 v3, v50;
	s24 =	simm.s32 $0x7080  }
0x41e: {  	[tilespmem:s24], [sflag:$0x2] =	stream.indirect_vreg.gather [hbm4b:s5+s22], $0x80, v19, vm0, $0xb8;
	[tilespmem:$0x1E400] =	vst v63  }
0x41f: {  	v52 =	vperm.xlane v17, v7;
	v19 =	vadd.s32 v3, v51;
	s24 =	simm.s32 $0x7100  }
0x420: {  	[tilespmem:s24], [sflag:$0x2] =	stream.indirect_vreg.gather [hbm4b:s5+s22], $0x80, v20, vm0, $0xb8;
	[tilespmem:$0x1E400] =	vst v63  }
0x421: {  	v54 =	vperm.xlane v17, v8;
	v53 =	vadd.s32 v3, v52;
	s24 =	simm.s32 $0x7180  }
0x422: {  	[tilespmem:s24], [sflag:$0x2] =	stream.indirect_vreg.gather [hbm4b:s5+s22], $0x80, v18, vm0, $0xb8;
	[tilespmem:$0x1E400] =	vst v63  }
0x423: {  	v55 =	vperm.xlane v17, v0;
	v18 =	vadd.s32 v3, v54;
	s24 =	simm.s32 $0x7200  }
0x424: {  	[tilespmem:s24], [sflag:$0x2] =	stream.indirect_vreg.gather [hbm4b:s5+s22], $0x80, v19, vm0, $0xb8;
	[tilespmem:$0x1E400] =	vst v63  }
0x425: {  	v56 =	vperm.xlane v17, v9;
	v19 =	vadd.s32 v3, v55;
	s24 =	simm.s32 $0x7280  }
0x426: {  	[tilespmem:s24], [sflag:$0x2] =	stream.indirect_vreg.gather [hbm4b:s5+s22], $0x80, v53, vm0, $0xb8;
	[tilespmem:$0x1E400] =	vst v63  }
0x427: {  	v58 =	vperm.xlane v17, v10;
	v57 =	vadd.s32 v3, v56;
	s24 =	simm.s32 $0x7300  }
0x428: {  	[tilespmem:s24], [sflag:$0x2] =	stream.indirect_vreg.gather [hbm4b:s5+s22], $0x80, v18, vm0, $0xb8;
	[tilespmem:$0x1E400] =	vst v63  }
0x429: {  	v59 =	vperm.xlane v17, v11;
	v18 =	vadd.s32 v3, v58;
	s24 =	simm.s32 $0x7380  }
0x42a: {  	[tilespmem:s24], [sflag:$0x2] =	stream.indirect_vreg.gather [hbm4b:s5+s22], $0x80, v19, vm0, $0xb8;
	[tilespmem:$0x1E400] =	vst v63  }
0x42b: {  	v60 =	vperm.xlane v17, v12;
	v19 =	vadd.s32 v3, v59;
	s24 =	simm.s32 $0x7400  }
0x42c: {  	[tilespmem:s24], [sflag:$0x2] =	stream.indirect_vreg.gather [hbm4b:s5+s22], $0x80, v57, vm0, $0xb8;
	[tilespmem:$0x1E400] =	vst v63  }
0x42d: {  	v62 =	vperm.xlane v17, v13;
	v61 =	vadd.s32 v3, v60;
	s24 =	simm.s32 $0x7480  }
0x42e: {  	[tilespmem:s24], [sflag:$0x2] =	stream.indirect_vreg.gather [hbm4b:s5+s22], $0x80, v18, vm0, $0xb8;
	[tilespmem:$0x1E400] =	vst v63  }
0x42f: {  	v63 =	vperm.xlane v17, v14;
	v18 =	vadd.s32 v3, v62;
	s24 =	simm.s32 $0x7500  }
0x430: {  	[tilespmem:s24], [sflag:$0x2] =	stream.indirect_vreg.gather [hbm4b:s5+s22], $0x80, v19, vm0, $0xb8;
	[tilespmem:$0x1E400] =	vst v63  }
0x431: {  	v24 =	vperm.xlane v17, v15;
	v19 =	vadd.s32 v3, v63;
	s24 =	simm.s32 $0x7580  }
0x432: {  	[tilespmem:s24], [sflag:$0x2] =	stream.indirect_vreg.gather [hbm4b:s5+s22], $0x80, v61, vm0, $0xb8;
	[tilespmem:$0x1E400] =	vst v63  }
0x433: {  	v17 =	vperm.xlane v17, v16;
	v25 =	vadd.s32 v3, v24;
	s24 =	simm.s32 $0x7600  }
0x434: {  	[tilespmem:s24], [sflag:$0x2] =	stream.indirect_vreg.gather [hbm4b:s5+s22], $0x80, v18, vm0, $0xb8;
	[tilespmem:$0x1E400] =	vst v63  }
0x435: {  	v17 =	vadd.s32 v3, v17;
	s24 =	simm.s32 $0x7680  }
0x436: {  	[tilespmem:s24], [sflag:$0x2] =	stream.indirect_vreg.gather [hbm4b:s5+s22], $0x80, v19, vm0, $0xb8;
	[tilespmem:$0x1E400] =	vst v63  }
0x437: {  	s24 =	simm.s32 $0x7700  }
0x438: {  	[tilespmem:s24], [sflag:$0x2] =	stream.indirect_vreg.gather [hbm4b:s5+s22], $0x80, v25, vm0, $0xb8;
	[tilespmem:$0x1E400] =	vst v63  }
0x439: {  	s24 =	simm.s32 $0x7780  }
0x43a: {  	[tilespmem:s24], [sflag:$0x2] =	stream.indirect_vreg.gather [hbm4b:s5+s22], $0x80, v17, vm0, $0xb8;
	[tilespmem:$0x1E400] =	vst v63  }
0x43b: {  	v17 =	vld [tilespmem:$0x13A0];
	_ =	sdelay $0x4  }
0x43c: {  	v18 =	vshll.u32 v17, $0x1  }
0x43d: {  	v17 =	vand.u32 $0x7, v17;
	v18 =	vand.u32 $0xFFFFFFF0, v18  }
0x43e: {  	v17 =	vor.u32 v17, v18  }
0x43f: {  	v18 =	vperm.xlane v17, v2;
	_ =	sdelay $0x1  }
0x440: {  	v19 =	vperm.xlane v17, v1;
	v18 =	vadd.s32 v3, v18;
	_ =	sdelay $0x1  }
0x441: {  	v26 =	vperm.xlane v17, v4;
	v19 =	vadd.s32 v3, v19;
	_ =	sdelay $0x1  }
0x442: {  	s24 =	simm.s32 $0x7800;
	v27 =	vperm.xlane v17, v5;
	v20 =	vadd.s32 v3, v26  }
0x443: {  	[tilespmem:s24], [sflag:$0x2] =	stream.indirect_vreg.gather [hbm4b:s5+s22], $0x80, v18, vm0, $0xb8;
	[tilespmem:$0x1E400] =	vst v63  }
0x444: {  	v28 =	vperm.xlane v17, v6;
	v18 =	vadd.s32 v3, v27;
	s24 =	simm.s32 $0x7880  }
0x445: {  	[tilespmem:s24], [sflag:$0x2] =	stream.indirect_vreg.gather [hbm4b:s5+s22], $0x80, v19, vm0, $0xb8;
	[tilespmem:$0x1E400] =	vst v63  }
0x446: {  	v29 =	vperm.xlane v17, v7;
	v19 =	vadd.s32 v3, v28;
	s24 =	simm.s32 $0x7900  }
0x447: {  	[tilespmem:s24], [sflag:$0x2] =	stream.indirect_vreg.gather [hbm4b:s5+s22], $0x80, v20, vm0, $0xb8;
	[tilespmem:$0x1E400] =	vst v63  }
0x448: {  	v31 =	vperm.xlane v17, v8;
	v30 =	vadd.s32 v3, v29;
	s24 =	simm.s32 $0x7980  }
0x449: {  	[tilespmem:s24], [sflag:$0x2] =	stream.indirect_vreg.gather [hbm4b:s5+s22], $0x80, v18, vm0, $0xb8;
	[tilespmem:$0x1E400] =	vst v63  }
0x44a: {  	v32 =	vperm.xlane v17, v0;
	v18 =	vadd.s32 v3, v31;
	s24 =	simm.s32 $0x7A00  }
0x44b: {  	[tilespmem:s24], [sflag:$0x2] =	stream.indirect_vreg.gather [hbm4b:s5+s22], $0x80, v19, vm0, $0xb8;
	[tilespmem:$0x1E400] =	vst v63  }
0x44c: {  	v33 =	vperm.xlane v17, v9;
	v19 =	vadd.s32 v3, v32;
	s24 =	simm.s32 $0x7A80  }
0x44d: {  	[tilespmem:s24], [sflag:$0x2] =	stream.indirect_vreg.gather [hbm4b:s5+s22], $0x80, v30, vm0, $0xb8;
	[tilespmem:$0x1E400] =	vst v63  }
0x44e: {  	v35 =	vperm.xlane v17, v10;
	v34 =	vadd.s32 v3, v33;
	s24 =	simm.s32 $0x7B00  }
0x44f: {  	[tilespmem:s24], [sflag:$0x2] =	stream.indirect_vreg.gather [hbm4b:s5+s22], $0x80, v18, vm0, $0xb8;
	[tilespmem:$0x1E400] =	vst v63  }
0x450: {  	v36 =	vperm.xlane v17, v11;
	v18 =	vadd.s32 v3, v35;
	s24 =	simm.s32 $0x7B80  }
0x451: {  	[tilespmem:s24], [sflag:$0x2] =	stream.indirect_vreg.gather [hbm4b:s5+s22], $0x80, v19, vm0, $0xb8;
	[tilespmem:$0x1E400] =	vst v63  }
0x452: {  	v37 =	vperm.xlane v17, v12;
	v19 =	vadd.s32 v3, v36;
	s24 =	simm.s32 $0x7C00  }
0x453: {  	[tilespmem:s24], [sflag:$0x2] =	stream.indirect_vreg.gather [hbm4b:s5+s22], $0x80, v34, vm0, $0xb8;
	[tilespmem:$0x1E400] =	vst v63  }
0x454: {  	v39 =	vperm.xlane v17, v13;
	v38 =	vadd.s32 v3, v37;
	s24 =	simm.s32 $0x7C80  }
0x455: {  	[tilespmem:s24], [sflag:$0x2] =	stream.indirect_vreg.gather [hbm4b:s5+s22], $0x80, v18, vm0, $0xb8;
	[tilespmem:$0x1E400] =	vst v63  }
0x456: {  	v40 =	vperm.xlane v17, v14;
	v18 =	vadd.s32 v3, v39;
	s24 =	simm.s32 $0x7D00  }
0x457: {  	[tilespmem:s24], [sflag:$0x2] =	stream.indirect_vreg.gather [hbm4b:s5+s22], $0x80, v19, vm0, $0xb8;
	[tilespmem:$0x1E400] =	vst v63  }
0x458: {  	v41 =	vperm.xlane v17, v15;
	v19 =	vadd.s32 v3, v40;
	s24 =	simm.s32 $0x7D80  }
0x459: {  	[tilespmem:s24], [sflag:$0x2] =	stream.indirect_vreg.gather [hbm4b:s5+s22], $0x80, v38, vm0, $0xb8;
	[tilespmem:$0x1E400] =	vst v63  }
0x45a: {  	v17 =	vperm.xlane v17, v16;
	v42 =	vadd.s32 v3, v41;
	s24 =	simm.s32 $0x7E00  }
0x45b: {  	[tilespmem:s24], [sflag:$0x2] =	stream.indirect_vreg.gather [hbm4b:s5+s22], $0x80, v18, vm0, $0xb8;
	[tilespmem:$0x1E400] =	vst v63  }
0x45c: {  	v17 =	vadd.s32 v3, v17;
	s24 =	simm.s32 $0x7E80  }
0x45d: {  	[tilespmem:s24], [sflag:$0x2] =	stream.indirect_vreg.gather [hbm4b:s5+s22], $0x80, v19, vm0, $0xb8;
	[tilespmem:$0x1E400] =	vst v63  }
0x45e: {  	s24 =	simm.s32 $0x7F00  }
0x45f: {  	[tilespmem:s24], [sflag:$0x2] =	stream.indirect_vreg.gather [hbm4b:s5+s22], $0x80, v42, vm0, $0xb8;
	[tilespmem:$0x1E400] =	vst v63  }
0x460: {  	s24 =	simm.s32 $0x7F80  }
0x461: {  	[tilespmem:s24], [sflag:$0x2] =	stream.indirect_vreg.gather [hbm4b:s5+s22], $0x80, v17, vm0, $0xb8;
	[tilespmem:$0x1E400] =	vst v63  }
0x462: {  	v17 =	vld [tilespmem:$0x13B0];
	_ =	sdelay $0x4  }
0x463: {  	v18 =	vshll.u32 v17, $0x1  }
0x464: {  	v17 =	vand.u32 $0x7, v17;
	v18 =	vand.u32 $0xFFFFFFF0, v18  }
0x465: {  	v17 =	vor.u32 v17, v18  }
0x466: {  	v18 =	vperm.xlane v17, v2;
	_ =	sdelay $0x1  }
0x467: {  	v19 =	vperm.xlane v17, v1;
	v18 =	vadd.s32 v3, v18;
	_ =	sdelay $0x1  }
0x468: {  	v43 =	vperm.xlane v17, v4;
	v19 =	vadd.s32 v3, v19;
	_ =	sdelay $0x1  }
0x469: {  	s24 =	simm.s32 $0x8000;
	v44 =	vperm.xlane v17, v5;
	v20 =	vadd.s32 v3, v43  }
0x46a: {  	[tilespmem:s24], [sflag:$0x2] =	stream.indirect_vreg.gather [hbm4b:s5+s22], $0x80, v18, vm0, $0xb8;
	[tilespmem:$0x1E400] =	vst v63  }
0x46b: {  	v45 =	vperm.xlane v17, v6;
	v18 =	vadd.s32 v3, v44;
	s24 =	simm.s32 $0x8080  }
0x46c: {  	[tilespmem:s24], [sflag:$0x2] =	stream.indirect_vreg.gather [hbm4b:s5+s22], $0x80, v19, vm0, $0xb8;
	[tilespmem:$0x1E400] =	vst v63  }
0x46d: {  	v46 =	vperm.xlane v17, v7;
	v19 =	vadd.s32 v3, v45;
	s24 =	simm.s32 $0x8100  }
0x46e: {  	[tilespmem:s24], [sflag:$0x2] =	stream.indirect_vreg.gather [hbm4b:s5+s22], $0x80, v20, vm0, $0xb8;
	[tilespmem:$0x1E400] =	vst v63  }
0x46f: {  	v48 =	vperm.xlane v17, v8;
	v47 =	vadd.s32 v3, v46;
	s24 =	simm.s32 $0x8180  }
0x470: {  	[tilespmem:s24], [sflag:$0x2] =	stream.indirect_vreg.gather [hbm4b:s5+s22], $0x80, v18, vm0, $0xb8;
	[tilespmem:$0x1E400] =	vst v63  }
0x471: {  	v49 =	vperm.xlane v17, v0;
	v18 =	vadd.s32 v3, v48;
	s24 =	simm.s32 $0x8200  }
0x472: {  	[tilespmem:s24], [sflag:$0x2] =	stream.indirect_vreg.gather [hbm4b:s5+s22], $0x80, v19, vm0, $0xb8;
	[tilespmem:$0x1E400] =	vst v63  }
0x473: {  	v50 =	vperm.xlane v17, v9;
	v19 =	vadd.s32 v3, v49;
	s24 =	simm.s32 $0x8280  }
0x474: {  	[tilespmem:s24], [sflag:$0x2] =	stream.indirect_vreg.gather [hbm4b:s5+s22], $0x80, v47, vm0, $0xb8;
	[tilespmem:$0x1E400] =	vst v63  }
0x475: {  	v52 =	vperm.xlane v17, v10;
	v51 =	vadd.s32 v3, v50;
	s24 =	simm.s32 $0x8300  }
0x476: {  	[tilespmem:s24], [sflag:$0x2] =	stream.indirect_vreg.gather [hbm4b:s5+s22], $0x80, v18, vm0, $0xb8;
	[tilespmem:$0x1E400] =	vst v63  }
0x477: {  	v53 =	vperm.xlane v17, v11;
	v18 =	vadd.s32 v3, v52;
	s24 =	simm.s32 $0x8380  }
0x478: {  	[tilespmem:s24], [sflag:$0x2] =	stream.indirect_vreg.gather [hbm4b:s5+s22], $0x80, v19, vm0, $0xb8;
	[tilespmem:$0x1E400] =	vst v63  }
0x479: {  	v54 =	vperm.xlane v17, v12;
	v19 =	vadd.s32 v3, v53;
	s24 =	simm.s32 $0x8400  }
0x47a: {  	[tilespmem:s24], [sflag:$0x2] =	stream.indirect_vreg.gather [hbm4b:s5+s22], $0x80, v51, vm0, $0xb8;
	[tilespmem:$0x1E400] =	vst v63  }
0x47b: {  	v56 =	vperm.xlane v17, v13;
	v55 =	vadd.s32 v3, v54;
	s24 =	simm.s32 $0x8480  }
0x47c: {  	[tilespmem:s24], [sflag:$0x2] =	stream.indirect_vreg.gather [hbm4b:s5+s22], $0x80, v18, vm0, $0xb8;
	[tilespmem:$0x1E400] =	vst v63  }
0x47d: {  	v57 =	vperm.xlane v17, v14;
	v18 =	vadd.s32 v3, v56;
	s24 =	simm.s32 $0x8500  }
0x47e: {  	[tilespmem:s24], [sflag:$0x2] =	stream.indirect_vreg.gather [hbm4b:s5+s22], $0x80, v19, vm0, $0xb8;
	[tilespmem:$0x1E400] =	vst v63  }
0x47f: {  	v58 =	vperm.xlane v17, v15;
	v19 =	vadd.s32 v3, v57;
	s24 =	simm.s32 $0x8580  }
0x480: {  	[tilespmem:s24], [sflag:$0x2] =	stream.indirect_vreg.gather [hbm4b:s5+s22], $0x80, v55, vm0, $0xb8;
	[tilespmem:$0x1E400] =	vst v63  }
0x481: {  	v17 =	vperm.xlane v17, v16;
	v59 =	vadd.s32 v3, v58;
	s24 =	simm.s32 $0x8600  }
0x482: {  	[tilespmem:s24], [sflag:$0x2] =	stream.indirect_vreg.gather [hbm4b:s5+s22], $0x80, v18, vm0, $0xb8;
	[tilespmem:$0x1E400] =	vst v63  }
0x483: {  	v17 =	vadd.s32 v3, v17;
	s24 =	simm.s32 $0x8680  }
0x484: {  	[tilespmem:s24], [sflag:$0x2] =	stream.indirect_vreg.gather [hbm4b:s5+s22], $0x80, v19, vm0, $0xb8;
	[tilespmem:$0x1E400] =	vst v63  }
0x485: {  	s24 =	simm.s32 $0x8700  }
0x486: {  	[tilespmem:s24], [sflag:$0x2] =	stream.indirect_vreg.gather [hbm4b:s5+s22], $0x80, v59, vm0, $0xb8;
	[tilespmem:$0x1E400] =	vst v63  }
0x487: {  	s24 =	simm.s32 $0x8780  }
0x488: {  	[tilespmem:s24], [sflag:$0x2] =	stream.indirect_vreg.gather [hbm4b:s5+s22], $0x80, v17, vm0, $0xb8;
	[tilespmem:$0x1E400] =	vst v63  }
0x489: {  	v17 =	vld [tilespmem:$0x13C0];
	_ =	sdelay $0x4  }
0x48a: {  	v18 =	vshll.u32 v17, $0x1  }
0x48b: {  	v17 =	vand.u32 $0x7, v17;
	v18 =	vand.u32 $0xFFFFFFF0, v18  }
0x48c: {  	v17 =	vor.u32 v17, v18  }
0x48d: {  	v18 =	vperm.xlane v17, v2;
	_ =	sdelay $0x1  }
0x48e: {  	v19 =	vperm.xlane v17, v1;
	v18 =	vadd.s32 v3, v18;
	_ =	sdelay $0x1  }
0x48f: {  	v60 =	vperm.xlane v17, v4;
	v19 =	vadd.s32 v3, v19;
	_ =	sdelay $0x1  }
0x490: {  	s24 =	simm.s32 $0x8800;
	v61 =	vperm.xlane v17, v5;
	v20 =	vadd.s32 v3, v60  }
0x491: {  	[tilespmem:s24], [sflag:$0x2] =	stream.indirect_vreg.gather [hbm4b:s5+s22], $0x80, v18, vm0, $0xb8;
	[tilespmem:$0x1E400] =	vst v63  }
0x492: {  	v62 =	vperm.xlane v17, v6;
	v18 =	vadd.s32 v3, v61;
	s24 =	simm.s32 $0x8880  }
0x493: {  	[tilespmem:s24], [sflag:$0x2] =	stream.indirect_vreg.gather [hbm4b:s5+s22], $0x80, v19, vm0, $0xb8;
	[tilespmem:$0x1E400] =	vst v63  }
0x494: {  	v63 =	vperm.xlane v17, v7;
	v19 =	vadd.s32 v3, v62;
	s24 =	simm.s32 $0x8900  }
0x495: {  	[tilespmem:s24], [sflag:$0x2] =	stream.indirect_vreg.gather [hbm4b:s5+s22], $0x80, v20, vm0, $0xb8;
	[tilespmem:$0x1E400] =	vst v63  }
0x496: {  	v25 =	vperm.xlane v17, v8;
	v24 =	vadd.s32 v3, v63;
	s24 =	simm.s32 $0x8980  }
0x497: {  	[tilespmem:s24], [sflag:$0x2] =	stream.indirect_vreg.gather [hbm4b:s5+s22], $0x80, v18, vm0, $0xb8;
	[tilespmem:$0x1E400] =	vst v63  }
0x498: {  	v26 =	vperm.xlane v17, v0;
	v18 =	vadd.s32 v3, v25;
	s24 =	simm.s32 $0x8A00  }
0x499: {  	[tilespmem:s24], [sflag:$0x2] =	stream.indirect_vreg.gather [hbm4b:s5+s22], $0x80, v19, vm0, $0xb8;
	[tilespmem:$0x1E400] =	vst v63  }
0x49a: {  	v27 =	vperm.xlane v17, v9;
	v19 =	vadd.s32 v3, v26;
	s24 =	simm.s32 $0x8A80  }
0x49b: {  	[tilespmem:s24], [sflag:$0x2] =	stream.indirect_vreg.gather [hbm4b:s5+s22], $0x80, v24, vm0, $0xb8;
	[tilespmem:$0x1E400] =	vst v63  }
0x49c: {  	v29 =	vperm.xlane v17, v10;
	v28 =	vadd.s32 v3, v27;
	s24 =	simm.s32 $0x8B00  }
0x49d: {  	[tilespmem:s24], [sflag:$0x2] =	stream.indirect_vreg.gather [hbm4b:s5+s22], $0x80, v18, vm0, $0xb8;
	[tilespmem:$0x1E400] =	vst v63  }
0x49e: {  	v30 =	vperm.xlane v17, v11;
	v18 =	vadd.s32 v3, v29;
	s24 =	simm.s32 $0x8B80  }
0x49f: {  	[tilespmem:s24], [sflag:$0x2] =	stream.indirect_vreg.gather [hbm4b:s5+s22], $0x80, v19, vm0, $0xb8;
	[tilespmem:$0x1E400] =	vst v63  }
0x4a0: {  	v31 =	vperm.xlane v17, v12;
	v19 =	vadd.s32 v3, v30;
	s24 =	simm.s32 $0x8C00  }
0x4a1: {  	[tilespmem:s24], [sflag:$0x2] =	stream.indirect_vreg.gather [hbm4b:s5+s22], $0x80, v28, vm0, $0xb8;
	[tilespmem:$0x1E400] =	vst v63  }
0x4a2: {  	v33 =	vperm.xlane v17, v13;
	v32 =	vadd.s32 v3, v31;
	s24 =	simm.s32 $0x8C80  }
0x4a3: {  	[tilespmem:s24], [sflag:$0x2] =	stream.indirect_vreg.gather [hbm4b:s5+s22], $0x80, v18, vm0, $0xb8;
	[tilespmem:$0x1E400] =	vst v63  }
0x4a4: {  	v34 =	vperm.xlane v17, v14;
	v18 =	vadd.s32 v3, v33;
	s24 =	simm.s32 $0x8D00  }
0x4a5: {  	[tilespmem:s24], [sflag:$0x2] =	stream.indirect_vreg.gather [hbm4b:s5+s22], $0x80, v19, vm0, $0xb8;
	[tilespmem:$0x1E400] =	vst v63  }
0x4a6: {  	v35 =	vperm.xlane v17, v15;
	v19 =	vadd.s32 v3, v34;
	s24 =	simm.s32 $0x8D80  }
0x4a7: {  	[tilespmem:s24], [sflag:$0x2] =	stream.indirect_vreg.gather [hbm4b:s5+s22], $0x80, v32, vm0, $0xb8;
	[tilespmem:$0x1E400] =	vst v63  }
0x4a8: {  	v17 =	vperm.xlane v17, v16;
	v36 =	vadd.s32 v3, v35;
	s24 =	simm.s32 $0x8E00  }
0x4a9: {  	[tilespmem:s24], [sflag:$0x2] =	stream.indirect_vreg.gather [hbm4b:s5+s22], $0x80, v18, vm0, $0xb8;
	[tilespmem:$0x1E400] =	vst v63  }
0x4aa: {  	v17 =	vadd.s32 v3, v17;
	s24 =	simm.s32 $0x8E80  }
0x4ab: {  	[tilespmem:s24], [sflag:$0x2] =	stream.indirect_vreg.gather [hbm4b:s5+s22], $0x80, v19, vm0, $0xb8;
	[tilespmem:$0x1E400] =	vst v63  }
0x4ac: {  	s24 =	simm.s32 $0x8F00  }
0x4ad: {  	[tilespmem:s24], [sflag:$0x2] =	stream.indirect_vreg.gather [hbm4b:s5+s22], $0x80, v36, vm0, $0xb8;
	[tilespmem:$0x1E400] =	vst v63  }
0x4ae: {  	s24 =	simm.s32 $0x8F80  }
0x4af: {  	[tilespmem:s24], [sflag:$0x2] =	stream.indirect_vreg.gather [hbm4b:s5+s22], $0x80, v17, vm0, $0xb8;
	[tilespmem:$0x1E400] =	vst v63  }
0x4b0: {  	v17 =	vld [tilespmem:$0x13D0];
	_ =	sdelay $0x4  }
0x4b1: {  	v18 =	vshll.u32 v17, $0x1  }
0x4b2: {  	v17 =	vand.u32 $0x7, v17;
	v18 =	vand.u32 $0xFFFFFFF0, v18  }
0x4b3: {  	v17 =	vor.u32 v17, v18  }
0x4b4: {  	v18 =	vperm.xlane v17, v2;
	_ =	sdelay $0x1  }
0x4b5: {  	v19 =	vperm.xlane v17, v1;
	v18 =	vadd.s32 v3, v18;
	_ =	sdelay $0x1  }
0x4b6: {  	v37 =	vperm.xlane v17, v4;
	v19 =	vadd.s32 v3, v19;
	_ =	sdelay $0x1  }
0x4b7: {  	s24 =	simm.s32 $0x9000;
	v38 =	vperm.xlane v17, v5;
	v20 =	vadd.s32 v3, v37  }
0x4b8: {  	[tilespmem:s24], [sflag:$0x2] =	stream.indirect_vreg.gather [hbm4b:s5+s22], $0x80, v18, vm0, $0xb8;
	[tilespmem:$0x1E400] =	vst v63  }
0x4b9: {  	v39 =	vperm.xlane v17, v6;
	v18 =	vadd.s32 v3, v38;
	s24 =	simm.s32 $0x9080  }
0x4ba: {  	[tilespmem:s24], [sflag:$0x2] =	stream.indirect_vreg.gather [hbm4b:s5+s22], $0x80, v19, vm0, $0xb8;
	[tilespmem:$0x1E400] =	vst v63  }
0x4bb: {  	v40 =	vperm.xlane v17, v7;
	v19 =	vadd.s32 v3, v39;
	s24 =	simm.s32 $0x9100  }
0x4bc: {  	[tilespmem:s24], [sflag:$0x2] =	stream.indirect_vreg.gather [hbm4b:s5+s22], $0x80, v20, vm0, $0xb8;
	[tilespmem:$0x1E400] =	vst v63  }
0x4bd: {  	v42 =	vperm.xlane v17, v8;
	v41 =	vadd.s32 v3, v40;
	s24 =	simm.s32 $0x9180  }
0x4be: {  	[tilespmem:s24], [sflag:$0x2] =	stream.indirect_vreg.gather [hbm4b:s5+s22], $0x80, v18, vm0, $0xb8;
	[tilespmem:$0x1E400] =	vst v63  }
0x4bf: {  	v43 =	vperm.xlane v17, v0;
	v18 =	vadd.s32 v3, v42;
	s24 =	simm.s32 $0x9200  }
0x4c0: {  	[tilespmem:s24], [sflag:$0x2] =	stream.indirect_vreg.gather [hbm4b:s5+s22], $0x80, v19, vm0, $0xb8;
	[tilespmem:$0x1E400] =	vst v63  }
0x4c1: {  	v44 =	vperm.xlane v17, v9;
	v19 =	vadd.s32 v3, v43;
	s24 =	simm.s32 $0x9280  }
0x4c2: {  	[tilespmem:s24], [sflag:$0x2] =	stream.indirect_vreg.gather [hbm4b:s5+s22], $0x80, v41, vm0, $0xb8;
	[tilespmem:$0x1E400] =	vst v63  }
0x4c3: {  	v46 =	vperm.xlane v17, v10;
	v45 =	vadd.s32 v3, v44;
	s24 =	simm.s32 $0x9300  }
0x4c4: {  	[tilespmem:s24], [sflag:$0x2] =	stream.indirect_vreg.gather [hbm4b:s5+s22], $0x80, v18, vm0, $0xb8;
	[tilespmem:$0x1E400] =	vst v63  }
0x4c5: {  	v47 =	vperm.xlane v17, v11;
	v18 =	vadd.s32 v3, v46;
	s24 =	simm.s32 $0x9380  }
0x4c6: {  	[tilespmem:s24], [sflag:$0x2] =	stream.indirect_vreg.gather [hbm4b:s5+s22], $0x80, v19, vm0, $0xb8;
	[tilespmem:$0x1E400] =	vst v63  }
0x4c7: {  	v48 =	vperm.xlane v17, v12;
	v19 =	vadd.s32 v3, v47;
	s24 =	simm.s32 $0x9400  }
0x4c8: {  	[tilespmem:s24], [sflag:$0x2] =	stream.indirect_vreg.gather [hbm4b:s5+s22], $0x80, v45, vm0, $0xb8;
	[tilespmem:$0x1E400] =	vst v63  }
0x4c9: {  	v50 =	vperm.xlane v17, v13;
	v49 =	vadd.s32 v3, v48;
	s24 =	simm.s32 $0x9480  }
0x4ca: {  	[tilespmem:s24], [sflag:$0x2] =	stream.indirect_vreg.gather [hbm4b:s5+s22], $0x80, v18, vm0, $0xb8;
	[tilespmem:$0x1E400] =	vst v63  }
0x4cb: {  	v51 =	vperm.xlane v17, v14;
	v18 =	vadd.s32 v3, v50;
	s24 =	simm.s32 $0x9500  }
0x4cc: {  	[tilespmem:s24], [sflag:$0x2] =	stream.indirect_vreg.gather [hbm4b:s5+s22], $0x80, v19, vm0, $0xb8;
	[tilespmem:$0x1E400] =	vst v63  }
0x4cd: {  	v52 =	vperm.xlane v17, v15;
	v19 =	vadd.s32 v3, v51;
	s24 =	simm.s32 $0x9580  }
0x4ce: {  	[tilespmem:s24], [sflag:$0x2] =	stream.indirect_vreg.gather [hbm4b:s5+s22], $0x80, v49, vm0, $0xb8;
	[tilespmem:$0x1E400] =	vst v63  }
0x4cf: {  	v17 =	vperm.xlane v17, v16;
	v53 =	vadd.s32 v3, v52;
	s24 =	simm.s32 $0x9600  }
0x4d0: {  	[tilespmem:s24], [sflag:$0x2] =	stream.indirect_vreg.gather [hbm4b:s5+s22], $0x80, v18, vm0, $0xb8;
	[tilespmem:$0x1E400] =	vst v63  }
0x4d1: {  	v17 =	vadd.s32 v3, v17;
	s24 =	simm.s32 $0x9680  }
0x4d2: {  	[tilespmem:s24], [sflag:$0x2] =	stream.indirect_vreg.gather [hbm4b:s5+s22], $0x80, v19, vm0, $0xb8;
	[tilespmem:$0x1E400] =	vst v63  }
0x4d3: {  	s24 =	simm.s32 $0x9700  }
0x4d4: {  	[tilespmem:s24], [sflag:$0x2] =	stream.indirect_vreg.gather [hbm4b:s5+s22], $0x80, v53, vm0, $0xb8;
	[tilespmem:$0x1E400] =	vst v63  }
0x4d5: {  	s24 =	simm.s32 $0x9780  }
0x4d6: {  	[tilespmem:s24], [sflag:$0x2] =	stream.indirect_vreg.gather [hbm4b:s5+s22], $0x80, v17, vm0, $0xb8;
	[tilespmem:$0x1E400] =	vst v63  }
0x4d7: {  	v17 =	vld [tilespmem:$0x13E0];
	_ =	sdelay $0x4  }
0x4d8: {  	v18 =	vshll.u32 v17, $0x1  }
0x4d9: {  	v17 =	vand.u32 $0x7, v17;
	v18 =	vand.u32 $0xFFFFFFF0, v18  }
0x4da: {  	v17 =	vor.u32 v17, v18  }
0x4db: {  	v18 =	vperm.xlane v17, v2;
	_ =	sdelay $0x1  }
0x4dc: {  	v19 =	vperm.xlane v17, v1;
	v18 =	vadd.s32 v3, v18;
	_ =	sdelay $0x1  }
0x4dd: {  	v54 =	vperm.xlane v17, v4;
	v19 =	vadd.s32 v3, v19;
	_ =	sdelay $0x1  }
0x4de: {  	s24 =	simm.s32 $0x9800;
	v55 =	vperm.xlane v17, v5;
	v20 =	vadd.s32 v3, v54  }
0x4df: {  	[tilespmem:s24], [sflag:$0x2] =	stream.indirect_vreg.gather [hbm4b:s5+s22], $0x80, v18, vm0, $0xb8;
	[tilespmem:$0x1E400] =	vst v63  }
0x4e0: {  	v56 =	vperm.xlane v17, v6;
	v18 =	vadd.s32 v3, v55;
	s24 =	simm.s32 $0x9880  }
0x4e1: {  	[tilespmem:s24], [sflag:$0x2] =	stream.indirect_vreg.gather [hbm4b:s5+s22], $0x80, v19, vm0, $0xb8;
	[tilespmem:$0x1E400] =	vst v63  }
0x4e2: {  	v57 =	vperm.xlane v17, v7;
	v19 =	vadd.s32 v3, v56;
	s24 =	simm.s32 $0x9900  }
0x4e3: {  	[tilespmem:s24], [sflag:$0x2] =	stream.indirect_vreg.gather [hbm4b:s5+s22], $0x80, v20, vm0, $0xb8;
	[tilespmem:$0x1E400] =	vst v63  }
0x4e4: {  	v59 =	vperm.xlane v17, v8;
	v58 =	vadd.s32 v3, v57;
	s24 =	simm.s32 $0x9980  }
0x4e5: {  	[tilespmem:s24], [sflag:$0x2] =	stream.indirect_vreg.gather [hbm4b:s5+s22], $0x80, v18, vm0, $0xb8;
	[tilespmem:$0x1E400] =	vst v63  }
0x4e6: {  	v60 =	vperm.xlane v17, v0;
	v18 =	vadd.s32 v3, v59;
	s24 =	simm.s32 $0x9A00  }
0x4e7: {  	[tilespmem:s24], [sflag:$0x2] =	stream.indirect_vreg.gather [hbm4b:s5+s22], $0x80, v19, vm0, $0xb8;
	[tilespmem:$0x1E400] =	vst v63  }
0x4e8: {  	v61 =	vperm.xlane v17, v9;
	v19 =	vadd.s32 v3, v60;
	s24 =	simm.s32 $0x9A80  }
0x4e9: {  	[tilespmem:s24], [sflag:$0x2] =	stream.indirect_vreg.gather [hbm4b:s5+s22], $0x80, v58, vm0, $0xb8;
	[tilespmem:$0x1E400] =	vst v63  }
0x4ea: {  	v63 =	vperm.xlane v17, v10;
	v62 =	vadd.s32 v3, v61;
	s24 =	simm.s32 $0x9B00  }
0x4eb: {  	[tilespmem:s24], [sflag:$0x2] =	stream.indirect_vreg.gather [hbm4b:s5+s22], $0x80, v18, vm0, $0xb8;
	[tilespmem:$0x1E400] =	vst v63  }
0x4ec: {  	v24 =	vperm.xlane v17, v11;
	v18 =	vadd.s32 v3, v63;
	s24 =	simm.s32 $0x9B80  }
0x4ed: {  	[tilespmem:s24], [sflag:$0x2] =	stream.indirect_vreg.gather [hbm4b:s5+s22], $0x80, v19, vm0, $0xb8;
	[tilespmem:$0x1E400] =	vst v63  }
0x4ee: {  	v25 =	vperm.xlane v17, v12;
	v19 =	vadd.s32 v3, v24;
	s24 =	simm.s32 $0x9C00  }
0x4ef: {  	[tilespmem:s24], [sflag:$0x2] =	stream.indirect_vreg.gather [hbm4b:s5+s22], $0x80, v62, vm0, $0xb8;
	[tilespmem:$0x1E400] =	vst v63  }
0x4f0: {  	v27 =	vperm.xlane v17, v13;
	v26 =	vadd.s32 v3, v25;
	s24 =	simm.s32 $0x9C80  }
0x4f1: {  	[tilespmem:s24], [sflag:$0x2] =	stream.indirect_vreg.gather [hbm4b:s5+s22], $0x80, v18, vm0, $0xb8;
	[tilespmem:$0x1E400] =	vst v63  }
0x4f2: {  	v28 =	vperm.xlane v17, v14;
	v18 =	vadd.s32 v3, v27;
	s24 =	simm.s32 $0x9D00  }
0x4f3: {  	[tilespmem:s24], [sflag:$0x2] =	stream.indirect_vreg.gather [hbm4b:s5+s22], $0x80, v19, vm0, $0xb8;
	[tilespmem:$0x1E400] =	vst v63  }
0x4f4: {  	v29 =	vperm.xlane v17, v15;
	v19 =	vadd.s32 v3, v28;
	s24 =	simm.s32 $0x9D80  }
0x4f5: {  	[tilespmem:s24], [sflag:$0x2] =	stream.indirect_vreg.gather [hbm4b:s5+s22], $0x80, v26, vm0, $0xb8;
	[tilespmem:$0x1E400] =	vst v63  }
0x4f6: {  	v17 =	vperm.xlane v17, v16;
	v30 =	vadd.s32 v3, v29;
	s24 =	simm.s32 $0x9E00  }
0x4f7: {  	[tilespmem:s24], [sflag:$0x2] =	stream.indirect_vreg.gather [hbm4b:s5+s22], $0x80, v18, vm0, $0xb8;
	[tilespmem:$0x1E400] =	vst v63  }
0x4f8: {  	v17 =	vadd.s32 v3, v17;
	s24 =	simm.s32 $0x9E80  }
0x4f9: {  	[tilespmem:s24], [sflag:$0x2] =	stream.indirect_vreg.gather [hbm4b:s5+s22], $0x80, v19, vm0, $0xb8;
	[tilespmem:$0x1E400] =	vst v63  }
0x4fa: {  	s24 =	simm.s32 $0x9F00  }
0x4fb: {  	[tilespmem:s24], [sflag:$0x2] =	stream.indirect_vreg.gather [hbm4b:s5+s22], $0x80, v30, vm0, $0xb8;
	[tilespmem:$0x1E400] =	vst v63  }
0x4fc: {  	s24 =	simm.s32 $0x9F80  }
0x4fd: {  	[tilespmem:s24], [sflag:$0x2] =	stream.indirect_vreg.gather [hbm4b:s5+s22], $0x80, v17, vm0, $0xb8;
	[tilespmem:$0x1E400] =	vst v63  }
0x4fe: {  	v17 =	vld [tilespmem:$0x13F0];
	_ =	sdelay $0x4  }
0x4ff: {  	v18 =	vshll.u32 v17, $0x1  }
0x500: {  	v17 =	vand.u32 $0x7, v17;
	v18 =	vand.u32 $0xFFFFFFF0, v18  }
0x501: {  	v17 =	vor.u32 v17, v18  }
0x502: {  	v18 =	vperm.xlane v17, v2;
	_ =	sdelay $0x1  }
0x503: {  	v19 =	vperm.xlane v17, v1;
	v18 =	vadd.s32 v3, v18;
	_ =	sdelay $0x1  }
0x504: {  	v31 =	vperm.xlane v17, v4;
	v19 =	vadd.s32 v3, v19;
	_ =	sdelay $0x1  }
0x505: {  	s24 =	simm.s32 $0xA000;
	v32 =	vperm.xlane v17, v5;
	v20 =	vadd.s32 v3, v31  }
0x506: {  	[tilespmem:s24], [sflag:$0x2] =	stream.indirect_vreg.gather [hbm4b:s5+s22], $0x80, v18, vm0, $0xb8;
	[tilespmem:$0x1E400] =	vst v63  }
0x507: {  	v33 =	vperm.xlane v17, v6;
	v18 =	vadd.s32 v3, v32;
	s24 =	simm.s32 $0xA080  }
0x508: {  	[tilespmem:s24], [sflag:$0x2] =	stream.indirect_vreg.gather [hbm4b:s5+s22], $0x80, v19, vm0, $0xb8;
	[tilespmem:$0x1E400] =	vst v63  }
0x509: {  	v34 =	vperm.xlane v17, v7;
	v19 =	vadd.s32 v3, v33;
	s24 =	simm.s32 $0xA100  }
0x50a: {  	[tilespmem:s24], [sflag:$0x2] =	stream.indirect_vreg.gather [hbm4b:s5+s22], $0x80, v20, vm0, $0xb8;
	[tilespmem:$0x1E400] =	vst v63  }
0x50b: {  	v36 =	vperm.xlane v17, v8;
	v35 =	vadd.s32 v3, v34;
	s24 =	simm.s32 $0xA180  }
0x50c: {  	[tilespmem:s24], [sflag:$0x2] =	stream.indirect_vreg.gather [hbm4b:s5+s22], $0x80, v18, vm0, $0xb8;
	[tilespmem:$0x1E400] =	vst v63  }
0x50d: {  	v37 =	vperm.xlane v17, v0;
	v18 =	vadd.s32 v3, v36;
	s24 =	simm.s32 $0xA200  }
0x50e: {  	[tilespmem:s24], [sflag:$0x2] =	stream.indirect_vreg.gather [hbm4b:s5+s22], $0x80, v19, vm0, $0xb8;
	[tilespmem:$0x1E400] =	vst v63  }
0x50f: {  	v38 =	vperm.xlane v17, v9;
	v19 =	vadd.s32 v3, v37;
	s24 =	simm.s32 $0xA280  }
0x510: {  	[tilespmem:s24], [sflag:$0x2] =	stream.indirect_vreg.gather [hbm4b:s5+s22], $0x80, v35, vm0, $0xb8;
	[tilespmem:$0x1E400] =	vst v63  }
0x511: {  	v40 =	vperm.xlane v17, v10;
	v39 =	vadd.s32 v3, v38;
	s24 =	simm.s32 $0xA300  }
0x512: {  	[tilespmem:s24], [sflag:$0x2] =	stream.indirect_vreg.gather [hbm4b:s5+s22], $0x80, v18, vm0, $0xb8;
	[tilespmem:$0x1E400] =	vst v63  }
0x513: {  	v41 =	vperm.xlane v17, v11;
	v18 =	vadd.s32 v3, v40;
	s24 =	simm.s32 $0xA380  }
0x514: {  	[tilespmem:s24], [sflag:$0x2] =	stream.indirect_vreg.gather [hbm4b:s5+s22], $0x80, v19, vm0, $0xb8;
	[tilespmem:$0x1E400] =	vst v63  }
0x515: {  	v42 =	vperm.xlane v17, v12;
	v19 =	vadd.s32 v3, v41;
	s24 =	simm.s32 $0xA400  }
0x516: {  	[tilespmem:s24], [sflag:$0x2] =	stream.indirect_vreg.gather [hbm4b:s5+s22], $0x80, v39, vm0, $0xb8;
	[tilespmem:$0x1E400] =	vst v63  }
0x517: {  	v44 =	vperm.xlane v17, v13;
	v43 =	vadd.s32 v3, v42;
	s24 =	simm.s32 $0xA480  }
0x518: {  	[tilespmem:s24], [sflag:$0x2] =	stream.indirect_vreg.gather [hbm4b:s5+s22], $0x80, v18, vm0, $0xb8;
	[tilespmem:$0x1E400] =	vst v63  }
0x519: {  	v45 =	vperm.xlane v17, v14;
	v18 =	vadd.s32 v3, v44;
	s24 =	simm.s32 $0xA500  }
0x51a: {  	[tilespmem:s24], [sflag:$0x2] =	stream.indirect_vreg.gather [hbm4b:s5+s22], $0x80, v19, vm0, $0xb8;
	[tilespmem:$0x1E400] =	vst v63  }
0x51b: {  	v46 =	vperm.xlane v17, v15;
	v19 =	vadd.s32 v3, v45;
	s24 =	simm.s32 $0xA580  }
0x51c: {  	[tilespmem:s24], [sflag:$0x2] =	stream.indirect_vreg.gather [hbm4b:s5+s22], $0x80, v43, vm0, $0xb8;
	[tilespmem:$0x1E400] =	vst v63  }
0x51d: {  	v17 =	vperm.xlane v17, v16;
	v47 =	vadd.s32 v3, v46;
	s24 =	simm.s32 $0xA600  }
0x51e: {  	[tilespmem:s24], [sflag:$0x2] =	stream.indirect_vreg.gather [hbm4b:s5+s22], $0x80, v18, vm0, $0xb8;
	[tilespmem:$0x1E400] =	vst v63  }
0x51f: {  	v17 =	vadd.s32 v3, v17;
	s24 =	simm.s32 $0xA680  }
0x520: {  	[tilespmem:s24], [sflag:$0x2] =	stream.indirect_vreg.gather [hbm4b:s5+s22], $0x80, v19, vm0, $0xb8;
	[tilespmem:$0x1E400] =	vst v63  }
0x521: {  	s24 =	simm.s32 $0xA700  }
0x522: {  	[tilespmem:s24], [sflag:$0x2] =	stream.indirect_vreg.gather [hbm4b:s5+s22], $0x80, v47, vm0, $0xb8;
	[tilespmem:$0x1E400] =	vst v63  }
0x523: {  	s24 =	simm.s32 $0xA780  }
0x524: {  	[tilespmem:s24], [sflag:$0x2] =	stream.indirect_vreg.gather [hbm4b:s5+s22], $0x80, v17, vm0, $0xb8;
	[tilespmem:$0x1E400] =	vst v63  }
0x525: {  	_ =	swait.ge [sflag:s19], $0x4000  }
0x526: {  	[sflag:s19] =	ssyncset.done $0x0  }
0x527: {  	s24 =	simm.s32 $0x2700;
	[sflag:s19] =	ssyncadd.s32 $0xFFFFC000  }
0x528: {  	[spmem:s2] =	stream.indirect.scatter.add.f32 [tilespmem:s18], [sflag:$0x3], $0x80, s24, s20, $0xb8;
	[tilespmem:$0x1E400] =	vst v63  }
0x529: {  	_ =	swait.ge [sflag:s16], $0x4000  }
0x52a: {  	[sflag:s16] =	ssyncset.done $0x0  }
0x52b: {  	[sflag:s16] =	ssyncadd.s32 $0xFFFFC000  }
0x52c: {  	_ =	swait.ge [sflag:s21], $0x4000  }
0x52d: {  	[sflag:s21] =	ssyncset.done $0x0  }
0x52e: {  	s24 =	simm.s32 $0x2780;
	[sflag:s21] =	ssyncadd.s32 $0xFFFFC000  }
0x52f: {  	[spmem:s2] =	stream.indirect.scatter.add.f32 [tilespmem:s14], [sflag:$0x3], $0x80, s24, s20, $0xb8;
	[tilespmem:$0x1E400] =	vst v63  }
0x530: {  	_ =	swait.ge [sflag:s16], $0x4000  }
0x531: {  	[sflag:s16] =	ssyncset.done $0x0  }
0x532: {  	s24 =	rddreg [dreg:$0x9];
	[sflag:s16] =	ssyncadd.s32 $0xFFFFC000  }
0x533: {  	[tilespmem:s22], [sflag:$0x3] =	stream.linear.gather [hbm4b:s24+s22], $0x1400, $0x38;
	[tilespmem:$0x1E400] =	vst v63  }
0x534: {  	_ =	swait.ge [sflag:s16], $0x1400  }
0x535: {  	[sflag:s16] =	ssyncset.done $0x0  }
0x536: {  	s24 =	simm.s32 $0x1400;
	s23 =	rddreg [dreg:$0xa];
	[sflag:s16] =	ssyncadd.s32 $0xFFFFEC00  }
0x537: {  	[tilespmem:s24], [sflag:$0x3] =	stream.linear.gather [hbm4b:s23+s22], $0x1400, $0x38;
	[tilespmem:$0x1E400] =	vst v63  }
0x538: {  	_ =	swait.ge [sflag:s16], $0x1400  }
0x539: {  	[sflag:s16] =	ssyncset.done $0x0  }
0x53a: {  	[sflag:s16] =	ssyncadd.s32 $0xFFFFEC00  }
0x53b: {  	v17 =	vld [tilespmem:$0x0];
	_ =	sdelay $0x4  }
0x53c: {  	v18 =	vshll.u32 v17, $0x1  }
0x53d: {  	v17 =	vand.u32 $0x7, v17;
	v18 =	vand.u32 $0xFFFFFFF0, v18  }
0x53e: {  	v17 =	vor.u32 v17, v18  }
0x53f: {  	v18 =	vperm.xlane v17, v2;
	_ =	sdelay $0x1  }
0x540: {  	v19 =	vperm.xlane v17, v1;
	v18 =	vadd.s32 v3, v18;
	_ =	sdelay $0x1  }
0x541: {  	v48 =	vperm.xlane v17, v4;
	v19 =	vadd.s32 v3, v19;
	_ =	sdelay $0x1  }
0x542: {  	v49 =	vperm.xlane v17, v5;
	v20 =	vadd.s32 v3, v48  }
0x543: {  	[tilespmem:s18], [sflag:$0x1] =	stream.indirect_vreg.gather [hbm4b:s5+s22], $0x80, v18, vm0, $0xb8;
	[tilespmem:$0x1E400] =	vst v63  }
0x544: {  	s24 =	simm.s32 $0x2880;
	v50 =	vperm.xlane v17, v6;
	v18 =	vadd.s32 v3, v49  }
0x545: {  	[tilespmem:s24], [sflag:$0x1] =	stream.indirect_vreg.gather [hbm4b:s5+s22], $0x80, v19, vm0, $0xb8;
	[tilespmem:$0x1E400] =	vst v63  }
0x546: {  	v51 =	vperm.xlane v17, v7;
	v19 =	vadd.s32 v3, v50;
	s24 =	simm.s32 $0x2900  }
0x547: {  	[tilespmem:s24], [sflag:$0x1] =	stream.indirect_vreg.gather [hbm4b:s5+s22], $0x80, v20, vm0, $0xb8;
	[tilespmem:$0x1E400] =	vst v63  }
0x548: {  	v53 =	vperm.xlane v17, v8;
	v52 =	vadd.s32 v3, v51;
	s24 =	simm.s32 $0x2980  }
0x549: {  	[tilespmem:s24], [sflag:$0x1] =	stream.indirect_vreg.gather [hbm4b:s5+s22], $0x80, v18, vm0, $0xb8;
	[tilespmem:$0x1E400] =	vst v63  }
0x54a: {  	v54 =	vperm.xlane v17, v0;
	v18 =	vadd.s32 v3, v53;
	s24 =	simm.s32 $0x2A00  }
0x54b: {  	[tilespmem:s24], [sflag:$0x1] =	stream.indirect_vreg.gather [hbm4b:s5+s22], $0x80, v19, vm0, $0xb8;
	[tilespmem:$0x1E400] =	vst v63  }
0x54c: {  	v55 =	vperm.xlane v17, v9;
	v19 =	vadd.s32 v3, v54;
	s24 =	simm.s32 $0x2A80  }
0x54d: {  	[tilespmem:s24], [sflag:$0x1] =	stream.indirect_vreg.gather [hbm4b:s5+s22], $0x80, v52, vm0, $0xb8;
	[tilespmem:$0x1E400] =	vst v63  }
0x54e: {  	v57 =	vperm.xlane v17, v10;
	v56 =	vadd.s32 v3, v55;
	s24 =	simm.s32 $0x2B00  }
0x54f: {  	[tilespmem:s24], [sflag:$0x1] =	stream.indirect_vreg.gather [hbm4b:s5+s22], $0x80, v18, vm0, $0xb8;
	[tilespmem:$0x1E400] =	vst v63  }
0x550: {  	v58 =	vperm.xlane v17, v11;
	v18 =	vadd.s32 v3, v57;
	s24 =	simm.s32 $0x2B80  }
0x551: {  	[tilespmem:s24], [sflag:$0x1] =	stream.indirect_vreg.gather [hbm4b:s5+s22], $0x80, v19, vm0, $0xb8;
	[tilespmem:$0x1E400] =	vst v63  }
0x552: {  	v59 =	vperm.xlane v17, v12;
	v19 =	vadd.s32 v3, v58;
	s24 =	simm.s32 $0x2C00  }
0x553: {  	[tilespmem:s24], [sflag:$0x1] =	stream.indirect_vreg.gather [hbm4b:s5+s22], $0x80, v56, vm0, $0xb8;
	[tilespmem:$0x1E400] =	vst v63  }
0x554: {  	v61 =	vperm.xlane v17, v13;
	v60 =	vadd.s32 v3, v59;
	s24 =	simm.s32 $0x2C80  }
0x555: {  	[tilespmem:s24], [sflag:$0x1] =	stream.indirect_vreg.gather [hbm4b:s5+s22], $0x80, v18, vm0, $0xb8;
	[tilespmem:$0x1E400] =	vst v63  }
0x556: {  	v62 =	vperm.xlane v17, v14;
	v18 =	vadd.s32 v3, v61;
	s24 =	simm.s32 $0x2D00  }
0x557: {  	[tilespmem:s24], [sflag:$0x1] =	stream.indirect_vreg.gather [hbm4b:s5+s22], $0x80, v19, vm0, $0xb8;
	[tilespmem:$0x1E400] =	vst v63  }
0x558: {  	v63 =	vperm.xlane v17, v15;
	v19 =	vadd.s32 v3, v62;
	s24 =	simm.s32 $0x2D80  }
0x559: {  	[tilespmem:s24], [sflag:$0x1] =	stream.indirect_vreg.gather [hbm4b:s5+s22], $0x80, v60, vm0, $0xb8;
	[tilespmem:$0x1E400] =	vst v63  }
0x55a: {  	v17 =	vperm.xlane v17, v16;
	v24 =	vadd.s32 v3, v63;
	s24 =	simm.s32 $0x2E00  }
0x55b: {  	[tilespmem:s24], [sflag:$0x1] =	stream.indirect_vreg.gather [hbm4b:s5+s22], $0x80, v18, vm0, $0xb8;
	[tilespmem:$0x1E400] =	vst v63  }
0x55c: {  	v17 =	vadd.s32 v3, v17;
	s24 =	simm.s32 $0x2E80  }
0x55d: {  	[tilespmem:s24], [sflag:$0x1] =	stream.indirect_vreg.gather [hbm4b:s5+s22], $0x80, v19, vm0, $0xb8;
	[tilespmem:$0x1E400] =	vst v63  }
0x55e: {  	s24 =	simm.s32 $0x2F00  }
0x55f: {  	[tilespmem:s24], [sflag:$0x1] =	stream.indirect_vreg.gather [hbm4b:s5+s22], $0x80, v24, vm0, $0xb8;
	[tilespmem:$0x1E400] =	vst v63  }
0x560: {  	s24 =	simm.s32 $0x2F80  }
0x561: {  	[tilespmem:s24], [sflag:$0x1] =	stream.indirect_vreg.gather [hbm4b:s5+s22], $0x80, v17, vm0, $0xb8;
	[tilespmem:$0x1E400] =	vst v63  }
0x562: {  	v17 =	vld [tilespmem:$0x10];
	_ =	sdelay $0x4  }
0x563: {  	v18 =	vshll.u32 v17, $0x1  }
0x564: {  	v17 =	vand.u32 $0x7, v17;
	v18 =	vand.u32 $0xFFFFFFF0, v18  }
0x565: {  	v17 =	vor.u32 v17, v18  }
0x566: {  	v18 =	vperm.xlane v17, v2;
	_ =	sdelay $0x1  }
0x567: {  	v19 =	vperm.xlane v17, v1;
	v18 =	vadd.s32 v3, v18;
	_ =	sdelay $0x1  }
0x568: {  	v25 =	vperm.xlane v17, v4;
	v19 =	vadd.s32 v3, v19;
	_ =	sdelay $0x1  }
0x569: {  	s24 =	simm.s32 $0x3000;
	v26 =	vperm.xlane v17, v5;
	v20 =	vadd.s32 v3, v25  }
0x56a: {  	[tilespmem:s24], [sflag:$0x1] =	stream.indirect_vreg.gather [hbm4b:s5+s22], $0x80, v18, vm0, $0xb8;
	[tilespmem:$0x1E400] =	vst v63  }
0x56b: {  	v27 =	vperm.xlane v17, v6;
	v18 =	vadd.s32 v3, v26;
	s24 =	simm.s32 $0x3080  }
0x56c: {  	[tilespmem:s24], [sflag:$0x1] =	stream.indirect_vreg.gather [hbm4b:s5+s22], $0x80, v19, vm0, $0xb8;
	[tilespmem:$0x1E400] =	vst v63  }
0x56d: {  	v28 =	vperm.xlane v17, v7;
	v19 =	vadd.s32 v3, v27;
	s24 =	simm.s32 $0x3100  }
0x56e: {  	[tilespmem:s24], [sflag:$0x1] =	stream.indirect_vreg.gather [hbm4b:s5+s22], $0x80, v20, vm0, $0xb8;
	[tilespmem:$0x1E400] =	vst v63  }
0x56f: {  	v30 =	vperm.xlane v17, v8;
	v29 =	vadd.s32 v3, v28;
	s24 =	simm.s32 $0x3180  }
0x570: {  	[tilespmem:s24], [sflag:$0x1] =	stream.indirect_vreg.gather [hbm4b:s5+s22], $0x80, v18, vm0, $0xb8;
	[tilespmem:$0x1E400] =	vst v63  }
0x571: {  	v31 =	vperm.xlane v17, v0;
	v18 =	vadd.s32 v3, v30;
	s24 =	simm.s32 $0x3200  }
0x572: {  	[tilespmem:s24], [sflag:$0x1] =	stream.indirect_vreg.gather [hbm4b:s5+s22], $0x80, v19, vm0, $0xb8;
	[tilespmem:$0x1E400] =	vst v63  }
0x573: {  	v32 =	vperm.xlane v17, v9;
	v19 =	vadd.s32 v3, v31;
	s24 =	simm.s32 $0x3280  }
0x574: {  	[tilespmem:s24], [sflag:$0x1] =	stream.indirect_vreg.gather [hbm4b:s5+s22], $0x80, v29, vm0, $0xb8;
	[tilespmem:$0x1E400] =	vst v63  }
0x575: {  	v34 =	vperm.xlane v17, v10;
	v33 =	vadd.s32 v3, v32;
	s24 =	simm.s32 $0x3300  }
0x576: {  	[tilespmem:s24], [sflag:$0x1] =	stream.indirect_vreg.gather [hbm4b:s5+s22], $0x80, v18, vm0, $0xb8;
	[tilespmem:$0x1E400] =	vst v63  }
0x577: {  	v35 =	vperm.xlane v17, v11;
	v18 =	vadd.s32 v3, v34;
	s24 =	simm.s32 $0x3380  }
0x578: {  	[tilespmem:s24], [sflag:$0x1] =	stream.indirect_vreg.gather [hbm4b:s5+s22], $0x80, v19, vm0, $0xb8;
	[tilespmem:$0x1E400] =	vst v63  }
0x579: {  	v36 =	vperm.xlane v17, v12;
	v19 =	vadd.s32 v3, v35;
	s24 =	simm.s32 $0x3400  }
0x57a: {  	[tilespmem:s24], [sflag:$0x1] =	stream.indirect_vreg.gather [hbm4b:s5+s22], $0x80, v33, vm0, $0xb8;
	[tilespmem:$0x1E400] =	vst v63  }
0x57b: {  	v38 =	vperm.xlane v17, v13;
	v37 =	vadd.s32 v3, v36;
	s24 =	simm.s32 $0x3480  }
0x57c: {  	[tilespmem:s24], [sflag:$0x1] =	stream.indirect_vreg.gather [hbm4b:s5+s22], $0x80, v18, vm0, $0xb8;
	[tilespmem:$0x1E400] =	vst v63  }
0x57d: {  	v39 =	vperm.xlane v17, v14;
	v18 =	vadd.s32 v3, v38;
	s24 =	simm.s32 $0x3500  }
0x57e: {  	[tilespmem:s24], [sflag:$0x1] =	stream.indirect_vreg.gather [hbm4b:s5+s22], $0x80, v19, vm0, $0xb8;
	[tilespmem:$0x1E400] =	vst v63  }
0x57f: {  	v40 =	vperm.xlane v17, v15;
	v19 =	vadd.s32 v3, v39;
	s24 =	simm.s32 $0x3580  }
0x580: {  	[tilespmem:s24], [sflag:$0x1] =	stream.indirect_vreg.gather [hbm4b:s5+s22], $0x80, v37, vm0, $0xb8;
	[tilespmem:$0x1E400] =	vst v63  }
0x581: {  	v17 =	vperm.xlane v17, v16;
	v41 =	vadd.s32 v3, v40;
	s24 =	simm.s32 $0x3600  }
0x582: {  	[tilespmem:s24], [sflag:$0x1] =	stream.indirect_vreg.gather [hbm4b:s5+s22], $0x80, v18, vm0, $0xb8;
	[tilespmem:$0x1E400] =	vst v63  }
0x583: {  	v17 =	vadd.s32 v3, v17;
	s24 =	simm.s32 $0x3680  }
0x584: {  	[tilespmem:s24], [sflag:$0x1] =	stream.indirect_vreg.gather [hbm4b:s5+s22], $0x80, v19, vm0, $0xb8;
	[tilespmem:$0x1E400] =	vst v63  }
0x585: {  	s24 =	simm.s32 $0x3700  }
0x586: {  	[tilespmem:s24], [sflag:$0x1] =	stream.indirect_vreg.gather [hbm4b:s5+s22], $0x80, v41, vm0, $0xb8;
	[tilespmem:$0x1E400] =	vst v63  }
0x587: {  	s24 =	simm.s32 $0x3780  }
0x588: {  	[tilespmem:s24], [sflag:$0x1] =	stream.indirect_vreg.gather [hbm4b:s5+s22], $0x80, v17, vm0, $0xb8;
	[tilespmem:$0x1E400] =	vst v63  }
0x589: {  	v17 =	vld [tilespmem:$0x20];
	_ =	sdelay $0x4  }
0x58a: {  	v18 =	vshll.u32 v17, $0x1  }
0x58b: {  	v17 =	vand.u32 $0x7, v17;
	v18 =	vand.u32 $0xFFFFFFF0, v18  }
0x58c: {  	v17 =	vor.u32 v17, v18  }
0x58d: {  	v18 =	vperm.xlane v17, v2;
	_ =	sdelay $0x1  }
0x58e: {  	v19 =	vperm.xlane v17, v1;
	v18 =	vadd.s32 v3, v18;
	_ =	sdelay $0x1  }
0x58f: {  	v42 =	vperm.xlane v17, v4;
	v19 =	vadd.s32 v3, v19;
	_ =	sdelay $0x1  }
0x590: {  	s24 =	simm.s32 $0x3800;
	v43 =	vperm.xlane v17, v5;
	v20 =	vadd.s32 v3, v42  }
0x591: {  	[tilespmem:s24], [sflag:$0x1] =	stream.indirect_vreg.gather [hbm4b:s5+s22], $0x80, v18, vm0, $0xb8;
	[tilespmem:$0x1E400] =	vst v63  }
0x592: {  	v44 =	vperm.xlane v17, v6;
	v18 =	vadd.s32 v3, v43;
	s24 =	simm.s32 $0x3880  }
0x593: {  	[tilespmem:s24], [sflag:$0x1] =	stream.indirect_vreg.gather [hbm4b:s5+s22], $0x80, v19, vm0, $0xb8;
	[tilespmem:$0x1E400] =	vst v63  }
0x594: {  	v45 =	vperm.xlane v17, v7;
	v19 =	vadd.s32 v3, v44;
	s24 =	simm.s32 $0x3900  }
0x595: {  	[tilespmem:s24], [sflag:$0x1] =	stream.indirect_vreg.gather [hbm4b:s5+s22], $0x80, v20, vm0, $0xb8;
	[tilespmem:$0x1E400] =	vst v63  }
0x596: {  	v47 =	vperm.xlane v17, v8;
	v46 =	vadd.s32 v3, v45;
	s24 =	simm.s32 $0x3980  }
0x597: {  	[tilespmem:s24], [sflag:$0x1] =	stream.indirect_vreg.gather [hbm4b:s5+s22], $0x80, v18, vm0, $0xb8;
	[tilespmem:$0x1E400] =	vst v63  }
0x598: {  	v48 =	vperm.xlane v17, v0;
	v18 =	vadd.s32 v3, v47;
	s24 =	simm.s32 $0x3A00  }
0x599: {  	[tilespmem:s24], [sflag:$0x1] =	stream.indirect_vreg.gather [hbm4b:s5+s22], $0x80, v19, vm0, $0xb8;
	[tilespmem:$0x1E400] =	vst v63  }
0x59a: {  	v49 =	vperm.xlane v17, v9;
	v19 =	vadd.s32 v3, v48;
	s24 =	simm.s32 $0x3A80  }
0x59b: {  	[tilespmem:s24], [sflag:$0x1] =	stream.indirect_vreg.gather [hbm4b:s5+s22], $0x80, v46, vm0, $0xb8;
	[tilespmem:$0x1E400] =	vst v63  }
0x59c: {  	v51 =	vperm.xlane v17, v10;
	v50 =	vadd.s32 v3, v49;
	s24 =	simm.s32 $0x3B00  }
0x59d: {  	[tilespmem:s24], [sflag:$0x1] =	stream.indirect_vreg.gather [hbm4b:s5+s22], $0x80, v18, vm0, $0xb8;
	[tilespmem:$0x1E400] =	vst v63  }
0x59e: {  	v52 =	vperm.xlane v17, v11;
	v18 =	vadd.s32 v3, v51;
	s24 =	simm.s32 $0x3B80  }
0x59f: {  	[tilespmem:s24], [sflag:$0x1] =	stream.indirect_vreg.gather [hbm4b:s5+s22], $0x80, v19, vm0, $0xb8;
	[tilespmem:$0x1E400] =	vst v63  }
0x5a0: {  	v53 =	vperm.xlane v17, v12;
	v19 =	vadd.s32 v3, v52;
	s24 =	simm.s32 $0x3C00  }
0x5a1: {  	[tilespmem:s24], [sflag:$0x1] =	stream.indirect_vreg.gather [hbm4b:s5+s22], $0x80, v50, vm0, $0xb8;
	[tilespmem:$0x1E400] =	vst v63  }
0x5a2: {  	v55 =	vperm.xlane v17, v13;
	v54 =	vadd.s32 v3, v53;
	s24 =	simm.s32 $0x3C80  }
0x5a3: {  	[tilespmem:s24], [sflag:$0x1] =	stream.indirect_vreg.gather [hbm4b:s5+s22], $0x80, v18, vm0, $0xb8;
	[tilespmem:$0x1E400] =	vst v63  }
0x5a4: {  	v56 =	vperm.xlane v17, v14;
	v18 =	vadd.s32 v3, v55;
	s24 =	simm.s32 $0x3D00  }
0x5a5: {  	[tilespmem:s24], [sflag:$0x1] =	stream.indirect_vreg.gather [hbm4b:s5+s22], $0x80, v19, vm0, $0xb8;
	[tilespmem:$0x1E400] =	vst v63  }
0x5a6: {  	v57 =	vperm.xlane v17, v15;
	v19 =	vadd.s32 v3, v56;
	s24 =	simm.s32 $0x3D80  }
0x5a7: {  	[tilespmem:s24], [sflag:$0x1] =	stream.indirect_vreg.gather [hbm4b:s5+s22], $0x80, v54, vm0, $0xb8;
	[tilespmem:$0x1E400] =	vst v63  }
0x5a8: {  	v17 =	vperm.xlane v17, v16;
	v58 =	vadd.s32 v3, v57;
	s24 =	simm.s32 $0x3E00  }
0x5a9: {  	[tilespmem:s24], [sflag:$0x1] =	stream.indirect_vreg.gather [hbm4b:s5+s22], $0x80, v18, vm0, $0xb8;
	[tilespmem:$0x1E400] =	vst v63  }
0x5aa: {  	v17 =	vadd.s32 v3, v17;
	s24 =	simm.s32 $0x3E80  }
0x5ab: {  	[tilespmem:s24], [sflag:$0x1] =	stream.indirect_vreg.gather [hbm4b:s5+s22], $0x80, v19, vm0, $0xb8;
	[tilespmem:$0x1E400] =	vst v63  }
0x5ac: {  	s24 =	simm.s32 $0x3F00  }
0x5ad: {  	[tilespmem:s24], [sflag:$0x1] =	stream.indirect_vreg.gather [hbm4b:s5+s22], $0x80, v58, vm0, $0xb8;
	[tilespmem:$0x1E400] =	vst v63  }
0x5ae: {  	s24 =	simm.s32 $0x3F80  }
0x5af: {  	[tilespmem:s24], [sflag:$0x1] =	stream.indirect_vreg.gather [hbm4b:s5+s22], $0x80, v17, vm0, $0xb8;
	[tilespmem:$0x1E400] =	vst v63  }
0x5b0: {  	v17 =	vld [tilespmem:$0x30];
	_ =	sdelay $0x4  }
0x5b1: {  	v18 =	vshll.u32 v17, $0x1  }
0x5b2: {  	v17 =	vand.u32 $0x7, v17;
	v18 =	vand.u32 $0xFFFFFFF0, v18  }
0x5b3: {  	v17 =	vor.u32 v17, v18  }
0x5b4: {  	v18 =	vperm.xlane v17, v2;
	_ =	sdelay $0x1  }
0x5b5: {  	v19 =	vperm.xlane v17, v1;
	v18 =	vadd.s32 v3, v18;
	_ =	sdelay $0x1  }
0x5b6: {  	v59 =	vperm.xlane v17, v4;
	v19 =	vadd.s32 v3, v19;
	_ =	sdelay $0x1  }
0x5b7: {  	s24 =	simm.s32 $0x4000;
	v60 =	vperm.xlane v17, v5;
	v20 =	vadd.s32 v3, v59  }
0x5b8: {  	[tilespmem:s24], [sflag:$0x1] =	stream.indirect_vreg.gather [hbm4b:s5+s22], $0x80, v18, vm0, $0xb8;
	[tilespmem:$0x1E400] =	vst v63  }
0x5b9: {  	v61 =	vperm.xlane v17, v6;
	v18 =	vadd.s32 v3, v60;
	s24 =	simm.s32 $0x4080  }
0x5ba: {  	[tilespmem:s24], [sflag:$0x1] =	stream.indirect_vreg.gather [hbm4b:s5+s22], $0x80, v19, vm0, $0xb8;
	[tilespmem:$0x1E400] =	vst v63  }
0x5bb: {  	v62 =	vperm.xlane v17, v7;
	v19 =	vadd.s32 v3, v61;
	s24 =	simm.s32 $0x4100  }
0x5bc: {  	[tilespmem:s24], [sflag:$0x1] =	stream.indirect_vreg.gather [hbm4b:s5+s22], $0x80, v20, vm0, $0xb8;
	[tilespmem:$0x1E400] =	vst v63  }
0x5bd: {  	v24 =	vperm.xlane v17, v8;
	v63 =	vadd.s32 v3, v62;
	s24 =	simm.s32 $0x4180  }
0x5be: {  	[tilespmem:s24], [sflag:$0x1] =	stream.indirect_vreg.gather [hbm4b:s5+s22], $0x80, v18, vm0, $0xb8;
	[tilespmem:$0x1E400] =	vst v63  }
0x5bf: {  	v25 =	vperm.xlane v17, v0;
	v18 =	vadd.s32 v3, v24;
	s24 =	simm.s32 $0x4200  }
0x5c0: {  	[tilespmem:s24], [sflag:$0x1] =	stream.indirect_vreg.gather [hbm4b:s5+s22], $0x80, v19, vm0, $0xb8;
	[tilespmem:$0x1E400] =	vst v63  }
0x5c1: {  	v26 =	vperm.xlane v17, v9;
	v19 =	vadd.s32 v3, v25;
	s24 =	simm.s32 $0x4280  }
0x5c2: {  	[tilespmem:s24], [sflag:$0x1] =	stream.indirect_vreg.gather [hbm4b:s5+s22], $0x80, v63, vm0, $0xb8;
	[tilespmem:$0x1E400] =	vst v63  }
0x5c3: {  	v28 =	vperm.xlane v17, v10;
	v27 =	vadd.s32 v3, v26;
	s24 =	simm.s32 $0x4300  }
0x5c4: {  	[tilespmem:s24], [sflag:$0x1] =	stream.indirect_vreg.gather [hbm4b:s5+s22], $0x80, v18, vm0, $0xb8;
	[tilespmem:$0x1E400] =	vst v63  }
0x5c5: {  	v29 =	vperm.xlane v17, v11;
	v18 =	vadd.s32 v3, v28;
	s24 =	simm.s32 $0x4380  }
0x5c6: {  	[tilespmem:s24], [sflag:$0x1] =	stream.indirect_vreg.gather [hbm4b:s5+s22], $0x80, v19, vm0, $0xb8;
	[tilespmem:$0x1E400] =	vst v63  }
0x5c7: {  	v30 =	vperm.xlane v17, v12;
	v19 =	vadd.s32 v3, v29;
	s24 =	simm.s32 $0x4400  }
0x5c8: {  	[tilespmem:s24], [sflag:$0x1] =	stream.indirect_vreg.gather [hbm4b:s5+s22], $0x80, v27, vm0, $0xb8;
	[tilespmem:$0x1E400] =	vst v63  }
0x5c9: {  	v32 =	vperm.xlane v17, v13;
	v31 =	vadd.s32 v3, v30;
	s24 =	simm.s32 $0x4480  }
0x5ca: {  	[tilespmem:s24], [sflag:$0x1] =	stream.indirect_vreg.gather [hbm4b:s5+s22], $0x80, v18, vm0, $0xb8;
	[tilespmem:$0x1E400] =	vst v63  }
0x5cb: {  	v33 =	vperm.xlane v17, v14;
	v18 =	vadd.s32 v3, v32;
	s24 =	simm.s32 $0x4500  }
0x5cc: {  	[tilespmem:s24], [sflag:$0x1] =	stream.indirect_vreg.gather [hbm4b:s5+s22], $0x80, v19, vm0, $0xb8;
	[tilespmem:$0x1E400] =	vst v63  }
0x5cd: {  	v34 =	vperm.xlane v17, v15;
	v19 =	vadd.s32 v3, v33;
	s24 =	simm.s32 $0x4580  }
0x5ce: {  	[tilespmem:s24], [sflag:$0x1] =	stream.indirect_vreg.gather [hbm4b:s5+s22], $0x80, v31, vm0, $0xb8;
	[tilespmem:$0x1E400] =	vst v63  }
0x5cf: {  	v17 =	vperm.xlane v17, v16;
	v35 =	vadd.s32 v3, v34;
	s24 =	simm.s32 $0x4600  }
0x5d0: {  	[tilespmem:s24], [sflag:$0x1] =	stream.indirect_vreg.gather [hbm4b:s5+s22], $0x80, v18, vm0, $0xb8;
	[tilespmem:$0x1E400] =	vst v63  }
0x5d1: {  	v17 =	vadd.s32 v3, v17;
	s24 =	simm.s32 $0x4680  }
0x5d2: {  	[tilespmem:s24], [sflag:$0x1] =	stream.indirect_vreg.gather [hbm4b:s5+s22], $0x80, v19, vm0, $0xb8;
	[tilespmem:$0x1E400] =	vst v63  }
0x5d3: {  	s24 =	simm.s32 $0x4700  }
0x5d4: {  	[tilespmem:s24], [sflag:$0x1] =	stream.indirect_vreg.gather [hbm4b:s5+s22], $0x80, v35, vm0, $0xb8;
	[tilespmem:$0x1E400] =	vst v63  }
0x5d5: {  	s24 =	simm.s32 $0x4780  }
0x5d6: {  	[tilespmem:s24], [sflag:$0x1] =	stream.indirect_vreg.gather [hbm4b:s5+s22], $0x80, v17, vm0, $0xb8;
	[tilespmem:$0x1E400] =	vst v63  }
0x5d7: {  	v17 =	vld [tilespmem:$0x40];
	_ =	sdelay $0x4  }
0x5d8: {  	v18 =	vshll.u32 v17, $0x1  }
0x5d9: {  	v17 =	vand.u32 $0x7, v17;
	v18 =	vand.u32 $0xFFFFFFF0, v18  }
0x5da: {  	v17 =	vor.u32 v17, v18  }
0x5db: {  	v18 =	vperm.xlane v17, v2;
	_ =	sdelay $0x1  }
0x5dc: {  	v19 =	vperm.xlane v17, v1;
	v18 =	vadd.s32 v3, v18;
	_ =	sdelay $0x1  }
0x5dd: {  	v36 =	vperm.xlane v17, v4;
	v19 =	vadd.s32 v3, v19;
	_ =	sdelay $0x1  }
0x5de: {  	s24 =	simm.s32 $0x4800;
	v37 =	vperm.xlane v17, v5;
	v20 =	vadd.s32 v3, v36  }
0x5df: {  	[tilespmem:s24], [sflag:$0x1] =	stream.indirect_vreg.gather [hbm4b:s5+s22], $0x80, v18, vm0, $0xb8;
	[tilespmem:$0x1E400] =	vst v63  }
0x5e0: {  	v38 =	vperm.xlane v17, v6;
	v18 =	vadd.s32 v3, v37;
	s24 =	simm.s32 $0x4880  }
0x5e1: {  	[tilespmem:s24], [sflag:$0x1] =	stream.indirect_vreg.gather [hbm4b:s5+s22], $0x80, v19, vm0, $0xb8;
	[tilespmem:$0x1E400] =	vst v63  }
0x5e2: {  	v39 =	vperm.xlane v17, v7;
	v19 =	vadd.s32 v3, v38;
	s24 =	simm.s32 $0x4900  }
0x5e3: {  	[tilespmem:s24], [sflag:$0x1] =	stream.indirect_vreg.gather [hbm4b:s5+s22], $0x80, v20, vm0, $0xb8;
	[tilespmem:$0x1E400] =	vst v63  }
0x5e4: {  	v41 =	vperm.xlane v17, v8;
	v40 =	vadd.s32 v3, v39;
	s24 =	simm.s32 $0x4980  }
0x5e5: {  	[tilespmem:s24], [sflag:$0x1] =	stream.indirect_vreg.gather [hbm4b:s5+s22], $0x80, v18, vm0, $0xb8;
	[tilespmem:$0x1E400] =	vst v63  }
0x5e6: {  	v42 =	vperm.xlane v17, v0;
	v18 =	vadd.s32 v3, v41;
	s24 =	simm.s32 $0x4A00  }
0x5e7: {  	[tilespmem:s24], [sflag:$0x1] =	stream.indirect_vreg.gather [hbm4b:s5+s22], $0x80, v19, vm0, $0xb8;
	[tilespmem:$0x1E400] =	vst v63  }
0x5e8: {  	v43 =	vperm.xlane v17, v9;
	v19 =	vadd.s32 v3, v42;
	s24 =	simm.s32 $0x4A80  }
0x5e9: {  	[tilespmem:s24], [sflag:$0x1] =	stream.indirect_vreg.gather [hbm4b:s5+s22], $0x80, v40, vm0, $0xb8;
	[tilespmem:$0x1E400] =	vst v63  }
0x5ea: {  	v45 =	vperm.xlane v17, v10;
	v44 =	vadd.s32 v3, v43;
	s24 =	simm.s32 $0x4B00  }
0x5eb: {  	[tilespmem:s24], [sflag:$0x1] =	stream.indirect_vreg.gather [hbm4b:s5+s22], $0x80, v18, vm0, $0xb8;
	[tilespmem:$0x1E400] =	vst v63  }
0x5ec: {  	v46 =	vperm.xlane v17, v11;
	v18 =	vadd.s32 v3, v45;
	s24 =	simm.s32 $0x4B80  }
0x5ed: {  	[tilespmem:s24], [sflag:$0x1] =	stream.indirect_vreg.gather [hbm4b:s5+s22], $0x80, v19, vm0, $0xb8;
	[tilespmem:$0x1E400] =	vst v63  }
0x5ee: {  	v47 =	vperm.xlane v17, v12;
	v19 =	vadd.s32 v3, v46;
	s24 =	simm.s32 $0x4C00  }
0x5ef: {  	[tilespmem:s24], [sflag:$0x1] =	stream.indirect_vreg.gather [hbm4b:s5+s22], $0x80, v44, vm0, $0xb8;
	[tilespmem:$0x1E400] =	vst v63  }
0x5f0: {  	v49 =	vperm.xlane v17, v13;
	v48 =	vadd.s32 v3, v47;
	s24 =	simm.s32 $0x4C80  }
0x5f1: {  	[tilespmem:s24], [sflag:$0x1] =	stream.indirect_vreg.gather [hbm4b:s5+s22], $0x80, v18, vm0, $0xb8;
	[tilespmem:$0x1E400] =	vst v63  }
0x5f2: {  	v50 =	vperm.xlane v17, v14;
	v18 =	vadd.s32 v3, v49;
	s24 =	simm.s32 $0x4D00  }
0x5f3: {  	[tilespmem:s24], [sflag:$0x1] =	stream.indirect_vreg.gather [hbm4b:s5+s22], $0x80, v19, vm0, $0xb8;
	[tilespmem:$0x1E400] =	vst v63  }
0x5f4: {  	v51 =	vperm.xlane v17, v15;
	v19 =	vadd.s32 v3, v50;
	s24 =	simm.s32 $0x4D80  }
0x5f5: {  	[tilespmem:s24], [sflag:$0x1] =	stream.indirect_vreg.gather [hbm4b:s5+s22], $0x80, v48, vm0, $0xb8;
	[tilespmem:$0x1E400] =	vst v63  }
0x5f6: {  	v17 =	vperm.xlane v17, v16;
	v52 =	vadd.s32 v3, v51;
	s24 =	simm.s32 $0x4E00  }
0x5f7: {  	[tilespmem:s24], [sflag:$0x1] =	stream.indirect_vreg.gather [hbm4b:s5+s22], $0x80, v18, vm0, $0xb8;
	[tilespmem:$0x1E400] =	vst v63  }
0x5f8: {  	v17 =	vadd.s32 v3, v17;
	s24 =	simm.s32 $0x4E80  }
0x5f9: {  	[tilespmem:s24], [sflag:$0x1] =	stream.indirect_vreg.gather [hbm4b:s5+s22], $0x80, v19, vm0, $0xb8;
	[tilespmem:$0x1E400] =	vst v63  }
0x5fa: {  	s24 =	simm.s32 $0x4F00  }
0x5fb: {  	[tilespmem:s24], [sflag:$0x1] =	stream.indirect_vreg.gather [hbm4b:s5+s22], $0x80, v52, vm0, $0xb8;
	[tilespmem:$0x1E400] =	vst v63  }
0x5fc: {  	s24 =	simm.s32 $0x4F80  }
0x5fd: {  	[tilespmem:s24], [sflag:$0x1] =	stream.indirect_vreg.gather [hbm4b:s5+s22], $0x80, v17, vm0, $0xb8;
	[tilespmem:$0x1E400] =	vst v63  }
0x5fe: {  	v17 =	vld [tilespmem:$0x50];
	_ =	sdelay $0x4  }
0x5ff: {  	v18 =	vshll.u32 v17, $0x1  }
0x600: {  	v17 =	vand.u32 $0x7, v17;
	v18 =	vand.u32 $0xFFFFFFF0, v18  }
0x601: {  	v17 =	vor.u32 v17, v18  }
0x602: {  	v18 =	vperm.xlane v17, v2;
	_ =	sdelay $0x1  }
0x603: {  	v19 =	vperm.xlane v17, v1;
	v18 =	vadd.s32 v3, v18;
	_ =	sdelay $0x1  }
0x604: {  	v53 =	vperm.xlane v17, v4;
	v19 =	vadd.s32 v3, v19;
	_ =	sdelay $0x1  }
0x605: {  	s24 =	simm.s32 $0x5000;
	v54 =	vperm.xlane v17, v5;
	v20 =	vadd.s32 v3, v53  }
0x606: {  	[tilespmem:s24], [sflag:$0x1] =	stream.indirect_vreg.gather [hbm4b:s5+s22], $0x80, v18, vm0, $0xb8;
	[tilespmem:$0x1E400] =	vst v63  }
0x607: {  	v55 =	vperm.xlane v17, v6;
	v18 =	vadd.s32 v3, v54;
	s24 =	simm.s32 $0x5080  }
0x608: {  	[tilespmem:s24], [sflag:$0x1] =	stream.indirect_vreg.gather [hbm4b:s5+s22], $0x80, v19, vm0, $0xb8;
	[tilespmem:$0x1E400] =	vst v63  }
0x609: {  	v56 =	vperm.xlane v17, v7;
	v19 =	vadd.s32 v3, v55;
	s24 =	simm.s32 $0x5100  }
0x60a: {  	[tilespmem:s24], [sflag:$0x1] =	stream.indirect_vreg.gather [hbm4b:s5+s22], $0x80, v20, vm0, $0xb8;
	[tilespmem:$0x1E400] =	vst v63  }
0x60b: {  	v58 =	vperm.xlane v17, v8;
	v57 =	vadd.s32 v3, v56;
	s24 =	simm.s32 $0x5180  }
0x60c: {  	[tilespmem:s24], [sflag:$0x1] =	stream.indirect_vreg.gather [hbm4b:s5+s22], $0x80, v18, vm0, $0xb8;
	[tilespmem:$0x1E400] =	vst v63  }
0x60d: {  	v59 =	vperm.xlane v17, v0;
	v18 =	vadd.s32 v3, v58;
	s24 =	simm.s32 $0x5200  }
0x60e: {  	[tilespmem:s24], [sflag:$0x1] =	stream.indirect_vreg.gather [hbm4b:s5+s22], $0x80, v19, vm0, $0xb8;
	[tilespmem:$0x1E400] =	vst v63  }
0x60f: {  	v60 =	vperm.xlane v17, v9;
	v19 =	vadd.s32 v3, v59;
	s24 =	simm.s32 $0x5280  }
0x610: {  	[tilespmem:s24], [sflag:$0x1] =	stream.indirect_vreg.gather [hbm4b:s5+s22], $0x80, v57, vm0, $0xb8;
	[tilespmem:$0x1E400] =	vst v63  }
0x611: {  	v62 =	vperm.xlane v17, v10;
	v61 =	vadd.s32 v3, v60;
	s24 =	simm.s32 $0x5300  }
0x612: {  	[tilespmem:s24], [sflag:$0x1] =	stream.indirect_vreg.gather [hbm4b:s5+s22], $0x80, v18, vm0, $0xb8;
	[tilespmem:$0x1E400] =	vst v63  }
0x613: {  	v63 =	vperm.xlane v17, v11;
	v18 =	vadd.s32 v3, v62;
	s24 =	simm.s32 $0x5380  }
0x614: {  	[tilespmem:s24], [sflag:$0x1] =	stream.indirect_vreg.gather [hbm4b:s5+s22], $0x80, v19, vm0, $0xb8;
	[tilespmem:$0x1E400] =	vst v63  }
0x615: {  	v24 =	vperm.xlane v17, v12;
	v19 =	vadd.s32 v3, v63;
	s24 =	simm.s32 $0x5400  }
0x616: {  	[tilespmem:s24], [sflag:$0x1] =	stream.indirect_vreg.gather [hbm4b:s5+s22], $0x80, v61, vm0, $0xb8;
	[tilespmem:$0x1E400] =	vst v63  }
0x617: {  	v26 =	vperm.xlane v17, v13;
	v25 =	vadd.s32 v3, v24;
	s24 =	simm.s32 $0x5480  }
0x618: {  	[tilespmem:s24], [sflag:$0x1] =	stream.indirect_vreg.gather [hbm4b:s5+s22], $0x80, v18, vm0, $0xb8;
	[tilespmem:$0x1E400] =	vst v63  }
0x619: {  	v27 =	vperm.xlane v17, v14;
	v18 =	vadd.s32 v3, v26;
	s24 =	simm.s32 $0x5500  }
0x61a: {  	[tilespmem:s24], [sflag:$0x1] =	stream.indirect_vreg.gather [hbm4b:s5+s22], $0x80, v19, vm0, $0xb8;
	[tilespmem:$0x1E400] =	vst v63  }
0x61b: {  	v28 =	vperm.xlane v17, v15;
	v19 =	vadd.s32 v3, v27;
	s24 =	simm.s32 $0x5580  }
0x61c: {  	[tilespmem:s24], [sflag:$0x1] =	stream.indirect_vreg.gather [hbm4b:s5+s22], $0x80, v25, vm0, $0xb8;
	[tilespmem:$0x1E400] =	vst v63  }
0x61d: {  	v17 =	vperm.xlane v17, v16;
	v29 =	vadd.s32 v3, v28;
	s24 =	simm.s32 $0x5600  }
0x61e: {  	[tilespmem:s24], [sflag:$0x1] =	stream.indirect_vreg.gather [hbm4b:s5+s22], $0x80, v18, vm0, $0xb8;
	[tilespmem:$0x1E400] =	vst v63  }
0x61f: {  	v17 =	vadd.s32 v3, v17;
	s24 =	simm.s32 $0x5680  }
0x620: {  	[tilespmem:s24], [sflag:$0x1] =	stream.indirect_vreg.gather [hbm4b:s5+s22], $0x80, v19, vm0, $0xb8;
	[tilespmem:$0x1E400] =	vst v63  }
0x621: {  	s24 =	simm.s32 $0x5700  }
0x622: {  	[tilespmem:s24], [sflag:$0x1] =	stream.indirect_vreg.gather [hbm4b:s5+s22], $0x80, v29, vm0, $0xb8;
	[tilespmem:$0x1E400] =	vst v63  }
0x623: {  	s24 =	simm.s32 $0x5780  }
0x624: {  	[tilespmem:s24], [sflag:$0x1] =	stream.indirect_vreg.gather [hbm4b:s5+s22], $0x80, v17, vm0, $0xb8;
	[tilespmem:$0x1E400] =	vst v63  }
0x625: {  	v17 =	vld [tilespmem:$0x60];
	_ =	sdelay $0x4  }
0x626: {  	v18 =	vshll.u32 v17, $0x1  }
0x627: {  	v17 =	vand.u32 $0x7, v17;
	v18 =	vand.u32 $0xFFFFFFF0, v18  }
0x628: {  	v17 =	vor.u32 v17, v18  }
0x629: {  	v18 =	vperm.xlane v17, v2;
	_ =	sdelay $0x1  }
0x62a: {  	v19 =	vperm.xlane v17, v1;
	v18 =	vadd.s32 v3, v18;
	_ =	sdelay $0x1  }
0x62b: {  	v30 =	vperm.xlane v17, v4;
	v19 =	vadd.s32 v3, v19;
	_ =	sdelay $0x1  }
0x62c: {  	s24 =	simm.s32 $0x5800;
	v31 =	vperm.xlane v17, v5;
	v20 =	vadd.s32 v3, v30  }
0x62d: {  	[tilespmem:s24], [sflag:$0x1] =	stream.indirect_vreg.gather [hbm4b:s5+s22], $0x80, v18, vm0, $0xb8;
	[tilespmem:$0x1E400] =	vst v63  }
0x62e: {  	v32 =	vperm.xlane v17, v6;
	v18 =	vadd.s32 v3, v31;
	s24 =	simm.s32 $0x5880  }
0x62f: {  	[tilespmem:s24], [sflag:$0x1] =	stream.indirect_vreg.gather [hbm4b:s5+s22], $0x80, v19, vm0, $0xb8;
	[tilespmem:$0x1E400] =	vst v63  }
0x630: {  	v33 =	vperm.xlane v17, v7;
	v19 =	vadd.s32 v3, v32;
	s24 =	simm.s32 $0x5900  }
0x631: {  	[tilespmem:s24], [sflag:$0x1] =	stream.indirect_vreg.gather [hbm4b:s5+s22], $0x80, v20, vm0, $0xb8;
	[tilespmem:$0x1E400] =	vst v63  }
0x632: {  	v35 =	vperm.xlane v17, v8;
	v34 =	vadd.s32 v3, v33;
	s24 =	simm.s32 $0x5980  }
0x633: {  	[tilespmem:s24], [sflag:$0x1] =	stream.indirect_vreg.gather [hbm4b:s5+s22], $0x80, v18, vm0, $0xb8;
	[tilespmem:$0x1E400] =	vst v63  }
0x634: {  	v36 =	vperm.xlane v17, v0;
	v18 =	vadd.s32 v3, v35;
	s24 =	simm.s32 $0x5A00  }
0x635: {  	[tilespmem:s24], [sflag:$0x1] =	stream.indirect_vreg.gather [hbm4b:s5+s22], $0x80, v19, vm0, $0xb8;
	[tilespmem:$0x1E400] =	vst v63  }
0x636: {  	v37 =	vperm.xlane v17, v9;
	v19 =	vadd.s32 v3, v36;
	s24 =	simm.s32 $0x5A80  }
0x637: {  	[tilespmem:s24], [sflag:$0x1] =	stream.indirect_vreg.gather [hbm4b:s5+s22], $0x80, v34, vm0, $0xb8;
	[tilespmem:$0x1E400] =	vst v63  }
0x638: {  	v39 =	vperm.xlane v17, v10;
	v38 =	vadd.s32 v3, v37;
	s24 =	simm.s32 $0x5B00  }
0x639: {  	[tilespmem:s24], [sflag:$0x1] =	stream.indirect_vreg.gather [hbm4b:s5+s22], $0x80, v18, vm0, $0xb8;
	[tilespmem:$0x1E400] =	vst v63  }
0x63a: {  	v40 =	vperm.xlane v17, v11;
	v18 =	vadd.s32 v3, v39;
	s24 =	simm.s32 $0x5B80  }
0x63b: {  	[tilespmem:s24], [sflag:$0x1] =	stream.indirect_vreg.gather [hbm4b:s5+s22], $0x80, v19, vm0, $0xb8;
	[tilespmem:$0x1E400] =	vst v63  }
0x63c: {  	v41 =	vperm.xlane v17, v12;
	v19 =	vadd.s32 v3, v40;
	s24 =	simm.s32 $0x5C00  }
0x63d: {  	[tilespmem:s24], [sflag:$0x1] =	stream.indirect_vreg.gather [hbm4b:s5+s22], $0x80, v38, vm0, $0xb8;
	[tilespmem:$0x1E400] =	vst v63  }
0x63e: {  	v43 =	vperm.xlane v17, v13;
	v42 =	vadd.s32 v3, v41;
	s24 =	simm.s32 $0x5C80  }
0x63f: {  	[tilespmem:s24], [sflag:$0x1] =	stream.indirect_vreg.gather [hbm4b:s5+s22], $0x80, v18, vm0, $0xb8;
	[tilespmem:$0x1E400] =	vst v63  }
0x640: {  	v44 =	vperm.xlane v17, v14;
	v18 =	vadd.s32 v3, v43;
	s24 =	simm.s32 $0x5D00  }
0x641: {  	[tilespmem:s24], [sflag:$0x1] =	stream.indirect_vreg.gather [hbm4b:s5+s22], $0x80, v19, vm0, $0xb8;
	[tilespmem:$0x1E400] =	vst v63  }
0x642: {  	v45 =	vperm.xlane v17, v15;
	v19 =	vadd.s32 v3, v44;
	s24 =	simm.s32 $0x5D80  }
0x643: {  	[tilespmem:s24], [sflag:$0x1] =	stream.indirect_vreg.gather [hbm4b:s5+s22], $0x80, v42, vm0, $0xb8;
	[tilespmem:$0x1E400] =	vst v63  }
0x644: {  	v17 =	vperm.xlane v17, v16;
	v46 =	vadd.s32 v3, v45;
	s24 =	simm.s32 $0x5E00  }
0x645: {  	[tilespmem:s24], [sflag:$0x1] =	stream.indirect_vreg.gather [hbm4b:s5+s22], $0x80, v18, vm0, $0xb8;
	[tilespmem:$0x1E400] =	vst v63  }
0x646: {  	v17 =	vadd.s32 v3, v17  }
0x647: {  	[tilespmem:s10], [sflag:$0x1] =	stream.indirect_vreg.gather [hbm4b:s5+s22], $0x80, v19, vm0, $0xb8;
	[tilespmem:$0x1E400] =	vst v63  }
0x648: {  	_ = 	snop  }
0x649: {  	[tilespmem:s11], [sflag:$0x1] =	stream.indirect_vreg.gather [hbm4b:s5+s22], $0x80, v46, vm0, $0xb8;
	[tilespmem:$0x1E400] =	vst v63  }
0x64a: {  	_ = 	snop  }
0x64b: {  	[tilespmem:s12], [sflag:$0x1] =	stream.indirect_vreg.gather [hbm4b:s5+s22], $0x80, v17, vm0, $0xb8;
	[tilespmem:$0x1E400] =	vst v63  }
0x64c: {  	v17 =	vld [tilespmem:$0x70];
	_ =	sdelay $0x4  }
0x64d: {  	v18 =	vshll.u32 v17, $0x1  }
0x64e: {  	v17 =	vand.u32 $0x7, v17;
	v18 =	vand.u32 $0xFFFFFFF0, v18  }
0x64f: {  	v17 =	vor.u32 v17, v18  }
0x650: {  	v18 =	vperm.xlane v17, v2;
	_ =	sdelay $0x1  }
0x651: {  	v19 =	vperm.xlane v17, v1;
	v18 =	vadd.s32 v3, v18;
	_ =	sdelay $0x1  }
0x652: {  	v47 =	vperm.xlane v17, v4;
	v19 =	vadd.s32 v3, v19;
	_ =	sdelay $0x1  }
0x653: {  	v48 =	vperm.xlane v17, v5;
	v20 =	vadd.s32 v3, v47  }
0x654: {  	[tilespmem:s13], [sflag:$0x1] =	stream.indirect_vreg.gather [hbm4b:s5+s22], $0x80, v18, vm0, $0xb8;
	[tilespmem:$0x1E400] =	vst v63  }
0x655: {  	v49 =	vperm.xlane v17, v6;
	v18 =	vadd.s32 v3, v48  }
0x656: {  	[tilespmem:s15], [sflag:$0x1] =	stream.indirect_vreg.gather [hbm4b:s5+s22], $0x80, v19, vm0, $0xb8;
	[tilespmem:$0x1E400] =	vst v63  }
0x657: {  	v50 =	vperm.xlane v17, v7;
	v19 =	vadd.s32 v3, v49  }
0x658: {  	[tilespmem:s25], [sflag:$0x1] =	stream.indirect_vreg.gather [hbm4b:s5+s22], $0x80, v20, vm0, $0xb8;
	[tilespmem:$0x1E400] =	vst v63  }
0x659: {  	v52 =	vperm.xlane v17, v8;
	v51 =	vadd.s32 v3, v50  }
0x65a: {  	[tilespmem:s28], [sflag:$0x1] =	stream.indirect_vreg.gather [hbm4b:s5+s22], $0x80, v18, vm0, $0xb8;
	[tilespmem:$0x1E400] =	vst v63  }
0x65b: {  	v53 =	vperm.xlane v17, v0;
	v18 =	vadd.s32 v3, v52  }
0x65c: {  	[tilespmem:s26], [sflag:$0x1] =	stream.indirect_vreg.gather [hbm4b:s5+s22], $0x80, v19, vm0, $0xb8;
	[tilespmem:$0x1E400] =	vst v63  }
0x65d: {  	v54 =	vperm.xlane v17, v9;
	v19 =	vadd.s32 v3, v53  }
0x65e: {  	[tilespmem:s29], [sflag:$0x1] =	stream.indirect_vreg.gather [hbm4b:s5+s22], $0x80, v51, vm0, $0xb8;
	[tilespmem:$0x1E400] =	vst v63  }
0x65f: {  	v56 =	vperm.xlane v17, v10;
	v55 =	vadd.s32 v3, v54  }
0x660: {  	[tilespmem:s30], [sflag:$0x1] =	stream.indirect_vreg.gather [hbm4b:s5+s22], $0x80, v18, vm0, $0xb8;
	[tilespmem:$0x1E400] =	vst v63  }
0x661: {  	v57 =	vperm.xlane v17, v11;
	v18 =	vadd.s32 v3, v56  }
0x662: {  	[tilespmem:s31], [sflag:$0x1] =	stream.indirect_vreg.gather [hbm4b:s5+s22], $0x80, v19, vm0, $0xb8;
	[tilespmem:$0x1E400] =	vst v63  }
0x663: {  	v58 =	vperm.xlane v17, v12;
	v19 =	vadd.s32 v3, v57  }
0x664: {  	[tilespmem:s0], [sflag:$0x1] =	stream.indirect_vreg.gather [hbm4b:s5+s22], $0x80, v55, vm0, $0xb8;
	[tilespmem:$0x1E400] =	vst v63  }
0x665: {  	v60 =	vperm.xlane v17, v13;
	v59 =	vadd.s32 v3, v58  }
0x666: {  	[tilespmem:s1], [sflag:$0x1] =	stream.indirect_vreg.gather [hbm4b:s5+s22], $0x80, v18, vm0, $0xb8;
	[tilespmem:$0x1E400] =	vst v63  }
0x667: {  	v61 =	vperm.xlane v17, v14;
	v18 =	vadd.s32 v3, v60  }
0x668: {  	[tilespmem:s17], [sflag:$0x1] =	stream.indirect_vreg.gather [hbm4b:s5+s22], $0x80, v19, vm0, $0xb8;
	[tilespmem:$0x1E400] =	vst v63  }
0x669: {  	v62 =	vperm.xlane v17, v15;
	v19 =	vadd.s32 v3, v61  }
0x66a: {  	[tilespmem:s4], [sflag:$0x1] =	stream.indirect_vreg.gather [hbm4b:s5+s22], $0x80, v59, vm0, $0xb8;
	[tilespmem:$0x1E400] =	vst v63  }
0x66b: {  	v17 =	vperm.xlane v17, v16;
	v63 =	vadd.s32 v3, v62  }
0x66c: {  	[tilespmem:s6], [sflag:$0x1] =	stream.indirect_vreg.gather [hbm4b:s5+s22], $0x80, v18, vm0, $0xb8;
	[tilespmem:$0x1E400] =	vst v63  }
0x66d: {  	v17 =	vadd.s32 v3, v17  }
0x66e: {  	[tilespmem:s7], [sflag:$0x1] =	stream.indirect_vreg.gather [hbm4b:s5+s22], $0x80, v19, vm0, $0xb8;
	[tilespmem:$0x1E400] =	vst v63  }
0x66f: {  	_ = 	snop  }
0x670: {  	[tilespmem:s8], [sflag:$0x1] =	stream.indirect_vreg.gather [hbm4b:s5+s22], $0x80, v63, vm0, $0xb8;
	[tilespmem:$0x1E400] =	vst v63  }
0x671: {  	_ = 	snop  }
0x672: {  	[tilespmem:s9], [sflag:$0x1] =	stream.indirect_vreg.gather [hbm4b:s5+s22], $0x80, v17, vm0, $0xb8;
	[tilespmem:$0x1E400] =	vst v63  }
.LBB2_4:
0x673: {  	s23 =	sshra.s32 s22, $0x2  }
0x674: {  	v17 =	vld [tilespmem:s23+$0x80];
	_ =	sdelay $0x4  }
0x675: {  	v18 =	vshll.u32 v17, $0x1  }
0x676: {  	v17 =	vand.u32 $0x7, v17;
	v18 =	vand.u32 $0xFFFFFFF0, v18  }
0x677: {  	v17 =	vor.u32 v17, v18  }
0x678: {  	v18 =	vperm.xlane v17, v2;
	_ =	sdelay $0x1  }
0x679: {  	v19 =	vperm.xlane v17, v1;
	v18 =	vadd.s32 v3, v18;
	_ =	sdelay $0x1  }
0x67a: {  	v20 =	vperm.xlane v17, v4;
	v19 =	vadd.s32 v3, v19;
	_ =	sdelay $0x1  }
0x67b: {  	v21 =	vperm.xlane v17, v5;
	v20 =	vadd.s32 v3, v20  }
0x67c: {  	[tilespmem:s14], [sflag:$0x2] =	stream.indirect_vreg.gather [hbm4b:s5+s3], $0x80, v18, vm0, $0xb8;
	[tilespmem:$0x1E400] =	vst v63  }
0x67d: {  	s24 =	simm.s32 $0x6880;
	v34 =	vperm.xlane v17, v6;
	v18 =	vadd.s32 v3, v21  }
0x67e: {  	[tilespmem:s24], [sflag:$0x2] =	stream.indirect_vreg.gather [hbm4b:s5+s3], $0x80, v19, vm0, $0xb8;
	[tilespmem:$0x1E400] =	vst v63  }
0x67f: {  	v35 =	vperm.xlane v17, v7;
	v19 =	vadd.s32 v3, v34;
	s24 =	simm.s32 $0x6900  }
0x680: {  	[tilespmem:s24], [sflag:$0x2] =	stream.indirect_vreg.gather [hbm4b:s5+s3], $0x80, v20, vm0, $0xb8;
	[tilespmem:$0x1E400] =	vst v63  }
0x681: {  	v37 =	vperm.xlane v17, v8;
	v36 =	vadd.s32 v3, v35;
	s24 =	simm.s32 $0x6980  }
0x682: {  	[tilespmem:s24], [sflag:$0x2] =	stream.indirect_vreg.gather [hbm4b:s5+s3], $0x80, v18, vm0, $0xb8;
	[tilespmem:$0x1E400] =	vst v63  }
0x683: {  	v38 =	vperm.xlane v17, v0;
	v18 =	vadd.s32 v3, v37;
	s24 =	simm.s32 $0x6A00  }
0x684: {  	[tilespmem:s24], [sflag:$0x2] =	stream.indirect_vreg.gather [hbm4b:s5+s3], $0x80, v19, vm0, $0xb8;
	[tilespmem:$0x1E400] =	vst v63  }
0x685: {  	v39 =	vperm.xlane v17, v9;
	v19 =	vadd.s32 v3, v38;
	s24 =	simm.s32 $0x6A80  }
0x686: {  	[tilespmem:s24], [sflag:$0x2] =	stream.indirect_vreg.gather [hbm4b:s5+s3], $0x80, v36, vm0, $0xb8;
	[tilespmem:$0x1E400] =	vst v63  }
0x687: {  	v41 =	vperm.xlane v17, v10;
	v40 =	vadd.s32 v3, v39;
	s24 =	simm.s32 $0x6B00  }
0x688: {  	[tilespmem:s24], [sflag:$0x2] =	stream.indirect_vreg.gather [hbm4b:s5+s3], $0x80, v18, vm0, $0xb8;
	[tilespmem:$0x1E400] =	vst v63  }
0x689: {  	v42 =	vperm.xlane v17, v11;
	v18 =	vadd.s32 v3, v41;
	s24 =	simm.s32 $0x6B80  }
0x68a: {  	[tilespmem:s24], [sflag:$0x2] =	stream.indirect_vreg.gather [hbm4b:s5+s3], $0x80, v19, vm0, $0xb8;
	[tilespmem:$0x1E400] =	vst v63  }
0x68b: {  	v43 =	vperm.xlane v17, v12;
	v19 =	vadd.s32 v3, v42;
	s24 =	simm.s32 $0x6C00  }
0x68c: {  	[tilespmem:s24], [sflag:$0x2] =	stream.indirect_vreg.gather [hbm4b:s5+s3], $0x80, v40, vm0, $0xb8;
	[tilespmem:$0x1E400] =	vst v63  }
0x68d: {  	v45 =	vperm.xlane v17, v13;
	v44 =	vadd.s32 v3, v43;
	s24 =	simm.s32 $0x6C80  }
0x68e: {  	[tilespmem:s24], [sflag:$0x2] =	stream.indirect_vreg.gather [hbm4b:s5+s3], $0x80, v18, vm0, $0xb8;
	[tilespmem:$0x1E400] =	vst v63  }
0x68f: {  	v46 =	vperm.xlane v17, v14;
	v18 =	vadd.s32 v3, v45;
	s24 =	simm.s32 $0x6D00  }
0x690: {  	[tilespmem:s24], [sflag:$0x2] =	stream.indirect_vreg.gather [hbm4b:s5+s3], $0x80, v19, vm0, $0xb8;
	[tilespmem:$0x1E400] =	vst v63  }
0x691: {  	v47 =	vperm.xlane v17, v15;
	v19 =	vadd.s32 v3, v46;
	s24 =	simm.s32 $0x6D80  }
0x692: {  	[tilespmem:s24], [sflag:$0x2] =	stream.indirect_vreg.gather [hbm4b:s5+s3], $0x80, v44, vm0, $0xb8;
	[tilespmem:$0x1E400] =	vst v63  }
0x693: {  	v17 =	vperm.xlane v17, v16;
	v48 =	vadd.s32 v3, v47;
	s24 =	simm.s32 $0x6E00  }
0x694: {  	[tilespmem:s24], [sflag:$0x2] =	stream.indirect_vreg.gather [hbm4b:s5+s3], $0x80, v18, vm0, $0xb8;
	[tilespmem:$0x1E400] =	vst v63  }
0x695: {  	v17 =	vadd.s32 v3, v17;
	s24 =	simm.s32 $0x6E80  }
0x696: {  	[tilespmem:s24], [sflag:$0x2] =	stream.indirect_vreg.gather [hbm4b:s5+s3], $0x80, v19, vm0, $0xb8;
	[tilespmem:$0x1E400] =	vst v63  }
0x697: {  	s24 =	simm.s32 $0x6F00  }
0x698: {  	[tilespmem:s24], [sflag:$0x2] =	stream.indirect_vreg.gather [hbm4b:s5+s3], $0x80, v48, vm0, $0xb8;
	[tilespmem:$0x1E400] =	vst v63  }
0x699: {  	s24 =	simm.s32 $0x6F80  }
0x69a: {  	[tilespmem:s24], [sflag:$0x2] =	stream.indirect_vreg.gather [hbm4b:s5+s3], $0x80, v17, vm0, $0xb8;
	[tilespmem:$0x1E400] =	vst v63  }
0x69b: {  	v17 =	vld [tilespmem:s23+$0x90];
	_ =	sdelay $0x4  }
0x69c: {  	v18 =	vshll.u32 v17, $0x1  }
0x69d: {  	v17 =	vand.u32 $0x7, v17;
	v18 =	vand.u32 $0xFFFFFFF0, v18  }
0x69e: {  	v17 =	vor.u32 v17, v18  }
0x69f: {  	v18 =	vperm.xlane v17, v2;
	_ =	sdelay $0x1  }
0x6a0: {  	v19 =	vperm.xlane v17, v1;
	v18 =	vadd.s32 v3, v18;
	_ =	sdelay $0x1  }
0x6a1: {  	v49 =	vperm.xlane v17, v4;
	v19 =	vadd.s32 v3, v19;
	_ =	sdelay $0x1  }
0x6a2: {  	s24 =	simm.s32 $0x7000;
	v50 =	vperm.xlane v17, v5;
	v20 =	vadd.s32 v3, v49  }
0x6a3: {  	[tilespmem:s24], [sflag:$0x2] =	stream.indirect_vreg.gather [hbm4b:s5+s3], $0x80, v18, vm0, $0xb8;
	[tilespmem:$0x1E400] =	vst v63  }
0x6a4: {  	v51 =	vperm.xlane v17, v6;
	v18 =	vadd.s32 v3, v50;
	s24 =	simm.s32 $0x7080  }
0x6a5: {  	[tilespmem:s24], [sflag:$0x2] =	stream.indirect_vreg.gather [hbm4b:s5+s3], $0x80, v19, vm0, $0xb8;
	[tilespmem:$0x1E400] =	vst v63  }
0x6a6: {  	v52 =	vperm.xlane v17, v7;
	v19 =	vadd.s32 v3, v51;
	s24 =	simm.s32 $0x7100  }
0x6a7: {  	[tilespmem:s24], [sflag:$0x2] =	stream.indirect_vreg.gather [hbm4b:s5+s3], $0x80, v20, vm0, $0xb8;
	[tilespmem:$0x1E400] =	vst v63  }
0x6a8: {  	v54 =	vperm.xlane v17, v8;
	v53 =	vadd.s32 v3, v52;
	s24 =	simm.s32 $0x7180  }
0x6a9: {  	[tilespmem:s24], [sflag:$0x2] =	stream.indirect_vreg.gather [hbm4b:s5+s3], $0x80, v18, vm0, $0xb8;
	[tilespmem:$0x1E400] =	vst v63  }
0x6aa: {  	v55 =	vperm.xlane v17, v0;
	v18 =	vadd.s32 v3, v54;
	s24 =	simm.s32 $0x7200  }
0x6ab: {  	[tilespmem:s24], [sflag:$0x2] =	stream.indirect_vreg.gather [hbm4b:s5+s3], $0x80, v19, vm0, $0xb8;
	[tilespmem:$0x1E400] =	vst v63  }
0x6ac: {  	v56 =	vperm.xlane v17, v9;
	v19 =	vadd.s32 v3, v55;
	s24 =	simm.s32 $0x7280  }
0x6ad: {  	[tilespmem:s24], [sflag:$0x2] =	stream.indirect_vreg.gather [hbm4b:s5+s3], $0x80, v53, vm0, $0xb8;
	[tilespmem:$0x1E400] =	vst v63  }
0x6ae: {  	v58 =	vperm.xlane v17, v10;
	v57 =	vadd.s32 v3, v56;
	s24 =	simm.s32 $0x7300  }
0x6af: {  	[tilespmem:s24], [sflag:$0x2] =	stream.indirect_vreg.gather [hbm4b:s5+s3], $0x80, v18, vm0, $0xb8;
	[tilespmem:$0x1E400] =	vst v63  }
0x6b0: {  	v59 =	vperm.xlane v17, v11;
	v18 =	vadd.s32 v3, v58;
	s24 =	simm.s32 $0x7380  }
0x6b1: {  	[tilespmem:s24], [sflag:$0x2] =	stream.indirect_vreg.gather [hbm4b:s5+s3], $0x80, v19, vm0, $0xb8;
	[tilespmem:$0x1E400] =	vst v63  }
0x6b2: {  	v60 =	vperm.xlane v17, v12;
	v19 =	vadd.s32 v3, v59;
	s24 =	simm.s32 $0x7400  }
0x6b3: {  	[tilespmem:s24], [sflag:$0x2] =	stream.indirect_vreg.gather [hbm4b:s5+s3], $0x80, v57, vm0, $0xb8;
	[tilespmem:$0x1E400] =	vst v63  }
0x6b4: {  	v62 =	vperm.xlane v17, v13;
	v61 =	vadd.s32 v3, v60;
	s24 =	simm.s32 $0x7480  }
0x6b5: {  	[tilespmem:s24], [sflag:$0x2] =	stream.indirect_vreg.gather [hbm4b:s5+s3], $0x80, v18, vm0, $0xb8;
	[tilespmem:$0x1E400] =	vst v63  }
0x6b6: {  	v63 =	vperm.xlane v17, v14;
	v18 =	vadd.s32 v3, v62;
	s24 =	simm.s32 $0x7500  }
0x6b7: {  	[tilespmem:s24], [sflag:$0x2] =	stream.indirect_vreg.gather [hbm4b:s5+s3], $0x80, v19, vm0, $0xb8;
	[tilespmem:$0x1E400] =	vst v63  }
0x6b8: {  	v24 =	vperm.xlane v17, v15;
	v19 =	vadd.s32 v3, v63;
	s24 =	simm.s32 $0x7580  }
0x6b9: {  	[tilespmem:s24], [sflag:$0x2] =	stream.indirect_vreg.gather [hbm4b:s5+s3], $0x80, v61, vm0, $0xb8;
	[tilespmem:$0x1E400] =	vst v63  }
0x6ba: {  	v17 =	vperm.xlane v17, v16;
	v25 =	vadd.s32 v3, v24;
	s24 =	simm.s32 $0x7600  }
0x6bb: {  	[tilespmem:s24], [sflag:$0x2] =	stream.indirect_vreg.gather [hbm4b:s5+s3], $0x80, v18, vm0, $0xb8;
	[tilespmem:$0x1E400] =	vst v63  }
0x6bc: {  	v17 =	vadd.s32 v3, v17;
	s24 =	simm.s32 $0x7680  }
0x6bd: {  	[tilespmem:s24], [sflag:$0x2] =	stream.indirect_vreg.gather [hbm4b:s5+s3], $0x80, v19, vm0, $0xb8;
	[tilespmem:$0x1E400] =	vst v63  }
0x6be: {  	s24 =	simm.s32 $0x7700  }
0x6bf: {  	[tilespmem:s24], [sflag:$0x2] =	stream.indirect_vreg.gather [hbm4b:s5+s3], $0x80, v25, vm0, $0xb8;
	[tilespmem:$0x1E400] =	vst v63  }
0x6c0: {  	s24 =	simm.s32 $0x7780  }
0x6c1: {  	[tilespmem:s24], [sflag:$0x2] =	stream.indirect_vreg.gather [hbm4b:s5+s3], $0x80, v17, vm0, $0xb8;
	[tilespmem:$0x1E400] =	vst v63  }
0x6c2: {  	v17 =	vld [tilespmem:s23+$0xA0];
	_ =	sdelay $0x4  }
0x6c3: {  	v18 =	vshll.u32 v17, $0x1  }
0x6c4: {  	v17 =	vand.u32 $0x7, v17;
	v18 =	vand.u32 $0xFFFFFFF0, v18  }
0x6c5: {  	v17 =	vor.u32 v17, v18  }
0x6c6: {  	v18 =	vperm.xlane v17, v2;
	_ =	sdelay $0x1  }
0x6c7: {  	v19 =	vperm.xlane v17, v1;
	v18 =	vadd.s32 v3, v18;
	_ =	sdelay $0x1  }
0x6c8: {  	v26 =	vperm.xlane v17, v4;
	v19 =	vadd.s32 v3, v19;
	_ =	sdelay $0x1  }
0x6c9: {  	s24 =	simm.s32 $0x7800;
	v27 =	vperm.xlane v17, v5;
	v20 =	vadd.s32 v3, v26  }
0x6ca: {  	[tilespmem:s24], [sflag:$0x2] =	stream.indirect_vreg.gather [hbm4b:s5+s3], $0x80, v18, vm0, $0xb8;
	[tilespmem:$0x1E400] =	vst v63  }
0x6cb: {  	v28 =	vperm.xlane v17, v6;
	v18 =	vadd.s32 v3, v27;
	s24 =	simm.s32 $0x7880  }
0x6cc: {  	[tilespmem:s24], [sflag:$0x2] =	stream.indirect_vreg.gather [hbm4b:s5+s3], $0x80, v19, vm0, $0xb8;
	[tilespmem:$0x1E400] =	vst v63  }
0x6cd: {  	v29 =	vperm.xlane v17, v7;
	v19 =	vadd.s32 v3, v28;
	s24 =	simm.s32 $0x7900  }
0x6ce: {  	[tilespmem:s24], [sflag:$0x2] =	stream.indirect_vreg.gather [hbm4b:s5+s3], $0x80, v20, vm0, $0xb8;
	[tilespmem:$0x1E400] =	vst v63  }
0x6cf: {  	v31 =	vperm.xlane v17, v8;
	v30 =	vadd.s32 v3, v29;
	s24 =	simm.s32 $0x7980  }
0x6d0: {  	[tilespmem:s24], [sflag:$0x2] =	stream.indirect_vreg.gather [hbm4b:s5+s3], $0x80, v18, vm0, $0xb8;
	[tilespmem:$0x1E400] =	vst v63  }
0x6d1: {  	v32 =	vperm.xlane v17, v0;
	v18 =	vadd.s32 v3, v31;
	s24 =	simm.s32 $0x7A00  }
0x6d2: {  	[tilespmem:s24], [sflag:$0x2] =	stream.indirect_vreg.gather [hbm4b:s5+s3], $0x80, v19, vm0, $0xb8;
	[tilespmem:$0x1E400] =	vst v63  }
0x6d3: {  	v33 =	vperm.xlane v17, v9;
	v19 =	vadd.s32 v3, v32;
	s24 =	simm.s32 $0x7A80  }
0x6d4: {  	[tilespmem:s24], [sflag:$0x2] =	stream.indirect_vreg.gather [hbm4b:s5+s3], $0x80, v30, vm0, $0xb8;
	[tilespmem:$0x1E400] =	vst v63  }
0x6d5: {  	v35 =	vperm.xlane v17, v10;
	v34 =	vadd.s32 v3, v33;
	s24 =	simm.s32 $0x7B00  }
0x6d6: {  	[tilespmem:s24], [sflag:$0x2] =	stream.indirect_vreg.gather [hbm4b:s5+s3], $0x80, v18, vm0, $0xb8;
	[tilespmem:$0x1E400] =	vst v63  }
0x6d7: {  	v36 =	vperm.xlane v17, v11;
	v18 =	vadd.s32 v3, v35;
	s24 =	simm.s32 $0x7B80  }
0x6d8: {  	[tilespmem:s24], [sflag:$0x2] =	stream.indirect_vreg.gather [hbm4b:s5+s3], $0x80, v19, vm0, $0xb8;
	[tilespmem:$0x1E400] =	vst v63  }
0x6d9: {  	v37 =	vperm.xlane v17, v12;
	v19 =	vadd.s32 v3, v36;
	s24 =	simm.s32 $0x7C00  }
0x6da: {  	[tilespmem:s24], [sflag:$0x2] =	stream.indirect_vreg.gather [hbm4b:s5+s3], $0x80, v34, vm0, $0xb8;
	[tilespmem:$0x1E400] =	vst v63  }
0x6db: {  	v39 =	vperm.xlane v17, v13;
	v38 =	vadd.s32 v3, v37;
	s24 =	simm.s32 $0x7C80  }
0x6dc: {  	[tilespmem:s24], [sflag:$0x2] =	stream.indirect_vreg.gather [hbm4b:s5+s3], $0x80, v18, vm0, $0xb8;
	[tilespmem:$0x1E400] =	vst v63  }
0x6dd: {  	v40 =	vperm.xlane v17, v14;
	v18 =	vadd.s32 v3, v39;
	s24 =	simm.s32 $0x7D00  }
0x6de: {  	[tilespmem:s24], [sflag:$0x2] =	stream.indirect_vreg.gather [hbm4b:s5+s3], $0x80, v19, vm0, $0xb8;
	[tilespmem:$0x1E400] =	vst v63  }
0x6df: {  	v41 =	vperm.xlane v17, v15;
	v19 =	vadd.s32 v3, v40;
	s24 =	simm.s32 $0x7D80  }
0x6e0: {  	[tilespmem:s24], [sflag:$0x2] =	stream.indirect_vreg.gather [hbm4b:s5+s3], $0x80, v38, vm0, $0xb8;
	[tilespmem:$0x1E400] =	vst v63  }
0x6e1: {  	v17 =	vperm.xlane v17, v16;
	v42 =	vadd.s32 v3, v41;
	s24 =	simm.s32 $0x7E00  }
0x6e2: {  	[tilespmem:s24], [sflag:$0x2] =	stream.indirect_vreg.gather [hbm4b:s5+s3], $0x80, v18, vm0, $0xb8;
	[tilespmem:$0x1E400] =	vst v63  }
0x6e3: {  	v17 =	vadd.s32 v3, v17;
	s24 =	simm.s32 $0x7E80  }
0x6e4: {  	[tilespmem:s24], [sflag:$0x2] =	stream.indirect_vreg.gather [hbm4b:s5+s3], $0x80, v19, vm0, $0xb8;
	[tilespmem:$0x1E400] =	vst v63  }
0x6e5: {  	s24 =	simm.s32 $0x7F00  }
0x6e6: {  	[tilespmem:s24], [sflag:$0x2] =	stream.indirect_vreg.gather [hbm4b:s5+s3], $0x80, v42, vm0, $0xb8;
	[tilespmem:$0x1E400] =	vst v63  }
0x6e7: {  	s24 =	simm.s32 $0x7F80  }
0x6e8: {  	[tilespmem:s24], [sflag:$0x2] =	stream.indirect_vreg.gather [hbm4b:s5+s3], $0x80, v17, vm0, $0xb8;
	[tilespmem:$0x1E400] =	vst v63  }
0x6e9: {  	v17 =	vld [tilespmem:s23+$0xB0];
	_ =	sdelay $0x4  }
0x6ea: {  	v18 =	vshll.u32 v17, $0x1  }
0x6eb: {  	v17 =	vand.u32 $0x7, v17;
	v18 =	vand.u32 $0xFFFFFFF0, v18  }
0x6ec: {  	v17 =	vor.u32 v17, v18  }
0x6ed: {  	v18 =	vperm.xlane v17, v2;
	_ =	sdelay $0x1  }
0x6ee: {  	v19 =	vperm.xlane v17, v1;
	v18 =	vadd.s32 v3, v18;
	_ =	sdelay $0x1  }
0x6ef: {  	v43 =	vperm.xlane v17, v4;
	v19 =	vadd.s32 v3, v19;
	_ =	sdelay $0x1  }
0x6f0: {  	s24 =	simm.s32 $0x8000;
	v44 =	vperm.xlane v17, v5;
	v20 =	vadd.s32 v3, v43  }
0x6f1: {  	[tilespmem:s24], [sflag:$0x2] =	stream.indirect_vreg.gather [hbm4b:s5+s3], $0x80, v18, vm0, $0xb8;
	[tilespmem:$0x1E400] =	vst v63  }
0x6f2: {  	v45 =	vperm.xlane v17, v6;
	v18 =	vadd.s32 v3, v44;
	s24 =	simm.s32 $0x8080  }
0x6f3: {  	[tilespmem:s24], [sflag:$0x2] =	stream.indirect_vreg.gather [hbm4b:s5+s3], $0x80, v19, vm0, $0xb8;
	[tilespmem:$0x1E400] =	vst v63  }
0x6f4: {  	v46 =	vperm.xlane v17, v7;
	v19 =	vadd.s32 v3, v45;
	s24 =	simm.s32 $0x8100  }
0x6f5: {  	[tilespmem:s24], [sflag:$0x2] =	stream.indirect_vreg.gather [hbm4b:s5+s3], $0x80, v20, vm0, $0xb8;
	[tilespmem:$0x1E400] =	vst v63  }
0x6f6: {  	v48 =	vperm.xlane v17, v8;
	v47 =	vadd.s32 v3, v46;
	s24 =	simm.s32 $0x8180  }
0x6f7: {  	[tilespmem:s24], [sflag:$0x2] =	stream.indirect_vreg.gather [hbm4b:s5+s3], $0x80, v18, vm0, $0xb8;
	[tilespmem:$0x1E400] =	vst v63  }
0x6f8: {  	v49 =	vperm.xlane v17, v0;
	v18 =	vadd.s32 v3, v48;
	s24 =	simm.s32 $0x8200  }
0x6f9: {  	[tilespmem:s24], [sflag:$0x2] =	stream.indirect_vreg.gather [hbm4b:s5+s3], $0x80, v19, vm0, $0xb8;
	[tilespmem:$0x1E400] =	vst v63  }
0x6fa: {  	v50 =	vperm.xlane v17, v9;
	v19 =	vadd.s32 v3, v49;
	s24 =	simm.s32 $0x8280  }
0x6fb: {  	[tilespmem:s24], [sflag:$0x2] =	stream.indirect_vreg.gather [hbm4b:s5+s3], $0x80, v47, vm0, $0xb8;
	[tilespmem:$0x1E400] =	vst v63  }
0x6fc: {  	v52 =	vperm.xlane v17, v10;
	v51 =	vadd.s32 v3, v50;
	s24 =	simm.s32 $0x8300  }
0x6fd: {  	[tilespmem:s24], [sflag:$0x2] =	stream.indirect_vreg.gather [hbm4b:s5+s3], $0x80, v18, vm0, $0xb8;
	[tilespmem:$0x1E400] =	vst v63  }
0x6fe: {  	v53 =	vperm.xlane v17, v11;
	v18 =	vadd.s32 v3, v52;
	s24 =	simm.s32 $0x8380  }
0x6ff: {  	[tilespmem:s24], [sflag:$0x2] =	stream.indirect_vreg.gather [hbm4b:s5+s3], $0x80, v19, vm0, $0xb8;
	[tilespmem:$0x1E400] =	vst v63  }
0x700: {  	v54 =	vperm.xlane v17, v12;
	v19 =	vadd.s32 v3, v53;
	s24 =	simm.s32 $0x8400  }
0x701: {  	[tilespmem:s24], [sflag:$0x2] =	stream.indirect_vreg.gather [hbm4b:s5+s3], $0x80, v51, vm0, $0xb8;
	[tilespmem:$0x1E400] =	vst v63  }
0x702: {  	v56 =	vperm.xlane v17, v13;
	v55 =	vadd.s32 v3, v54;
	s24 =	simm.s32 $0x8480  }
0x703: {  	[tilespmem:s24], [sflag:$0x2] =	stream.indirect_vreg.gather [hbm4b:s5+s3], $0x80, v18, vm0, $0xb8;
	[tilespmem:$0x1E400] =	vst v63  }
0x704: {  	v57 =	vperm.xlane v17, v14;
	v18 =	vadd.s32 v3, v56;
	s24 =	simm.s32 $0x8500  }
0x705: {  	[tilespmem:s24], [sflag:$0x2] =	stream.indirect_vreg.gather [hbm4b:s5+s3], $0x80, v19, vm0, $0xb8;
	[tilespmem:$0x1E400] =	vst v63  }
0x706: {  	v58 =	vperm.xlane v17, v15;
	v19 =	vadd.s32 v3, v57;
	s24 =	simm.s32 $0x8580  }
0x707: {  	[tilespmem:s24], [sflag:$0x2] =	stream.indirect_vreg.gather [hbm4b:s5+s3], $0x80, v55, vm0, $0xb8;
	[tilespmem:$0x1E400] =	vst v63  }
0x708: {  	v17 =	vperm.xlane v17, v16;
	v59 =	vadd.s32 v3, v58;
	s24 =	simm.s32 $0x8600  }
0x709: {  	[tilespmem:s24], [sflag:$0x2] =	stream.indirect_vreg.gather [hbm4b:s5+s3], $0x80, v18, vm0, $0xb8;
	[tilespmem:$0x1E400] =	vst v63  }
0x70a: {  	v17 =	vadd.s32 v3, v17;
	s24 =	simm.s32 $0x8680  }
0x70b: {  	[tilespmem:s24], [sflag:$0x2] =	stream.indirect_vreg.gather [hbm4b:s5+s3], $0x80, v19, vm0, $0xb8;
	[tilespmem:$0x1E400] =	vst v63  }
0x70c: {  	s24 =	simm.s32 $0x8700  }
0x70d: {  	[tilespmem:s24], [sflag:$0x2] =	stream.indirect_vreg.gather [hbm4b:s5+s3], $0x80, v59, vm0, $0xb8;
	[tilespmem:$0x1E400] =	vst v63  }
0x70e: {  	s24 =	simm.s32 $0x8780  }
0x70f: {  	[tilespmem:s24], [sflag:$0x2] =	stream.indirect_vreg.gather [hbm4b:s5+s3], $0x80, v17, vm0, $0xb8;
	[tilespmem:$0x1E400] =	vst v63  }
0x710: {  	v17 =	vld [tilespmem:s23+$0xC0];
	_ =	sdelay $0x4  }
0x711: {  	v18 =	vshll.u32 v17, $0x1  }
0x712: {  	v17 =	vand.u32 $0x7, v17;
	v18 =	vand.u32 $0xFFFFFFF0, v18  }
0x713: {  	v17 =	vor.u32 v17, v18  }
0x714: {  	v18 =	vperm.xlane v17, v2;
	_ =	sdelay $0x1  }
0x715: {  	v19 =	vperm.xlane v17, v1;
	v18 =	vadd.s32 v3, v18;
	_ =	sdelay $0x1  }
0x716: {  	v60 =	vperm.xlane v17, v4;
	v19 =	vadd.s32 v3, v19;
	_ =	sdelay $0x1  }
0x717: {  	s24 =	simm.s32 $0x8800;
	v61 =	vperm.xlane v17, v5;
	v20 =	vadd.s32 v3, v60  }
0x718: {  	[tilespmem:s24], [sflag:$0x2] =	stream.indirect_vreg.gather [hbm4b:s5+s3], $0x80, v18, vm0, $0xb8;
	[tilespmem:$0x1E400] =	vst v63  }
0x719: {  	v62 =	vperm.xlane v17, v6;
	v18 =	vadd.s32 v3, v61;
	s24 =	simm.s32 $0x8880  }
0x71a: {  	[tilespmem:s24], [sflag:$0x2] =	stream.indirect_vreg.gather [hbm4b:s5+s3], $0x80, v19, vm0, $0xb8;
	[tilespmem:$0x1E400] =	vst v63  }
0x71b: {  	v63 =	vperm.xlane v17, v7;
	v19 =	vadd.s32 v3, v62;
	s24 =	simm.s32 $0x8900  }
0x71c: {  	[tilespmem:s24], [sflag:$0x2] =	stream.indirect_vreg.gather [hbm4b:s5+s3], $0x80, v20, vm0, $0xb8;
	[tilespmem:$0x1E400] =	vst v63  }
0x71d: {  	v25 =	vperm.xlane v17, v8;
	v24 =	vadd.s32 v3, v63;
	s24 =	simm.s32 $0x8980  }
0x71e: {  	[tilespmem:s24], [sflag:$0x2] =	stream.indirect_vreg.gather [hbm4b:s5+s3], $0x80, v18, vm0, $0xb8;
	[tilespmem:$0x1E400] =	vst v63  }
0x71f: {  	v26 =	vperm.xlane v17, v0;
	v18 =	vadd.s32 v3, v25;
	s24 =	simm.s32 $0x8A00  }
0x720: {  	[tilespmem:s24], [sflag:$0x2] =	stream.indirect_vreg.gather [hbm4b:s5+s3], $0x80, v19, vm0, $0xb8;
	[tilespmem:$0x1E400] =	vst v63  }
0x721: {  	v27 =	vperm.xlane v17, v9;
	v19 =	vadd.s32 v3, v26;
	s24 =	simm.s32 $0x8A80  }
0x722: {  	[tilespmem:s24], [sflag:$0x2] =	stream.indirect_vreg.gather [hbm4b:s5+s3], $0x80, v24, vm0, $0xb8;
	[tilespmem:$0x1E400] =	vst v63  }
0x723: {  	v29 =	vperm.xlane v17, v10;
	v28 =	vadd.s32 v3, v27;
	s24 =	simm.s32 $0x8B00  }
0x724: {  	[tilespmem:s24], [sflag:$0x2] =	stream.indirect_vreg.gather [hbm4b:s5+s3], $0x80, v18, vm0, $0xb8;
	[tilespmem:$0x1E400] =	vst v63  }
0x725: {  	v30 =	vperm.xlane v17, v11;
	v18 =	vadd.s32 v3, v29;
	s24 =	simm.s32 $0x8B80  }
0x726: {  	[tilespmem:s24], [sflag:$0x2] =	stream.indirect_vreg.gather [hbm4b:s5+s3], $0x80, v19, vm0, $0xb8;
	[tilespmem:$0x1E400] =	vst v63  }
0x727: {  	v31 =	vperm.xlane v17, v12;
	v19 =	vadd.s32 v3, v30;
	s24 =	simm.s32 $0x8C00  }
0x728: {  	[tilespmem:s24], [sflag:$0x2] =	stream.indirect_vreg.gather [hbm4b:s5+s3], $0x80, v28, vm0, $0xb8;
	[tilespmem:$0x1E400] =	vst v63  }
0x729: {  	v33 =	vperm.xlane v17, v13;
	v32 =	vadd.s32 v3, v31;
	s24 =	simm.s32 $0x8C80  }
0x72a: {  	[tilespmem:s24], [sflag:$0x2] =	stream.indirect_vreg.gather [hbm4b:s5+s3], $0x80, v18, vm0, $0xb8;
	[tilespmem:$0x1E400] =	vst v63  }
0x72b: {  	v34 =	vperm.xlane v17, v14;
	v18 =	vadd.s32 v3, v33;
	s24 =	simm.s32 $0x8D00  }
0x72c: {  	[tilespmem:s24], [sflag:$0x2] =	stream.indirect_vreg.gather [hbm4b:s5+s3], $0x80, v19, vm0, $0xb8;
	[tilespmem:$0x1E400] =	vst v63  }
0x72d: {  	v35 =	vperm.xlane v17, v15;
	v19 =	vadd.s32 v3, v34;
	s24 =	simm.s32 $0x8D80  }
0x72e: {  	[tilespmem:s24], [sflag:$0x2] =	stream.indirect_vreg.gather [hbm4b:s5+s3], $0x80, v32, vm0, $0xb8;
	[tilespmem:$0x1E400] =	vst v63  }
0x72f: {  	v17 =	vperm.xlane v17, v16;
	v36 =	vadd.s32 v3, v35;
	s24 =	simm.s32 $0x8E00  }
0x730: {  	[tilespmem:s24], [sflag:$0x2] =	stream.indirect_vreg.gather [hbm4b:s5+s3], $0x80, v18, vm0, $0xb8;
	[tilespmem:$0x1E400] =	vst v63  }
0x731: {  	v17 =	vadd.s32 v3, v17;
	s24 =	simm.s32 $0x8E80  }
0x732: {  	[tilespmem:s24], [sflag:$0x2] =	stream.indirect_vreg.gather [hbm4b:s5+s3], $0x80, v19, vm0, $0xb8;
	[tilespmem:$0x1E400] =	vst v63  }
0x733: {  	s24 =	simm.s32 $0x8F00  }
0x734: {  	[tilespmem:s24], [sflag:$0x2] =	stream.indirect_vreg.gather [hbm4b:s5+s3], $0x80, v36, vm0, $0xb8;
	[tilespmem:$0x1E400] =	vst v63  }
0x735: {  	s24 =	simm.s32 $0x8F80  }
0x736: {  	[tilespmem:s24], [sflag:$0x2] =	stream.indirect_vreg.gather [hbm4b:s5+s3], $0x80, v17, vm0, $0xb8;
	[tilespmem:$0x1E400] =	vst v63  }
0x737: {  	v17 =	vld [tilespmem:s23+$0xD0];
	_ =	sdelay $0x4  }
0x738: {  	v18 =	vshll.u32 v17, $0x1  }
0x739: {  	v17 =	vand.u32 $0x7, v17;
	v18 =	vand.u32 $0xFFFFFFF0, v18  }
0x73a: {  	v17 =	vor.u32 v17, v18  }
0x73b: {  	v18 =	vperm.xlane v17, v2;
	_ =	sdelay $0x1  }
0x73c: {  	v19 =	vperm.xlane v17, v1;
	v18 =	vadd.s32 v3, v18;
	_ =	sdelay $0x1  }
0x73d: {  	v37 =	vperm.xlane v17, v4;
	v19 =	vadd.s32 v3, v19;
	_ =	sdelay $0x1  }
0x73e: {  	s24 =	simm.s32 $0x9000;
	v38 =	vperm.xlane v17, v5;
	v20 =	vadd.s32 v3, v37  }
0x73f: {  	[tilespmem:s24], [sflag:$0x2] =	stream.indirect_vreg.gather [hbm4b:s5+s3], $0x80, v18, vm0, $0xb8;
	[tilespmem:$0x1E400] =	vst v63  }
0x740: {  	v39 =	vperm.xlane v17, v6;
	v18 =	vadd.s32 v3, v38;
	s24 =	simm.s32 $0x9080  }
0x741: {  	[tilespmem:s24], [sflag:$0x2] =	stream.indirect_vreg.gather [hbm4b:s5+s3], $0x80, v19, vm0, $0xb8;
	[tilespmem:$0x1E400] =	vst v63  }
0x742: {  	v40 =	vperm.xlane v17, v7;
	v19 =	vadd.s32 v3, v39;
	s24 =	simm.s32 $0x9100  }
0x743: {  	[tilespmem:s24], [sflag:$0x2] =	stream.indirect_vreg.gather [hbm4b:s5+s3], $0x80, v20, vm0, $0xb8;
	[tilespmem:$0x1E400] =	vst v63  }
0x744: {  	v42 =	vperm.xlane v17, v8;
	v41 =	vadd.s32 v3, v40;
	s24 =	simm.s32 $0x9180  }
0x745: {  	[tilespmem:s24], [sflag:$0x2] =	stream.indirect_vreg.gather [hbm4b:s5+s3], $0x80, v18, vm0, $0xb8;
	[tilespmem:$0x1E400] =	vst v63  }
0x746: {  	v43 =	vperm.xlane v17, v0;
	v18 =	vadd.s32 v3, v42;
	s24 =	simm.s32 $0x9200  }
0x747: {  	[tilespmem:s24], [sflag:$0x2] =	stream.indirect_vreg.gather [hbm4b:s5+s3], $0x80, v19, vm0, $0xb8;
	[tilespmem:$0x1E400] =	vst v63  }
0x748: {  	v44 =	vperm.xlane v17, v9;
	v19 =	vadd.s32 v3, v43;
	s24 =	simm.s32 $0x9280  }
0x749: {  	[tilespmem:s24], [sflag:$0x2] =	stream.indirect_vreg.gather [hbm4b:s5+s3], $0x80, v41, vm0, $0xb8;
	[tilespmem:$0x1E400] =	vst v63  }
0x74a: {  	v46 =	vperm.xlane v17, v10;
	v45 =	vadd.s32 v3, v44;
	s24 =	simm.s32 $0x9300  }
0x74b: {  	[tilespmem:s24], [sflag:$0x2] =	stream.indirect_vreg.gather [hbm4b:s5+s3], $0x80, v18, vm0, $0xb8;
	[tilespmem:$0x1E400] =	vst v63  }
0x74c: {  	v47 =	vperm.xlane v17, v11;
	v18 =	vadd.s32 v3, v46;
	s24 =	simm.s32 $0x9380  }
0x74d: {  	[tilespmem:s24], [sflag:$0x2] =	stream.indirect_vreg.gather [hbm4b:s5+s3], $0x80, v19, vm0, $0xb8;
	[tilespmem:$0x1E400] =	vst v63  }
0x74e: {  	v48 =	vperm.xlane v17, v12;
	v19 =	vadd.s32 v3, v47;
	s24 =	simm.s32 $0x9400  }
0x74f: {  	[tilespmem:s24], [sflag:$0x2] =	stream.indirect_vreg.gather [hbm4b:s5+s3], $0x80, v45, vm0, $0xb8;
	[tilespmem:$0x1E400] =	vst v63  }
0x750: {  	v50 =	vperm.xlane v17, v13;
	v49 =	vadd.s32 v3, v48;
	s24 =	simm.s32 $0x9480  }
0x751: {  	[tilespmem:s24], [sflag:$0x2] =	stream.indirect_vreg.gather [hbm4b:s5+s3], $0x80, v18, vm0, $0xb8;
	[tilespmem:$0x1E400] =	vst v63  }
0x752: {  	v51 =	vperm.xlane v17, v14;
	v18 =	vadd.s32 v3, v50;
	s24 =	simm.s32 $0x9500  }
0x753: {  	[tilespmem:s24], [sflag:$0x2] =	stream.indirect_vreg.gather [hbm4b:s5+s3], $0x80, v19, vm0, $0xb8;
	[tilespmem:$0x1E400] =	vst v63  }
0x754: {  	v52 =	vperm.xlane v17, v15;
	v19 =	vadd.s32 v3, v51;
	s24 =	simm.s32 $0x9580  }
0x755: {  	[tilespmem:s24], [sflag:$0x2] =	stream.indirect_vreg.gather [hbm4b:s5+s3], $0x80, v49, vm0, $0xb8;
	[tilespmem:$0x1E400] =	vst v63  }
0x756: {  	v17 =	vperm.xlane v17, v16;
	v53 =	vadd.s32 v3, v52;
	s24 =	simm.s32 $0x9600  }
0x757: {  	[tilespmem:s24], [sflag:$0x2] =	stream.indirect_vreg.gather [hbm4b:s5+s3], $0x80, v18, vm0, $0xb8;
	[tilespmem:$0x1E400] =	vst v63  }
0x758: {  	v17 =	vadd.s32 v3, v17;
	s24 =	simm.s32 $0x9680  }
0x759: {  	[tilespmem:s24], [sflag:$0x2] =	stream.indirect_vreg.gather [hbm4b:s5+s3], $0x80, v19, vm0, $0xb8;
	[tilespmem:$0x1E400] =	vst v63  }
0x75a: {  	s24 =	simm.s32 $0x9700  }
0x75b: {  	[tilespmem:s24], [sflag:$0x2] =	stream.indirect_vreg.gather [hbm4b:s5+s3], $0x80, v53, vm0, $0xb8;
	[tilespmem:$0x1E400] =	vst v63  }
0x75c: {  	s24 =	simm.s32 $0x9780  }
0x75d: {  	[tilespmem:s24], [sflag:$0x2] =	stream.indirect_vreg.gather [hbm4b:s5+s3], $0x80, v17, vm0, $0xb8;
	[tilespmem:$0x1E400] =	vst v63  }
0x75e: {  	v17 =	vld [tilespmem:s23+$0xE0];
	_ =	sdelay $0x4  }
0x75f: {  	v18 =	vshll.u32 v17, $0x1  }
0x760: {  	v17 =	vand.u32 $0x7, v17;
	v18 =	vand.u32 $0xFFFFFFF0, v18  }
0x761: {  	v17 =	vor.u32 v17, v18  }
0x762: {  	v18 =	vperm.xlane v17, v2;
	_ =	sdelay $0x1  }
0x763: {  	v19 =	vperm.xlane v17, v1;
	v18 =	vadd.s32 v3, v18;
	_ =	sdelay $0x1  }
0x764: {  	v54 =	vperm.xlane v17, v4;
	v19 =	vadd.s32 v3, v19;
	_ =	sdelay $0x1  }
0x765: {  	s24 =	simm.s32 $0x9800;
	v55 =	vperm.xlane v17, v5;
	v20 =	vadd.s32 v3, v54  }
0x766: {  	[tilespmem:s24], [sflag:$0x2] =	stream.indirect_vreg.gather [hbm4b:s5+s3], $0x80, v18, vm0, $0xb8;
	[tilespmem:$0x1E400] =	vst v63  }
0x767: {  	v56 =	vperm.xlane v17, v6;
	v18 =	vadd.s32 v3, v55;
	s24 =	simm.s32 $0x9880  }
0x768: {  	[tilespmem:s24], [sflag:$0x2] =	stream.indirect_vreg.gather [hbm4b:s5+s3], $0x80, v19, vm0, $0xb8;
	[tilespmem:$0x1E400] =	vst v63  }
0x769: {  	v57 =	vperm.xlane v17, v7;
	v19 =	vadd.s32 v3, v56;
	s24 =	simm.s32 $0x9900  }
0x76a: {  	[tilespmem:s24], [sflag:$0x2] =	stream.indirect_vreg.gather [hbm4b:s5+s3], $0x80, v20, vm0, $0xb8;
	[tilespmem:$0x1E400] =	vst v63  }
0x76b: {  	v59 =	vperm.xlane v17, v8;
	v58 =	vadd.s32 v3, v57;
	s24 =	simm.s32 $0x9980  }
0x76c: {  	[tilespmem:s24], [sflag:$0x2] =	stream.indirect_vreg.gather [hbm4b:s5+s3], $0x80, v18, vm0, $0xb8;
	[tilespmem:$0x1E400] =	vst v63  }
0x76d: {  	v60 =	vperm.xlane v17, v0;
	v18 =	vadd.s32 v3, v59;
	s24 =	simm.s32 $0x9A00  }
0x76e: {  	[tilespmem:s24], [sflag:$0x2] =	stream.indirect_vreg.gather [hbm4b:s5+s3], $0x80, v19, vm0, $0xb8;
	[tilespmem:$0x1E400] =	vst v63  }
0x76f: {  	v61 =	vperm.xlane v17, v9;
	v19 =	vadd.s32 v3, v60;
	s24 =	simm.s32 $0x9A80  }
0x770: {  	[tilespmem:s24], [sflag:$0x2] =	stream.indirect_vreg.gather [hbm4b:s5+s3], $0x80, v58, vm0, $0xb8;
	[tilespmem:$0x1E400] =	vst v63  }
0x771: {  	v63 =	vperm.xlane v17, v10;
	v62 =	vadd.s32 v3, v61;
	s24 =	simm.s32 $0x9B00  }
0x772: {  	[tilespmem:s24], [sflag:$0x2] =	stream.indirect_vreg.gather [hbm4b:s5+s3], $0x80, v18, vm0, $0xb8;
	[tilespmem:$0x1E400] =	vst v63  }
0x773: {  	v24 =	vperm.xlane v17, v11;
	v18 =	vadd.s32 v3, v63;
	s24 =	simm.s32 $0x9B80  }
0x774: {  	[tilespmem:s24], [sflag:$0x2] =	stream.indirect_vreg.gather [hbm4b:s5+s3], $0x80, v19, vm0, $0xb8;
	[tilespmem:$0x1E400] =	vst v63  }
0x775: {  	v25 =	vperm.xlane v17, v12;
	v19 =	vadd.s32 v3, v24;
	s24 =	simm.s32 $0x9C00  }
0x776: {  	[tilespmem:s24], [sflag:$0x2] =	stream.indirect_vreg.gather [hbm4b:s5+s3], $0x80, v62, vm0, $0xb8;
	[tilespmem:$0x1E400] =	vst v63  }
0x777: {  	v27 =	vperm.xlane v17, v13;
	v26 =	vadd.s32 v3, v25;
	s24 =	simm.s32 $0x9C80  }
0x778: {  	[tilespmem:s24], [sflag:$0x2] =	stream.indirect_vreg.gather [hbm4b:s5+s3], $0x80, v18, vm0, $0xb8;
	[tilespmem:$0x1E400] =	vst v63  }
0x779: {  	v28 =	vperm.xlane v17, v14;
	v18 =	vadd.s32 v3, v27;
	s24 =	simm.s32 $0x9D00  }
0x77a: {  	[tilespmem:s24], [sflag:$0x2] =	stream.indirect_vreg.gather [hbm4b:s5+s3], $0x80, v19, vm0, $0xb8;
	[tilespmem:$0x1E400] =	vst v63  }
0x77b: {  	v29 =	vperm.xlane v17, v15;
	v19 =	vadd.s32 v3, v28;
	s24 =	simm.s32 $0x9D80  }
0x77c: {  	[tilespmem:s24], [sflag:$0x2] =	stream.indirect_vreg.gather [hbm4b:s5+s3], $0x80, v26, vm0, $0xb8;
	[tilespmem:$0x1E400] =	vst v63  }
0x77d: {  	v17 =	vperm.xlane v17, v16;
	v30 =	vadd.s32 v3, v29;
	s24 =	simm.s32 $0x9E00  }
0x77e: {  	[tilespmem:s24], [sflag:$0x2] =	stream.indirect_vreg.gather [hbm4b:s5+s3], $0x80, v18, vm0, $0xb8;
	[tilespmem:$0x1E400] =	vst v63  }
0x77f: {  	v17 =	vadd.s32 v3, v17;
	s24 =	simm.s32 $0x9E80  }
0x780: {  	[tilespmem:s24], [sflag:$0x2] =	stream.indirect_vreg.gather [hbm4b:s5+s3], $0x80, v19, vm0, $0xb8;
	[tilespmem:$0x1E400] =	vst v63  }
0x781: {  	s24 =	simm.s32 $0x9F00  }
0x782: {  	[tilespmem:s24], [sflag:$0x2] =	stream.indirect_vreg.gather [hbm4b:s5+s3], $0x80, v30, vm0, $0xb8;
	[tilespmem:$0x1E400] =	vst v63  }
0x783: {  	s24 =	simm.s32 $0x9F80  }
0x784: {  	[tilespmem:s24], [sflag:$0x2] =	stream.indirect_vreg.gather [hbm4b:s5+s3], $0x80, v17, vm0, $0xb8;
	[tilespmem:$0x1E400] =	vst v63  }
0x785: {  	v17 =	vld [tilespmem:s23+$0xF0];
	_ =	sdelay $0x4  }
0x786: {  	v18 =	vshll.u32 v17, $0x1  }
0x787: {  	v17 =	vand.u32 $0x7, v17;
	v18 =	vand.u32 $0xFFFFFFF0, v18  }
0x788: {  	v17 =	vor.u32 v17, v18  }
0x789: {  	v18 =	vperm.xlane v17, v2;
	_ =	sdelay $0x1  }
0x78a: {  	v19 =	vperm.xlane v17, v1;
	v18 =	vadd.s32 v3, v18;
	_ =	sdelay $0x1  }
0x78b: {  	v31 =	vperm.xlane v17, v4;
	v19 =	vadd.s32 v3, v19;
	_ =	sdelay $0x1  }
0x78c: {  	s24 =	simm.s32 $0xA000;
	v32 =	vperm.xlane v17, v5;
	v20 =	vadd.s32 v3, v31  }
0x78d: {  	[tilespmem:s24], [sflag:$0x2] =	stream.indirect_vreg.gather [hbm4b:s5+s3], $0x80, v18, vm0, $0xb8;
	[tilespmem:$0x1E400] =	vst v63  }
0x78e: {  	v33 =	vperm.xlane v17, v6;
	v18 =	vadd.s32 v3, v32;
	s24 =	simm.s32 $0xA080  }
0x78f: {  	[tilespmem:s24], [sflag:$0x2] =	stream.indirect_vreg.gather [hbm4b:s5+s3], $0x80, v19, vm0, $0xb8;
	[tilespmem:$0x1E400] =	vst v63  }
0x790: {  	v34 =	vperm.xlane v17, v7;
	v19 =	vadd.s32 v3, v33;
	s24 =	simm.s32 $0xA100  }
0x791: {  	[tilespmem:s24], [sflag:$0x2] =	stream.indirect_vreg.gather [hbm4b:s5+s3], $0x80, v20, vm0, $0xb8;
	[tilespmem:$0x1E400] =	vst v63  }
0x792: {  	v36 =	vperm.xlane v17, v8;
	v35 =	vadd.s32 v3, v34;
	s24 =	simm.s32 $0xA180  }
0x793: {  	[tilespmem:s24], [sflag:$0x2] =	stream.indirect_vreg.gather [hbm4b:s5+s3], $0x80, v18, vm0, $0xb8;
	[tilespmem:$0x1E400] =	vst v63  }
0x794: {  	v37 =	vperm.xlane v17, v0;
	v18 =	vadd.s32 v3, v36;
	s24 =	simm.s32 $0xA200  }
0x795: {  	[tilespmem:s24], [sflag:$0x2] =	stream.indirect_vreg.gather [hbm4b:s5+s3], $0x80, v19, vm0, $0xb8;
	[tilespmem:$0x1E400] =	vst v63  }
0x796: {  	v38 =	vperm.xlane v17, v9;
	v19 =	vadd.s32 v3, v37;
	s24 =	simm.s32 $0xA280  }
0x797: {  	[tilespmem:s24], [sflag:$0x2] =	stream.indirect_vreg.gather [hbm4b:s5+s3], $0x80, v35, vm0, $0xb8;
	[tilespmem:$0x1E400] =	vst v63  }
0x798: {  	v40 =	vperm.xlane v17, v10;
	v39 =	vadd.s32 v3, v38;
	s24 =	simm.s32 $0xA300  }
0x799: {  	[tilespmem:s24], [sflag:$0x2] =	stream.indirect_vreg.gather [hbm4b:s5+s3], $0x80, v18, vm0, $0xb8;
	[tilespmem:$0x1E400] =	vst v63  }
0x79a: {  	v41 =	vperm.xlane v17, v11;
	v18 =	vadd.s32 v3, v40;
	s24 =	simm.s32 $0xA380  }
0x79b: {  	[tilespmem:s24], [sflag:$0x2] =	stream.indirect_vreg.gather [hbm4b:s5+s3], $0x80, v19, vm0, $0xb8;
	[tilespmem:$0x1E400] =	vst v63  }
0x79c: {  	v42 =	vperm.xlane v17, v12;
	v19 =	vadd.s32 v3, v41;
	s24 =	simm.s32 $0xA400  }
0x79d: {  	[tilespmem:s24], [sflag:$0x2] =	stream.indirect_vreg.gather [hbm4b:s5+s3], $0x80, v39, vm0, $0xb8;
	[tilespmem:$0x1E400] =	vst v63  }
0x79e: {  	v44 =	vperm.xlane v17, v13;
	v43 =	vadd.s32 v3, v42;
	s24 =	simm.s32 $0xA480  }
0x79f: {  	[tilespmem:s24], [sflag:$0x2] =	stream.indirect_vreg.gather [hbm4b:s5+s3], $0x80, v18, vm0, $0xb8;
	[tilespmem:$0x1E400] =	vst v63  }
0x7a0: {  	v45 =	vperm.xlane v17, v14;
	v18 =	vadd.s32 v3, v44;
	s24 =	simm.s32 $0xA500  }
0x7a1: {  	[tilespmem:s24], [sflag:$0x2] =	stream.indirect_vreg.gather [hbm4b:s5+s3], $0x80, v19, vm0, $0xb8;
	[tilespmem:$0x1E400] =	vst v63  }
0x7a2: {  	v46 =	vperm.xlane v17, v15;
	v19 =	vadd.s32 v3, v45;
	s24 =	simm.s32 $0xA580  }
0x7a3: {  	[tilespmem:s24], [sflag:$0x2] =	stream.indirect_vreg.gather [hbm4b:s5+s3], $0x80, v43, vm0, $0xb8;
	[tilespmem:$0x1E400] =	vst v63  }
0x7a4: {  	v17 =	vperm.xlane v17, v16;
	v47 =	vadd.s32 v3, v46;
	s24 =	simm.s32 $0xA600  }
0x7a5: {  	[tilespmem:s24], [sflag:$0x2] =	stream.indirect_vreg.gather [hbm4b:s5+s3], $0x80, v18, vm0, $0xb8;
	[tilespmem:$0x1E400] =	vst v63  }
0x7a6: {  	v17 =	vadd.s32 v3, v17;
	s24 =	simm.s32 $0xA680  }
0x7a7: {  	[tilespmem:s24], [sflag:$0x2] =	stream.indirect_vreg.gather [hbm4b:s5+s3], $0x80, v19, vm0, $0xb8;
	[tilespmem:$0x1E400] =	vst v63  }
0x7a8: {  	s24 =	simm.s32 $0xA700  }
0x7a9: {  	[tilespmem:s24], [sflag:$0x2] =	stream.indirect_vreg.gather [hbm4b:s5+s3], $0x80, v47, vm0, $0xb8;
	[tilespmem:$0x1E400] =	vst v63  }
0x7aa: {  	s24 =	simm.s32 $0xA780  }
0x7ab: {  	[tilespmem:s24], [sflag:$0x2] =	stream.indirect_vreg.gather [hbm4b:s5+s3], $0x80, v17, vm0, $0xb8;
	[tilespmem:$0x1E400] =	vst v63  }
0x7ac: {  	_ =	swait.ge [sflag:s19], $0x4000  }
0x7ad: {  	[sflag:s19] =	ssyncset.done $0x0  }
0x7ae: {  	s24 =	sadd.s32 $0x1400, s23;
	[sflag:s19] =	ssyncadd.s32 $0xFFFFC000  }
0x7af: {  	[spmem:s2] =	stream.indirect.scatter.add.f32 [tilespmem:s18], [sflag:$0x3], $0x80, s24, s20, $0xb8;
	[tilespmem:$0x1E400] =	vst v63  }
0x7b0: {  	_ =	swait.ge [sflag:s16], $0x4000  }
0x7b1: {  	[sflag:s16] =	ssyncset.done $0x0  }
0x7b2: {  	[sflag:s16] =	ssyncadd.s32 $0xFFFFC000  }
0x7b3: {  	v17 =	vld [tilespmem:s23+$0x100];
	_ =	sdelay $0x4  }
0x7b4: {  	v18 =	vshll.u32 v17, $0x1  }
0x7b5: {  	v17 =	vand.u32 $0x7, v17;
	v18 =	vand.u32 $0xFFFFFFF0, v18  }
0x7b6: {  	v17 =	vor.u32 v17, v18  }
0x7b7: {  	v18 =	vperm.xlane v17, v2;
	_ =	sdelay $0x1  }
0x7b8: {  	v19 =	vperm.xlane v17, v1;
	v18 =	vadd.s32 v3, v18;
	_ =	sdelay $0x1  }
0x7b9: {  	v48 =	vperm.xlane v17, v4;
	v19 =	vadd.s32 v3, v19;
	_ =	sdelay $0x1  }
0x7ba: {  	v49 =	vperm.xlane v17, v5;
	v20 =	vadd.s32 v3, v48  }
0x7bb: {  	[tilespmem:s18], [sflag:$0x1] =	stream.indirect_vreg.gather [hbm4b:s5+s3], $0x80, v18, vm0, $0xb8;
	[tilespmem:$0x1E400] =	vst v63  }
0x7bc: {  	s24 =	simm.s32 $0x2880;
	v50 =	vperm.xlane v17, v6;
	v18 =	vadd.s32 v3, v49  }
0x7bd: {  	[tilespmem:s24], [sflag:$0x1] =	stream.indirect_vreg.gather [hbm4b:s5+s3], $0x80, v19, vm0, $0xb8;
	[tilespmem:$0x1E400] =	vst v63  }
0x7be: {  	v51 =	vperm.xlane v17, v7;
	v19 =	vadd.s32 v3, v50;
	s24 =	simm.s32 $0x2900  }
0x7bf: {  	[tilespmem:s24], [sflag:$0x1] =	stream.indirect_vreg.gather [hbm4b:s5+s3], $0x80, v20, vm0, $0xb8;
	[tilespmem:$0x1E400] =	vst v63  }
0x7c0: {  	v53 =	vperm.xlane v17, v8;
	v52 =	vadd.s32 v3, v51;
	s24 =	simm.s32 $0x2980  }
0x7c1: {  	[tilespmem:s24], [sflag:$0x1] =	stream.indirect_vreg.gather [hbm4b:s5+s3], $0x80, v18, vm0, $0xb8;
	[tilespmem:$0x1E400] =	vst v63  }
0x7c2: {  	v54 =	vperm.xlane v17, v0;
	v18 =	vadd.s32 v3, v53;
	s24 =	simm.s32 $0x2A00  }
0x7c3: {  	[tilespmem:s24], [sflag:$0x1] =	stream.indirect_vreg.gather [hbm4b:s5+s3], $0x80, v19, vm0, $0xb8;
	[tilespmem:$0x1E400] =	vst v63  }
0x7c4: {  	v55 =	vperm.xlane v17, v9;
	v19 =	vadd.s32 v3, v54;
	s24 =	simm.s32 $0x2A80  }
0x7c5: {  	[tilespmem:s24], [sflag:$0x1] =	stream.indirect_vreg.gather [hbm4b:s5+s3], $0x80, v52, vm0, $0xb8;
	[tilespmem:$0x1E400] =	vst v63  }
0x7c6: {  	v57 =	vperm.xlane v17, v10;
	v56 =	vadd.s32 v3, v55;
	s24 =	simm.s32 $0x2B00  }
0x7c7: {  	[tilespmem:s24], [sflag:$0x1] =	stream.indirect_vreg.gather [hbm4b:s5+s3], $0x80, v18, vm0, $0xb8;
	[tilespmem:$0x1E400] =	vst v63  }
0x7c8: {  	v58 =	vperm.xlane v17, v11;
	v18 =	vadd.s32 v3, v57;
	s24 =	simm.s32 $0x2B80  }
0x7c9: {  	[tilespmem:s24], [sflag:$0x1] =	stream.indirect_vreg.gather [hbm4b:s5+s3], $0x80, v19, vm0, $0xb8;
	[tilespmem:$0x1E400] =	vst v63  }
0x7ca: {  	v59 =	vperm.xlane v17, v12;
	v19 =	vadd.s32 v3, v58;
	s24 =	simm.s32 $0x2C00  }
0x7cb: {  	[tilespmem:s24], [sflag:$0x1] =	stream.indirect_vreg.gather [hbm4b:s5+s3], $0x80, v56, vm0, $0xb8;
	[tilespmem:$0x1E400] =	vst v63  }
0x7cc: {  	v61 =	vperm.xlane v17, v13;
	v60 =	vadd.s32 v3, v59;
	s24 =	simm.s32 $0x2C80  }
0x7cd: {  	[tilespmem:s24], [sflag:$0x1] =	stream.indirect_vreg.gather [hbm4b:s5+s3], $0x80, v18, vm0, $0xb8;
	[tilespmem:$0x1E400] =	vst v63  }
0x7ce: {  	v62 =	vperm.xlane v17, v14;
	v18 =	vadd.s32 v3, v61;
	s24 =	simm.s32 $0x2D00  }
0x7cf: {  	[tilespmem:s24], [sflag:$0x1] =	stream.indirect_vreg.gather [hbm4b:s5+s3], $0x80, v19, vm0, $0xb8;
	[tilespmem:$0x1E400] =	vst v63  }
0x7d0: {  	v63 =	vperm.xlane v17, v15;
	v19 =	vadd.s32 v3, v62;
	s24 =	simm.s32 $0x2D80  }
0x7d1: {  	[tilespmem:s24], [sflag:$0x1] =	stream.indirect_vreg.gather [hbm4b:s5+s3], $0x80, v60, vm0, $0xb8;
	[tilespmem:$0x1E400] =	vst v63  }
0x7d2: {  	v17 =	vperm.xlane v17, v16;
	v24 =	vadd.s32 v3, v63;
	s24 =	simm.s32 $0x2E00  }
0x7d3: {  	[tilespmem:s24], [sflag:$0x1] =	stream.indirect_vreg.gather [hbm4b:s5+s3], $0x80, v18, vm0, $0xb8;
	[tilespmem:$0x1E400] =	vst v63  }
0x7d4: {  	v17 =	vadd.s32 v3, v17;
	s24 =	simm.s32 $0x2E80  }
0x7d5: {  	[tilespmem:s24], [sflag:$0x1] =	stream.indirect_vreg.gather [hbm4b:s5+s3], $0x80, v19, vm0, $0xb8;
	[tilespmem:$0x1E400] =	vst v63  }
0x7d6: {  	s24 =	simm.s32 $0x2F00  }
0x7d7: {  	[tilespmem:s24], [sflag:$0x1] =	stream.indirect_vreg.gather [hbm4b:s5+s3], $0x80, v24, vm0, $0xb8;
	[tilespmem:$0x1E400] =	vst v63  }
0x7d8: {  	s24 =	simm.s32 $0x2F80  }
0x7d9: {  	[tilespmem:s24], [sflag:$0x1] =	stream.indirect_vreg.gather [hbm4b:s5+s3], $0x80, v17, vm0, $0xb8;
	[tilespmem:$0x1E400] =	vst v63  }
0x7da: {  	v17 =	vld [tilespmem:s23+$0x110];
	_ =	sdelay $0x4  }
0x7db: {  	v18 =	vshll.u32 v17, $0x1  }
0x7dc: {  	v17 =	vand.u32 $0x7, v17;
	v18 =	vand.u32 $0xFFFFFFF0, v18  }
0x7dd: {  	v17 =	vor.u32 v17, v18  }
0x7de: {  	v18 =	vperm.xlane v17, v2;
	_ =	sdelay $0x1  }
0x7df: {  	v19 =	vperm.xlane v17, v1;
	v18 =	vadd.s32 v3, v18;
	_ =	sdelay $0x1  }
0x7e0: {  	v25 =	vperm.xlane v17, v4;
	v19 =	vadd.s32 v3, v19;
	_ =	sdelay $0x1  }
0x7e1: {  	s24 =	simm.s32 $0x3000;
	v26 =	vperm.xlane v17, v5;
	v20 =	vadd.s32 v3, v25  }
0x7e2: {  	[tilespmem:s24], [sflag:$0x1] =	stream.indirect_vreg.gather [hbm4b:s5+s3], $0x80, v18, vm0, $0xb8;
	[tilespmem:$0x1E400] =	vst v63  }
0x7e3: {  	v27 =	vperm.xlane v17, v6;
	v18 =	vadd.s32 v3, v26;
	s24 =	simm.s32 $0x3080  }
0x7e4: {  	[tilespmem:s24], [sflag:$0x1] =	stream.indirect_vreg.gather [hbm4b:s5+s3], $0x80, v19, vm0, $0xb8;
	[tilespmem:$0x1E400] =	vst v63  }
0x7e5: {  	v28 =	vperm.xlane v17, v7;
	v19 =	vadd.s32 v3, v27;
	s24 =	simm.s32 $0x3100  }
0x7e6: {  	[tilespmem:s24], [sflag:$0x1] =	stream.indirect_vreg.gather [hbm4b:s5+s3], $0x80, v20, vm0, $0xb8;
	[tilespmem:$0x1E400] =	vst v63  }
0x7e7: {  	v30 =	vperm.xlane v17, v8;
	v29 =	vadd.s32 v3, v28;
	s24 =	simm.s32 $0x3180  }
0x7e8: {  	[tilespmem:s24], [sflag:$0x1] =	stream.indirect_vreg.gather [hbm4b:s5+s3], $0x80, v18, vm0, $0xb8;
	[tilespmem:$0x1E400] =	vst v63  }
0x7e9: {  	v31 =	vperm.xlane v17, v0;
	v18 =	vadd.s32 v3, v30;
	s24 =	simm.s32 $0x3200  }
0x7ea: {  	[tilespmem:s24], [sflag:$0x1] =	stream.indirect_vreg.gather [hbm4b:s5+s3], $0x80, v19, vm0, $0xb8;
	[tilespmem:$0x1E400] =	vst v63  }
0x7eb: {  	v32 =	vperm.xlane v17, v9;
	v19 =	vadd.s32 v3, v31;
	s24 =	simm.s32 $0x3280  }
0x7ec: {  	[tilespmem:s24], [sflag:$0x1] =	stream.indirect_vreg.gather [hbm4b:s5+s3], $0x80, v29, vm0, $0xb8;
	[tilespmem:$0x1E400] =	vst v63  }
0x7ed: {  	v34 =	vperm.xlane v17, v10;
	v33 =	vadd.s32 v3, v32;
	s24 =	simm.s32 $0x3300  }
0x7ee: {  	[tilespmem:s24], [sflag:$0x1] =	stream.indirect_vreg.gather [hbm4b:s5+s3], $0x80, v18, vm0, $0xb8;
	[tilespmem:$0x1E400] =	vst v63  }
0x7ef: {  	v35 =	vperm.xlane v17, v11;
	v18 =	vadd.s32 v3, v34;
	s24 =	simm.s32 $0x3380  }
0x7f0: {  	[tilespmem:s24], [sflag:$0x1] =	stream.indirect_vreg.gather [hbm4b:s5+s3], $0x80, v19, vm0, $0xb8;
	[tilespmem:$0x1E400] =	vst v63  }
0x7f1: {  	v36 =	vperm.xlane v17, v12;
	v19 =	vadd.s32 v3, v35;
	s24 =	simm.s32 $0x3400  }
0x7f2: {  	[tilespmem:s24], [sflag:$0x1] =	stream.indirect_vreg.gather [hbm4b:s5+s3], $0x80, v33, vm0, $0xb8;
	[tilespmem:$0x1E400] =	vst v63  }
0x7f3: {  	v38 =	vperm.xlane v17, v13;
	v37 =	vadd.s32 v3, v36;
	s24 =	simm.s32 $0x3480  }
0x7f4: {  	[tilespmem:s24], [sflag:$0x1] =	stream.indirect_vreg.gather [hbm4b:s5+s3], $0x80, v18, vm0, $0xb8;
	[tilespmem:$0x1E400] =	vst v63  }
0x7f5: {  	v39 =	vperm.xlane v17, v14;
	v18 =	vadd.s32 v3, v38;
	s24 =	simm.s32 $0x3500  }
0x7f6: {  	[tilespmem:s24], [sflag:$0x1] =	stream.indirect_vreg.gather [hbm4b:s5+s3], $0x80, v19, vm0, $0xb8;
	[tilespmem:$0x1E400] =	vst v63  }
0x7f7: {  	v40 =	vperm.xlane v17, v15;
	v19 =	vadd.s32 v3, v39;
	s24 =	simm.s32 $0x3580  }
0x7f8: {  	[tilespmem:s24], [sflag:$0x1] =	stream.indirect_vreg.gather [hbm4b:s5+s3], $0x80, v37, vm0, $0xb8;
	[tilespmem:$0x1E400] =	vst v63  }
0x7f9: {  	v17 =	vperm.xlane v17, v16;
	v41 =	vadd.s32 v3, v40;
	s24 =	simm.s32 $0x3600  }
0x7fa: {  	[tilespmem:s24], [sflag:$0x1] =	stream.indirect_vreg.gather [hbm4b:s5+s3], $0x80, v18, vm0, $0xb8;
	[tilespmem:$0x1E400] =	vst v63  }
0x7fb: {  	v17 =	vadd.s32 v3, v17;
	s24 =	simm.s32 $0x3680  }
0x7fc: {  	[tilespmem:s24], [sflag:$0x1] =	stream.indirect_vreg.gather [hbm4b:s5+s3], $0x80, v19, vm0, $0xb8;
	[tilespmem:$0x1E400] =	vst v63  }
0x7fd: {  	s24 =	simm.s32 $0x3700  }
0x7fe: {  	[tilespmem:s24], [sflag:$0x1] =	stream.indirect_vreg.gather [hbm4b:s5+s3], $0x80, v41, vm0, $0xb8;
	[tilespmem:$0x1E400] =	vst v63  }
0x7ff: {  	s24 =	simm.s32 $0x3780  }
0x800: {  	[tilespmem:s24], [sflag:$0x1] =	stream.indirect_vreg.gather [hbm4b:s5+s3], $0x80, v17, vm0, $0xb8;
	[tilespmem:$0x1E400] =	vst v63  }
0x801: {  	v17 =	vld [tilespmem:s23+$0x120];
	_ =	sdelay $0x4  }
0x802: {  	v18 =	vshll.u32 v17, $0x1  }
0x803: {  	v17 =	vand.u32 $0x7, v17;
	v18 =	vand.u32 $0xFFFFFFF0, v18  }
0x804: {  	v17 =	vor.u32 v17, v18  }
0x805: {  	v18 =	vperm.xlane v17, v2;
	_ =	sdelay $0x1  }
0x806: {  	v19 =	vperm.xlane v17, v1;
	v18 =	vadd.s32 v3, v18;
	_ =	sdelay $0x1  }
0x807: {  	v42 =	vperm.xlane v17, v4;
	v19 =	vadd.s32 v3, v19;
	_ =	sdelay $0x1  }
0x808: {  	s24 =	simm.s32 $0x3800;
	v43 =	vperm.xlane v17, v5;
	v20 =	vadd.s32 v3, v42  }
0x809: {  	[tilespmem:s24], [sflag:$0x1] =	stream.indirect_vreg.gather [hbm4b:s5+s3], $0x80, v18, vm0, $0xb8;
	[tilespmem:$0x1E400] =	vst v63  }
0x80a: {  	v44 =	vperm.xlane v17, v6;
	v18 =	vadd.s32 v3, v43;
	s24 =	simm.s32 $0x3880  }
0x80b: {  	[tilespmem:s24], [sflag:$0x1] =	stream.indirect_vreg.gather [hbm4b:s5+s3], $0x80, v19, vm0, $0xb8;
	[tilespmem:$0x1E400] =	vst v63  }
0x80c: {  	v45 =	vperm.xlane v17, v7;
	v19 =	vadd.s32 v3, v44;
	s24 =	simm.s32 $0x3900  }
0x80d: {  	[tilespmem:s24], [sflag:$0x1] =	stream.indirect_vreg.gather [hbm4b:s5+s3], $0x80, v20, vm0, $0xb8;
	[tilespmem:$0x1E400] =	vst v63  }
0x80e: {  	v47 =	vperm.xlane v17, v8;
	v46 =	vadd.s32 v3, v45;
	s24 =	simm.s32 $0x3980  }
0x80f: {  	[tilespmem:s24], [sflag:$0x1] =	stream.indirect_vreg.gather [hbm4b:s5+s3], $0x80, v18, vm0, $0xb8;
	[tilespmem:$0x1E400] =	vst v63  }
0x810: {  	v48 =	vperm.xlane v17, v0;
	v18 =	vadd.s32 v3, v47;
	s24 =	simm.s32 $0x3A00  }
0x811: {  	[tilespmem:s24], [sflag:$0x1] =	stream.indirect_vreg.gather [hbm4b:s5+s3], $0x80, v19, vm0, $0xb8;
	[tilespmem:$0x1E400] =	vst v63  }
0x812: {  	v49 =	vperm.xlane v17, v9;
	v19 =	vadd.s32 v3, v48;
	s24 =	simm.s32 $0x3A80  }
0x813: {  	[tilespmem:s24], [sflag:$0x1] =	stream.indirect_vreg.gather [hbm4b:s5+s3], $0x80, v46, vm0, $0xb8;
	[tilespmem:$0x1E400] =	vst v63  }
0x814: {  	v51 =	vperm.xlane v17, v10;
	v50 =	vadd.s32 v3, v49;
	s24 =	simm.s32 $0x3B00  }
0x815: {  	[tilespmem:s24], [sflag:$0x1] =	stream.indirect_vreg.gather [hbm4b:s5+s3], $0x80, v18, vm0, $0xb8;
	[tilespmem:$0x1E400] =	vst v63  }
0x816: {  	v52 =	vperm.xlane v17, v11;
	v18 =	vadd.s32 v3, v51;
	s24 =	simm.s32 $0x3B80  }
0x817: {  	[tilespmem:s24], [sflag:$0x1] =	stream.indirect_vreg.gather [hbm4b:s5+s3], $0x80, v19, vm0, $0xb8;
	[tilespmem:$0x1E400] =	vst v63  }
0x818: {  	v53 =	vperm.xlane v17, v12;
	v19 =	vadd.s32 v3, v52;
	s24 =	simm.s32 $0x3C00  }
0x819: {  	[tilespmem:s24], [sflag:$0x1] =	stream.indirect_vreg.gather [hbm4b:s5+s3], $0x80, v50, vm0, $0xb8;
	[tilespmem:$0x1E400] =	vst v63  }
0x81a: {  	v55 =	vperm.xlane v17, v13;
	v54 =	vadd.s32 v3, v53;
	s24 =	simm.s32 $0x3C80  }
0x81b: {  	[tilespmem:s24], [sflag:$0x1] =	stream.indirect_vreg.gather [hbm4b:s5+s3], $0x80, v18, vm0, $0xb8;
	[tilespmem:$0x1E400] =	vst v63  }
0x81c: {  	v56 =	vperm.xlane v17, v14;
	v18 =	vadd.s32 v3, v55;
	s24 =	simm.s32 $0x3D00  }
0x81d: {  	[tilespmem:s24], [sflag:$0x1] =	stream.indirect_vreg.gather [hbm4b:s5+s3], $0x80, v19, vm0, $0xb8;
	[tilespmem:$0x1E400] =	vst v63  }
0x81e: {  	v57 =	vperm.xlane v17, v15;
	v19 =	vadd.s32 v3, v56;
	s24 =	simm.s32 $0x3D80  }
0x81f: {  	[tilespmem:s24], [sflag:$0x1] =	stream.indirect_vreg.gather [hbm4b:s5+s3], $0x80, v54, vm0, $0xb8;
	[tilespmem:$0x1E400] =	vst v63  }
0x820: {  	v17 =	vperm.xlane v17, v16;
	v58 =	vadd.s32 v3, v57;
	s24 =	simm.s32 $0x3E00  }
0x821: {  	[tilespmem:s24], [sflag:$0x1] =	stream.indirect_vreg.gather [hbm4b:s5+s3], $0x80, v18, vm0, $0xb8;
	[tilespmem:$0x1E400] =	vst v63  }
0x822: {  	v17 =	vadd.s32 v3, v17;
	s24 =	simm.s32 $0x3E80  }
0x823: {  	[tilespmem:s24], [sflag:$0x1] =	stream.indirect_vreg.gather [hbm4b:s5+s3], $0x80, v19, vm0, $0xb8;
	[tilespmem:$0x1E400] =	vst v63  }
0x824: {  	s24 =	simm.s32 $0x3F00  }
0x825: {  	[tilespmem:s24], [sflag:$0x1] =	stream.indirect_vreg.gather [hbm4b:s5+s3], $0x80, v58, vm0, $0xb8;
	[tilespmem:$0x1E400] =	vst v63  }
0x826: {  	s24 =	simm.s32 $0x3F80  }
0x827: {  	[tilespmem:s24], [sflag:$0x1] =	stream.indirect_vreg.gather [hbm4b:s5+s3], $0x80, v17, vm0, $0xb8;
	[tilespmem:$0x1E400] =	vst v63  }
0x828: {  	v17 =	vld [tilespmem:s23+$0x130];
	_ =	sdelay $0x4  }
0x829: {  	v18 =	vshll.u32 v17, $0x1  }
0x82a: {  	v17 =	vand.u32 $0x7, v17;
	v18 =	vand.u32 $0xFFFFFFF0, v18  }
0x82b: {  	v17 =	vor.u32 v17, v18  }
0x82c: {  	v18 =	vperm.xlane v17, v2;
	_ =	sdelay $0x1  }
0x82d: {  	v19 =	vperm.xlane v17, v1;
	v18 =	vadd.s32 v3, v18;
	_ =	sdelay $0x1  }
0x82e: {  	v59 =	vperm.xlane v17, v4;
	v19 =	vadd.s32 v3, v19;
	_ =	sdelay $0x1  }
0x82f: {  	s24 =	simm.s32 $0x4000;
	v60 =	vperm.xlane v17, v5;
	v20 =	vadd.s32 v3, v59  }
0x830: {  	[tilespmem:s24], [sflag:$0x1] =	stream.indirect_vreg.gather [hbm4b:s5+s3], $0x80, v18, vm0, $0xb8;
	[tilespmem:$0x1E400] =	vst v63  }
0x831: {  	v61 =	vperm.xlane v17, v6;
	v18 =	vadd.s32 v3, v60;
	s24 =	simm.s32 $0x4080  }
0x832: {  	[tilespmem:s24], [sflag:$0x1] =	stream.indirect_vreg.gather [hbm4b:s5+s3], $0x80, v19, vm0, $0xb8;
	[tilespmem:$0x1E400] =	vst v63  }
0x833: {  	v62 =	vperm.xlane v17, v7;
	v19 =	vadd.s32 v3, v61;
	s24 =	simm.s32 $0x4100  }
0x834: {  	[tilespmem:s24], [sflag:$0x1] =	stream.indirect_vreg.gather [hbm4b:s5+s3], $0x80, v20, vm0, $0xb8;
	[tilespmem:$0x1E400] =	vst v63  }
0x835: {  	v24 =	vperm.xlane v17, v8;
	v63 =	vadd.s32 v3, v62;
	s24 =	simm.s32 $0x4180  }
0x836: {  	[tilespmem:s24], [sflag:$0x1] =	stream.indirect_vreg.gather [hbm4b:s5+s3], $0x80, v18, vm0, $0xb8;
	[tilespmem:$0x1E400] =	vst v63  }
0x837: {  	v25 =	vperm.xlane v17, v0;
	v18 =	vadd.s32 v3, v24;
	s24 =	simm.s32 $0x4200  }
0x838: {  	[tilespmem:s24], [sflag:$0x1] =	stream.indirect_vreg.gather [hbm4b:s5+s3], $0x80, v19, vm0, $0xb8;
	[tilespmem:$0x1E400] =	vst v63  }
0x839: {  	v26 =	vperm.xlane v17, v9;
	v19 =	vadd.s32 v3, v25;
	s24 =	simm.s32 $0x4280  }
0x83a: {  	[tilespmem:s24], [sflag:$0x1] =	stream.indirect_vreg.gather [hbm4b:s5+s3], $0x80, v63, vm0, $0xb8;
	[tilespmem:$0x1E400] =	vst v63  }
0x83b: {  	v28 =	vperm.xlane v17, v10;
	v27 =	vadd.s32 v3, v26;
	s24 =	simm.s32 $0x4300  }
0x83c: {  	[tilespmem:s24], [sflag:$0x1] =	stream.indirect_vreg.gather [hbm4b:s5+s3], $0x80, v18, vm0, $0xb8;
	[tilespmem:$0x1E400] =	vst v63  }
0x83d: {  	v29 =	vperm.xlane v17, v11;
	v18 =	vadd.s32 v3, v28;
	s24 =	simm.s32 $0x4380  }
0x83e: {  	[tilespmem:s24], [sflag:$0x1] =	stream.indirect_vreg.gather [hbm4b:s5+s3], $0x80, v19, vm0, $0xb8;
	[tilespmem:$0x1E400] =	vst v63  }
0x83f: {  	v30 =	vperm.xlane v17, v12;
	v19 =	vadd.s32 v3, v29;
	s24 =	simm.s32 $0x4400  }
0x840: {  	[tilespmem:s24], [sflag:$0x1] =	stream.indirect_vreg.gather [hbm4b:s5+s3], $0x80, v27, vm0, $0xb8;
	[tilespmem:$0x1E400] =	vst v63  }
0x841: {  	v32 =	vperm.xlane v17, v13;
	v31 =	vadd.s32 v3, v30;
	s24 =	simm.s32 $0x4480  }
0x842: {  	[tilespmem:s24], [sflag:$0x1] =	stream.indirect_vreg.gather [hbm4b:s5+s3], $0x80, v18, vm0, $0xb8;
	[tilespmem:$0x1E400] =	vst v63  }
0x843: {  	v33 =	vperm.xlane v17, v14;
	v18 =	vadd.s32 v3, v32;
	s24 =	simm.s32 $0x4500  }
0x844: {  	[tilespmem:s24], [sflag:$0x1] =	stream.indirect_vreg.gather [hbm4b:s5+s3], $0x80, v19, vm0, $0xb8;
	[tilespmem:$0x1E400] =	vst v63  }
0x845: {  	v34 =	vperm.xlane v17, v15;
	v19 =	vadd.s32 v3, v33;
	s24 =	simm.s32 $0x4580  }
0x846: {  	[tilespmem:s24], [sflag:$0x1] =	stream.indirect_vreg.gather [hbm4b:s5+s3], $0x80, v31, vm0, $0xb8;
	[tilespmem:$0x1E400] =	vst v63  }
0x847: {  	v17 =	vperm.xlane v17, v16;
	v35 =	vadd.s32 v3, v34;
	s24 =	simm.s32 $0x4600  }
0x848: {  	[tilespmem:s24], [sflag:$0x1] =	stream.indirect_vreg.gather [hbm4b:s5+s3], $0x80, v18, vm0, $0xb8;
	[tilespmem:$0x1E400] =	vst v63  }
0x849: {  	v17 =	vadd.s32 v3, v17;
	s24 =	simm.s32 $0x4680  }
0x84a: {  	[tilespmem:s24], [sflag:$0x1] =	stream.indirect_vreg.gather [hbm4b:s5+s3], $0x80, v19, vm0, $0xb8;
	[tilespmem:$0x1E400] =	vst v63  }
0x84b: {  	s24 =	simm.s32 $0x4700  }
0x84c: {  	[tilespmem:s24], [sflag:$0x1] =	stream.indirect_vreg.gather [hbm4b:s5+s3], $0x80, v35, vm0, $0xb8;
	[tilespmem:$0x1E400] =	vst v63  }
0x84d: {  	s24 =	simm.s32 $0x4780  }
0x84e: {  	[tilespmem:s24], [sflag:$0x1] =	stream.indirect_vreg.gather [hbm4b:s5+s3], $0x80, v17, vm0, $0xb8;
	[tilespmem:$0x1E400] =	vst v63  }
0x84f: {  	v17 =	vld [tilespmem:s23+$0x140];
	_ =	sdelay $0x4  }
0x850: {  	v18 =	vshll.u32 v17, $0x1  }
0x851: {  	v17 =	vand.u32 $0x7, v17;
	v18 =	vand.u32 $0xFFFFFFF0, v18  }
0x852: {  	v17 =	vor.u32 v17, v18  }
0x853: {  	v18 =	vperm.xlane v17, v2;
	_ =	sdelay $0x1  }
0x854: {  	v19 =	vperm.xlane v17, v1;
	v18 =	vadd.s32 v3, v18;
	_ =	sdelay $0x1  }
0x855: {  	v36 =	vperm.xlane v17, v4;
	v19 =	vadd.s32 v3, v19;
	_ =	sdelay $0x1  }
0x856: {  	s24 =	simm.s32 $0x4800;
	v37 =	vperm.xlane v17, v5;
	v20 =	vadd.s32 v3, v36  }
0x857: {  	[tilespmem:s24], [sflag:$0x1] =	stream.indirect_vreg.gather [hbm4b:s5+s3], $0x80, v18, vm0, $0xb8;
	[tilespmem:$0x1E400] =	vst v63  }
0x858: {  	v38 =	vperm.xlane v17, v6;
	v18 =	vadd.s32 v3, v37;
	s24 =	simm.s32 $0x4880  }
0x859: {  	[tilespmem:s24], [sflag:$0x1] =	stream.indirect_vreg.gather [hbm4b:s5+s3], $0x80, v19, vm0, $0xb8;
	[tilespmem:$0x1E400] =	vst v63  }
0x85a: {  	v39 =	vperm.xlane v17, v7;
	v19 =	vadd.s32 v3, v38;
	s24 =	simm.s32 $0x4900  }
0x85b: {  	[tilespmem:s24], [sflag:$0x1] =	stream.indirect_vreg.gather [hbm4b:s5+s3], $0x80, v20, vm0, $0xb8;
	[tilespmem:$0x1E400] =	vst v63  }
0x85c: {  	v41 =	vperm.xlane v17, v8;
	v40 =	vadd.s32 v3, v39;
	s24 =	simm.s32 $0x4980  }
0x85d: {  	[tilespmem:s24], [sflag:$0x1] =	stream.indirect_vreg.gather [hbm4b:s5+s3], $0x80, v18, vm0, $0xb8;
	[tilespmem:$0x1E400] =	vst v63  }
0x85e: {  	v42 =	vperm.xlane v17, v0;
	v18 =	vadd.s32 v3, v41;
	s24 =	simm.s32 $0x4A00  }
0x85f: {  	[tilespmem:s24], [sflag:$0x1] =	stream.indirect_vreg.gather [hbm4b:s5+s3], $0x80, v19, vm0, $0xb8;
	[tilespmem:$0x1E400] =	vst v63  }
0x860: {  	v43 =	vperm.xlane v17, v9;
	v19 =	vadd.s32 v3, v42;
	s24 =	simm.s32 $0x4A80  }
0x861: {  	[tilespmem:s24], [sflag:$0x1] =	stream.indirect_vreg.gather [hbm4b:s5+s3], $0x80, v40, vm0, $0xb8;
	[tilespmem:$0x1E400] =	vst v63  }
0x862: {  	v45 =	vperm.xlane v17, v10;
	v44 =	vadd.s32 v3, v43;
	s24 =	simm.s32 $0x4B00  }
0x863: {  	[tilespmem:s24], [sflag:$0x1] =	stream.indirect_vreg.gather [hbm4b:s5+s3], $0x80, v18, vm0, $0xb8;
	[tilespmem:$0x1E400] =	vst v63  }
0x864: {  	v46 =	vperm.xlane v17, v11;
	v18 =	vadd.s32 v3, v45;
	s24 =	simm.s32 $0x4B80  }
0x865: {  	[tilespmem:s24], [sflag:$0x1] =	stream.indirect_vreg.gather [hbm4b:s5+s3], $0x80, v19, vm0, $0xb8;
	[tilespmem:$0x1E400] =	vst v63  }
0x866: {  	v47 =	vperm.xlane v17, v12;
	v19 =	vadd.s32 v3, v46;
	s24 =	simm.s32 $0x4C00  }
0x867: {  	[tilespmem:s24], [sflag:$0x1] =	stream.indirect_vreg.gather [hbm4b:s5+s3], $0x80, v44, vm0, $0xb8;
	[tilespmem:$0x1E400] =	vst v63  }
0x868: {  	v49 =	vperm.xlane v17, v13;
	v48 =	vadd.s32 v3, v47;
	s24 =	simm.s32 $0x4C80  }
0x869: {  	[tilespmem:s24], [sflag:$0x1] =	stream.indirect_vreg.gather [hbm4b:s5+s3], $0x80, v18, vm0, $0xb8;
	[tilespmem:$0x1E400] =	vst v63  }
0x86a: {  	v50 =	vperm.xlane v17, v14;
	v18 =	vadd.s32 v3, v49;
	s24 =	simm.s32 $0x4D00  }
0x86b: {  	[tilespmem:s24], [sflag:$0x1] =	stream.indirect_vreg.gather [hbm4b:s5+s3], $0x80, v19, vm0, $0xb8;
	[tilespmem:$0x1E400] =	vst v63  }
0x86c: {  	v51 =	vperm.xlane v17, v15;
	v19 =	vadd.s32 v3, v50;
	s24 =	simm.s32 $0x4D80  }
0x86d: {  	[tilespmem:s24], [sflag:$0x1] =	stream.indirect_vreg.gather [hbm4b:s5+s3], $0x80, v48, vm0, $0xb8;
	[tilespmem:$0x1E400] =	vst v63  }
0x86e: {  	v17 =	vperm.xlane v17, v16;
	v52 =	vadd.s32 v3, v51;
	s24 =	simm.s32 $0x4E00  }
0x86f: {  	[tilespmem:s24], [sflag:$0x1] =	stream.indirect_vreg.gather [hbm4b:s5+s3], $0x80, v18, vm0, $0xb8;
	[tilespmem:$0x1E400] =	vst v63  }
0x870: {  	v17 =	vadd.s32 v3, v17;
	s24 =	simm.s32 $0x4E80  }
0x871: {  	[tilespmem:s24], [sflag:$0x1] =	stream.indirect_vreg.gather [hbm4b:s5+s3], $0x80, v19, vm0, $0xb8;
	[tilespmem:$0x1E400] =	vst v63  }
0x872: {  	s24 =	simm.s32 $0x4F00  }
0x873: {  	[tilespmem:s24], [sflag:$0x1] =	stream.indirect_vreg.gather [hbm4b:s5+s3], $0x80, v52, vm0, $0xb8;
	[tilespmem:$0x1E400] =	vst v63  }
0x874: {  	s24 =	simm.s32 $0x4F80  }
0x875: {  	[tilespmem:s24], [sflag:$0x1] =	stream.indirect_vreg.gather [hbm4b:s5+s3], $0x80, v17, vm0, $0xb8;
	[tilespmem:$0x1E400] =	vst v63  }
0x876: {  	v17 =	vld [tilespmem:s23+$0x150];
	_ =	sdelay $0x4  }
0x877: {  	v18 =	vshll.u32 v17, $0x1  }
0x878: {  	v17 =	vand.u32 $0x7, v17;
	v18 =	vand.u32 $0xFFFFFFF0, v18  }
0x879: {  	v17 =	vor.u32 v17, v18  }
0x87a: {  	v18 =	vperm.xlane v17, v2;
	_ =	sdelay $0x1  }
0x87b: {  	v19 =	vperm.xlane v17, v1;
	v18 =	vadd.s32 v3, v18;
	_ =	sdelay $0x1  }
0x87c: {  	v53 =	vperm.xlane v17, v4;
	v19 =	vadd.s32 v3, v19;
	_ =	sdelay $0x1  }
0x87d: {  	s24 =	simm.s32 $0x5000;
	v54 =	vperm.xlane v17, v5;
	v20 =	vadd.s32 v3, v53  }
0x87e: {  	[tilespmem:s24], [sflag:$0x1] =	stream.indirect_vreg.gather [hbm4b:s5+s3], $0x80, v18, vm0, $0xb8;
	[tilespmem:$0x1E400] =	vst v63  }
0x87f: {  	v55 =	vperm.xlane v17, v6;
	v18 =	vadd.s32 v3, v54;
	s24 =	simm.s32 $0x5080  }
0x880: {  	[tilespmem:s24], [sflag:$0x1] =	stream.indirect_vreg.gather [hbm4b:s5+s3], $0x80, v19, vm0, $0xb8;
	[tilespmem:$0x1E400] =	vst v63  }
0x881: {  	v56 =	vperm.xlane v17, v7;
	v19 =	vadd.s32 v3, v55;
	s24 =	simm.s32 $0x5100  }
0x882: {  	[tilespmem:s24], [sflag:$0x1] =	stream.indirect_vreg.gather [hbm4b:s5+s3], $0x80, v20, vm0, $0xb8;
	[tilespmem:$0x1E400] =	vst v63  }
0x883: {  	v58 =	vperm.xlane v17, v8;
	v57 =	vadd.s32 v3, v56;
	s24 =	simm.s32 $0x5180  }
0x884: {  	[tilespmem:s24], [sflag:$0x1] =	stream.indirect_vreg.gather [hbm4b:s5+s3], $0x80, v18, vm0, $0xb8;
	[tilespmem:$0x1E400] =	vst v63  }
0x885: {  	v59 =	vperm.xlane v17, v0;
	v18 =	vadd.s32 v3, v58;
	s24 =	simm.s32 $0x5200  }
0x886: {  	[tilespmem:s24], [sflag:$0x1] =	stream.indirect_vreg.gather [hbm4b:s5+s3], $0x80, v19, vm0, $0xb8;
	[tilespmem:$0x1E400] =	vst v63  }
0x887: {  	v60 =	vperm.xlane v17, v9;
	v19 =	vadd.s32 v3, v59;
	s24 =	simm.s32 $0x5280  }
0x888: {  	[tilespmem:s24], [sflag:$0x1] =	stream.indirect_vreg.gather [hbm4b:s5+s3], $0x80, v57, vm0, $0xb8;
	[tilespmem:$0x1E400] =	vst v63  }
0x889: {  	v62 =	vperm.xlane v17, v10;
	v61 =	vadd.s32 v3, v60;
	s24 =	simm.s32 $0x5300  }
0x88a: {  	[tilespmem:s24], [sflag:$0x1] =	stream.indirect_vreg.gather [hbm4b:s5+s3], $0x80, v18, vm0, $0xb8;
	[tilespmem:$0x1E400] =	vst v63  }
0x88b: {  	v63 =	vperm.xlane v17, v11;
	v18 =	vadd.s32 v3, v62;
	s24 =	simm.s32 $0x5380  }
0x88c: {  	[tilespmem:s24], [sflag:$0x1] =	stream.indirect_vreg.gather [hbm4b:s5+s3], $0x80, v19, vm0, $0xb8;
	[tilespmem:$0x1E400] =	vst v63  }
0x88d: {  	v24 =	vperm.xlane v17, v12;
	v19 =	vadd.s32 v3, v63;
	s24 =	simm.s32 $0x5400  }
0x88e: {  	[tilespmem:s24], [sflag:$0x1] =	stream.indirect_vreg.gather [hbm4b:s5+s3], $0x80, v61, vm0, $0xb8;
	[tilespmem:$0x1E400] =	vst v63  }
0x88f: {  	v26 =	vperm.xlane v17, v13;
	v25 =	vadd.s32 v3, v24;
	s24 =	simm.s32 $0x5480  }
0x890: {  	[tilespmem:s24], [sflag:$0x1] =	stream.indirect_vreg.gather [hbm4b:s5+s3], $0x80, v18, vm0, $0xb8;
	[tilespmem:$0x1E400] =	vst v63  }
0x891: {  	v27 =	vperm.xlane v17, v14;
	v18 =	vadd.s32 v3, v26;
	s24 =	simm.s32 $0x5500  }
0x892: {  	[tilespmem:s24], [sflag:$0x1] =	stream.indirect_vreg.gather [hbm4b:s5+s3], $0x80, v19, vm0, $0xb8;
	[tilespmem:$0x1E400] =	vst v63  }
0x893: {  	v28 =	vperm.xlane v17, v15;
	v19 =	vadd.s32 v3, v27;
	s24 =	simm.s32 $0x5580  }
0x894: {  	[tilespmem:s24], [sflag:$0x1] =	stream.indirect_vreg.gather [hbm4b:s5+s3], $0x80, v25, vm0, $0xb8;
	[tilespmem:$0x1E400] =	vst v63  }
0x895: {  	v17 =	vperm.xlane v17, v16;
	v29 =	vadd.s32 v3, v28;
	s24 =	simm.s32 $0x5600  }
0x896: {  	[tilespmem:s24], [sflag:$0x1] =	stream.indirect_vreg.gather [hbm4b:s5+s3], $0x80, v18, vm0, $0xb8;
	[tilespmem:$0x1E400] =	vst v63  }
0x897: {  	v17 =	vadd.s32 v3, v17;
	s24 =	simm.s32 $0x5680  }
0x898: {  	[tilespmem:s24], [sflag:$0x1] =	stream.indirect_vreg.gather [hbm4b:s5+s3], $0x80, v19, vm0, $0xb8;
	[tilespmem:$0x1E400] =	vst v63  }
0x899: {  	s24 =	simm.s32 $0x5700  }
0x89a: {  	[tilespmem:s24], [sflag:$0x1] =	stream.indirect_vreg.gather [hbm4b:s5+s3], $0x80, v29, vm0, $0xb8;
	[tilespmem:$0x1E400] =	vst v63  }
0x89b: {  	s24 =	simm.s32 $0x5780  }
0x89c: {  	[tilespmem:s24], [sflag:$0x1] =	stream.indirect_vreg.gather [hbm4b:s5+s3], $0x80, v17, vm0, $0xb8;
	[tilespmem:$0x1E400] =	vst v63  }
0x89d: {  	v17 =	vld [tilespmem:s23+$0x160];
	_ =	sdelay $0x4  }
0x89e: {  	v18 =	vshll.u32 v17, $0x1  }
0x89f: {  	v17 =	vand.u32 $0x7, v17;
	v18 =	vand.u32 $0xFFFFFFF0, v18  }
0x8a0: {  	v17 =	vor.u32 v17, v18  }
0x8a1: {  	v18 =	vperm.xlane v17, v2;
	_ =	sdelay $0x1  }
0x8a2: {  	v19 =	vperm.xlane v17, v1;
	v18 =	vadd.s32 v3, v18;
	_ =	sdelay $0x1  }
0x8a3: {  	v30 =	vperm.xlane v17, v4;
	v19 =	vadd.s32 v3, v19;
	_ =	sdelay $0x1  }
0x8a4: {  	s24 =	simm.s32 $0x5800;
	v31 =	vperm.xlane v17, v5;
	v20 =	vadd.s32 v3, v30  }
0x8a5: {  	[tilespmem:s24], [sflag:$0x1] =	stream.indirect_vreg.gather [hbm4b:s5+s3], $0x80, v18, vm0, $0xb8;
	[tilespmem:$0x1E400] =	vst v63  }
0x8a6: {  	v32 =	vperm.xlane v17, v6;
	v18 =	vadd.s32 v3, v31;
	s24 =	simm.s32 $0x5880  }
0x8a7: {  	[tilespmem:s24], [sflag:$0x1] =	stream.indirect_vreg.gather [hbm4b:s5+s3], $0x80, v19, vm0, $0xb8;
	[tilespmem:$0x1E400] =	vst v63  }
0x8a8: {  	v33 =	vperm.xlane v17, v7;
	v19 =	vadd.s32 v3, v32;
	s24 =	simm.s32 $0x5900  }
0x8a9: {  	[tilespmem:s24], [sflag:$0x1] =	stream.indirect_vreg.gather [hbm4b:s5+s3], $0x80, v20, vm0, $0xb8;
	[tilespmem:$0x1E400] =	vst v63  }
0x8aa: {  	v35 =	vperm.xlane v17, v8;
	v34 =	vadd.s32 v3, v33;
	s24 =	simm.s32 $0x5980  }
0x8ab: {  	[tilespmem:s24], [sflag:$0x1] =	stream.indirect_vreg.gather [hbm4b:s5+s3], $0x80, v18, vm0, $0xb8;
	[tilespmem:$0x1E400] =	vst v63  }
0x8ac: {  	v36 =	vperm.xlane v17, v0;
	v18 =	vadd.s32 v3, v35;
	s24 =	simm.s32 $0x5A00  }
0x8ad: {  	[tilespmem:s24], [sflag:$0x1] =	stream.indirect_vreg.gather [hbm4b:s5+s3], $0x80, v19, vm0, $0xb8;
	[tilespmem:$0x1E400] =	vst v63  }
0x8ae: {  	v37 =	vperm.xlane v17, v9;
	v19 =	vadd.s32 v3, v36;
	s24 =	simm.s32 $0x5A80  }
0x8af: {  	[tilespmem:s24], [sflag:$0x1] =	stream.indirect_vreg.gather [hbm4b:s5+s3], $0x80, v34, vm0, $0xb8;
	[tilespmem:$0x1E400] =	vst v63  }
0x8b0: {  	v39 =	vperm.xlane v17, v10;
	v38 =	vadd.s32 v3, v37;
	s24 =	simm.s32 $0x5B00  }
0x8b1: {  	[tilespmem:s24], [sflag:$0x1] =	stream.indirect_vreg.gather [hbm4b:s5+s3], $0x80, v18, vm0, $0xb8;
	[tilespmem:$0x1E400] =	vst v63  }
0x8b2: {  	v40 =	vperm.xlane v17, v11;
	v18 =	vadd.s32 v3, v39;
	s24 =	simm.s32 $0x5B80  }
0x8b3: {  	[tilespmem:s24], [sflag:$0x1] =	stream.indirect_vreg.gather [hbm4b:s5+s3], $0x80, v19, vm0, $0xb8;
	[tilespmem:$0x1E400] =	vst v63  }
0x8b4: {  	v41 =	vperm.xlane v17, v12;
	v19 =	vadd.s32 v3, v40;
	s24 =	simm.s32 $0x5C00  }
0x8b5: {  	[tilespmem:s24], [sflag:$0x1] =	stream.indirect_vreg.gather [hbm4b:s5+s3], $0x80, v38, vm0, $0xb8;
	[tilespmem:$0x1E400] =	vst v63  }
0x8b6: {  	v43 =	vperm.xlane v17, v13;
	v42 =	vadd.s32 v3, v41;
	s24 =	simm.s32 $0x5C80  }
0x8b7: {  	[tilespmem:s24], [sflag:$0x1] =	stream.indirect_vreg.gather [hbm4b:s5+s3], $0x80, v18, vm0, $0xb8;
	[tilespmem:$0x1E400] =	vst v63  }
0x8b8: {  	v44 =	vperm.xlane v17, v14;
	v18 =	vadd.s32 v3, v43;
	s24 =	simm.s32 $0x5D00  }
0x8b9: {  	[tilespmem:s24], [sflag:$0x1] =	stream.indirect_vreg.gather [hbm4b:s5+s3], $0x80, v19, vm0, $0xb8;
	[tilespmem:$0x1E400] =	vst v63  }
0x8ba: {  	v45 =	vperm.xlane v17, v15;
	v19 =	vadd.s32 v3, v44;
	s24 =	simm.s32 $0x5D80  }
0x8bb: {  	[tilespmem:s24], [sflag:$0x1] =	stream.indirect_vreg.gather [hbm4b:s5+s3], $0x80, v42, vm0, $0xb8;
	[tilespmem:$0x1E400] =	vst v63  }
0x8bc: {  	v17 =	vperm.xlane v17, v16;
	v46 =	vadd.s32 v3, v45;
	s24 =	simm.s32 $0x5E00  }
0x8bd: {  	[tilespmem:s24], [sflag:$0x1] =	stream.indirect_vreg.gather [hbm4b:s5+s3], $0x80, v18, vm0, $0xb8;
	[tilespmem:$0x1E400] =	vst v63  }
0x8be: {  	v17 =	vadd.s32 v3, v17  }
0x8bf: {  	[tilespmem:s10], [sflag:$0x1] =	stream.indirect_vreg.gather [hbm4b:s5+s3], $0x80, v19, vm0, $0xb8;
	[tilespmem:$0x1E400] =	vst v63  }
0x8c0: {  	_ = 	snop  }
0x8c1: {  	[tilespmem:s11], [sflag:$0x1] =	stream.indirect_vreg.gather [hbm4b:s5+s3], $0x80, v46, vm0, $0xb8;
	[tilespmem:$0x1E400] =	vst v63  }
0x8c2: {  	_ = 	snop  }
0x8c3: {  	[tilespmem:s12], [sflag:$0x1] =	stream.indirect_vreg.gather [hbm4b:s5+s3], $0x80, v17, vm0, $0xb8;
	[tilespmem:$0x1E400] =	vst v63  }
0x8c4: {  	v17 =	vld [tilespmem:s23+$0x170];
	_ =	sdelay $0x4  }
0x8c5: {  	v18 =	vshll.u32 v17, $0x1  }
0x8c6: {  	v17 =	vand.u32 $0x7, v17;
	v18 =	vand.u32 $0xFFFFFFF0, v18  }
0x8c7: {  	v17 =	vor.u32 v17, v18  }
0x8c8: {  	v18 =	vperm.xlane v17, v2;
	_ =	sdelay $0x1  }
0x8c9: {  	v19 =	vperm.xlane v17, v1;
	v18 =	vadd.s32 v3, v18;
	_ =	sdelay $0x1  }
0x8ca: {  	v47 =	vperm.xlane v17, v4;
	v19 =	vadd.s32 v3, v19;
	_ =	sdelay $0x1  }
0x8cb: {  	v48 =	vperm.xlane v17, v5;
	v20 =	vadd.s32 v3, v47  }
0x8cc: {  	[tilespmem:s13], [sflag:$0x1] =	stream.indirect_vreg.gather [hbm4b:s5+s3], $0x80, v18, vm0, $0xb8;
	[tilespmem:$0x1E400] =	vst v63  }
0x8cd: {  	v49 =	vperm.xlane v17, v6;
	v18 =	vadd.s32 v3, v48  }
0x8ce: {  	[tilespmem:s15], [sflag:$0x1] =	stream.indirect_vreg.gather [hbm4b:s5+s3], $0x80, v19, vm0, $0xb8;
	[tilespmem:$0x1E400] =	vst v63  }
0x8cf: {  	v50 =	vperm.xlane v17, v7;
	v19 =	vadd.s32 v3, v49  }
0x8d0: {  	[tilespmem:s25], [sflag:$0x1] =	stream.indirect_vreg.gather [hbm4b:s5+s3], $0x80, v20, vm0, $0xb8;
	[tilespmem:$0x1E400] =	vst v63  }
0x8d1: {  	v52 =	vperm.xlane v17, v8;
	v51 =	vadd.s32 v3, v50  }
0x8d2: {  	[tilespmem:s28], [sflag:$0x1] =	stream.indirect_vreg.gather [hbm4b:s5+s3], $0x80, v18, vm0, $0xb8;
	[tilespmem:$0x1E400] =	vst v63  }
0x8d3: {  	v53 =	vperm.xlane v17, v0;
	v18 =	vadd.s32 v3, v52  }
0x8d4: {  	[tilespmem:s26], [sflag:$0x1] =	stream.indirect_vreg.gather [hbm4b:s5+s3], $0x80, v19, vm0, $0xb8;
	[tilespmem:$0x1E400] =	vst v63  }
0x8d5: {  	v54 =	vperm.xlane v17, v9;
	v19 =	vadd.s32 v3, v53  }
0x8d6: {  	[tilespmem:s29], [sflag:$0x1] =	stream.indirect_vreg.gather [hbm4b:s5+s3], $0x80, v51, vm0, $0xb8;
	[tilespmem:$0x1E400] =	vst v63  }
0x8d7: {  	v56 =	vperm.xlane v17, v10;
	v55 =	vadd.s32 v3, v54  }
0x8d8: {  	[tilespmem:s30], [sflag:$0x1] =	stream.indirect_vreg.gather [hbm4b:s5+s3], $0x80, v18, vm0, $0xb8;
	[tilespmem:$0x1E400] =	vst v63  }
0x8d9: {  	v57 =	vperm.xlane v17, v11;
	v18 =	vadd.s32 v3, v56  }
0x8da: {  	[tilespmem:s31], [sflag:$0x1] =	stream.indirect_vreg.gather [hbm4b:s5+s3], $0x80, v19, vm0, $0xb8;
	[tilespmem:$0x1E400] =	vst v63  }
0x8db: {  	v58 =	vperm.xlane v17, v12;
	v19 =	vadd.s32 v3, v57  }
0x8dc: {  	[tilespmem:s0], [sflag:$0x1] =	stream.indirect_vreg.gather [hbm4b:s5+s3], $0x80, v55, vm0, $0xb8;
	[tilespmem:$0x1E400] =	vst v63  }
0x8dd: {  	v60 =	vperm.xlane v17, v13;
	v59 =	vadd.s32 v3, v58  }
0x8de: {  	[tilespmem:s1], [sflag:$0x1] =	stream.indirect_vreg.gather [hbm4b:s5+s3], $0x80, v18, vm0, $0xb8;
	[tilespmem:$0x1E400] =	vst v63  }
0x8df: {  	v61 =	vperm.xlane v17, v14;
	v18 =	vadd.s32 v3, v60  }
0x8e0: {  	[tilespmem:s17], [sflag:$0x1] =	stream.indirect_vreg.gather [hbm4b:s5+s3], $0x80, v19, vm0, $0xb8;
	[tilespmem:$0x1E400] =	vst v63  }
0x8e1: {  	v62 =	vperm.xlane v17, v15;
	v19 =	vadd.s32 v3, v61  }
0x8e2: {  	[tilespmem:s4], [sflag:$0x1] =	stream.indirect_vreg.gather [hbm4b:s5+s3], $0x80, v59, vm0, $0xb8;
	[tilespmem:$0x1E400] =	vst v63  }
0x8e3: {  	v17 =	vperm.xlane v17, v16;
	v63 =	vadd.s32 v3, v62  }
0x8e4: {  	[tilespmem:s6], [sflag:$0x1] =	stream.indirect_vreg.gather [hbm4b:s5+s3], $0x80, v18, vm0, $0xb8;
	[tilespmem:$0x1E400] =	vst v63  }
0x8e5: {  	v17 =	vadd.s32 v3, v17  }
0x8e6: {  	[tilespmem:s7], [sflag:$0x1] =	stream.indirect_vreg.gather [hbm4b:s5+s3], $0x80, v19, vm0, $0xb8;
	[tilespmem:$0x1E400] =	vst v63  }
0x8e7: {  	_ = 	snop  }
0x8e8: {  	[tilespmem:s8], [sflag:$0x1] =	stream.indirect_vreg.gather [hbm4b:s5+s3], $0x80, v63, vm0, $0xb8;
	[tilespmem:$0x1E400] =	vst v63  }
0x8e9: {  	_ = 	snop  }
0x8ea: {  	[tilespmem:s9], [sflag:$0x1] =	stream.indirect_vreg.gather [hbm4b:s5+s3], $0x80, v17, vm0, $0xb8;
	[tilespmem:$0x1E400] =	vst v63  }
0x8eb: {  	_ =	swait.ge [sflag:s21], $0x4000  }
0x8ec: {  	p1 =	sne.s32 s22, $0x4800;
	[sflag:s21] =	ssyncset.done $0x0  }
.Ltmp1:
0x8ed: {  	s23 =	sadd.s32 $0x1480, s23;
	[sflag:s21] =	ssyncadd.s32 $0xFFFFC000;
	(pc) =	sbr.rel @p1 .LBB2_4-.Ltmp1, $4  }
0x8ee: {  	[spmem:s2] =	stream.indirect.scatter.add.f32 [tilespmem:s14], [sflag:$0x3], $0x80, s23, s20, $0xb8;
	[tilespmem:$0x1E400] =	vst v63  }
0x8ef: {  	_ =	swait.ge [sflag:s16], $0x4000  }
0x8f0: {  	[sflag:s16] =	ssyncset.done $0x0  }
0x8f1: {  	s22 =	sadd.s32 $0x400, s22;
	[sflag:s16] =	ssyncadd.s32 $0xFFFFC000  }
0x8f2: {  	v17 =	vld [tilespmem:$0x1380];
	_ =	sdelay $0x4  }
0x8f3: {  	v18 =	vshll.u32 v17, $0x1  }
0x8f4: {  	v17 =	vand.u32 $0x7, v17;
	v18 =	vand.u32 $0xFFFFFFF0, v18  }
0x8f5: {  	v17 =	vor.u32 v17, v18  }
0x8f6: {  	v18 =	vperm.xlane v17, v2;
	_ =	sdelay $0x1  }
0x8f7: {  	v19 =	vperm.xlane v17, v1;
	v18 =	vadd.s32 v3, v18;
	_ =	sdelay $0x1  }
0x8f8: {  	v20 =	vperm.xlane v17, v4;
	v19 =	vadd.s32 v3, v19;
	_ =	sdelay $0x1  }
0x8f9: {  	v21 =	vperm.xlane v17, v5;
	v20 =	vadd.s32 v3, v20  }
0x8fa: {  	[tilespmem:s14], [sflag:$0x2] =	stream.indirect_vreg.gather [hbm4b:s5+s3], $0x80, v18, vm0, $0xb8;
	[tilespmem:$0x1E400] =	vst v63  }
0x8fb: {  	s0 =	simm.s32 $0x6880;
	v50 =	vperm.xlane v17, v6;
	v18 =	vadd.s32 v3, v21  }
0x8fc: {  	[tilespmem:s0], [sflag:$0x2] =	stream.indirect_vreg.gather [hbm4b:s5+s3], $0x80, v19, vm0, $0xb8;
	[tilespmem:$0x1E400] =	vst v63  }
0x8fd: {  	s26 =	simm.s32 $0x6900;
	v51 =	vperm.xlane v17, v7;
	v19 =	vadd.s32 v3, v50  }
0x8fe: {  	[tilespmem:s26], [sflag:$0x2] =	stream.indirect_vreg.gather [hbm4b:s5+s3], $0x80, v20, vm0, $0xb8;
	[tilespmem:$0x1E400] =	vst v63  }
0x8ff: {  	s28 =	simm.s32 $0x6980;
	v53 =	vperm.xlane v17, v8;
	v52 =	vadd.s32 v3, v51  }
0x900: {  	[tilespmem:s28], [sflag:$0x2] =	stream.indirect_vreg.gather [hbm4b:s5+s3], $0x80, v18, vm0, $0xb8;
	[tilespmem:$0x1E400] =	vst v63  }
0x901: {  	s29 =	simm.s32 $0x6A00;
	v54 =	vperm.xlane v17, v0;
	v18 =	vadd.s32 v3, v53  }
0x902: {  	[tilespmem:s29], [sflag:$0x2] =	stream.indirect_vreg.gather [hbm4b:s5+s3], $0x80, v19, vm0, $0xb8;
	[tilespmem:$0x1E400] =	vst v63  }
0x903: {  	s1 =	simm.s32 $0x6A80;
	v55 =	vperm.xlane v17, v9;
	v19 =	vadd.s32 v3, v54  }
0x904: {  	[tilespmem:s1], [sflag:$0x2] =	stream.indirect_vreg.gather [hbm4b:s5+s3], $0x80, v52, vm0, $0xb8;
	[tilespmem:$0x1E400] =	vst v63  }
0x905: {  	s4 =	simm.s32 $0x6B00;
	v57 =	vperm.xlane v17, v10;
	v56 =	vadd.s32 v3, v55  }
0x906: {  	[tilespmem:s4], [sflag:$0x2] =	stream.indirect_vreg.gather [hbm4b:s5+s3], $0x80, v18, vm0, $0xb8;
	[tilespmem:$0x1E400] =	vst v63  }
0x907: {  	s22 =	simm.s32 $0x6B80;
	v58 =	vperm.xlane v17, v11;
	v18 =	vadd.s32 v3, v57  }
0x908: {  	[tilespmem:s22], [sflag:$0x2] =	stream.indirect_vreg.gather [hbm4b:s5+s3], $0x80, v19, vm0, $0xb8;
	[tilespmem:$0x1E400] =	vst v63  }
0x909: {  	s23 =	simm.s32 $0x6C00;
	v59 =	vperm.xlane v17, v12;
	v19 =	vadd.s32 v3, v58  }
0x90a: {  	[tilespmem:s23], [sflag:$0x2] =	stream.indirect_vreg.gather [hbm4b:s5+s3], $0x80, v56, vm0, $0xb8;
	[tilespmem:$0x1E400] =	vst v63  }
0x90b: {  	s24 =	simm.s32 $0x6C80;
	v61 =	vperm.xlane v17, v13;
	v60 =	vadd.s32 v3, v59  }
0x90c: {  	[tilespmem:s24], [sflag:$0x2] =	stream.indirect_vreg.gather [hbm4b:s5+s3], $0x80, v18, vm0, $0xb8;
	[tilespmem:$0x1E400] =	vst v63  }
0x90d: {  	v62 =	vperm.xlane v17, v14;
	s26 =	simm.s32 $0x6D00;
	v18 =	vadd.s32 v3, v61  }
0x90e: {  	[tilespmem:s26], [sflag:$0x2] =	stream.indirect_vreg.gather [hbm4b:s5+s3], $0x80, v19, vm0, $0xb8;
	[tilespmem:$0x1E400] =	vst v63  }
0x90f: {  	v63 =	vperm.xlane v17, v15;
	s28 =	simm.s32 $0x6D80;
	v19 =	vadd.s32 v3, v62  }
0x910: {  	[tilespmem:s28], [sflag:$0x2] =	stream.indirect_vreg.gather [hbm4b:s5+s3], $0x80, v60, vm0, $0xb8;
	[tilespmem:$0x1E400] =	vst v63  }
0x911: {  	v17 =	vperm.xlane v17, v16;
	v24 =	vadd.s32 v3, v63;
	s29 =	simm.s32 $0x6E00  }
0x912: {  	[tilespmem:s29], [sflag:$0x2] =	stream.indirect_vreg.gather [hbm4b:s5+s3], $0x80, v18, vm0, $0xb8;
	[tilespmem:$0x1E400] =	vst v63  }
0x913: {  	v17 =	vadd.s32 v3, v17;
	s1 =	simm.s32 $0x6E80  }
0x914: {  	[tilespmem:s1], [sflag:$0x2] =	stream.indirect_vreg.gather [hbm4b:s5+s3], $0x80, v19, vm0, $0xb8;
	[tilespmem:$0x1E400] =	vst v63  }
0x915: {  	s4 =	simm.s32 $0x6F00  }
0x916: {  	[tilespmem:s4], [sflag:$0x2] =	stream.indirect_vreg.gather [hbm4b:s5+s3], $0x80, v24, vm0, $0xb8;
	[tilespmem:$0x1E400] =	vst v63  }
0x917: {  	s22 =	simm.s32 $0x6F80  }
0x918: {  	[tilespmem:s22], [sflag:$0x2] =	stream.indirect_vreg.gather [hbm4b:s5+s3], $0x80, v17, vm0, $0xb8;
	[tilespmem:$0x1E400] =	vst v63  }
0x919: {  	v17 =	vld [tilespmem:$0x1390];
	_ =	sdelay $0x4  }
0x91a: {  	v18 =	vshll.u32 v17, $0x1  }
0x91b: {  	v17 =	vand.u32 $0x7, v17;
	v18 =	vand.u32 $0xFFFFFFF0, v18  }
0x91c: {  	v17 =	vor.u32 v17, v18  }
0x91d: {  	v18 =	vperm.xlane v17, v2;
	_ =	sdelay $0x1  }
0x91e: {  	v19 =	vperm.xlane v17, v1;
	v18 =	vadd.s32 v3, v18;
	_ =	sdelay $0x1  }
0x91f: {  	v25 =	vperm.xlane v17, v4;
	v19 =	vadd.s32 v3, v19;
	_ =	sdelay $0x1  }
0x920: {  	s23 =	simm.s32 $0x7000;
	v26 =	vperm.xlane v17, v5;
	v20 =	vadd.s32 v3, v25  }
0x921: {  	[tilespmem:s23], [sflag:$0x2] =	stream.indirect_vreg.gather [hbm4b:s5+s3], $0x80, v18, vm0, $0xb8;
	[tilespmem:$0x1E400] =	vst v63  }
0x922: {  	s24 =	simm.s32 $0x7080;
	v27 =	vperm.xlane v17, v6;
	v18 =	vadd.s32 v3, v26  }
0x923: {  	[tilespmem:s24], [sflag:$0x2] =	stream.indirect_vreg.gather [hbm4b:s5+s3], $0x80, v19, vm0, $0xb8;
	[tilespmem:$0x1E400] =	vst v63  }
0x924: {  	s26 =	simm.s32 $0x7100;
	v28 =	vperm.xlane v17, v7;
	v19 =	vadd.s32 v3, v27  }
0x925: {  	[tilespmem:s26], [sflag:$0x2] =	stream.indirect_vreg.gather [hbm4b:s5+s3], $0x80, v20, vm0, $0xb8;
	[tilespmem:$0x1E400] =	vst v63  }
0x926: {  	s28 =	simm.s32 $0x7180;
	v30 =	vperm.xlane v17, v8;
	v29 =	vadd.s32 v3, v28  }
0x927: {  	[tilespmem:s28], [sflag:$0x2] =	stream.indirect_vreg.gather [hbm4b:s5+s3], $0x80, v18, vm0, $0xb8;
	[tilespmem:$0x1E400] =	vst v63  }
0x928: {  	s29 =	simm.s32 $0x7200;
	v31 =	vperm.xlane v17, v0;
	v18 =	vadd.s32 v3, v30  }
0x929: {  	[tilespmem:s29], [sflag:$0x2] =	stream.indirect_vreg.gather [hbm4b:s5+s3], $0x80, v19, vm0, $0xb8;
	[tilespmem:$0x1E400] =	vst v63  }
0x92a: {  	s1 =	simm.s32 $0x7280;
	v32 =	vperm.xlane v17, v9;
	v19 =	vadd.s32 v3, v31  }
0x92b: {  	[tilespmem:s1], [sflag:$0x2] =	stream.indirect_vreg.gather [hbm4b:s5+s3], $0x80, v29, vm0, $0xb8;
	[tilespmem:$0x1E400] =	vst v63  }
0x92c: {  	s4 =	simm.s32 $0x7300;
	v34 =	vperm.xlane v17, v10;
	v33 =	vadd.s32 v3, v32  }
0x92d: {  	[tilespmem:s4], [sflag:$0x2] =	stream.indirect_vreg.gather [hbm4b:s5+s3], $0x80, v18, vm0, $0xb8;
	[tilespmem:$0x1E400] =	vst v63  }
0x92e: {  	s22 =	simm.s32 $0x7380;
	v35 =	vperm.xlane v17, v11;
	v18 =	vadd.s32 v3, v34  }
0x92f: {  	[tilespmem:s22], [sflag:$0x2] =	stream.indirect_vreg.gather [hbm4b:s5+s3], $0x80, v19, vm0, $0xb8;
	[tilespmem:$0x1E400] =	vst v63  }
0x930: {  	v36 =	vperm.xlane v17, v12;
	s23 =	simm.s32 $0x7400;
	v19 =	vadd.s32 v3, v35  }
0x931: {  	[tilespmem:s23], [sflag:$0x2] =	stream.indirect_vreg.gather [hbm4b:s5+s3], $0x80, v33, vm0, $0xb8;
	[tilespmem:$0x1E400] =	vst v63  }
0x932: {  	v38 =	vperm.xlane v17, v13;
	v37 =	vadd.s32 v3, v36;
	s24 =	simm.s32 $0x7480  }
0x933: {  	[tilespmem:s24], [sflag:$0x2] =	stream.indirect_vreg.gather [hbm4b:s5+s3], $0x80, v18, vm0, $0xb8;
	[tilespmem:$0x1E400] =	vst v63  }
0x934: {  	v39 =	vperm.xlane v17, v14;
	s26 =	simm.s32 $0x7500;
	v18 =	vadd.s32 v3, v38  }
0x935: {  	[tilespmem:s26], [sflag:$0x2] =	stream.indirect_vreg.gather [hbm4b:s5+s3], $0x80, v19, vm0, $0xb8;
	[tilespmem:$0x1E400] =	vst v63  }
0x936: {  	v40 =	vperm.xlane v17, v15;
	s28 =	simm.s32 $0x7580;
	v19 =	vadd.s32 v3, v39  }
0x937: {  	[tilespmem:s28], [sflag:$0x2] =	stream.indirect_vreg.gather [hbm4b:s5+s3], $0x80, v37, vm0, $0xb8;
	[tilespmem:$0x1E400] =	vst v63  }
0x938: {  	v17 =	vperm.xlane v17, v16;
	v41 =	vadd.s32 v3, v40;
	s29 =	simm.s32 $0x7600  }
0x939: {  	[tilespmem:s29], [sflag:$0x2] =	stream.indirect_vreg.gather [hbm4b:s5+s3], $0x80, v18, vm0, $0xb8;
	[tilespmem:$0x1E400] =	vst v63  }
0x93a: {  	v17 =	vadd.s32 v3, v17;
	s1 =	simm.s32 $0x7680  }
0x93b: {  	[tilespmem:s1], [sflag:$0x2] =	stream.indirect_vreg.gather [hbm4b:s5+s3], $0x80, v19, vm0, $0xb8;
	[tilespmem:$0x1E400] =	vst v63  }
0x93c: {  	s4 =	simm.s32 $0x7700  }
0x93d: {  	[tilespmem:s4], [sflag:$0x2] =	stream.indirect_vreg.gather [hbm4b:s5+s3], $0x80, v41, vm0, $0xb8;
	[tilespmem:$0x1E400] =	vst v63  }
0x93e: {  	s22 =	simm.s32 $0x7780  }
0x93f: {  	[tilespmem:s22], [sflag:$0x2] =	stream.indirect_vreg.gather [hbm4b:s5+s3], $0x80, v17, vm0, $0xb8;
	[tilespmem:$0x1E400] =	vst v63  }
0x940: {  	v17 =	vld [tilespmem:$0x13A0];
	_ =	sdelay $0x4  }
0x941: {  	v18 =	vshll.u32 v17, $0x1  }
0x942: {  	v17 =	vand.u32 $0x7, v17;
	v18 =	vand.u32 $0xFFFFFFF0, v18  }
0x943: {  	v17 =	vor.u32 v17, v18  }
0x944: {  	v18 =	vperm.xlane v17, v2;
	_ =	sdelay $0x1  }
0x945: {  	v19 =	vperm.xlane v17, v1;
	v18 =	vadd.s32 v3, v18;
	_ =	sdelay $0x1  }
0x946: {  	v42 =	vperm.xlane v17, v4;
	v19 =	vadd.s32 v3, v19;
	_ =	sdelay $0x1  }
0x947: {  	s23 =	simm.s32 $0x7800;
	v43 =	vperm.xlane v17, v5;
	v20 =	vadd.s32 v3, v42  }
0x948: {  	[tilespmem:s23], [sflag:$0x2] =	stream.indirect_vreg.gather [hbm4b:s5+s3], $0x80, v18, vm0, $0xb8;
	[tilespmem:$0x1E400] =	vst v63  }
0x949: {  	s24 =	simm.s32 $0x7880;
	v44 =	vperm.xlane v17, v6;
	v18 =	vadd.s32 v3, v43  }
0x94a: {  	[tilespmem:s24], [sflag:$0x2] =	stream.indirect_vreg.gather [hbm4b:s5+s3], $0x80, v19, vm0, $0xb8;
	[tilespmem:$0x1E400] =	vst v63  }
0x94b: {  	s26 =	simm.s32 $0x7900;
	v45 =	vperm.xlane v17, v7;
	v19 =	vadd.s32 v3, v44  }
0x94c: {  	[tilespmem:s26], [sflag:$0x2] =	stream.indirect_vreg.gather [hbm4b:s5+s3], $0x80, v20, vm0, $0xb8;
	[tilespmem:$0x1E400] =	vst v63  }
0x94d: {  	s28 =	simm.s32 $0x7980;
	v47 =	vperm.xlane v17, v8;
	v46 =	vadd.s32 v3, v45  }
0x94e: {  	[tilespmem:s28], [sflag:$0x2] =	stream.indirect_vreg.gather [hbm4b:s5+s3], $0x80, v18, vm0, $0xb8;
	[tilespmem:$0x1E400] =	vst v63  }
0x94f: {  	s29 =	simm.s32 $0x7A00;
	v48 =	vperm.xlane v17, v0;
	v18 =	vadd.s32 v3, v47  }
0x950: {  	[tilespmem:s29], [sflag:$0x2] =	stream.indirect_vreg.gather [hbm4b:s5+s3], $0x80, v19, vm0, $0xb8;
	[tilespmem:$0x1E400] =	vst v63  }
0x951: {  	s1 =	simm.s32 $0x7A80;
	v49 =	vperm.xlane v17, v9;
	v19 =	vadd.s32 v3, v48  }
0x952: {  	[tilespmem:s1], [sflag:$0x2] =	stream.indirect_vreg.gather [hbm4b:s5+s3], $0x80, v46, vm0, $0xb8;
	[tilespmem:$0x1E400] =	vst v63  }
0x953: {  	s4 =	simm.s32 $0x7B00;
	v51 =	vperm.xlane v17, v10;
	v50 =	vadd.s32 v3, v49  }
0x954: {  	[tilespmem:s4], [sflag:$0x2] =	stream.indirect_vreg.gather [hbm4b:s5+s3], $0x80, v18, vm0, $0xb8;
	[tilespmem:$0x1E400] =	vst v63  }
0x955: {  	s22 =	simm.s32 $0x7B80;
	v52 =	vperm.xlane v17, v11;
	v18 =	vadd.s32 v3, v51  }
0x956: {  	[tilespmem:s22], [sflag:$0x2] =	stream.indirect_vreg.gather [hbm4b:s5+s3], $0x80, v19, vm0, $0xb8;
	[tilespmem:$0x1E400] =	vst v63  }
0x957: {  	v53 =	vperm.xlane v17, v12;
	s23 =	simm.s32 $0x7C00;
	v19 =	vadd.s32 v3, v52  }
0x958: {  	[tilespmem:s23], [sflag:$0x2] =	stream.indirect_vreg.gather [hbm4b:s5+s3], $0x80, v50, vm0, $0xb8;
	[tilespmem:$0x1E400] =	vst v63  }
0x959: {  	v55 =	vperm.xlane v17, v13;
	v54 =	vadd.s32 v3, v53;
	s24 =	simm.s32 $0x7C80  }
0x95a: {  	[tilespmem:s24], [sflag:$0x2] =	stream.indirect_vreg.gather [hbm4b:s5+s3], $0x80, v18, vm0, $0xb8;
	[tilespmem:$0x1E400] =	vst v63  }
0x95b: {  	v56 =	vperm.xlane v17, v14;
	s26 =	simm.s32 $0x7D00;
	v18 =	vadd.s32 v3, v55  }
0x95c: {  	[tilespmem:s26], [sflag:$0x2] =	stream.indirect_vreg.gather [hbm4b:s5+s3], $0x80, v19, vm0, $0xb8;
	[tilespmem:$0x1E400] =	vst v63  }
0x95d: {  	v57 =	vperm.xlane v17, v15;
	s28 =	simm.s32 $0x7D80;
	v19 =	vadd.s32 v3, v56  }
0x95e: {  	[tilespmem:s28], [sflag:$0x2] =	stream.indirect_vreg.gather [hbm4b:s5+s3], $0x80, v54, vm0, $0xb8;
	[tilespmem:$0x1E400] =	vst v63  }
0x95f: {  	v17 =	vperm.xlane v17, v16;
	v58 =	vadd.s32 v3, v57;
	s29 =	simm.s32 $0x7E00  }
0x960: {  	[tilespmem:s29], [sflag:$0x2] =	stream.indirect_vreg.gather [hbm4b:s5+s3], $0x80, v18, vm0, $0xb8;
	[tilespmem:$0x1E400] =	vst v63  }
0x961: {  	v17 =	vadd.s32 v3, v17;
	s1 =	simm.s32 $0x7E80  }
0x962: {  	[tilespmem:s1], [sflag:$0x2] =	stream.indirect_vreg.gather [hbm4b:s5+s3], $0x80, v19, vm0, $0xb8;
	[tilespmem:$0x1E400] =	vst v63  }
0x963: {  	s4 =	simm.s32 $0x7F00  }
0x964: {  	[tilespmem:s4], [sflag:$0x2] =	stream.indirect_vreg.gather [hbm4b:s5+s3], $0x80, v58, vm0, $0xb8;
	[tilespmem:$0x1E400] =	vst v63  }
0x965: {  	s22 =	simm.s32 $0x7F80  }
0x966: {  	[tilespmem:s22], [sflag:$0x2] =	stream.indirect_vreg.gather [hbm4b:s5+s3], $0x80, v17, vm0, $0xb8;
	[tilespmem:$0x1E400] =	vst v63  }
0x967: {  	v17 =	vld [tilespmem:$0x13B0];
	_ =	sdelay $0x4  }
0x968: {  	v18 =	vshll.u32 v17, $0x1  }
0x969: {  	v17 =	vand.u32 $0x7, v17;
	v18 =	vand.u32 $0xFFFFFFF0, v18  }
0x96a: {  	v17 =	vor.u32 v17, v18  }
0x96b: {  	v18 =	vperm.xlane v17, v2;
	_ =	sdelay $0x1  }
0x96c: {  	v19 =	vperm.xlane v17, v1;
	v18 =	vadd.s32 v3, v18;
	_ =	sdelay $0x1  }
0x96d: {  	v59 =	vperm.xlane v17, v4;
	v19 =	vadd.s32 v3, v19;
	_ =	sdelay $0x1  }
0x96e: {  	s23 =	simm.s32 $0x8000;
	v60 =	vperm.xlane v17, v5;
	v20 =	vadd.s32 v3, v59  }
0x96f: {  	[tilespmem:s23], [sflag:$0x2] =	stream.indirect_vreg.gather [hbm4b:s5+s3], $0x80, v18, vm0, $0xb8;
	[tilespmem:$0x1E400] =	vst v63  }
0x970: {  	s24 =	simm.s32 $0x8080;
	v61 =	vperm.xlane v17, v6;
	v18 =	vadd.s32 v3, v60  }
0x971: {  	[tilespmem:s24], [sflag:$0x2] =	stream.indirect_vreg.gather [hbm4b:s5+s3], $0x80, v19, vm0, $0xb8;
	[tilespmem:$0x1E400] =	vst v63  }
0x972: {  	s26 =	simm.s32 $0x8100;
	v62 =	vperm.xlane v17, v7;
	v19 =	vadd.s32 v3, v61  }
0x973: {  	[tilespmem:s26], [sflag:$0x2] =	stream.indirect_vreg.gather [hbm4b:s5+s3], $0x80, v20, vm0, $0xb8;
	[tilespmem:$0x1E400] =	vst v63  }
0x974: {  	s28 =	simm.s32 $0x8180;
	v24 =	vperm.xlane v17, v8;
	v63 =	vadd.s32 v3, v62  }
0x975: {  	[tilespmem:s28], [sflag:$0x2] =	stream.indirect_vreg.gather [hbm4b:s5+s3], $0x80, v18, vm0, $0xb8;
	[tilespmem:$0x1E400] =	vst v63  }
0x976: {  	s29 =	simm.s32 $0x8200;
	v25 =	vperm.xlane v17, v0;
	v18 =	vadd.s32 v3, v24  }
0x977: {  	[tilespmem:s29], [sflag:$0x2] =	stream.indirect_vreg.gather [hbm4b:s5+s3], $0x80, v19, vm0, $0xb8;
	[tilespmem:$0x1E400] =	vst v63  }
0x978: {  	s1 =	simm.s32 $0x8280;
	v26 =	vperm.xlane v17, v9;
	v19 =	vadd.s32 v3, v25  }
0x979: {  	[tilespmem:s1], [sflag:$0x2] =	stream.indirect_vreg.gather [hbm4b:s5+s3], $0x80, v63, vm0, $0xb8;
	[tilespmem:$0x1E400] =	vst v63  }
0x97a: {  	s4 =	simm.s32 $0x8300;
	v28 =	vperm.xlane v17, v10;
	v27 =	vadd.s32 v3, v26  }
0x97b: {  	[tilespmem:s4], [sflag:$0x2] =	stream.indirect_vreg.gather [hbm4b:s5+s3], $0x80, v18, vm0, $0xb8;
	[tilespmem:$0x1E400] =	vst v63  }
0x97c: {  	s22 =	simm.s32 $0x8380;
	v29 =	vperm.xlane v17, v11;
	v18 =	vadd.s32 v3, v28  }
0x97d: {  	[tilespmem:s22], [sflag:$0x2] =	stream.indirect_vreg.gather [hbm4b:s5+s3], $0x80, v19, vm0, $0xb8;
	[tilespmem:$0x1E400] =	vst v63  }
0x97e: {  	v30 =	vperm.xlane v17, v12;
	s23 =	simm.s32 $0x8400;
	v19 =	vadd.s32 v3, v29  }
0x97f: {  	[tilespmem:s23], [sflag:$0x2] =	stream.indirect_vreg.gather [hbm4b:s5+s3], $0x80, v27, vm0, $0xb8;
	[tilespmem:$0x1E400] =	vst v63  }
0x980: {  	v32 =	vperm.xlane v17, v13;
	v31 =	vadd.s32 v3, v30;
	s24 =	simm.s32 $0x8480  }
0x981: {  	[tilespmem:s24], [sflag:$0x2] =	stream.indirect_vreg.gather [hbm4b:s5+s3], $0x80, v18, vm0, $0xb8;
	[tilespmem:$0x1E400] =	vst v63  }
0x982: {  	v33 =	vperm.xlane v17, v14;
	s26 =	simm.s32 $0x8500;
	v18 =	vadd.s32 v3, v32  }
0x983: {  	[tilespmem:s26], [sflag:$0x2] =	stream.indirect_vreg.gather [hbm4b:s5+s3], $0x80, v19, vm0, $0xb8;
	[tilespmem:$0x1E400] =	vst v63  }
0x984: {  	v34 =	vperm.xlane v17, v15;
	s28 =	simm.s32 $0x8580;
	v19 =	vadd.s32 v3, v33  }
0x985: {  	[tilespmem:s28], [sflag:$0x2] =	stream.indirect_vreg.gather [hbm4b:s5+s3], $0x80, v31, vm0, $0xb8;
	[tilespmem:$0x1E400] =	vst v63  }
0x986: {  	v17 =	vperm.xlane v17, v16;
	v35 =	vadd.s32 v3, v34;
	s29 =	simm.s32 $0x8600  }
0x987: {  	[tilespmem:s29], [sflag:$0x2] =	stream.indirect_vreg.gather [hbm4b:s5+s3], $0x80, v18, vm0, $0xb8;
	[tilespmem:$0x1E400] =	vst v63  }
0x988: {  	v17 =	vadd.s32 v3, v17;
	s1 =	simm.s32 $0x8680  }
0x989: {  	[tilespmem:s1], [sflag:$0x2] =	stream.indirect_vreg.gather [hbm4b:s5+s3], $0x80, v19, vm0, $0xb8;
	[tilespmem:$0x1E400] =	vst v63  }
0x98a: {  	s4 =	simm.s32 $0x8700  }
0x98b: {  	[tilespmem:s4], [sflag:$0x2] =	stream.indirect_vreg.gather [hbm4b:s5+s3], $0x80, v35, vm0, $0xb8;
	[tilespmem:$0x1E400] =	vst v63  }
0x98c: {  	s22 =	simm.s32 $0x8780  }
0x98d: {  	[tilespmem:s22], [sflag:$0x2] =	stream.indirect_vreg.gather [hbm4b:s5+s3], $0x80, v17, vm0, $0xb8;
	[tilespmem:$0x1E400] =	vst v63  }
0x98e: {  	v17 =	vld [tilespmem:$0x13C0];
	_ =	sdelay $0x4  }
0x98f: {  	v18 =	vshll.u32 v17, $0x1  }
0x990: {  	v17 =	vand.u32 $0x7, v17;
	v18 =	vand.u32 $0xFFFFFFF0, v18  }
0x991: {  	v17 =	vor.u32 v17, v18  }
0x992: {  	v18 =	vperm.xlane v17, v2;
	_ =	sdelay $0x1  }
0x993: {  	v19 =	vperm.xlane v17, v1;
	v18 =	vadd.s32 v3, v18;
	_ =	sdelay $0x1  }
0x994: {  	v36 =	vperm.xlane v17, v4;
	v19 =	vadd.s32 v3, v19;
	_ =	sdelay $0x1  }
0x995: {  	s23 =	simm.s32 $0x8800;
	v37 =	vperm.xlane v17, v5;
	v20 =	vadd.s32 v3, v36  }
0x996: {  	[tilespmem:s23], [sflag:$0x2] =	stream.indirect_vreg.gather [hbm4b:s5+s3], $0x80, v18, vm0, $0xb8;
	[tilespmem:$0x1E400] =	vst v63  }
0x997: {  	s24 =	simm.s32 $0x8880;
	v38 =	vperm.xlane v17, v6;
	v18 =	vadd.s32 v3, v37  }
0x998: {  	[tilespmem:s24], [sflag:$0x2] =	stream.indirect_vreg.gather [hbm4b:s5+s3], $0x80, v19, vm0, $0xb8;
	[tilespmem:$0x1E400] =	vst v63  }
0x999: {  	s26 =	simm.s32 $0x8900;
	v39 =	vperm.xlane v17, v7;
	v19 =	vadd.s32 v3, v38  }
0x99a: {  	[tilespmem:s26], [sflag:$0x2] =	stream.indirect_vreg.gather [hbm4b:s5+s3], $0x80, v20, vm0, $0xb8;
	[tilespmem:$0x1E400] =	vst v63  }
0x99b: {  	s28 =	simm.s32 $0x8980;
	v41 =	vperm.xlane v17, v8;
	v40 =	vadd.s32 v3, v39  }
0x99c: {  	[tilespmem:s28], [sflag:$0x2] =	stream.indirect_vreg.gather [hbm4b:s5+s3], $0x80, v18, vm0, $0xb8;
	[tilespmem:$0x1E400] =	vst v63  }
0x99d: {  	s29 =	simm.s32 $0x8A00;
	v42 =	vperm.xlane v17, v0;
	v18 =	vadd.s32 v3, v41  }
0x99e: {  	[tilespmem:s29], [sflag:$0x2] =	stream.indirect_vreg.gather [hbm4b:s5+s3], $0x80, v19, vm0, $0xb8;
	[tilespmem:$0x1E400] =	vst v63  }
0x99f: {  	s1 =	simm.s32 $0x8A80;
	v43 =	vperm.xlane v17, v9;
	v19 =	vadd.s32 v3, v42  }
0x9a0: {  	[tilespmem:s1], [sflag:$0x2] =	stream.indirect_vreg.gather [hbm4b:s5+s3], $0x80, v40, vm0, $0xb8;
	[tilespmem:$0x1E400] =	vst v63  }
0x9a1: {  	s4 =	simm.s32 $0x8B00;
	v45 =	vperm.xlane v17, v10;
	v44 =	vadd.s32 v3, v43  }
0x9a2: {  	[tilespmem:s4], [sflag:$0x2] =	stream.indirect_vreg.gather [hbm4b:s5+s3], $0x80, v18, vm0, $0xb8;
	[tilespmem:$0x1E400] =	vst v63  }
0x9a3: {  	s22 =	simm.s32 $0x8B80;
	v46 =	vperm.xlane v17, v11;
	v18 =	vadd.s32 v3, v45  }
0x9a4: {  	[tilespmem:s22], [sflag:$0x2] =	stream.indirect_vreg.gather [hbm4b:s5+s3], $0x80, v19, vm0, $0xb8;
	[tilespmem:$0x1E400] =	vst v63  }
0x9a5: {  	v47 =	vperm.xlane v17, v12;
	s23 =	simm.s32 $0x8C00;
	v19 =	vadd.s32 v3, v46  }
0x9a6: {  	[tilespmem:s23], [sflag:$0x2] =	stream.indirect_vreg.gather [hbm4b:s5+s3], $0x80, v44, vm0, $0xb8;
	[tilespmem:$0x1E400] =	vst v63  }
0x9a7: {  	v49 =	vperm.xlane v17, v13;
	v48 =	vadd.s32 v3, v47;
	s24 =	simm.s32 $0x8C80  }
0x9a8: {  	[tilespmem:s24], [sflag:$0x2] =	stream.indirect_vreg.gather [hbm4b:s5+s3], $0x80, v18, vm0, $0xb8;
	[tilespmem:$0x1E400] =	vst v63  }
0x9a9: {  	v50 =	vperm.xlane v17, v14;
	s26 =	simm.s32 $0x8D00;
	v18 =	vadd.s32 v3, v49  }
0x9aa: {  	[tilespmem:s26], [sflag:$0x2] =	stream.indirect_vreg.gather [hbm4b:s5+s3], $0x80, v19, vm0, $0xb8;
	[tilespmem:$0x1E400] =	vst v63  }
0x9ab: {  	v51 =	vperm.xlane v17, v15;
	s28 =	simm.s32 $0x8D80;
	v19 =	vadd.s32 v3, v50  }
0x9ac: {  	[tilespmem:s28], [sflag:$0x2] =	stream.indirect_vreg.gather [hbm4b:s5+s3], $0x80, v48, vm0, $0xb8;
	[tilespmem:$0x1E400] =	vst v63  }
0x9ad: {  	v17 =	vperm.xlane v17, v16;
	v52 =	vadd.s32 v3, v51;
	s29 =	simm.s32 $0x8E00  }
0x9ae: {  	[tilespmem:s29], [sflag:$0x2] =	stream.indirect_vreg.gather [hbm4b:s5+s3], $0x80, v18, vm0, $0xb8;
	[tilespmem:$0x1E400] =	vst v63  }
0x9af: {  	v17 =	vadd.s32 v3, v17;
	s1 =	simm.s32 $0x8E80  }
0x9b0: {  	[tilespmem:s1], [sflag:$0x2] =	stream.indirect_vreg.gather [hbm4b:s5+s3], $0x80, v19, vm0, $0xb8;
	[tilespmem:$0x1E400] =	vst v63  }
0x9b1: {  	s4 =	simm.s32 $0x8F00  }
0x9b2: {  	[tilespmem:s4], [sflag:$0x2] =	stream.indirect_vreg.gather [hbm4b:s5+s3], $0x80, v52, vm0, $0xb8;
	[tilespmem:$0x1E400] =	vst v63  }
0x9b3: {  	s22 =	simm.s32 $0x8F80  }
0x9b4: {  	[tilespmem:s22], [sflag:$0x2] =	stream.indirect_vreg.gather [hbm4b:s5+s3], $0x80, v17, vm0, $0xb8;
	[tilespmem:$0x1E400] =	vst v63  }
0x9b5: {  	v17 =	vld [tilespmem:$0x13D0];
	_ =	sdelay $0x4  }
0x9b6: {  	v18 =	vshll.u32 v17, $0x1  }
0x9b7: {  	v17 =	vand.u32 $0x7, v17;
	v18 =	vand.u32 $0xFFFFFFF0, v18  }
0x9b8: {  	v17 =	vor.u32 v17, v18  }
0x9b9: {  	v18 =	vperm.xlane v17, v2;
	_ =	sdelay $0x1  }
0x9ba: {  	v19 =	vperm.xlane v17, v1;
	v18 =	vadd.s32 v3, v18;
	_ =	sdelay $0x1  }
0x9bb: {  	v53 =	vperm.xlane v17, v4;
	v19 =	vadd.s32 v3, v19;
	_ =	sdelay $0x1  }
0x9bc: {  	s23 =	simm.s32 $0x9000;
	v54 =	vperm.xlane v17, v5;
	v20 =	vadd.s32 v3, v53  }
0x9bd: {  	[tilespmem:s23], [sflag:$0x2] =	stream.indirect_vreg.gather [hbm4b:s5+s3], $0x80, v18, vm0, $0xb8;
	[tilespmem:$0x1E400] =	vst v63  }
0x9be: {  	s24 =	simm.s32 $0x9080;
	v55 =	vperm.xlane v17, v6;
	v18 =	vadd.s32 v3, v54  }
0x9bf: {  	[tilespmem:s24], [sflag:$0x2] =	stream.indirect_vreg.gather [hbm4b:s5+s3], $0x80, v19, vm0, $0xb8;
	[tilespmem:$0x1E400] =	vst v63  }
0x9c0: {  	s26 =	simm.s32 $0x9100;
	v56 =	vperm.xlane v17, v7;
	v19 =	vadd.s32 v3, v55  }
0x9c1: {  	[tilespmem:s26], [sflag:$0x2] =	stream.indirect_vreg.gather [hbm4b:s5+s3], $0x80, v20, vm0, $0xb8;
	[tilespmem:$0x1E400] =	vst v63  }
0x9c2: {  	s28 =	simm.s32 $0x9180;
	v58 =	vperm.xlane v17, v8;
	v57 =	vadd.s32 v3, v56  }
0x9c3: {  	[tilespmem:s28], [sflag:$0x2] =	stream.indirect_vreg.gather [hbm4b:s5+s3], $0x80, v18, vm0, $0xb8;
	[tilespmem:$0x1E400] =	vst v63  }
0x9c4: {  	s29 =	simm.s32 $0x9200;
	v59 =	vperm.xlane v17, v0;
	v18 =	vadd.s32 v3, v58  }
0x9c5: {  	[tilespmem:s29], [sflag:$0x2] =	stream.indirect_vreg.gather [hbm4b:s5+s3], $0x80, v19, vm0, $0xb8;
	[tilespmem:$0x1E400] =	vst v63  }
0x9c6: {  	s1 =	simm.s32 $0x9280;
	v60 =	vperm.xlane v17, v9;
	v19 =	vadd.s32 v3, v59  }
0x9c7: {  	[tilespmem:s1], [sflag:$0x2] =	stream.indirect_vreg.gather [hbm4b:s5+s3], $0x80, v57, vm0, $0xb8;
	[tilespmem:$0x1E400] =	vst v63  }
0x9c8: {  	s4 =	simm.s32 $0x9300;
	v62 =	vperm.xlane v17, v10;
	v61 =	vadd.s32 v3, v60  }
0x9c9: {  	[tilespmem:s4], [sflag:$0x2] =	stream.indirect_vreg.gather [hbm4b:s5+s3], $0x80, v18, vm0, $0xb8;
	[tilespmem:$0x1E400] =	vst v63  }
0x9ca: {  	s22 =	simm.s32 $0x9380;
	v63 =	vperm.xlane v17, v11;
	v18 =	vadd.s32 v3, v62  }
0x9cb: {  	[tilespmem:s22], [sflag:$0x2] =	stream.indirect_vreg.gather [hbm4b:s5+s3], $0x80, v19, vm0, $0xb8;
	[tilespmem:$0x1E400] =	vst v63  }
0x9cc: {  	v24 =	vperm.xlane v17, v12;
	s23 =	simm.s32 $0x9400;
	v19 =	vadd.s32 v3, v63  }
0x9cd: {  	[tilespmem:s23], [sflag:$0x2] =	stream.indirect_vreg.gather [hbm4b:s5+s3], $0x80, v61, vm0, $0xb8;
	[tilespmem:$0x1E400] =	vst v63  }
0x9ce: {  	v26 =	vperm.xlane v17, v13;
	v25 =	vadd.s32 v3, v24;
	s24 =	simm.s32 $0x9480  }
0x9cf: {  	[tilespmem:s24], [sflag:$0x2] =	stream.indirect_vreg.gather [hbm4b:s5+s3], $0x80, v18, vm0, $0xb8;
	[tilespmem:$0x1E400] =	vst v63  }
0x9d0: {  	v27 =	vperm.xlane v17, v14;
	s26 =	simm.s32 $0x9500;
	v18 =	vadd.s32 v3, v26  }
0x9d1: {  	[tilespmem:s26], [sflag:$0x2] =	stream.indirect_vreg.gather [hbm4b:s5+s3], $0x80, v19, vm0, $0xb8;
	[tilespmem:$0x1E400] =	vst v63  }
0x9d2: {  	v28 =	vperm.xlane v17, v15;
	s28 =	simm.s32 $0x9580;
	v19 =	vadd.s32 v3, v27  }
0x9d3: {  	[tilespmem:s28], [sflag:$0x2] =	stream.indirect_vreg.gather [hbm4b:s5+s3], $0x80, v25, vm0, $0xb8;
	[tilespmem:$0x1E400] =	vst v63  }
0x9d4: {  	v17 =	vperm.xlane v17, v16;
	v29 =	vadd.s32 v3, v28;
	s29 =	simm.s32 $0x9600  }
0x9d5: {  	[tilespmem:s29], [sflag:$0x2] =	stream.indirect_vreg.gather [hbm4b:s5+s3], $0x80, v18, vm0, $0xb8;
	[tilespmem:$0x1E400] =	vst v63  }
0x9d6: {  	v17 =	vadd.s32 v3, v17;
	s1 =	simm.s32 $0x9680  }
0x9d7: {  	[tilespmem:s1], [sflag:$0x2] =	stream.indirect_vreg.gather [hbm4b:s5+s3], $0x80, v19, vm0, $0xb8;
	[tilespmem:$0x1E400] =	vst v63  }
0x9d8: {  	s4 =	simm.s32 $0x9700  }
0x9d9: {  	[tilespmem:s4], [sflag:$0x2] =	stream.indirect_vreg.gather [hbm4b:s5+s3], $0x80, v29, vm0, $0xb8;
	[tilespmem:$0x1E400] =	vst v63  }
0x9da: {  	s22 =	simm.s32 $0x9780  }
0x9db: {  	[tilespmem:s22], [sflag:$0x2] =	stream.indirect_vreg.gather [hbm4b:s5+s3], $0x80, v17, vm0, $0xb8;
	[tilespmem:$0x1E400] =	vst v63  }
0x9dc: {  	v17 =	vld [tilespmem:$0x13E0];
	_ =	sdelay $0x4  }
0x9dd: {  	v18 =	vshll.u32 v17, $0x1  }
0x9de: {  	v17 =	vand.u32 $0x7, v17;
	v18 =	vand.u32 $0xFFFFFFF0, v18  }
0x9df: {  	v17 =	vor.u32 v17, v18  }
0x9e0: {  	v18 =	vperm.xlane v17, v2;
	_ =	sdelay $0x1  }
0x9e1: {  	v19 =	vperm.xlane v17, v1;
	v18 =	vadd.s32 v3, v18;
	_ =	sdelay $0x1  }
0x9e2: {  	v30 =	vperm.xlane v17, v4;
	v19 =	vadd.s32 v3, v19;
	_ =	sdelay $0x1  }
0x9e3: {  	s23 =	simm.s32 $0x9800;
	v31 =	vperm.xlane v17, v5;
	v20 =	vadd.s32 v3, v30  }
0x9e4: {  	[tilespmem:s23], [sflag:$0x2] =	stream.indirect_vreg.gather [hbm4b:s5+s3], $0x80, v18, vm0, $0xb8;
	[tilespmem:$0x1E400] =	vst v63  }
0x9e5: {  	s24 =	simm.s32 $0x9880;
	v32 =	vperm.xlane v17, v6;
	v18 =	vadd.s32 v3, v31  }
0x9e6: {  	[tilespmem:s24], [sflag:$0x2] =	stream.indirect_vreg.gather [hbm4b:s5+s3], $0x80, v19, vm0, $0xb8;
	[tilespmem:$0x1E400] =	vst v63  }
0x9e7: {  	s26 =	simm.s32 $0x9900;
	v33 =	vperm.xlane v17, v7;
	v19 =	vadd.s32 v3, v32  }
0x9e8: {  	[tilespmem:s26], [sflag:$0x2] =	stream.indirect_vreg.gather [hbm4b:s5+s3], $0x80, v20, vm0, $0xb8;
	[tilespmem:$0x1E400] =	vst v63  }
0x9e9: {  	s28 =	simm.s32 $0x9980;
	v35 =	vperm.xlane v17, v8;
	v34 =	vadd.s32 v3, v33  }
0x9ea: {  	[tilespmem:s28], [sflag:$0x2] =	stream.indirect_vreg.gather [hbm4b:s5+s3], $0x80, v18, vm0, $0xb8;
	[tilespmem:$0x1E400] =	vst v63  }
0x9eb: {  	s29 =	simm.s32 $0x9A00;
	v36 =	vperm.xlane v17, v0;
	v18 =	vadd.s32 v3, v35  }
0x9ec: {  	[tilespmem:s29], [sflag:$0x2] =	stream.indirect_vreg.gather [hbm4b:s5+s3], $0x80, v19, vm0, $0xb8;
	[tilespmem:$0x1E400] =	vst v63  }
0x9ed: {  	s1 =	simm.s32 $0x9A80;
	v37 =	vperm.xlane v17, v9;
	v19 =	vadd.s32 v3, v36  }
0x9ee: {  	[tilespmem:s1], [sflag:$0x2] =	stream.indirect_vreg.gather [hbm4b:s5+s3], $0x80, v34, vm0, $0xb8;
	[tilespmem:$0x1E400] =	vst v63  }
0x9ef: {  	s4 =	simm.s32 $0x9B00;
	v39 =	vperm.xlane v17, v10;
	v38 =	vadd.s32 v3, v37  }
0x9f0: {  	[tilespmem:s4], [sflag:$0x2] =	stream.indirect_vreg.gather [hbm4b:s5+s3], $0x80, v18, vm0, $0xb8;
	[tilespmem:$0x1E400] =	vst v63  }
0x9f1: {  	s22 =	simm.s32 $0x9B80;
	v40 =	vperm.xlane v17, v11;
	v18 =	vadd.s32 v3, v39  }
0x9f2: {  	[tilespmem:s22], [sflag:$0x2] =	stream.indirect_vreg.gather [hbm4b:s5+s3], $0x80, v19, vm0, $0xb8;
	[tilespmem:$0x1E400] =	vst v63  }
0x9f3: {  	v41 =	vperm.xlane v17, v12;
	s23 =	simm.s32 $0x9C00;
	v19 =	vadd.s32 v3, v40  }
0x9f4: {  	[tilespmem:s23], [sflag:$0x2] =	stream.indirect_vreg.gather [hbm4b:s5+s3], $0x80, v38, vm0, $0xb8;
	[tilespmem:$0x1E400] =	vst v63  }
0x9f5: {  	v43 =	vperm.xlane v17, v13;
	v42 =	vadd.s32 v3, v41;
	s24 =	simm.s32 $0x9C80  }
0x9f6: {  	[tilespmem:s24], [sflag:$0x2] =	stream.indirect_vreg.gather [hbm4b:s5+s3], $0x80, v18, vm0, $0xb8;
	[tilespmem:$0x1E400] =	vst v63  }
0x9f7: {  	v44 =	vperm.xlane v17, v14;
	s26 =	simm.s32 $0x9D00;
	v18 =	vadd.s32 v3, v43  }
0x9f8: {  	[tilespmem:s26], [sflag:$0x2] =	stream.indirect_vreg.gather [hbm4b:s5+s3], $0x80, v19, vm0, $0xb8;
	[tilespmem:$0x1E400] =	vst v63  }
0x9f9: {  	v45 =	vperm.xlane v17, v15;
	s28 =	simm.s32 $0x9D80;
	v19 =	vadd.s32 v3, v44  }
0x9fa: {  	[tilespmem:s28], [sflag:$0x2] =	stream.indirect_vreg.gather [hbm4b:s5+s3], $0x80, v42, vm0, $0xb8;
	[tilespmem:$0x1E400] =	vst v63  }
0x9fb: {  	v17 =	vperm.xlane v17, v16;
	v46 =	vadd.s32 v3, v45;
	s29 =	simm.s32 $0x9E00  }
0x9fc: {  	[tilespmem:s29], [sflag:$0x2] =	stream.indirect_vreg.gather [hbm4b:s5+s3], $0x80, v18, vm0, $0xb8;
	[tilespmem:$0x1E400] =	vst v63  }
0x9fd: {  	v17 =	vadd.s32 v3, v17;
	s1 =	simm.s32 $0x9E80  }
0x9fe: {  	[tilespmem:s1], [sflag:$0x2] =	stream.indirect_vreg.gather [hbm4b:s5+s3], $0x80, v19, vm0, $0xb8;
	[tilespmem:$0x1E400] =	vst v63  }
0x9ff: {  	s4 =	simm.s32 $0x9F00  }
0xa00: {  	[tilespmem:s4], [sflag:$0x2] =	stream.indirect_vreg.gather [hbm4b:s5+s3], $0x80, v46, vm0, $0xb8;
	[tilespmem:$0x1E400] =	vst v63  }
0xa01: {  	s22 =	simm.s32 $0x9F80  }
0xa02: {  	[tilespmem:s22], [sflag:$0x2] =	stream.indirect_vreg.gather [hbm4b:s5+s3], $0x80, v17, vm0, $0xb8;
	[tilespmem:$0x1E400] =	vst v63  }
0xa03: {  	v17 =	vld [tilespmem:$0x13F0];
	_ =	sdelay $0x4  }
0xa04: {  	v18 =	vshll.u32 v17, $0x1  }
0xa05: {  	v17 =	vand.u32 $0x7, v17;
	v18 =	vand.u32 $0xFFFFFFF0, v18  }
0xa06: {  	v17 =	vor.u32 v17, v18  }
0xa07: {  	v18 =	vperm.xlane v17, v2;
	_ =	sdelay $0x1  }
0xa08: {  	v19 =	vperm.xlane v17, v1;
	v18 =	vadd.s32 v3, v18;
	_ =	sdelay $0x1  }
0xa09: {  	v47 =	vperm.xlane v17, v4;
	v19 =	vadd.s32 v3, v19;
	_ =	sdelay $0x1  }
0xa0a: {  	s23 =	simm.s32 $0xA000;
	v48 =	vperm.xlane v17, v5;
	v20 =	vadd.s32 v3, v47  }
0xa0b: {  	[tilespmem:s23], [sflag:$0x2] =	stream.indirect_vreg.gather [hbm4b:s5+s3], $0x80, v18, vm0, $0xb8;
	[tilespmem:$0x1E400] =	vst v63  }
0xa0c: {  	s24 =	simm.s32 $0xA080;
	v49 =	vperm.xlane v17, v6;
	v18 =	vadd.s32 v3, v48  }
0xa0d: {  	[tilespmem:s24], [sflag:$0x2] =	stream.indirect_vreg.gather [hbm4b:s5+s3], $0x80, v19, vm0, $0xb8;
	[tilespmem:$0x1E400] =	vst v63  }
0xa0e: {  	s26 =	simm.s32 $0xA100;
	v50 =	vperm.xlane v17, v7;
	v19 =	vadd.s32 v3, v49  }
0xa0f: {  	[tilespmem:s26], [sflag:$0x2] =	stream.indirect_vreg.gather [hbm4b:s5+s3], $0x80, v20, vm0, $0xb8;
	[tilespmem:$0x1E400] =	vst v63  }
0xa10: {  	s28 =	simm.s32 $0xA180;
	v52 =	vperm.xlane v17, v8;
	v51 =	vadd.s32 v3, v50  }
0xa11: {  	[tilespmem:s28], [sflag:$0x2] =	stream.indirect_vreg.gather [hbm4b:s5+s3], $0x80, v18, vm0, $0xb8;
	[tilespmem:$0x1E400] =	vst v63  }
0xa12: {  	s29 =	simm.s32 $0xA200;
	v53 =	vperm.xlane v17, v0;
	v18 =	vadd.s32 v3, v52  }
0xa13: {  	[tilespmem:s29], [sflag:$0x2] =	stream.indirect_vreg.gather [hbm4b:s5+s3], $0x80, v19, vm0, $0xb8;
	[tilespmem:$0x1E400] =	vst v63  }
0xa14: {  	s1 =	simm.s32 $0xA280;
	v54 =	vperm.xlane v17, v9;
	v19 =	vadd.s32 v3, v53  }
0xa15: {  	[tilespmem:s1], [sflag:$0x2] =	stream.indirect_vreg.gather [hbm4b:s5+s3], $0x80, v51, vm0, $0xb8;
	[tilespmem:$0x1E400] =	vst v63  }
0xa16: {  	s4 =	simm.s32 $0xA300;
	v56 =	vperm.xlane v17, v10;
	v55 =	vadd.s32 v3, v54  }
0xa17: {  	[tilespmem:s4], [sflag:$0x2] =	stream.indirect_vreg.gather [hbm4b:s5+s3], $0x80, v18, vm0, $0xb8;
	[tilespmem:$0x1E400] =	vst v63  }
0xa18: {  	s22 =	simm.s32 $0xA380;
	v57 =	vperm.xlane v17, v11;
	v18 =	vadd.s32 v3, v56  }
0xa19: {  	[tilespmem:s22], [sflag:$0x2] =	stream.indirect_vreg.gather [hbm4b:s5+s3], $0x80, v19, vm0, $0xb8;
	[tilespmem:$0x1E400] =	vst v63  }
0xa1a: {  	v58 =	vperm.xlane v17, v12;
	s23 =	simm.s32 $0xA400;
	v19 =	vadd.s32 v3, v57  }
0xa1b: {  	[tilespmem:s23], [sflag:$0x2] =	stream.indirect_vreg.gather [hbm4b:s5+s3], $0x80, v55, vm0, $0xb8;
	[tilespmem:$0x1E400] =	vst v63  }
0xa1c: {  	v60 =	vperm.xlane v17, v13;
	v59 =	vadd.s32 v3, v58;
	s24 =	simm.s32 $0xA480  }
0xa1d: {  	[tilespmem:s24], [sflag:$0x2] =	stream.indirect_vreg.gather [hbm4b:s5+s3], $0x80, v18, vm0, $0xb8;
	[tilespmem:$0x1E400] =	vst v63  }
0xa1e: {  	v61 =	vperm.xlane v17, v14;
	s26 =	simm.s32 $0xA500;
	v18 =	vadd.s32 v3, v60  }
0xa1f: {  	[tilespmem:s26], [sflag:$0x2] =	stream.indirect_vreg.gather [hbm4b:s5+s3], $0x80, v19, vm0, $0xb8;
	[tilespmem:$0x1E400] =	vst v63  }
0xa20: {  	v62 =	vperm.xlane v17, v15;
	s28 =	simm.s32 $0xA580;
	v19 =	vadd.s32 v3, v61  }
0xa21: {  	[tilespmem:s28], [sflag:$0x2] =	stream.indirect_vreg.gather [hbm4b:s5+s3], $0x80, v59, vm0, $0xb8;
	[tilespmem:$0x1E400] =	vst v63  }
0xa22: {  	v17 =	vperm.xlane v17, v16;
	v63 =	vadd.s32 v3, v62;
	s29 =	simm.s32 $0xA600  }
0xa23: {  	[tilespmem:s29], [sflag:$0x2] =	stream.indirect_vreg.gather [hbm4b:s5+s3], $0x80, v18, vm0, $0xb8;
	[tilespmem:$0x1E400] =	vst v63  }
0xa24: {  	v17 =	vadd.s32 v3, v17;
	s1 =	simm.s32 $0xA680  }
0xa25: {  	[tilespmem:s1], [sflag:$0x2] =	stream.indirect_vreg.gather [hbm4b:s5+s3], $0x80, v19, vm0, $0xb8;
	[tilespmem:$0x1E400] =	vst v63  }
0xa26: {  	s4 =	simm.s32 $0xA700  }
0xa27: {  	[tilespmem:s4], [sflag:$0x2] =	stream.indirect_vreg.gather [hbm4b:s5+s3], $0x80, v63, vm0, $0xb8;
	[tilespmem:$0x1E400] =	vst v63  }
0xa28: {  	s22 =	simm.s32 $0xA780  }
0xa29: {  	[tilespmem:s22], [sflag:$0x2] =	stream.indirect_vreg.gather [hbm4b:s5+s3], $0x80, v17, vm0, $0xb8;
	[tilespmem:$0x1E400] =	vst v63  }
0xa2a: {  	_ =	swait.ge [sflag:s19], $0x4000  }
0xa2b: {  	[sflag:s19] =	ssyncset.done $0x0  }
0xa2c: {  	s23 =	simm.s32 $0x2700;
	[sflag:s19] =	ssyncadd.s32 $0xFFFFC000  }
0xa2d: {  	[spmem:s2] =	stream.indirect.scatter.add.f32 [tilespmem:s18], [sflag:$0x3], $0x80, s23, s20, $0xb8;
	[tilespmem:$0x1E400] =	vst v63  }
0xa2e: {  	_ =	swait.ge [sflag:s16], $0x4000  }
0xa2f: {  	[sflag:s16] =	ssyncset.done $0x0  }
0xa30: {  	[sflag:s16] =	ssyncadd.s32 $0xFFFFC000  }
0xa31: {  	_ =	swait.ge [sflag:s21], $0x4000  }
0xa32: {  	[sflag:s21] =	ssyncset.done $0x0  }
0xa33: {  	s24 =	simm.s32 $0x2780;
	[sflag:s21] =	ssyncadd.s32 $0xFFFFC000  }
0xa34: {  	[spmem:s2] =	stream.indirect.scatter.add.f32 [tilespmem:s14], [sflag:$0x3], $0x80, s24, s20, $0xb8;
	[tilespmem:$0x1E400] =	vst v63  }
0xa35: {  	_ =	swait.ge [sflag:s16], $0x4000  }
0xa36: {  	[sflag:s16] =	ssyncset.done $0x0  }
0xa37: {  	[sflag:s16] =	ssyncadd.s32 $0xFFFFC000  }
0xa38: {  	s22 =	stileid.u32;
	[bflag:$0x0] =	sbarrier.arrive $0xFFFF  }
0xa39: {  	s22 =	sshll.u32 s22, $0x6;
	s23 =	rddreg [dreg:$0xb]  }
0xa3a: {  	s22 =	sor.u32 $0x1C03, s22;
	s26 =	rddreg [dreg:$0x10]  }
0xa3b: {  	[hbm:s23], [sflag:s22] =	dma.local [spmem:s26], $0x2780  }
0xa3c: {  	_ =	swait.ge [sflag:s16], $0x2780  }
0xa3d: {  	s28 =	rddreg [dreg:$0x11]  }
0xa3e: {  	s29 =	rddreg [dreg:$0xc];
	s0 =	sadd.s32 $0x1, s28  }
0xa3f: {  	p1 =	sne.s32 s0, s29  }
.Ltmp2:
0xa40: {  	_ = 	snop;
	(pc) =	sbr.rel @p1 .LBB2_1-.Ltmp2, $3  }
0xa41: {  	_ =	sdelay $0x1  }
0xa42: {  	[sflag:s16] =	ssyncset.done $0x0  }
0xa43: {  	[sflag:s16] =	ssyncadd.s32 $0xFFFFD880  }
0xa44: {  	_ =	sfence.sel $0x180000  }
0xa45: {  	[bflag:$0x0] =	sbarrier.arrive $0xFFFF  }
0xa46: {  	_ =	strace $0x90000047  }
0xa47: {  	s0 =	stileid.u32;
	[bflag:$0x2] =	sbarrier.arrive $0xFFFF  }
0xa48: {  	p0 =	sne.s32 s0, $0x0;
	s0 =	rddreg [dreg:$0x4]  }
0xa49: {  	s0 =	sadd.s32 @!p0 $0x100000, s0  }
0xa4a: {  	[sflag:s0] =	ssyncadd.tile.s32 @!p0 $0x1;
	_ =	shalt  }
.Lfunc_end2:
_tile_overlayer_lowered:
.L_overlay_start_2:
0xa4b: {  	(tag) =	ssettag $0x2  }
0xa4c: {  	s0 =	rddreg [dreg:$0x0];
	s2 =	stileid.u32  }
0xa4d: {  	s1 =	rddreg [dreg:$0x1];
	p0 =	sne.s32 s2, $0x0  }
0xa4e: {  	s3 =	rddreg [dreg:$0x2];
	[bflag:$0x3] =	sbarrier.arrive $0xFFFF;
	s2 =	simm.s32 @!p0 $0x1C03  }
0xa4f: {  	[timem:s3], [sflag:s2] =	dma.local @!p0 [hbm:s0], s1  }
0xa50: {  	s0 =	simm.s32 @!p0 $0x3  }
0xa51: {  	_ =	swait.ge @!p0 [sflag:s0], s1  }
0xa52: {  	s1 =	ssub.s32 @!p0 $0x0, s1;
	[sflag:s0] =	ssyncset.done @!p0 $0x0  }
0xa53: {  	[sflag:s0] =	ssyncadd.s32 @!p0 s1  }
0xa54: {  	[bflag:$0x3] =	sbarrier.arrive $0xFFFF  }
0xa55: {  	_ =	shalt  }

</sc_bundles>
